<compile_context>
chip_gen: v7x
topology: tpu7x:2x2x1
jax: 0.10.2.dev20260603
libtpu: 0.0.44.dev20260713+nightly
codegen_flags: <defaults>
</compile_context>

<pallas_src>
import functools

import jax
import jax.numpy as jnp
from jax import lax
from jax.experimental import pallas as pl
from jax.experimental.pallas import tpu as pltpu
from jax.experimental.pallas import tpu_sc as plsc

NC = 2
NS = 16
L = 16

N_NODES = 10000
N_FEAT = 128
N_PAIR = N_FEAT // 2
E_TOTAL = 320000
EPW = E_TOTAL // (NC * NS)
CH = 80
N_CHUNK = EPW // CH
N_GROUP = CH // L


def _body(table, src, dst, out, idx_s, idx_d, out_v,
          rows_sa, rows_da, rows_sb, rows_db, sem_a, sem_b):
    wid = lax.axis_index("s") * NC + lax.axis_index("c")
    base_w = wid * EPW

    pltpu.sync_copy(src.at[pl.ds(base_w, EPW)], idx_s)
    pltpu.sync_copy(dst.at[pl.ds(base_w, EPW)], idx_d)

    def start_gather(c, rows_s_buf, rows_d_buf, sem):
        pltpu.async_copy(
            table.at[idx_s.at[pl.ds(c * CH, CH)]], rows_s_buf, sem)
        pltpu.async_copy(
            table.at[idx_d.at[pl.ds(c * CH, CH)]], rows_d_buf, sem)

    def wait_gather(rows_s_buf, rows_d_buf, sem):
        pltpu.make_async_copy(
            table.at[idx_s.at[pl.ds(0, CH)]], rows_s_buf, sem).wait()
        pltpu.make_async_copy(
            table.at[idx_d.at[pl.ds(0, CH)]], rows_d_buf, sem).wait()

    lanes = lax.iota(jnp.int32, L)

    def compute(c, rows_s_buf, rows_d_buf):
        def group(g, _):
            acc_out = jnp.zeros((L,), jnp.float32)
            for e in range(L):
                row = g * L + e
                acc_lo = None
                for k in range(N_PAIR // L):
                    a = rows_s_buf[row, pl.ds(k * L, L)]
                    b = rows_d_buf[row, pl.ds(k * L, L)]
                    p = (plsc.bitcast(a, jnp.bfloat16)
                         * plsc.bitcast(b, jnp.bfloat16))
                    pi = plsc.bitcast(p, jnp.int32)
                    lo = plsc.bitcast(lax.shift_left(pi, 16), jnp.float32)
                    hi = plsc.bitcast(pi, jnp.float32)
                    if acc_lo is None:
                        acc_lo, acc_hi = lo, hi
                    else:
                        acc_lo = acc_lo + lo
                        acc_hi = acc_hi + hi
                s = jnp.sum(acc_lo + acc_hi)
                acc_out = jnp.where(lanes == e, s, acc_out)
            out_v[pl.ds(c * CH + g * L, L)] = acc_out
            return _

        lax.fori_loop(0, N_GROUP, group, None)

    start_gather(0, rows_sa, rows_da, sem_a)

    def pair(i, _):
        c0 = 2 * i
        start_gather(c0 + 1, rows_sb, rows_db, sem_b)
        wait_gather(rows_sa, rows_da, sem_a)
        compute(c0, rows_sa, rows_da)
        start_gather(c0 + 2, rows_sa, rows_da, sem_a)
        wait_gather(rows_sb, rows_db, sem_b)
        compute(c0 + 1, rows_sb, rows_db)
        return _

    lax.fori_loop(0, (N_CHUNK - 1) // 2, pair, None)

    wait_gather(rows_sa, rows_da, sem_a)
    compute(N_CHUNK - 1, rows_sa, rows_da)

    pltpu.sync_copy(out_v, out.at[pl.ds(base_w, EPW)])


@jax.jit
def kernel(x1, x2, edge_index):
    x = jnp.concatenate([x1, x2], axis=0).astype(jnp.bfloat16)
    table = lax.bitcast_convert_type(
        x.reshape(N_NODES, N_PAIR, 2), jnp.int32)
    src = edge_index[0].astype(jnp.int32)
    dst = edge_index[1].astype(jnp.int32)

    mesh = plsc.VectorSubcoreMesh(core_axis_name="c", subcore_axis_name="s")
    run = pl.kernel(
        _body,
        out_type=jax.ShapeDtypeStruct((E_TOTAL,), jnp.float32),
        mesh=mesh,
        compiler_params=pltpu.CompilerParams(
            needs_layout_passes=False, use_tc_tiling_on_sc=False),
        scratch_types=[
            pltpu.VMEM((EPW,), jnp.int32),
            pltpu.VMEM((EPW,), jnp.int32),
            pltpu.VMEM((EPW,), jnp.float32),
            pltpu.VMEM((CH, N_PAIR), jnp.int32),
            pltpu.VMEM((CH, N_PAIR), jnp.int32),
            pltpu.VMEM((CH, N_PAIR), jnp.int32),
            pltpu.VMEM((CH, N_PAIR), jnp.int32),
            pltpu.SemaphoreType.DMA,
            pltpu.SemaphoreType.DMA,
        ],
    )
    return run(table, src, dst)

# --- scband reference (transcript-rebuilt; emitter-appended) ---
"""Pipeline reference for scband-post-joint-net-9440338117363 (READ-ONLY COPY).

The authoritative reference and input builder live on the scoring server;
editing this copy changes nothing except your own understanding.
"""

import jax, jax.numpy as jnp
import numpy as np


def setup_inputs(seed: int = 0) -> dict:
    key = jax.random.key(seed)
    k1, k2, k3 = jax.random.split(key, 3)
    x1 = jax.random.normal(k1, (5000, 128), dtype=jnp.float32)
    x2 = jax.random.normal(k2, (5000, 128), dtype=jnp.float32)
    edge_index = jax.random.randint(k3, (2, 320000), 0, 10000, dtype=jnp.int64)
    return {"x1": x1, "x2": x2, "edge_index": edge_index}


def reference(x1, x2, edge_index):
    # PostJointNet with method='mm', dropout=0.0, type_head=False,
    # for a joint-graph batch of size 1: prepare_features_for_joint_graph
    # reduces to concatenating x1 and x2 along the node axis.
    x = jnp.concatenate([x1, x2], axis=0)
    src = edge_index[0]
    dst = edge_index[1]
    x_src = jnp.take(x, src, axis=0)
    x_dst = jnp.take(x, dst, axis=0)
    logits = (x_src * x_dst).sum(-1)
    return logits

if __name__ == "__main__":
    import jax
    _d = setup_inputs()
    print(jax.jit(kernel)(*tuple(_d.values())))

</pallas_src>

<mosaic_0001>
#map = affine_map<(d0, d1) -> (0, 0)>
#map1 = affine_map<(d0, d1) -> (0)>
module attributes {stable_mosaic.version = 14 : i64} {
  func.func @_body(%arg0: i32, %arg1: i32, %arg2: memref<10000x64xi32, #tpu.memory_space<hbm>>, %arg3: memref<320000xi32, #tpu.memory_space<hbm>>, %arg4: memref<320000xi32, #tpu.memory_space<hbm>>, %arg5: memref<320000xf32, #tpu.memory_space<hbm>>, %arg6: memref<10000xi32, #tpu.memory_space<vmem>>, %arg7: memref<10000xi32, #tpu.memory_space<vmem>>, %arg8: memref<10000xf32, #tpu.memory_space<vmem>>, %arg9: memref<80x64xi32, #tpu.memory_space<vmem>>, %arg10: memref<80x64xi32, #tpu.memory_space<vmem>>, %arg11: memref<80x64xi32, #tpu.memory_space<vmem>>, %arg12: memref<80x64xi32, #tpu.memory_space<vmem>>, %arg13: memref<!tpu.dma_semaphore, #tpu.memory_space<semaphore_mem>>, %arg14: memref<!tpu.dma_semaphore, #tpu.memory_space<semaphore_mem>>) attributes {dimension_semantics = [#tpu.dimension_semantics<core_parallel>, #tpu.dimension_semantics<subcore_parallel>], iteration_bounds = array<i64: 2, 16>, scalar_prefetch = 0 : i64, scratch_operands = 9 : i64, tpu.core_type = #tpu.core_type<sc_vector_subcore>, window_params = [{transform_indices = #map}, {transform_indices = #map1}, {transform_indices = #map1}, {transform_indices = #map1}]} {
    %mul3A = arith.constant 2 : i32
    %mul3A_0 = arith.muli %arg1, %mul3A : i32
    %add3A = arith.addi %mul3A_0, %arg0 : i32
    %mul3A_1 = arith.constant 10000 : i32
    %mul3A_2 = arith.muli %add3A, %mul3A_1 : i32
    "tpu.region"() ({
      %run_scoped3A = tpu.sem_alloc : memref<!tpu.dma_semaphore, #tpu.memory_space<semaphore_mem>>
      %dma_start3A_30 = tpu.memref_slice %arg3[%mul3A_2] : memref<320000xi32, #tpu.memory_space<hbm>> -> memref<10000xi32, #tpu.memory_space<hbm>>
      %dma_start3A_31 = tpu.memref_slice %arg3[%mul3A_2] : memref<320000xi32, #tpu.memory_space<hbm>> -> memref<10000xi32, #tpu.memory_space<hbm>>
      tpu.enqueue_dma source(%dma_start3A_31 : memref<10000xi32, #tpu.memory_space<hbm>>) target(%arg6 : memref<10000xi32, #tpu.memory_space<vmem>>) target_semaphore(%run_scoped3A : memref<!tpu.dma_semaphore, #tpu.memory_space<semaphore_mem>>)
      %dma_wait3A_32 = tpu.memref_slice %arg3[%mul3A_2] : memref<320000xi32, #tpu.memory_space<hbm>> -> memref<10000xi32, #tpu.memory_space<hbm>>
      %dma_wait3A_33 = tpu.memref_slice %arg3[%mul3A_2] : memref<320000xi32, #tpu.memory_space<hbm>> -> memref<10000xi32, #tpu.memory_space<hbm>>
      tpu.wait_dma2 semaphore(%run_scoped3A : memref<!tpu.dma_semaphore, #tpu.memory_space<semaphore_mem>>) src(%dma_wait3A_33 : memref<10000xi32, #tpu.memory_space<hbm>>) dst(%arg6 : memref<10000xi32, #tpu.memory_space<vmem>>)
      tpu.yield
    }) : () -> ()
    "tpu.region"() ({
      %run_scoped3A = tpu.sem_alloc : memref<!tpu.dma_semaphore, #tpu.memory_space<semaphore_mem>>
      %dma_start3A_30 = tpu.memref_slice %arg4[%mul3A_2] : memref<320000xi32, #tpu.memory_space<hbm>> -> memref<10000xi32, #tpu.memory_space<hbm>>
      %dma_start3A_31 = tpu.memref_slice %arg4[%mul3A_2] : memref<320000xi32, #tpu.memory_space<hbm>> -> memref<10000xi32, #tpu.memory_space<hbm>>
      tpu.enqueue_dma source(%dma_start3A_31 : memref<10000xi32, #tpu.memory_space<hbm>>) target(%arg7 : memref<10000xi32, #tpu.memory_space<vmem>>) target_semaphore(%run_scoped3A : memref<!tpu.dma_semaphore, #tpu.memory_space<semaphore_mem>>)
      %dma_wait3A_32 = tpu.memref_slice %arg4[%mul3A_2] : memref<320000xi32, #tpu.memory_space<hbm>> -> memref<10000xi32, #tpu.memory_space<hbm>>
      %dma_wait3A_33 = tpu.memref_slice %arg4[%mul3A_2] : memref<320000xi32, #tpu.memory_space<hbm>> -> memref<10000xi32, #tpu.memory_space<hbm>>
      tpu.wait_dma2 semaphore(%run_scoped3A : memref<!tpu.dma_semaphore, #tpu.memory_space<semaphore_mem>>) src(%dma_wait3A_33 : memref<10000xi32, #tpu.memory_space<hbm>>) dst(%arg7 : memref<10000xi32, #tpu.memory_space<vmem>>)
      tpu.yield
    }) : () -> ()
    %iota3A = tpu.iota {dimensions = array<i32: 0>} : vector<16xi32>
    %dma_start3A = arith.constant 0 : i32
    %dma_start3A_3 = tpu.memref_slice %arg6[%dma_start3A] : memref<10000xi32, #tpu.memory_space<vmem>> -> memref<80xi32, #tpu.memory_space<vmem>>
    %dma_start3A_4 = arith.constant 0 : i32
    %dma_start3A_5 = arith.constant 0 : i32
    %dma_start3A_6 = tpu.memref_slice %arg2[%dma_start3A_4, %dma_start3A_5] : memref<10000x64xi32, #tpu.memory_space<hbm>> -> memref<10000x64xi32, #tpu.memory_space<hbm>>
    tpu.enqueue_indirect_dma source(%dma_start3A_6 : memref<10000x64xi32, #tpu.memory_space<hbm>>) target(%arg9 : memref<80x64xi32, #tpu.memory_space<vmem>>) offsets(%dma_start3A_3 : memref<80xi32, #tpu.memory_space<vmem>>) semaphore(%arg13 : memref<!tpu.dma_semaphore, #tpu.memory_space<semaphore_mem>>)
    %dma_start3A_7 = arith.constant 0 : i32
    %dma_start3A_8 = tpu.memref_slice %arg7[%dma_start3A_7] : memref<10000xi32, #tpu.memory_space<vmem>> -> memref<80xi32, #tpu.memory_space<vmem>>
    %dma_start3A_9 = arith.constant 0 : i32
    %dma_start3A_10 = arith.constant 0 : i32
    %dma_start3A_11 = tpu.memref_slice %arg2[%dma_start3A_9, %dma_start3A_10] : memref<10000x64xi32, #tpu.memory_space<hbm>> -> memref<10000x64xi32, #tpu.memory_space<hbm>>
    tpu.enqueue_indirect_dma source(%dma_start3A_11 : memref<10000x64xi32, #tpu.memory_space<hbm>>) target(%arg10 : memref<80x64xi32, #tpu.memory_space<vmem>>) offsets(%dma_start3A_8 : memref<80xi32, #tpu.memory_space<vmem>>) semaphore(%arg13 : memref<!tpu.dma_semaphore, #tpu.memory_space<semaphore_mem>>)
    %scan3A = arith.constant 0 : i32
    %scan3A_12 = arith.constant 62 : i32
    %scan3A_13 = arith.addi %scan3A, %scan3A_12 : i32
    %scan3A_14 = arith.constant 1 : i32
    scf.for %scan3A_30 = %scan3A to %scan3A_13 step %scan3A_14  : i32 {
      %mul3A_31 = arith.constant 2 : i32
      %mul3A_32 = arith.muli %mul3A_31, %scan3A_30 : i32
      %add3A_33 = arith.constant 1 : i32
      %add3A_34 = arith.addi %mul3A_32, %add3A_33 : i32
      %mul3A_35 = arith.constant 80 : i32
      %mul3A_36 = arith.muli %add3A_34, %mul3A_35 : i32
      %dma_start3A_37 = tpu.memref_slice %arg6[%mul3A_36] : memref<10000xi32, #tpu.memory_space<vmem>> -> memref<80xi32, #tpu.memory_space<vmem>>
      %dma_start3A_38 = arith.constant 0 : i32
      %dma_start3A_39 = arith.constant 0 : i32
      %dma_start3A_40 = tpu.memref_slice %arg2[%dma_start3A_38, %dma_start3A_39] : memref<10000x64xi32, #tpu.memory_space<hbm>> -> memref<10000x64xi32, #tpu.memory_space<hbm>>
      tpu.enqueue_indirect_dma source(%dma_start3A_40 : memref<10000x64xi32, #tpu.memory_space<hbm>>) target(%arg11 : memref<80x64xi32, #tpu.memory_space<vmem>>) offsets(%dma_start3A_37 : memref<80xi32, #tpu.memory_space<vmem>>) semaphore(%arg14 : memref<!tpu.dma_semaphore, #tpu.memory_space<semaphore_mem>>)
      %mul3A_41 = arith.constant 80 : i32
      %mul3A_42 = arith.muli %add3A_34, %mul3A_41 : i32
      %dma_start3A_43 = tpu.memref_slice %arg7[%mul3A_42] : memref<10000xi32, #tpu.memory_space<vmem>> -> memref<80xi32, #tpu.memory_space<vmem>>
      %dma_start3A_44 = arith.constant 0 : i32
      %dma_start3A_45 = arith.constant 0 : i32
      %dma_start3A_46 = tpu.memref_slice %arg2[%dma_start3A_44, %dma_start3A_45] : memref<10000x64xi32, #tpu.memory_space<hbm>> -> memref<10000x64xi32, #tpu.memory_space<hbm>>
      tpu.enqueue_indirect_dma source(%dma_start3A_46 : memref<10000x64xi32, #tpu.memory_space<hbm>>) target(%arg12 : memref<80x64xi32, #tpu.memory_space<vmem>>) offsets(%dma_start3A_43 : memref<80xi32, #tpu.memory_space<vmem>>) semaphore(%arg14 : memref<!tpu.dma_semaphore, #tpu.memory_space<semaphore_mem>>)
      %dma_wait3A_47 = arith.constant 0 : i32
      %dma_wait3A_48 = tpu.memref_slice %arg6[%dma_wait3A_47] : memref<10000xi32, #tpu.memory_space<vmem>> -> memref<80xi32, #tpu.memory_space<vmem>>
      %dma_wait3A_49 = arith.constant 0 : i32
      %dma_wait3A_50 = arith.constant 0 : i32
      %dma_wait3A_51 = tpu.memref_slice %arg2[%dma_wait3A_49, %dma_wait3A_50] : memref<10000x64xi32, #tpu.memory_space<hbm>> -> memref<10000x64xi32, #tpu.memory_space<hbm>>
      tpu.wait_indirect_dma semaphore(%arg13 : memref<!tpu.dma_semaphore, #tpu.memory_space<semaphore_mem>>) src(%dma_wait3A_51 : memref<10000x64xi32, #tpu.memory_space<hbm>>) dst(%arg9 : memref<80x64xi32, #tpu.memory_space<vmem>>)
      %dma_wait3A_52 = arith.constant 0 : i32
      %dma_wait3A_53 = tpu.memref_slice %arg7[%dma_wait3A_52] : memref<10000xi32, #tpu.memory_space<vmem>> -> memref<80xi32, #tpu.memory_space<vmem>>
      %dma_wait3A_54 = arith.constant 0 : i32
      %dma_wait3A_55 = arith.constant 0 : i32
      %dma_wait3A_56 = tpu.memref_slice %arg2[%dma_wait3A_54, %dma_wait3A_55] : memref<10000x64xi32, #tpu.memory_space<hbm>> -> memref<10000x64xi32, #tpu.memory_space<hbm>>
      tpu.wait_indirect_dma semaphore(%arg13 : memref<!tpu.dma_semaphore, #tpu.memory_space<semaphore_mem>>) src(%dma_wait3A_56 : memref<10000x64xi32, #tpu.memory_space<hbm>>) dst(%arg10 : memref<80x64xi32, #tpu.memory_space<vmem>>)
      %scan3A_57 = arith.constant 0 : i32
      %scan3A_58 = arith.constant 5 : i32
      %scan3A_59 = arith.addi %scan3A_57, %scan3A_58 : i32
      %scan3A_60 = arith.constant 1 : i32
      scf.for %scan3A_93 = %scan3A_57 to %scan3A_59 step %scan3A_60  : i32 {
        %broadcast_in_dim3A = arith.constant 0.000000e+00 : f32
        %broadcast_in_dim3A_94 = vector.broadcast %broadcast_in_dim3A : f32 to vector<16xf32>
        %mul3A_95 = arith.constant 16 : i32
        %mul3A_96 = arith.muli %scan3A_93, %mul3A_95 : i32
        %add3A_97 = arith.constant 0 : i32
        %add3A_98 = arith.addi %mul3A_96, %add3A_97 : i32
        %get3A = arith.index_cast %add3A_98 : i32 to index
        %get3A_99 = arith.constant 0 : index
        %get3A_100 = tpu.vector_load %arg9[%get3A, %get3A_99] {strides = array<i32>} : memref<80x64xi32, #tpu.memory_space<vmem>>, vector<16xi32>,
        %get3A_101 = arith.index_cast %add3A_98 : i32 to index
        %get3A_102 = arith.constant 0 : index
        %get3A_103 = tpu.vector_load %arg10[%get3A_101, %get3A_102] {strides = array<i32>} : memref<80x64xi32, #tpu.memory_space<vmem>>, vector<16xi32>,
        %bitcast3A = vector.bitcast %get3A_100 : vector<16xi32> to vector<32xbf16>
        %bitcast3A_104 = vector.bitcast %get3A_103 : vector<16xi32> to vector<32xbf16>
        %mul3A_105 = arith.mulf %bitcast3A, %bitcast3A_104 : vector<32xbf16>
        %bitcast3A_106 = vector.bitcast %mul3A_105 : vector<32xbf16> to vector<16xi32>
        %shift_left3A = arith.constant 16 : i32
        %shift_left3A_107 = vector.broadcast %shift_left3A : i32 to vector<16xi32>
        %shift_left3A_108 = arith.shli %bitcast3A_106, %shift_left3A_107 : vector<16xi32>
        %bitcast3A_109 = vector.bitcast %shift_left3A_108 : vector<16xi32> to vector<16xf32>
        %bitcast3A_110 = vector.bitcast %bitcast3A_106 : vector<16xi32> to vector<16xf32>
        %get3A_111 = arith.index_cast %add3A_98 : i32 to index
        %get3A_112 = arith.constant 16 : index
        %get3A_113 = tpu.vector_load %arg9[%get3A_111, %get3A_112] {strides = array<i32>} : memref<80x64xi32, #tpu.memory_space<vmem>>, vector<16xi32>,
        %get3A_114 = arith.index_cast %add3A_98 : i32 to index
        %get3A_115 = arith.constant 16 : index
        %get3A_116 = tpu.vector_load %arg10[%get3A_114, %get3A_115] {strides = array<i32>} : memref<80x64xi32, #tpu.memory_space<vmem>>, vector<16xi32>,
        %bitcast3A_117 = vector.bitcast %get3A_113 : vector<16xi32> to vector<32xbf16>
        %bitcast3A_118 = vector.bitcast %get3A_116 : vector<16xi32> to vector<32xbf16>
        %mul3A_119 = arith.mulf %bitcast3A_117, %bitcast3A_118 : vector<32xbf16>
        %bitcast3A_120 = vector.bitcast %mul3A_119 : vector<32xbf16> to vector<16xi32>
        %shift_left3A_121 = arith.constant 16 : i32
        %shift_left3A_122 = vector.broadcast %shift_left3A_121 : i32 to vector<16xi32>
        %shift_left3A_123 = arith.shli %bitcast3A_120, %shift_left3A_122 : vector<16xi32>
        %bitcast3A_124 = vector.bitcast %shift_left3A_123 : vector<16xi32> to vector<16xf32>
        %bitcast3A_125 = vector.bitcast %bitcast3A_120 : vector<16xi32> to vector<16xf32>
        %add3A_126 = arith.addf %bitcast3A_109, %bitcast3A_124 : vector<16xf32>
        %add3A_127 = arith.addf %bitcast3A_110, %bitcast3A_125 : vector<16xf32>
        %get3A_128 = arith.index_cast %add3A_98 : i32 to index
        %get3A_129 = arith.constant 32 : index
        %get3A_130 = tpu.vector_load %arg9[%get3A_128, %get3A_129] {strides = array<i32>} : memref<80x64xi32, #tpu.memory_space<vmem>>, vector<16xi32>,
        %get3A_131 = arith.index_cast %add3A_98 : i32 to index
        %get3A_132 = arith.constant 32 : index
        %get3A_133 = tpu.vector_load %arg10[%get3A_131, %get3A_132] {strides = array<i32>} : memref<80x64xi32, #tpu.memory_space<vmem>>, vector<16xi32>,
        %bitcast3A_134 = vector.bitcast %get3A_130 : vector<16xi32> to vector<32xbf16>
        %bitcast3A_135 = vector.bitcast %get3A_133 : vector<16xi32> to vector<32xbf16>
        %mul3A_136 = arith.mulf %bitcast3A_134, %bitcast3A_135 : vector<32xbf16>
        %bitcast3A_137 = vector.bitcast %mul3A_136 : vector<32xbf16> to vector<16xi32>
        %shift_left3A_138 = arith.constant 16 : i32
        %shift_left3A_139 = vector.broadcast %shift_left3A_138 : i32 to vector<16xi32>
        %shift_left3A_140 = arith.shli %bitcast3A_137, %shift_left3A_139 : vector<16xi32>
        %bitcast3A_141 = vector.bitcast %shift_left3A_140 : vector<16xi32> to vector<16xf32>
        %bitcast3A_142 = vector.bitcast %bitcast3A_137 : vector<16xi32> to vector<16xf32>
        %add3A_143 = arith.addf %add3A_126, %bitcast3A_141 : vector<16xf32>
        %add3A_144 = arith.addf %add3A_127, %bitcast3A_142 : vector<16xf32>
        %get3A_145 = arith.index_cast %add3A_98 : i32 to index
        %get3A_146 = arith.constant 48 : index
        %get3A_147 = tpu.vector_load %arg9[%get3A_145, %get3A_146] {strides = array<i32>} : memref<80x64xi32, #tpu.memory_space<vmem>>, vector<16xi32>,
        %get3A_148 = arith.index_cast %add3A_98 : i32 to index
        %get3A_149 = arith.constant 48 : index
        %get3A_150 = tpu.vector_load %arg10[%get3A_148, %get3A_149] {strides = array<i32>} : memref<80x64xi32, #tpu.memory_space<vmem>>, vector<16xi32>,
        %bitcast3A_151 = vector.bitcast %get3A_147 : vector<16xi32> to vector<32xbf16>
        %bitcast3A_152 = vector.bitcast %get3A_150 : vector<16xi32> to vector<32xbf16>
        %mul3A_153 = arith.mulf %bitcast3A_151, %bitcast3A_152 : vector<32xbf16>
        %bitcast3A_154 = vector.bitcast %mul3A_153 : vector<32xbf16> to vector<16xi32>
        %shift_left3A_155 = arith.constant 16 : i32
        %shift_left3A_156 = vector.broadcast %shift_left3A_155 : i32 to vector<16xi32>
        %shift_left3A_157 = arith.shli %bitcast3A_154, %shift_left3A_156 : vector<16xi32>
        %bitcast3A_158 = vector.bitcast %shift_left3A_157 : vector<16xi32> to vector<16xf32>
        %bitcast3A_159 = vector.bitcast %bitcast3A_154 : vector<16xi32> to vector<16xf32>
        %add3A_160 = arith.addf %add3A_143, %bitcast3A_158 : vector<16xf32>
        %add3A_161 = arith.addf %add3A_144, %bitcast3A_159 : vector<16xf32>
        %add3A_162 = arith.addf %add3A_160, %add3A_161 : vector<16xf32>
        %reduce_sum3A = arith.constant true
        %reduce_sum3A_163 = vector.broadcast %reduce_sum3A : i1 to vector<16xi1>
        %reduce_sum3A_164 = tpu.scan <sum>, %add3A_162 masked %reduce_sum3A_163 : vector<16xf32>, vector<16xi1> -> vector<16xf32>
        %reduce_sum3A_165 = vector.extract %reduce_sum3A_164[15] : f32 from vector<16xf32>
        %eq3A = arith.constant 0 : i32
        %eq3A_166 = vector.broadcast %eq3A : i32 to vector<16xi32>
        %eq3A_167 = arith.cmpi eq, %iota3A, %eq3A_166 : vector<16xi32>
        %broadcast_in_dim3A_168 = vector.broadcast %reduce_sum3A_165 : f32 to vector<16xf32>
        %select_n3A = arith.select %eq3A_167, %broadcast_in_dim3A_168, %broadcast_in_dim3A_94 : vector<16xi1>, vector<16xf32>
        %mul3A_169 = arith.constant 16 : i32
        %mul3A_170 = arith.muli %scan3A_93, %mul3A_169 : i32
        %add3A_171 = arith.constant 1 : i32
        %add3A_172 = arith.addi %mul3A_170, %add3A_171 : i32
        %get3A_173 = arith.index_cast %add3A_172 : i32 to index
        %get3A_174 = arith.constant 0 : index
        %get3A_175 = tpu.vector_load %arg9[%get3A_173, %get3A_174] {strides = array<i32>} : memref<80x64xi32, #tpu.memory_space<vmem>>, vector<16xi32>,
        %get3A_176 = arith.index_cast %add3A_172 : i32 to index
        %get3A_177 = arith.constant 0 : index
        %get3A_178 = tpu.vector_load %arg10[%get3A_176, %get3A_177] {strides = array<i32>} : memref<80x64xi32, #tpu.memory_space<vmem>>, vector<16xi32>,
        %bitcast3A_179 = vector.bitcast %get3A_175 : vector<16xi32> to vector<32xbf16>
        %bitcast3A_180 = vector.bitcast %get3A_178 : vector<16xi32> to vector<32xbf16>
        %mul3A_181 = arith.mulf %bitcast3A_179, %bitcast3A_180 : vector<32xbf16>
        %bitcast3A_182 = vector.bitcast %mul3A_181 : vector<32xbf16> to vector<16xi32>
        %shift_left3A_183 = arith.constant 16 : i32
        %shift_left3A_184 = vector.broadcast %shift_left3A_183 : i32 to vector<16xi32>
        %shift_left3A_185 = arith.shli %bitcast3A_182, %shift_left3A_184 : vector<16xi32>
        %bitcast3A_186 = vector.bitcast %shift_left3A_185 : vector<16xi32> to vector<16xf32>
        %bitcast3A_187 = vector.bitcast %bitcast3A_182 : vector<16xi32> to vector<16xf32>
        %get3A_188 = arith.index_cast %add3A_172 : i32 to index
        %get3A_189 = arith.constant 16 : index
        %get3A_190 = tpu.vector_load %arg9[%get3A_188, %get3A_189] {strides = array<i32>} : memref<80x64xi32, #tpu.memory_space<vmem>>, vector<16xi32>,
        %get3A_191 = arith.index_cast %add3A_172 : i32 to index
        %get3A_192 = arith.constant 16 : index
        %get3A_193 = tpu.vector_load %arg10[%get3A_191, %get3A_192] {strides = array<i32>} : memref<80x64xi32, #tpu.memory_space<vmem>>, vector<16xi32>,
        %bitcast3A_194 = vector.bitcast %get3A_190 : vector<16xi32> to vector<32xbf16>
        %bitcast3A_195 = vector.bitcast %get3A_193 : vector<16xi32> to vector<32xbf16>
        %mul3A_196 = arith.mulf %bitcast3A_194, %bitcast3A_195 : vector<32xbf16>
        %bitcast3A_197 = vector.bitcast %mul3A_196 : vector<32xbf16> to vector<16xi32>
        %shift_left3A_198 = arith.constant 16 : i32
        %shift_left3A_199 = vector.broadcast %shift_left3A_198 : i32 to vector<16xi32>
        %shift_left3A_200 = arith.shli %bitcast3A_197, %shift_left3A_199 : vector<16xi32>
        %bitcast3A_201 = vector.bitcast %shift_left3A_200 : vector<16xi32> to vector<16xf32>
        %bitcast3A_202 = vector.bitcast %bitcast3A_197 : vector<16xi32> to vector<16xf32>
        %add3A_203 = arith.addf %bitcast3A_186, %bitcast3A_201 : vector<16xf32>
        %add3A_204 = arith.addf %bitcast3A_187, %bitcast3A_202 : vector<16xf32>
        %get3A_205 = arith.index_cast %add3A_172 : i32 to index
        %get3A_206 = arith.constant 32 : index
        %get3A_207 = tpu.vector_load %arg9[%get3A_205, %get3A_206] {strides = array<i32>} : memref<80x64xi32, #tpu.memory_space<vmem>>, vector<16xi32>,
        %get3A_208 = arith.index_cast %add3A_172 : i32 to index
        %get3A_209 = arith.constant 32 : index
        %get3A_210 = tpu.vector_load %arg10[%get3A_208, %get3A_209] {strides = array<i32>} : memref<80x64xi32, #tpu.memory_space<vmem>>, vector<16xi32>,
        %bitcast3A_211 = vector.bitcast %get3A_207 : vector<16xi32> to vector<32xbf16>
        %bitcast3A_212 = vector.bitcast %get3A_210 : vector<16xi32> to vector<32xbf16>
        %mul3A_213 = arith.mulf %bitcast3A_211, %bitcast3A_212 : vector<32xbf16>
        %bitcast3A_214 = vector.bitcast %mul3A_213 : vector<32xbf16> to vector<16xi32>
        %shift_left3A_215 = arith.constant 16 : i32
        %shift_left3A_216 = vector.broadcast %shift_left3A_215 : i32 to vector<16xi32>
        %shift_left3A_217 = arith.shli %bitcast3A_214, %shift_left3A_216 : vector<16xi32>
        %bitcast3A_218 = vector.bitcast %shift_left3A_217 : vector<16xi32> to vector<16xf32>
        %bitcast3A_219 = vector.bitcast %bitcast3A_214 : vector<16xi32> to vector<16xf32>
        %add3A_220 = arith.addf %add3A_203, %bitcast3A_218 : vector<16xf32>
        %add3A_221 = arith.addf %add3A_204, %bitcast3A_219 : vector<16xf32>
        %get3A_222 = arith.index_cast %add3A_172 : i32 to index
        %get3A_223 = arith.constant 48 : index
        %get3A_224 = tpu.vector_load %arg9[%get3A_222, %get3A_223] {strides = array<i32>} : memref<80x64xi32, #tpu.memory_space<vmem>>, vector<16xi32>,
        %get3A_225 = arith.index_cast %add3A_172 : i32 to index
        %get3A_226 = arith.constant 48 : index
        %get3A_227 = tpu.vector_load %arg10[%get3A_225, %get3A_226] {strides = array<i32>} : memref<80x64xi32, #tpu.memory_space<vmem>>, vector<16xi32>,
        %bitcast3A_228 = vector.bitcast %get3A_224 : vector<16xi32> to vector<32xbf16>
        %bitcast3A_229 = vector.bitcast %get3A_227 : vector<16xi32> to vector<32xbf16>
        %mul3A_230 = arith.mulf %bitcast3A_228, %bitcast3A_229 : vector<32xbf16>
        %bitcast3A_231 = vector.bitcast %mul3A_230 : vector<32xbf16> to vector<16xi32>
        %shift_left3A_232 = arith.constant 16 : i32
        %shift_left3A_233 = vector.broadcast %shift_left3A_232 : i32 to vector<16xi32>
        %shift_left3A_234 = arith.shli %bitcast3A_231, %shift_left3A_233 : vector<16xi32>
        %bitcast3A_235 = vector.bitcast %shift_left3A_234 : vector<16xi32> to vector<16xf32>
        %bitcast3A_236 = vector.bitcast %bitcast3A_231 : vector<16xi32> to vector<16xf32>
        %add3A_237 = arith.addf %add3A_220, %bitcast3A_235 : vector<16xf32>
        %add3A_238 = arith.addf %add3A_221, %bitcast3A_236 : vector<16xf32>
        %add3A_239 = arith.addf %add3A_237, %add3A_238 : vector<16xf32>
        %reduce_sum3A_240 = arith.constant true
        %reduce_sum3A_241 = vector.broadcast %reduce_sum3A_240 : i1 to vector<16xi1>
        %reduce_sum3A_242 = tpu.scan <sum>, %add3A_239 masked %reduce_sum3A_241 : vector<16xf32>, vector<16xi1> -> vector<16xf32>
        %reduce_sum3A_243 = vector.extract %reduce_sum3A_242[15] : f32 from vector<16xf32>
        %eq3A_244 = arith.constant 1 : i32
        %eq3A_245 = vector.broadcast %eq3A_244 : i32 to vector<16xi32>
        %eq3A_246 = arith.cmpi eq, %iota3A, %eq3A_245 : vector<16xi32>
        %broadcast_in_dim3A_247 = vector.broadcast %reduce_sum3A_243 : f32 to vector<16xf32>
        %select_n3A_248 = arith.select %eq3A_246, %broadcast_in_dim3A_247, %select_n3A : vector<16xi1>, vector<16xf32>
        %mul3A_249 = arith.constant 16 : i32
        %mul3A_250 = arith.muli %scan3A_93, %mul3A_249 : i32
        %add3A_251 = arith.constant 2 : i32
        %add3A_252 = arith.addi %mul3A_250, %add3A_251 : i32
        %get3A_253 = arith.index_cast %add3A_252 : i32 to index
        %get3A_254 = arith.constant 0 : index
        %get3A_255 = tpu.vector_load %arg9[%get3A_253, %get3A_254] {strides = array<i32>} : memref<80x64xi32, #tpu.memory_space<vmem>>, vector<16xi32>,
        %get3A_256 = arith.index_cast %add3A_252 : i32 to index
        %get3A_257 = arith.constant 0 : index
        %get3A_258 = tpu.vector_load %arg10[%get3A_256, %get3A_257] {strides = array<i32>} : memref<80x64xi32, #tpu.memory_space<vmem>>, vector<16xi32>,
        %bitcast3A_259 = vector.bitcast %get3A_255 : vector<16xi32> to vector<32xbf16>
        %bitcast3A_260 = vector.bitcast %get3A_258 : vector<16xi32> to vector<32xbf16>
        %mul3A_261 = arith.mulf %bitcast3A_259, %bitcast3A_260 : vector<32xbf16>
        %bitcast3A_262 = vector.bitcast %mul3A_261 : vector<32xbf16> to vector<16xi32>
        %shift_left3A_263 = arith.constant 16 : i32
        %shift_left3A_264 = vector.broadcast %shift_left3A_263 : i32 to vector<16xi32>
        %shift_left3A_265 = arith.shli %bitcast3A_262, %shift_left3A_264 : vector<16xi32>
        %bitcast3A_266 = vector.bitcast %shift_left3A_265 : vector<16xi32> to vector<16xf32>
        %bitcast3A_267 = vector.bitcast %bitcast3A_262 : vector<16xi32> to vector<16xf32>
        %get3A_268 = arith.index_cast %add3A_252 : i32 to index
        %get3A_269 = arith.constant 16 : index
        %get3A_270 = tpu.vector_load %arg9[%get3A_268, %get3A_269] {strides = array<i32>} : memref<80x64xi32, #tpu.memory_space<vmem>>, vector<16xi32>,
        %get3A_271 = arith.index_cast %add3A_252 : i32 to index
        %get3A_272 = arith.constant 16 : index
        %get3A_273 = tpu.vector_load %arg10[%get3A_271, %get3A_272] {strides = array<i32>} : memref<80x64xi32, #tpu.memory_space<vmem>>, vector<16xi32>,
        %bitcast3A_274 = vector.bitcast %get3A_270 : vector<16xi32> to vector<32xbf16>
        %bitcast3A_275 = vector.bitcast %get3A_273 : vector<16xi32> to vector<32xbf16>
        %mul3A_276 = arith.mulf %bitcast3A_274, %bitcast3A_275 : vector<32xbf16>
        %bitcast3A_277 = vector.bitcast %mul3A_276 : vector<32xbf16> to vector<16xi32>
        %shift_left3A_278 = arith.constant 16 : i32
        %shift_left3A_279 = vector.broadcast %shift_left3A_278 : i32 to vector<16xi32>
        %shift_left3A_280 = arith.shli %bitcast3A_277, %shift_left3A_279 : vector<16xi32>
        %bitcast3A_281 = vector.bitcast %shift_left3A_280 : vector<16xi32> to vector<16xf32>
        %bitcast3A_282 = vector.bitcast %bitcast3A_277 : vector<16xi32> to vector<16xf32>
        %add3A_283 = arith.addf %bitcast3A_266, %bitcast3A_281 : vector<16xf32>
        %add3A_284 = arith.addf %bitcast3A_267, %bitcast3A_282 : vector<16xf32>
        %get3A_285 = arith.index_cast %add3A_252 : i32 to index
        %get3A_286 = arith.constant 32 : index
        %get3A_287 = tpu.vector_load %arg9[%get3A_285, %get3A_286] {strides = array<i32>} : memref<80x64xi32, #tpu.memory_space<vmem>>, vector<16xi32>,
        %get3A_288 = arith.index_cast %add3A_252 : i32 to index
        %get3A_289 = arith.constant 32 : index
        %get3A_290 = tpu.vector_load %arg10[%get3A_288, %get3A_289] {strides = array<i32>} : memref<80x64xi32, #tpu.memory_space<vmem>>, vector<16xi32>,
        %bitcast3A_291 = vector.bitcast %get3A_287 : vector<16xi32> to vector<32xbf16>
        %bitcast3A_292 = vector.bitcast %get3A_290 : vector<16xi32> to vector<32xbf16>
        %mul3A_293 = arith.mulf %bitcast3A_291, %bitcast3A_292 : vector<32xbf16>
        %bitcast3A_294 = vector.bitcast %mul3A_293 : vector<32xbf16> to vector<16xi32>
        %shift_left3A_295 = arith.constant 16 : i32
        %shift_left3A_296 = vector.broadcast %shift_left3A_295 : i32 to vector<16xi32>
        %shift_left3A_297 = arith.shli %bitcast3A_294, %shift_left3A_296 : vector<16xi32>
        %bitcast3A_298 = vector.bitcast %shift_left3A_297 : vector<16xi32> to vector<16xf32>
        %bitcast3A_299 = vector.bitcast %bitcast3A_294 : vector<16xi32> to vector<16xf32>
        %add3A_300 = arith.addf %add3A_283, %bitcast3A_298 : vector<16xf32>
        %add3A_301 = arith.addf %add3A_284, %bitcast3A_299 : vector<16xf32>
        %get3A_302 = arith.index_cast %add3A_252 : i32 to index
        %get3A_303 = arith.constant 48 : index
        %get3A_304 = tpu.vector_load %arg9[%get3A_302, %get3A_303] {strides = array<i32>} : memref<80x64xi32, #tpu.memory_space<vmem>>, vector<16xi32>,
        %get3A_305 = arith.index_cast %add3A_252 : i32 to index
        %get3A_306 = arith.constant 48 : index
        %get3A_307 = tpu.vector_load %arg10[%get3A_305, %get3A_306] {strides = array<i32>} : memref<80x64xi32, #tpu.memory_space<vmem>>, vector<16xi32>,
        %bitcast3A_308 = vector.bitcast %get3A_304 : vector<16xi32> to vector<32xbf16>
        %bitcast3A_309 = vector.bitcast %get3A_307 : vector<16xi32> to vector<32xbf16>
        %mul3A_310 = arith.mulf %bitcast3A_308, %bitcast3A_309 : vector<32xbf16>
        %bitcast3A_311 = vector.bitcast %mul3A_310 : vector<32xbf16> to vector<16xi32>
        %shift_left3A_312 = arith.constant 16 : i32
        %shift_left3A_313 = vector.broadcast %shift_left3A_312 : i32 to vector<16xi32>
        %shift_left3A_314 = arith.shli %bitcast3A_311, %shift_left3A_313 : vector<16xi32>
        %bitcast3A_315 = vector.bitcast %shift_left3A_314 : vector<16xi32> to vector<16xf32>
        %bitcast3A_316 = vector.bitcast %bitcast3A_311 : vector<16xi32> to vector<16xf32>
        %add3A_317 = arith.addf %add3A_300, %bitcast3A_315 : vector<16xf32>
        %add3A_318 = arith.addf %add3A_301, %bitcast3A_316 : vector<16xf32>
        %add3A_319 = arith.addf %add3A_317, %add3A_318 : vector<16xf32>
        %reduce_sum3A_320 = arith.constant true
        %reduce_sum3A_321 = vector.broadcast %reduce_sum3A_320 : i1 to vector<16xi1>
        %reduce_sum3A_322 = tpu.scan <sum>, %add3A_319 masked %reduce_sum3A_321 : vector<16xf32>, vector<16xi1> -> vector<16xf32>
        %reduce_sum3A_323 = vector.extract %reduce_sum3A_322[15] : f32 from vector<16xf32>
        %eq3A_324 = arith.constant 2 : i32
        %eq3A_325 = vector.broadcast %eq3A_324 : i32 to vector<16xi32>
        %eq3A_326 = arith.cmpi eq, %iota3A, %eq3A_325 : vector<16xi32>
        %broadcast_in_dim3A_327 = vector.broadcast %reduce_sum3A_323 : f32 to vector<16xf32>
        %select_n3A_328 = arith.select %eq3A_326, %broadcast_in_dim3A_327, %select_n3A_248 : vector<16xi1>, vector<16xf32>
        %mul3A_329 = arith.constant 16 : i32
        %mul3A_330 = arith.muli %scan3A_93, %mul3A_329 : i32
        %add3A_331 = arith.constant 3 : i32
        %add3A_332 = arith.addi %mul3A_330, %add3A_331 : i32
        %get3A_333 = arith.index_cast %add3A_332 : i32 to index
        %get3A_334 = arith.constant 0 : index
        %get3A_335 = tpu.vector_load %arg9[%get3A_333, %get3A_334] {strides = array<i32>} : memref<80x64xi32, #tpu.memory_space<vmem>>, vector<16xi32>,
        %get3A_336 = arith.index_cast %add3A_332 : i32 to index
        %get3A_337 = arith.constant 0 : index
        %get3A_338 = tpu.vector_load %arg10[%get3A_336, %get3A_337] {strides = array<i32>} : memref<80x64xi32, #tpu.memory_space<vmem>>, vector<16xi32>,
        %bitcast3A_339 = vector.bitcast %get3A_335 : vector<16xi32> to vector<32xbf16>
        %bitcast3A_340 = vector.bitcast %get3A_338 : vector<16xi32> to vector<32xbf16>
        %mul3A_341 = arith.mulf %bitcast3A_339, %bitcast3A_340 : vector<32xbf16>
        %bitcast3A_342 = vector.bitcast %mul3A_341 : vector<32xbf16> to vector<16xi32>
        %shift_left3A_343 = arith.constant 16 : i32
        %shift_left3A_344 = vector.broadcast %shift_left3A_343 : i32 to vector<16xi32>
        %shift_left3A_345 = arith.shli %bitcast3A_342, %shift_left3A_344 : vector<16xi32>
        %bitcast3A_346 = vector.bitcast %shift_left3A_345 : vector<16xi32> to vector<16xf32>
        %bitcast3A_347 = vector.bitcast %bitcast3A_342 : vector<16xi32> to vector<16xf32>
        %get3A_348 = arith.index_cast %add3A_332 : i32 to index
        %get3A_349 = arith.constant 16 : index
        %get3A_350 = tpu.vector_load %arg9[%get3A_348, %get3A_349] {strides = array<i32>} : memref<80x64xi32, #tpu.memory_space<vmem>>, vector<16xi32>,
        %get3A_351 = arith.index_cast %add3A_332 : i32 to index
        %get3A_352 = arith.constant 16 : index
        %get3A_353 = tpu.vector_load %arg10[%get3A_351, %get3A_352] {strides = array<i32>} : memref<80x64xi32, #tpu.memory_space<vmem>>, vector<16xi32>,
        %bitcast3A_354 = vector.bitcast %get3A_350 : vector<16xi32> to vector<32xbf16>
        %bitcast3A_355 = vector.bitcast %get3A_353 : vector<16xi32> to vector<32xbf16>
        %mul3A_356 = arith.mulf %bitcast3A_354, %bitcast3A_355 : vector<32xbf16>
        %bitcast3A_357 = vector.bitcast %mul3A_356 : vector<32xbf16> to vector<16xi32>
        %shift_left3A_358 = arith.constant 16 : i32
        %shift_left3A_359 = vector.broadcast %shift_left3A_358 : i32 to vector<16xi32>
        %shift_left3A_360 = arith.shli %bitcast3A_357, %shift_left3A_359 : vector<16xi32>
        %bitcast3A_361 = vector.bitcast %shift_left3A_360 : vector<16xi32> to vector<16xf32>
        %bitcast3A_362 = vector.bitcast %bitcast3A_357 : vector<16xi32> to vector<16xf32>
        %add3A_363 = arith.addf %bitcast3A_346, %bitcast3A_361 : vector<16xf32>
        %add3A_364 = arith.addf %bitcast3A_347, %bitcast3A_362 : vector<16xf32>
        %get3A_365 = arith.index_cast %add3A_332 : i32 to index
        %get3A_366 = arith.constant 32 : index
        %get3A_367 = tpu.vector_load %arg9[%get3A_365, %get3A_366] {strides = array<i32>} : memref<80x64xi32, #tpu.memory_space<vmem>>, vector<16xi32>,
        %get3A_368 = arith.index_cast %add3A_332 : i32 to index
        %get3A_369 = arith.constant 32 : index
        %get3A_370 = tpu.vector_load %arg10[%get3A_368, %get3A_369] {strides = array<i32>} : memref<80x64xi32, #tpu.memory_space<vmem>>, vector<16xi32>,
        %bitcast3A_371 = vector.bitcast %get3A_367 : vector<16xi32> to vector<32xbf16>
        %bitcast3A_372 = vector.bitcast %get3A_370 : vector<16xi32> to vector<32xbf16>
        %mul3A_373 = arith.mulf %bitcast3A_371, %bitcast3A_372 : vector<32xbf16>
        %bitcast3A_374 = vector.bitcast %mul3A_373 : vector<32xbf16> to vector<16xi32>
        %shift_left3A_375 = arith.constant 16 : i32
        %shift_left3A_376 = vector.broadcast %shift_left3A_375 : i32 to vector<16xi32>
        %shift_left3A_377 = arith.shli %bitcast3A_374, %shift_left3A_376 : vector<16xi32>
        %bitcast3A_378 = vector.bitcast %shift_left3A_377 : vector<16xi32> to vector<16xf32>
        %bitcast3A_379 = vector.bitcast %bitcast3A_374 : vector<16xi32> to vector<16xf32>
        %add3A_380 = arith.addf %add3A_363, %bitcast3A_378 : vector<16xf32>
        %add3A_381 = arith.addf %add3A_364, %bitcast3A_379 : vector<16xf32>
        %get3A_382 = arith.index_cast %add3A_332 : i32 to index
        %get3A_383 = arith.constant 48 : index
        %get3A_384 = tpu.vector_load %arg9[%get3A_382, %get3A_383] {strides = array<i32>} : memref<80x64xi32, #tpu.memory_space<vmem>>, vector<16xi32>,
        %get3A_385 = arith.index_cast %add3A_332 : i32 to index
        %get3A_386 = arith.constant 48 : index
        %get3A_387 = tpu.vector_load %arg10[%get3A_385, %get3A_386] {strides = array<i32>} : memref<80x64xi32, #tpu.memory_space<vmem>>, vector<16xi32>,
        %bitcast3A_388 = vector.bitcast %get3A_384 : vector<16xi32> to vector<32xbf16>
        %bitcast3A_389 = vector.bitcast %get3A_387 : vector<16xi32> to vector<32xbf16>
        %mul3A_390 = arith.mulf %bitcast3A_388, %bitcast3A_389 : vector<32xbf16>
        %bitcast3A_391 = vector.bitcast %mul3A_390 : vector<32xbf16> to vector<16xi32>
        %shift_left3A_392 = arith.constant 16 : i32
        %shift_left3A_393 = vector.broadcast %shift_left3A_392 : i32 to vector<16xi32>
        %shift_left3A_394 = arith.shli %bitcast3A_391, %shift_left3A_393 : vector<16xi32>
        %bitcast3A_395 = vector.bitcast %shift_left3A_394 : vector<16xi32> to vector<16xf32>
        %bitcast3A_396 = vector.bitcast %bitcast3A_391 : vector<16xi32> to vector<16xf32>
        %add3A_397 = arith.addf %add3A_380, %bitcast3A_395 : vector<16xf32>
        %add3A_398 = arith.addf %add3A_381, %bitcast3A_396 : vector<16xf32>
        %add3A_399 = arith.addf %add3A_397, %add3A_398 : vector<16xf32>
        %reduce_sum3A_400 = arith.constant true
        %reduce_sum3A_401 = vector.broadcast %reduce_sum3A_400 : i1 to vector<16xi1>
        %reduce_sum3A_402 = tpu.scan <sum>, %add3A_399 masked %reduce_sum3A_401 : vector<16xf32>, vector<16xi1> -> vector<16xf32>
        %reduce_sum3A_403 = vector.extract %reduce_sum3A_402[15] : f32 from vector<16xf32>
        %eq3A_404 = arith.constant 3 : i32
        %eq3A_405 = vector.broadcast %eq3A_404 : i32 to vector<16xi32>
        %eq3A_406 = arith.cmpi eq, %iota3A, %eq3A_405 : vector<16xi32>
        %broadcast_in_dim3A_407 = vector.broadcast %reduce_sum3A_403 : f32 to vector<16xf32>
        %select_n3A_408 = arith.select %eq3A_406, %broadcast_in_dim3A_407, %select_n3A_328 : vector<16xi1>, vector<16xf32>
        %mul3A_409 = arith.constant 16 : i32
        %mul3A_410 = arith.muli %scan3A_93, %mul3A_409 : i32
        %add3A_411 = arith.constant 4 : i32
        %add3A_412 = arith.addi %mul3A_410, %add3A_411 : i32
        %get3A_413 = arith.index_cast %add3A_412 : i32 to index
        %get3A_414 = arith.constant 0 : index
        %get3A_415 = tpu.vector_load %arg9[%get3A_413, %get3A_414] {strides = array<i32>} : memref<80x64xi32, #tpu.memory_space<vmem>>, vector<16xi32>,
        %get3A_416 = arith.index_cast %add3A_412 : i32 to index
        %get3A_417 = arith.constant 0 : index
        %get3A_418 = tpu.vector_load %arg10[%get3A_416, %get3A_417] {strides = array<i32>} : memref<80x64xi32, #tpu.memory_space<vmem>>, vector<16xi32>,
        %bitcast3A_419 = vector.bitcast %get3A_415 : vector<16xi32> to vector<32xbf16>
        %bitcast3A_420 = vector.bitcast %get3A_418 : vector<16xi32> to vector<32xbf16>
        %mul3A_421 = arith.mulf %bitcast3A_419, %bitcast3A_420 : vector<32xbf16>
        %bitcast3A_422 = vector.bitcast %mul3A_421 : vector<32xbf16> to vector<16xi32>
        %shift_left3A_423 = arith.constant 16 : i32
        %shift_left3A_424 = vector.broadcast %shift_left3A_423 : i32 to vector<16xi32>
        %shift_left3A_425 = arith.shli %bitcast3A_422, %shift_left3A_424 : vector<16xi32>
        %bitcast3A_426 = vector.bitcast %shift_left3A_425 : vector<16xi32> to vector<16xf32>
        %bitcast3A_427 = vector.bitcast %bitcast3A_422 : vector<16xi32> to vector<16xf32>
        %get3A_428 = arith.index_cast %add3A_412 : i32 to index
        %get3A_429 = arith.constant 16 : index
        %get3A_430 = tpu.vector_load %arg9[%get3A_428, %get3A_429] {strides = array<i32>} : memref<80x64xi32, #tpu.memory_space<vmem>>, vector<16xi32>,
        %get3A_431 = arith.index_cast %add3A_412 : i32 to index
        %get3A_432 = arith.constant 16 : index
        %get3A_433 = tpu.vector_load %arg10[%get3A_431, %get3A_432] {strides = array<i32>} : memref<80x64xi32, #tpu.memory_space<vmem>>, vector<16xi32>,
        %bitcast3A_434 = vector.bitcast %get3A_430 : vector<16xi32> to vector<32xbf16>
        %bitcast3A_435 = vector.bitcast %get3A_433 : vector<16xi32> to vector<32xbf16>
        %mul3A_436 = arith.mulf %bitcast3A_434, %bitcast3A_435 : vector<32xbf16>
        %bitcast3A_437 = vector.bitcast %mul3A_436 : vector<32xbf16> to vector<16xi32>
        %shift_left3A_438 = arith.constant 16 : i32
        %shift_left3A_439 = vector.broadcast %shift_left3A_438 : i32 to vector<16xi32>
        %shift_left3A_440 = arith.shli %bitcast3A_437, %shift_left3A_439 : vector<16xi32>
        %bitcast3A_441 = vector.bitcast %shift_left3A_440 : vector<16xi32> to vector<16xf32>
        %bitcast3A_442 = vector.bitcast %bitcast3A_437 : vector<16xi32> to vector<16xf32>
        %add3A_443 = arith.addf %bitcast3A_426, %bitcast3A_441 : vector<16xf32>
        %add3A_444 = arith.addf %bitcast3A_427, %bitcast3A_442 : vector<16xf32>
        %get3A_445 = arith.index_cast %add3A_412 : i32 to index
        %get3A_446 = arith.constant 32 : index
        %get3A_447 = tpu.vector_load %arg9[%get3A_445, %get3A_446] {strides = array<i32>} : memref<80x64xi32, #tpu.memory_space<vmem>>, vector<16xi32>,
        %get3A_448 = arith.index_cast %add3A_412 : i32 to index
        %get3A_449 = arith.constant 32 : index
        %get3A_450 = tpu.vector_load %arg10[%get3A_448, %get3A_449] {strides = array<i32>} : memref<80x64xi32, #tpu.memory_space<vmem>>, vector<16xi32>,
        %bitcast3A_451 = vector.bitcast %get3A_447 : vector<16xi32> to vector<32xbf16>
        %bitcast3A_452 = vector.bitcast %get3A_450 : vector<16xi32> to vector<32xbf16>
        %mul3A_453 = arith.mulf %bitcast3A_451, %bitcast3A_452 : vector<32xbf16>
        %bitcast3A_454 = vector.bitcast %mul3A_453 : vector<32xbf16> to vector<16xi32>
        %shift_left3A_455 = arith.constant 16 : i32
        %shift_left3A_456 = vector.broadcast %shift_left3A_455 : i32 to vector<16xi32>
        %shift_left3A_457 = arith.shli %bitcast3A_454, %shift_left3A_456 : vector<16xi32>
        %bitcast3A_458 = vector.bitcast %shift_left3A_457 : vector<16xi32> to vector<16xf32>
        %bitcast3A_459 = vector.bitcast %bitcast3A_454 : vector<16xi32> to vector<16xf32>
        %add3A_460 = arith.addf %add3A_443, %bitcast3A_458 : vector<16xf32>
        %add3A_461 = arith.addf %add3A_444, %bitcast3A_459 : vector<16xf32>
        %get3A_462 = arith.index_cast %add3A_412 : i32 to index
        %get3A_463 = arith.constant 48 : index
        %get3A_464 = tpu.vector_load %arg9[%get3A_462, %get3A_463] {strides = array<i32>} : memref<80x64xi32, #tpu.memory_space<vmem>>, vector<16xi32>,
        %get3A_465 = arith.index_cast %add3A_412 : i32 to index
        %get3A_466 = arith.constant 48 : index
        %get3A_467 = tpu.vector_load %arg10[%get3A_465, %get3A_466] {strides = array<i32>} : memref<80x64xi32, #tpu.memory_space<vmem>>, vector<16xi32>,
        %bitcast3A_468 = vector.bitcast %get3A_464 : vector<16xi32> to vector<32xbf16>
        %bitcast3A_469 = vector.bitcast %get3A_467 : vector<16xi32> to vector<32xbf16>
        %mul3A_470 = arith.mulf %bitcast3A_468, %bitcast3A_469 : vector<32xbf16>
        %bitcast3A_471 = vector.bitcast %mul3A_470 : vector<32xbf16> to vector<16xi32>
        %shift_left3A_472 = arith.constant 16 : i32
        %shift_left3A_473 = vector.broadcast %shift_left3A_472 : i32 to vector<16xi32>
        %shift_left3A_474 = arith.shli %bitcast3A_471, %shift_left3A_473 : vector<16xi32>
        %bitcast3A_475 = vector.bitcast %shift_left3A_474 : vector<16xi32> to vector<16xf32>
        %bitcast3A_476 = vector.bitcast %bitcast3A_471 : vector<16xi32> to vector<16xf32>
        %add3A_477 = arith.addf %add3A_460, %bitcast3A_475 : vector<16xf32>
        %add3A_478 = arith.addf %add3A_461, %bitcast3A_476 : vector<16xf32>
        %add3A_479 = arith.addf %add3A_477, %add3A_478 : vector<16xf32>
        %reduce_sum3A_480 = arith.constant true
        %reduce_sum3A_481 = vector.broadcast %reduce_sum3A_480 : i1 to vector<16xi1>
        %reduce_sum3A_482 = tpu.scan <sum>, %add3A_479 masked %reduce_sum3A_481 : vector<16xf32>, vector<16xi1> -> vector<16xf32>
        %reduce_sum3A_483 = vector.extract %reduce_sum3A_482[15] : f32 from vector<16xf32>
        %eq3A_484 = arith.constant 4 : i32
        %eq3A_485 = vector.broadcast %eq3A_484 : i32 to vector<16xi32>
        %eq3A_486 = arith.cmpi eq, %iota3A, %eq3A_485 : vector<16xi32>
        %broadcast_in_dim3A_487 = vector.broadcast %reduce_sum3A_483 : f32 to vector<16xf32>
        %select_n3A_488 = arith.select %eq3A_486, %broadcast_in_dim3A_487, %select_n3A_408 : vector<16xi1>, vector<16xf32>
        %mul3A_489 = arith.constant 16 : i32
        %mul3A_490 = arith.muli %scan3A_93, %mul3A_489 : i32
        %add3A_491 = arith.constant 5 : i32
        %add3A_492 = arith.addi %mul3A_490, %add3A_491 : i32
        %get3A_493 = arith.index_cast %add3A_492 : i32 to index
        %get3A_494 = arith.constant 0 : index
        %get3A_495 = tpu.vector_load %arg9[%get3A_493, %get3A_494] {strides = array<i32>} : memref<80x64xi32, #tpu.memory_space<vmem>>, vector<16xi32>,
        %get3A_496 = arith.index_cast %add3A_492 : i32 to index
        %get3A_497 = arith.constant 0 : index
        %get3A_498 = tpu.vector_load %arg10[%get3A_496, %get3A_497] {strides = array<i32>} : memref<80x64xi32, #tpu.memory_space<vmem>>, vector<16xi32>,
        %bitcast3A_499 = vector.bitcast %get3A_495 : vector<16xi32> to vector<32xbf16>
        %bitcast3A_500 = vector.bitcast %get3A_498 : vector<16xi32> to vector<32xbf16>
        %mul3A_501 = arith.mulf %bitcast3A_499, %bitcast3A_500 : vector<32xbf16>
        %bitcast3A_502 = vector.bitcast %mul3A_501 : vector<32xbf16> to vector<16xi32>
        %shift_left3A_503 = arith.constant 16 : i32
        %shift_left3A_504 = vector.broadcast %shift_left3A_503 : i32 to vector<16xi32>
        %shift_left3A_505 = arith.shli %bitcast3A_502, %shift_left3A_504 : vector<16xi32>
        %bitcast3A_506 = vector.bitcast %shift_left3A_505 : vector<16xi32> to vector<16xf32>
        %bitcast3A_507 = vector.bitcast %bitcast3A_502 : vector<16xi32> to vector<16xf32>
        %get3A_508 = arith.index_cast %add3A_492 : i32 to index
        %get3A_509 = arith.constant 16 : index
        %get3A_510 = tpu.vector_load %arg9[%get3A_508, %get3A_509] {strides = array<i32>} : memref<80x64xi32, #tpu.memory_space<vmem>>, vector<16xi32>,
        %get3A_511 = arith.index_cast %add3A_492 : i32 to index
        %get3A_512 = arith.constant 16 : index
        %get3A_513 = tpu.vector_load %arg10[%get3A_511, %get3A_512] {strides = array<i32>} : memref<80x64xi32, #tpu.memory_space<vmem>>, vector<16xi32>,
        %bitcast3A_514 = vector.bitcast %get3A_510 : vector<16xi32> to vector<32xbf16>
        %bitcast3A_515 = vector.bitcast %get3A_513 : vector<16xi32> to vector<32xbf16>
        %mul3A_516 = arith.mulf %bitcast3A_514, %bitcast3A_515 : vector<32xbf16>
        %bitcast3A_517 = vector.bitcast %mul3A_516 : vector<32xbf16> to vector<16xi32>
        %shift_left3A_518 = arith.constant 16 : i32
        %shift_left3A_519 = vector.broadcast %shift_left3A_518 : i32 to vector<16xi32>
        %shift_left3A_520 = arith.shli %bitcast3A_517, %shift_left3A_519 : vector<16xi32>
        %bitcast3A_521 = vector.bitcast %shift_left3A_520 : vector<16xi32> to vector<16xf32>
        %bitcast3A_522 = vector.bitcast %bitcast3A_517 : vector<16xi32> to vector<16xf32>
        %add3A_523 = arith.addf %bitcast3A_506, %bitcast3A_521 : vector<16xf32>
        %add3A_524 = arith.addf %bitcast3A_507, %bitcast3A_522 : vector<16xf32>
        %get3A_525 = arith.index_cast %add3A_492 : i32 to index
        %get3A_526 = arith.constant 32 : index
        %get3A_527 = tpu.vector_load %arg9[%get3A_525, %get3A_526] {strides = array<i32>} : memref<80x64xi32, #tpu.memory_space<vmem>>, vector<16xi32>,
        %get3A_528 = arith.index_cast %add3A_492 : i32 to index
        %get3A_529 = arith.constant 32 : index
        %get3A_530 = tpu.vector_load %arg10[%get3A_528, %get3A_529] {strides = array<i32>} : memref<80x64xi32, #tpu.memory_space<vmem>>, vector<16xi32>,
        %bitcast3A_531 = vector.bitcast %get3A_527 : vector<16xi32> to vector<32xbf16>
        %bitcast3A_532 = vector.bitcast %get3A_530 : vector<16xi32> to vector<32xbf16>
        %mul3A_533 = arith.mulf %bitcast3A_531, %bitcast3A_532 : vector<32xbf16>
        %bitcast3A_534 = vector.bitcast %mul3A_533 : vector<32xbf16> to vector<16xi32>
        %shift_left3A_535 = arith.constant 16 : i32
        %shift_left3A_536 = vector.broadcast %shift_left3A_535 : i32 to vector<16xi32>
        %shift_left3A_537 = arith.shli %bitcast3A_534, %shift_left3A_536 : vector<16xi32>
        %bitcast3A_538 = vector.bitcast %shift_left3A_537 : vector<16xi32> to vector<16xf32>
        %bitcast3A_539 = vector.bitcast %bitcast3A_534 : vector<16xi32> to vector<16xf32>
        %add3A_540 = arith.addf %add3A_523, %bitcast3A_538 : vector<16xf32>
        %add3A_541 = arith.addf %add3A_524, %bitcast3A_539 : vector<16xf32>
        %get3A_542 = arith.index_cast %add3A_492 : i32 to index
        %get3A_543 = arith.constant 48 : index
        %get3A_544 = tpu.vector_load %arg9[%get3A_542, %get3A_543] {strides = array<i32>} : memref<80x64xi32, #tpu.memory_space<vmem>>, vector<16xi32>,
        %get3A_545 = arith.index_cast %add3A_492 : i32 to index
        %get3A_546 = arith.constant 48 : index
        %get3A_547 = tpu.vector_load %arg10[%get3A_545, %get3A_546] {strides = array<i32>} : memref<80x64xi32, #tpu.memory_space<vmem>>, vector<16xi32>,
        %bitcast3A_548 = vector.bitcast %get3A_544 : vector<16xi32> to vector<32xbf16>
        %bitcast3A_549 = vector.bitcast %get3A_547 : vector<16xi32> to vector<32xbf16>
        %mul3A_550 = arith.mulf %bitcast3A_548, %bitcast3A_549 : vector<32xbf16>
        %bitcast3A_551 = vector.bitcast %mul3A_550 : vector<32xbf16> to vector<16xi32>
        %shift_left3A_552 = arith.constant 16 : i32
        %shift_left3A_553 = vector.broadcast %shift_left3A_552 : i32 to vector<16xi32>
        %shift_left3A_554 = arith.shli %bitcast3A_551, %shift_left3A_553 : vector<16xi32>
        %bitcast3A_555 = vector.bitcast %shift_left3A_554 : vector<16xi32> to vector<16xf32>
        %bitcast3A_556 = vector.bitcast %bitcast3A_551 : vector<16xi32> to vector<16xf32>
        %add3A_557 = arith.addf %add3A_540, %bitcast3A_555 : vector<16xf32>
        %add3A_558 = arith.addf %add3A_541, %bitcast3A_556 : vector<16xf32>
        %add3A_559 = arith.addf %add3A_557, %add3A_558 : vector<16xf32>
        %reduce_sum3A_560 = arith.constant true
        %reduce_sum3A_561 = vector.broadcast %reduce_sum3A_560 : i1 to vector<16xi1>
        %reduce_sum3A_562 = tpu.scan <sum>, %add3A_559 masked %reduce_sum3A_561 : vector<16xf32>, vector<16xi1> -> vector<16xf32>
        %reduce_sum3A_563 = vector.extract %reduce_sum3A_562[15] : f32 from vector<16xf32>
        %eq3A_564 = arith.constant 5 : i32
        %eq3A_565 = vector.broadcast %eq3A_564 : i32 to vector<16xi32>
        %eq3A_566 = arith.cmpi eq, %iota3A, %eq3A_565 : vector<16xi32>
        %broadcast_in_dim3A_567 = vector.broadcast %reduce_sum3A_563 : f32 to vector<16xf32>
        %select_n3A_568 = arith.select %eq3A_566, %broadcast_in_dim3A_567, %select_n3A_488 : vector<16xi1>, vector<16xf32>
        %mul3A_569 = arith.constant 16 : i32
        %mul3A_570 = arith.muli %scan3A_93, %mul3A_569 : i32
        %add3A_571 = arith.constant 6 : i32
        %add3A_572 = arith.addi %mul3A_570, %add3A_571 : i32
        %get3A_573 = arith.index_cast %add3A_572 : i32 to index
        %get3A_574 = arith.constant 0 : index
        %get3A_575 = tpu.vector_load %arg9[%get3A_573, %get3A_574] {strides = array<i32>} : memref<80x64xi32, #tpu.memory_space<vmem>>, vector<16xi32>,
        %get3A_576 = arith.index_cast %add3A_572 : i32 to index
        %get3A_577 = arith.constant 0 : index
        %get3A_578 = tpu.vector_load %arg10[%get3A_576, %get3A_577] {strides = array<i32>} : memref<80x64xi32, #tpu.memory_space<vmem>>, vector<16xi32>,
        %bitcast3A_579 = vector.bitcast %get3A_575 : vector<16xi32> to vector<32xbf16>
        %bitcast3A_580 = vector.bitcast %get3A_578 : vector<16xi32> to vector<32xbf16>
        %mul3A_581 = arith.mulf %bitcast3A_579, %bitcast3A_580 : vector<32xbf16>
        %bitcast3A_582 = vector.bitcast %mul3A_581 : vector<32xbf16> to vector<16xi32>
        %shift_left3A_583 = arith.constant 16 : i32
        %shift_left3A_584 = vector.broadcast %shift_left3A_583 : i32 to vector<16xi32>
        %shift_left3A_585 = arith.shli %bitcast3A_582, %shift_left3A_584 : vector<16xi32>
        %bitcast3A_586 = vector.bitcast %shift_left3A_585 : vector<16xi32> to vector<16xf32>
        %bitcast3A_587 = vector.bitcast %bitcast3A_582 : vector<16xi32> to vector<16xf32>
        %get3A_588 = arith.index_cast %add3A_572 : i32 to index
        %get3A_589 = arith.constant 16 : index
        %get3A_590 = tpu.vector_load %arg9[%get3A_588, %get3A_589] {strides = array<i32>} : memref<80x64xi32, #tpu.memory_space<vmem>>, vector<16xi32>,
        %get3A_591 = arith.index_cast %add3A_572 : i32 to index
        %get3A_592 = arith.constant 16 : index
        %get3A_593 = tpu.vector_load %arg10[%get3A_591, %get3A_592] {strides = array<i32>} : memref<80x64xi32, #tpu.memory_space<vmem>>, vector<16xi32>,
        %bitcast3A_594 = vector.bitcast %get3A_590 : vector<16xi32> to vector<32xbf16>
        %bitcast3A_595 = vector.bitcast %get3A_593 : vector<16xi32> to vector<32xbf16>
        %mul3A_596 = arith.mulf %bitcast3A_594, %bitcast3A_595 : vector<32xbf16>
        %bitcast3A_597 = vector.bitcast %mul3A_596 : vector<32xbf16> to vector<16xi32>
        %shift_left3A_598 = arith.constant 16 : i32
        %shift_left3A_599 = vector.broadcast %shift_left3A_598 : i32 to vector<16xi32>
        %shift_left3A_600 = arith.shli %bitcast3A_597, %shift_left3A_599 : vector<16xi32>
        %bitcast3A_601 = vector.bitcast %shift_left3A_600 : vector<16xi32> to vector<16xf32>
        %bitcast3A_602 = vector.bitcast %bitcast3A_597 : vector<16xi32> to vector<16xf32>
        %add3A_603 = arith.addf %bitcast3A_586, %bitcast3A_601 : vector<16xf32>
        %add3A_604 = arith.addf %bitcast3A_587, %bitcast3A_602 : vector<16xf32>
        %get3A_605 = arith.index_cast %add3A_572 : i32 to index
        %get3A_606 = arith.constant 32 : index
        %get3A_607 = tpu.vector_load %arg9[%get3A_605, %get3A_606] {strides = array<i32>} : memref<80x64xi32, #tpu.memory_space<vmem>>, vector<16xi32>,
        %get3A_608 = arith.index_cast %add3A_572 : i32 to index
        %get3A_609 = arith.constant 32 : index
        %get3A_610 = tpu.vector_load %arg10[%get3A_608, %get3A_609] {strides = array<i32>} : memref<80x64xi32, #tpu.memory_space<vmem>>, vector<16xi32>,
        %bitcast3A_611 = vector.bitcast %get3A_607 : vector<16xi32> to vector<32xbf16>
        %bitcast3A_612 = vector.bitcast %get3A_610 : vector<16xi32> to vector<32xbf16>
        %mul3A_613 = arith.mulf %bitcast3A_611, %bitcast3A_612 : vector<32xbf16>
        %bitcast3A_614 = vector.bitcast %mul3A_613 : vector<32xbf16> to vector<16xi32>
        %shift_left3A_615 = arith.constant 16 : i32
        %shift_left3A_616 = vector.broadcast %shift_left3A_615 : i32 to vector<16xi32>
        %shift_left3A_617 = arith.shli %bitcast3A_614, %shift_left3A_616 : vector<16xi32>
        %bitcast3A_618 = vector.bitcast %shift_left3A_617 : vector<16xi32> to vector<16xf32>
        %bitcast3A_619 = vector.bitcast %bitcast3A_614 : vector<16xi32> to vector<16xf32>
        %add3A_620 = arith.addf %add3A_603, %bitcast3A_618 : vector<16xf32>
        %add3A_621 = arith.addf %add3A_604, %bitcast3A_619 : vector<16xf32>
        %get3A_622 = arith.index_cast %add3A_572 : i32 to index
        %get3A_623 = arith.constant 48 : index
        %get3A_624 = tpu.vector_load %arg9[%get3A_622, %get3A_623] {strides = array<i32>} : memref<80x64xi32, #tpu.memory_space<vmem>>, vector<16xi32>,
        %get3A_625 = arith.index_cast %add3A_572 : i32 to index
        %get3A_626 = arith.constant 48 : index
        %get3A_627 = tpu.vector_load %arg10[%get3A_625, %get3A_626] {strides = array<i32>} : memref<80x64xi32, #tpu.memory_space<vmem>>, vector<16xi32>,
        %bitcast3A_628 = vector.bitcast %get3A_624 : vector<16xi32> to vector<32xbf16>
        %bitcast3A_629 = vector.bitcast %get3A_627 : vector<16xi32> to vector<32xbf16>
        %mul3A_630 = arith.mulf %bitcast3A_628, %bitcast3A_629 : vector<32xbf16>
        %bitcast3A_631 = vector.bitcast %mul3A_630 : vector<32xbf16> to vector<16xi32>
        %shift_left3A_632 = arith.constant 16 : i32
        %shift_left3A_633 = vector.broadcast %shift_left3A_632 : i32 to vector<16xi32>
        %shift_left3A_634 = arith.shli %bitcast3A_631, %shift_left3A_633 : vector<16xi32>
        %bitcast3A_635 = vector.bitcast %shift_left3A_634 : vector<16xi32> to vector<16xf32>
        %bitcast3A_636 = vector.bitcast %bitcast3A_631 : vector<16xi32> to vector<16xf32>
        %add3A_637 = arith.addf %add3A_620, %bitcast3A_635 : vector<16xf32>
        %add3A_638 = arith.addf %add3A_621, %bitcast3A_636 : vector<16xf32>
        %add3A_639 = arith.addf %add3A_637, %add3A_638 : vector<16xf32>
        %reduce_sum3A_640 = arith.constant true
        %reduce_sum3A_641 = vector.broadcast %reduce_sum3A_640 : i1 to vector<16xi1>
        %reduce_sum3A_642 = tpu.scan <sum>, %add3A_639 masked %reduce_sum3A_641 : vector<16xf32>, vector<16xi1> -> vector<16xf32>
        %reduce_sum3A_643 = vector.extract %reduce_sum3A_642[15] : f32 from vector<16xf32>
        %eq3A_644 = arith.constant 6 : i32
        %eq3A_645 = vector.broadcast %eq3A_644 : i32 to vector<16xi32>
        %eq3A_646 = arith.cmpi eq, %iota3A, %eq3A_645 : vector<16xi32>
        %broadcast_in_dim3A_647 = vector.broadcast %reduce_sum3A_643 : f32 to vector<16xf32>
        %select_n3A_648 = arith.select %eq3A_646, %broadcast_in_dim3A_647, %select_n3A_568 : vector<16xi1>, vector<16xf32>
        %mul3A_649 = arith.constant 16 : i32
        %mul3A_650 = arith.muli %scan3A_93, %mul3A_649 : i32
        %add3A_651 = arith.constant 7 : i32
        %add3A_652 = arith.addi %mul3A_650, %add3A_651 : i32
        %get3A_653 = arith.index_cast %add3A_652 : i32 to index
        %get3A_654 = arith.constant 0 : index
        %get3A_655 = tpu.vector_load %arg9[%get3A_653, %get3A_654] {strides = array<i32>} : memref<80x64xi32, #tpu.memory_space<vmem>>, vector<16xi32>,
        %get3A_656 = arith.index_cast %add3A_652 : i32 to index
        %get3A_657 = arith.constant 0 : index
        %get3A_658 = tpu.vector_load %arg10[%get3A_656, %get3A_657] {strides = array<i32>} : memref<80x64xi32, #tpu.memory_space<vmem>>, vector<16xi32>,
        %bitcast3A_659 = vector.bitcast %get3A_655 : vector<16xi32> to vector<32xbf16>
        %bitcast3A_660 = vector.bitcast %get3A_658 : vector<16xi32> to vector<32xbf16>
        %mul3A_661 = arith.mulf %bitcast3A_659, %bitcast3A_660 : vector<32xbf16>
        %bitcast3A_662 = vector.bitcast %mul3A_661 : vector<32xbf16> to vector<16xi32>
        %shift_left3A_663 = arith.constant 16 : i32
        %shift_left3A_664 = vector.broadcast %shift_left3A_663 : i32 to vector<16xi32>
        %shift_left3A_665 = arith.shli %bitcast3A_662, %shift_left3A_664 : vector<16xi32>
        %bitcast3A_666 = vector.bitcast %shift_left3A_665 : vector<16xi32> to vector<16xf32>
        %bitcast3A_667 = vector.bitcast %bitcast3A_662 : vector<16xi32> to vector<16xf32>
        %get3A_668 = arith.index_cast %add3A_652 : i32 to index
        %get3A_669 = arith.constant 16 : index
        %get3A_670 = tpu.vector_load %arg9[%get3A_668, %get3A_669] {strides = array<i32>} : memref<80x64xi32, #tpu.memory_space<vmem>>, vector<16xi32>,
        %get3A_671 = arith.index_cast %add3A_652 : i32 to index
        %get3A_672 = arith.constant 16 : index
        %get3A_673 = tpu.vector_load %arg10[%get3A_671, %get3A_672] {strides = array<i32>} : memref<80x64xi32, #tpu.memory_space<vmem>>, vector<16xi32>,
        %bitcast3A_674 = vector.bitcast %get3A_670 : vector<16xi32> to vector<32xbf16>
        %bitcast3A_675 = vector.bitcast %get3A_673 : vector<16xi32> to vector<32xbf16>
        %mul3A_676 = arith.mulf %bitcast3A_674, %bitcast3A_675 : vector<32xbf16>
        %bitcast3A_677 = vector.bitcast %mul3A_676 : vector<32xbf16> to vector<16xi32>
        %shift_left3A_678 = arith.constant 16 : i32
        %shift_left3A_679 = vector.broadcast %shift_left3A_678 : i32 to vector<16xi32>
        %shift_left3A_680 = arith.shli %bitcast3A_677, %shift_left3A_679 : vector<16xi32>
        %bitcast3A_681 = vector.bitcast %shift_left3A_680 : vector<16xi32> to vector<16xf32>
        %bitcast3A_682 = vector.bitcast %bitcast3A_677 : vector<16xi32> to vector<16xf32>
        %add3A_683 = arith.addf %bitcast3A_666, %bitcast3A_681 : vector<16xf32>
        %add3A_684 = arith.addf %bitcast3A_667, %bitcast3A_682 : vector<16xf32>
        %get3A_685 = arith.index_cast %add3A_652 : i32 to index
        %get3A_686 = arith.constant 32 : index
        %get3A_687 = tpu.vector_load %arg9[%get3A_685, %get3A_686] {strides = array<i32>} : memref<80x64xi32, #tpu.memory_space<vmem>>, vector<16xi32>,
        %get3A_688 = arith.index_cast %add3A_652 : i32 to index
        %get3A_689 = arith.constant 32 : index
        %get3A_690 = tpu.vector_load %arg10[%get3A_688, %get3A_689] {strides = array<i32>} : memref<80x64xi32, #tpu.memory_space<vmem>>, vector<16xi32>,
        %bitcast3A_691 = vector.bitcast %get3A_687 : vector<16xi32> to vector<32xbf16>
        %bitcast3A_692 = vector.bitcast %get3A_690 : vector<16xi32> to vector<32xbf16>
        %mul3A_693 = arith.mulf %bitcast3A_691, %bitcast3A_692 : vector<32xbf16>
        %bitcast3A_694 = vector.bitcast %mul3A_693 : vector<32xbf16> to vector<16xi32>
        %shift_left3A_695 = arith.constant 16 : i32
        %shift_left3A_696 = vector.broadcast %shift_left3A_695 : i32 to vector<16xi32>
        %shift_left3A_697 = arith.shli %bitcast3A_694, %shift_left3A_696 : vector<16xi32>
        %bitcast3A_698 = vector.bitcast %shift_left3A_697 : vector<16xi32> to vector<16xf32>
        %bitcast3A_699 = vector.bitcast %bitcast3A_694 : vector<16xi32> to vector<16xf32>
        %add3A_700 = arith.addf %add3A_683, %bitcast3A_698 : vector<16xf32>
        %add3A_701 = arith.addf %add3A_684, %bitcast3A_699 : vector<16xf32>
        %get3A_702 = arith.index_cast %add3A_652 : i32 to index
        %get3A_703 = arith.constant 48 : index
        %get3A_704 = tpu.vector_load %arg9[%get3A_702, %get3A_703] {strides = array<i32>} : memref<80x64xi32, #tpu.memory_space<vmem>>, vector<16xi32>,
        %get3A_705 = arith.index_cast %add3A_652 : i32 to index
        %get3A_706 = arith.constant 48 : index
        %get3A_707 = tpu.vector_load %arg10[%get3A_705, %get3A_706] {strides = array<i32>} : memref<80x64xi32, #tpu.memory_space<vmem>>, vector<16xi32>,
        %bitcast3A_708 = vector.bitcast %get3A_704 : vector<16xi32> to vector<32xbf16>
        %bitcast3A_709 = vector.bitcast %get3A_707 : vector<16xi32> to vector<32xbf16>
        %mul3A_710 = arith.mulf %bitcast3A_708, %bitcast3A_709 : vector<32xbf16>
        %bitcast3A_711 = vector.bitcast %mul3A_710 : vector<32xbf16> to vector<16xi32>
        %shift_left3A_712 = arith.constant 16 : i32
        %shift_left3A_713 = vector.broadcast %shift_left3A_712 : i32 to vector<16xi32>
        %shift_left3A_714 = arith.shli %bitcast3A_711, %shift_left3A_713 : vector<16xi32>
        %bitcast3A_715 = vector.bitcast %shift_left3A_714 : vector<16xi32> to vector<16xf32>
        %bitcast3A_716 = vector.bitcast %bitcast3A_711 : vector<16xi32> to vector<16xf32>
        %add3A_717 = arith.addf %add3A_700, %bitcast3A_715 : vector<16xf32>
        %add3A_718 = arith.addf %add3A_701, %bitcast3A_716 : vector<16xf32>
        %add3A_719 = arith.addf %add3A_717, %add3A_718 : vector<16xf32>
        %reduce_sum3A_720 = arith.constant true
        %reduce_sum3A_721 = vector.broadcast %reduce_sum3A_720 : i1 to vector<16xi1>
        %reduce_sum3A_722 = tpu.scan <sum>, %add3A_719 masked %reduce_sum3A_721 : vector<16xf32>, vector<16xi1> -> vector<16xf32>
        %reduce_sum3A_723 = vector.extract %reduce_sum3A_722[15] : f32 from vector<16xf32>
        %eq3A_724 = arith.constant 7 : i32
        %eq3A_725 = vector.broadcast %eq3A_724 : i32 to vector<16xi32>
        %eq3A_726 = arith.cmpi eq, %iota3A, %eq3A_725 : vector<16xi32>
        %broadcast_in_dim3A_727 = vector.broadcast %reduce_sum3A_723 : f32 to vector<16xf32>
        %select_n3A_728 = arith.select %eq3A_726, %broadcast_in_dim3A_727, %select_n3A_648 : vector<16xi1>, vector<16xf32>
        %mul3A_729 = arith.constant 16 : i32
        %mul3A_730 = arith.muli %scan3A_93, %mul3A_729 : i32
        %add3A_731 = arith.constant 8 : i32
        %add3A_732 = arith.addi %mul3A_730, %add3A_731 : i32
        %get3A_733 = arith.index_cast %add3A_732 : i32 to index
        %get3A_734 = arith.constant 0 : index
        %get3A_735 = tpu.vector_load %arg9[%get3A_733, %get3A_734] {strides = array<i32>} : memref<80x64xi32, #tpu.memory_space<vmem>>, vector<16xi32>,
        %get3A_736 = arith.index_cast %add3A_732 : i32 to index
        %get3A_737 = arith.constant 0 : index
        %get3A_738 = tpu.vector_load %arg10[%get3A_736, %get3A_737] {strides = array<i32>} : memref<80x64xi32, #tpu.memory_space<vmem>>, vector<16xi32>,
        %bitcast3A_739 = vector.bitcast %get3A_735 : vector<16xi32> to vector<32xbf16>
        %bitcast3A_740 = vector.bitcast %get3A_738 : vector<16xi32> to vector<32xbf16>
        %mul3A_741 = arith.mulf %bitcast3A_739, %bitcast3A_740 : vector<32xbf16>
        %bitcast3A_742 = vector.bitcast %mul3A_741 : vector<32xbf16> to vector<16xi32>
        %shift_left3A_743 = arith.constant 16 : i32
        %shift_left3A_744 = vector.broadcast %shift_left3A_743 : i32 to vector<16xi32>
        %shift_left3A_745 = arith.shli %bitcast3A_742, %shift_left3A_744 : vector<16xi32>
        %bitcast3A_746 = vector.bitcast %shift_left3A_745 : vector<16xi32> to vector<16xf32>
        %bitcast3A_747 = vector.bitcast %bitcast3A_742 : vector<16xi32> to vector<16xf32>
        %get3A_748 = arith.index_cast %add3A_732 : i32 to index
        %get3A_749 = arith.constant 16 : index
        %get3A_750 = tpu.vector_load %arg9[%get3A_748, %get3A_749] {strides = array<i32>} : memref<80x64xi32, #tpu.memory_space<vmem>>, vector<16xi32>,
        %get3A_751 = arith.index_cast %add3A_732 : i32 to index
        %get3A_752 = arith.constant 16 : index
        %get3A_753 = tpu.vector_load %arg10[%get3A_751, %get3A_752] {strides = array<i32>} : memref<80x64xi32, #tpu.memory_space<vmem>>, vector<16xi32>,
        %bitcast3A_754 = vector.bitcast %get3A_750 : vector<16xi32> to vector<32xbf16>
        %bitcast3A_755 = vector.bitcast %get3A_753 : vector<16xi32> to vector<32xbf16>
        %mul3A_756 = arith.mulf %bitcast3A_754, %bitcast3A_755 : vector<32xbf16>
        %bitcast3A_757 = vector.bitcast %mul3A_756 : vector<32xbf16> to vector<16xi32>
        %shift_left3A_758 = arith.constant 16 : i32
        %shift_left3A_759 = vector.broadcast %shift_left3A_758 : i32 to vector<16xi32>
        %shift_left3A_760 = arith.shli %bitcast3A_757, %shift_left3A_759 : vector<16xi32>
        %bitcast3A_761 = vector.bitcast %shift_left3A_760 : vector<16xi32> to vector<16xf32>
        %bitcast3A_762 = vector.bitcast %bitcast3A_757 : vector<16xi32> to vector<16xf32>
        %add3A_763 = arith.addf %bitcast3A_746, %bitcast3A_761 : vector<16xf32>
        %add3A_764 = arith.addf %bitcast3A_747, %bitcast3A_762 : vector<16xf32>
        %get3A_765 = arith.index_cast %add3A_732 : i32 to index
        %get3A_766 = arith.constant 32 : index
        %get3A_767 = tpu.vector_load %arg9[%get3A_765, %get3A_766] {strides = array<i32>} : memref<80x64xi32, #tpu.memory_space<vmem>>, vector<16xi32>,
        %get3A_768 = arith.index_cast %add3A_732 : i32 to index
        %get3A_769 = arith.constant 32 : index
        %get3A_770 = tpu.vector_load %arg10[%get3A_768, %get3A_769] {strides = array<i32>} : memref<80x64xi32, #tpu.memory_space<vmem>>, vector<16xi32>,
        %bitcast3A_771 = vector.bitcast %get3A_767 : vector<16xi32> to vector<32xbf16>
        %bitcast3A_772 = vector.bitcast %get3A_770 : vector<16xi32> to vector<32xbf16>
        %mul3A_773 = arith.mulf %bitcast3A_771, %bitcast3A_772 : vector<32xbf16>
        %bitcast3A_774 = vector.bitcast %mul3A_773 : vector<32xbf16> to vector<16xi32>
        %shift_left3A_775 = arith.constant 16 : i32
        %shift_left3A_776 = vector.broadcast %shift_left3A_775 : i32 to vector<16xi32>
        %shift_left3A_777 = arith.shli %bitcast3A_774, %shift_left3A_776 : vector<16xi32>
        %bitcast3A_778 = vector.bitcast %shift_left3A_777 : vector<16xi32> to vector<16xf32>
        %bitcast3A_779 = vector.bitcast %bitcast3A_774 : vector<16xi32> to vector<16xf32>
        %add3A_780 = arith.addf %add3A_763, %bitcast3A_778 : vector<16xf32>
        %add3A_781 = arith.addf %add3A_764, %bitcast3A_779 : vector<16xf32>
        %get3A_782 = arith.index_cast %add3A_732 : i32 to index
        %get3A_783 = arith.constant 48 : index
        %get3A_784 = tpu.vector_load %arg9[%get3A_782, %get3A_783] {strides = array<i32>} : memref<80x64xi32, #tpu.memory_space<vmem>>, vector<16xi32>,
        %get3A_785 = arith.index_cast %add3A_732 : i32 to index
        %get3A_786 = arith.constant 48 : index
        %get3A_787 = tpu.vector_load %arg10[%get3A_785, %get3A_786] {strides = array<i32>} : memref<80x64xi32, #tpu.memory_space<vmem>>, vector<16xi32>,
        %bitcast3A_788 = vector.bitcast %get3A_784 : vector<16xi32> to vector<32xbf16>
        %bitcast3A_789 = vector.bitcast %get3A_787 : vector<16xi32> to vector<32xbf16>
        %mul3A_790 = arith.mulf %bitcast3A_788, %bitcast3A_789 : vector<32xbf16>
        %bitcast3A_791 = vector.bitcast %mul3A_790 : vector<32xbf16> to vector<16xi32>
        %shift_left3A_792 = arith.constant 16 : i32
        %shift_left3A_793 = vector.broadcast %shift_left3A_792 : i32 to vector<16xi32>
        %shift_left3A_794 = arith.shli %bitcast3A_791, %shift_left3A_793 : vector<16xi32>
        %bitcast3A_795 = vector.bitcast %shift_left3A_794 : vector<16xi32> to vector<16xf32>
        %bitcast3A_796 = vector.bitcast %bitcast3A_791 : vector<16xi32> to vector<16xf32>
        %add3A_797 = arith.addf %add3A_780, %bitcast3A_795 : vector<16xf32>
        %add3A_798 = arith.addf %add3A_781, %bitcast3A_796 : vector<16xf32>
        %add3A_799 = arith.addf %add3A_797, %add3A_798 : vector<16xf32>
        %reduce_sum3A_800 = arith.constant true
        %reduce_sum3A_801 = vector.broadcast %reduce_sum3A_800 : i1 to vector<16xi1>
        %reduce_sum3A_802 = tpu.scan <sum>, %add3A_799 masked %reduce_sum3A_801 : vector<16xf32>, vector<16xi1> -> vector<16xf32>
        %reduce_sum3A_803 = vector.extract %reduce_sum3A_802[15] : f32 from vector<16xf32>
        %eq3A_804 = arith.constant 8 : i32
        %eq3A_805 = vector.broadcast %eq3A_804 : i32 to vector<16xi32>
        %eq3A_806 = arith.cmpi eq, %iota3A, %eq3A_805 : vector<16xi32>
        %broadcast_in_dim3A_807 = vector.broadcast %reduce_sum3A_803 : f32 to vector<16xf32>
        %select_n3A_808 = arith.select %eq3A_806, %broadcast_in_dim3A_807, %select_n3A_728 : vector<16xi1>, vector<16xf32>
        %mul3A_809 = arith.constant 16 : i32
        %mul3A_810 = arith.muli %scan3A_93, %mul3A_809 : i32
        %add3A_811 = arith.constant 9 : i32
        %add3A_812 = arith.addi %mul3A_810, %add3A_811 : i32
        %get3A_813 = arith.index_cast %add3A_812 : i32 to index
        %get3A_814 = arith.constant 0 : index
        %get3A_815 = tpu.vector_load %arg9[%get3A_813, %get3A_814] {strides = array<i32>} : memref<80x64xi32, #tpu.memory_space<vmem>>, vector<16xi32>,
        %get3A_816 = arith.index_cast %add3A_812 : i32 to index
        %get3A_817 = arith.constant 0 : index
        %get3A_818 = tpu.vector_load %arg10[%get3A_816, %get3A_817] {strides = array<i32>} : memref<80x64xi32, #tpu.memory_space<vmem>>, vector<16xi32>,
        %bitcast3A_819 = vector.bitcast %get3A_815 : vector<16xi32> to vector<32xbf16>
        %bitcast3A_820 = vector.bitcast %get3A_818 : vector<16xi32> to vector<32xbf16>
        %mul3A_821 = arith.mulf %bitcast3A_819, %bitcast3A_820 : vector<32xbf16>
        %bitcast3A_822 = vector.bitcast %mul3A_821 : vector<32xbf16> to vector<16xi32>
        %shift_left3A_823 = arith.constant 16 : i32
        %shift_left3A_824 = vector.broadcast %shift_left3A_823 : i32 to vector<16xi32>
        %shift_left3A_825 = arith.shli %bitcast3A_822, %shift_left3A_824 : vector<16xi32>
        %bitcast3A_826 = vector.bitcast %shift_left3A_825 : vector<16xi32> to vector<16xf32>
        %bitcast3A_827 = vector.bitcast %bitcast3A_822 : vector<16xi32> to vector<16xf32>
        %get3A_828 = arith.index_cast %add3A_812 : i32 to index
        %get3A_829 = arith.constant 16 : index
        %get3A_830 = tpu.vector_load %arg9[%get3A_828, %get3A_829] {strides = array<i32>} : memref<80x64xi32, #tpu.memory_space<vmem>>, vector<16xi32>,
        %get3A_831 = arith.index_cast %add3A_812 : i32 to index
        %get3A_832 = arith.constant 16 : index
        %get3A_833 = tpu.vector_load %arg10[%get3A_831, %get3A_832] {strides = array<i32>} : memref<80x64xi32, #tpu.memory_space<vmem>>, vector<16xi32>,
        %bitcast3A_834 = vector.bitcast %get3A_830 : vector<16xi32> to vector<32xbf16>
        %bitcast3A_835 = vector.bitcast %get3A_833 : vector<16xi32> to vector<32xbf16>
        %mul3A_836 = arith.mulf %bitcast3A_834, %bitcast3A_835 : vector<32xbf16>
        %bitcast3A_837 = vector.bitcast %mul3A_836 : vector<32xbf16> to vector<16xi32>
        %shift_left3A_838 = arith.constant 16 : i32
        %shift_left3A_839 = vector.broadcast %shift_left3A_838 : i32 to vector<16xi32>
        %shift_left3A_840 = arith.shli %bitcast3A_837, %shift_left3A_839 : vector<16xi32>
        %bitcast3A_841 = vector.bitcast %shift_left3A_840 : vector<16xi32> to vector<16xf32>
        %bitcast3A_842 = vector.bitcast %bitcast3A_837 : vector<16xi32> to vector<16xf32>
        %add3A_843 = arith.addf %bitcast3A_826, %bitcast3A_841 : vector<16xf32>
        %add3A_844 = arith.addf %bitcast3A_827, %bitcast3A_842 : vector<16xf32>
        %get3A_845 = arith.index_cast %add3A_812 : i32 to index
        %get3A_846 = arith.constant 32 : index
        %get3A_847 = tpu.vector_load %arg9[%get3A_845, %get3A_846] {strides = array<i32>} : memref<80x64xi32, #tpu.memory_space<vmem>>, vector<16xi32>,
        %get3A_848 = arith.index_cast %add3A_812 : i32 to index
        %get3A_849 = arith.constant 32 : index
        %get3A_850 = tpu.vector_load %arg10[%get3A_848, %get3A_849] {strides = array<i32>} : memref<80x64xi32, #tpu.memory_space<vmem>>, vector<16xi32>,
        %bitcast3A_851 = vector.bitcast %get3A_847 : vector<16xi32> to vector<32xbf16>
        %bitcast3A_852 = vector.bitcast %get3A_850 : vector<16xi32> to vector<32xbf16>
        %mul3A_853 = arith.mulf %bitcast3A_851, %bitcast3A_852 : vector<32xbf16>
        %bitcast3A_854 = vector.bitcast %mul3A_853 : vector<32xbf16> to vector<16xi32>
        %shift_left3A_855 = arith.constant 16 : i32
        %shift_left3A_856 = vector.broadcast %shift_left3A_855 : i32 to vector<16xi32>
        %shift_left3A_857 = arith.shli %bitcast3A_854, %shift_left3A_856 : vector<16xi32>
        %bitcast3A_858 = vector.bitcast %shift_left3A_857 : vector<16xi32> to vector<16xf32>
        %bitcast3A_859 = vector.bitcast %bitcast3A_854 : vector<16xi32> to vector<16xf32>
        %add3A_860 = arith.addf %add3A_843, %bitcast3A_858 : vector<16xf32>
        %add3A_861 = arith.addf %add3A_844, %bitcast3A_859 : vector<16xf32>
        %get3A_862 = arith.index_cast %add3A_812 : i32 to index
        %get3A_863 = arith.constant 48 : index
        %get3A_864 = tpu.vector_load %arg9[%get3A_862, %get3A_863] {strides = array<i32>} : memref<80x64xi32, #tpu.memory_space<vmem>>, vector<16xi32>,
        %get3A_865 = arith.index_cast %add3A_812 : i32 to index
        %get3A_866 = arith.constant 48 : index
        %get3A_867 = tpu.vector_load %arg10[%get3A_865, %get3A_866] {strides = array<i32>} : memref<80x64xi32, #tpu.memory_space<vmem>>, vector<16xi32>,
        %bitcast3A_868 = vector.bitcast %get3A_864 : vector<16xi32> to vector<32xbf16>
        %bitcast3A_869 = vector.bitcast %get3A_867 : vector<16xi32> to vector<32xbf16>
        %mul3A_870 = arith.mulf %bitcast3A_868, %bitcast3A_869 : vector<32xbf16>
        %bitcast3A_871 = vector.bitcast %mul3A_870 : vector<32xbf16> to vector<16xi32>
        %shift_left3A_872 = arith.constant 16 : i32
        %shift_left3A_873 = vector.broadcast %shift_left3A_872 : i32 to vector<16xi32>
        %shift_left3A_874 = arith.shli %bitcast3A_871, %shift_left3A_873 : vector<16xi32>
        %bitcast3A_875 = vector.bitcast %shift_left3A_874 : vector<16xi32> to vector<16xf32>
        %bitcast3A_876 = vector.bitcast %bitcast3A_871 : vector<16xi32> to vector<16xf32>
        %add3A_877 = arith.addf %add3A_860, %bitcast3A_875 : vector<16xf32>
        %add3A_878 = arith.addf %add3A_861, %bitcast3A_876 : vector<16xf32>
        %add3A_879 = arith.addf %add3A_877, %add3A_878 : vector<16xf32>
        %reduce_sum3A_880 = arith.constant true
        %reduce_sum3A_881 = vector.broadcast %reduce_sum3A_880 : i1 to vector<16xi1>
        %reduce_sum3A_882 = tpu.scan <sum>, %add3A_879 masked %reduce_sum3A_881 : vector<16xf32>, vector<16xi1> -> vector<16xf32>
        %reduce_sum3A_883 = vector.extract %reduce_sum3A_882[15] : f32 from vector<16xf32>
        %eq3A_884 = arith.constant 9 : i32
        %eq3A_885 = vector.broadcast %eq3A_884 : i32 to vector<16xi32>
        %eq3A_886 = arith.cmpi eq, %iota3A, %eq3A_885 : vector<16xi32>
        %broadcast_in_dim3A_887 = vector.broadcast %reduce_sum3A_883 : f32 to vector<16xf32>
        %select_n3A_888 = arith.select %eq3A_886, %broadcast_in_dim3A_887, %select_n3A_808 : vector<16xi1>, vector<16xf32>
        %mul3A_889 = arith.constant 16 : i32
        %mul3A_890 = arith.muli %scan3A_93, %mul3A_889 : i32
        %add3A_891 = arith.constant 10 : i32
        %add3A_892 = arith.addi %mul3A_890, %add3A_891 : i32
        %get3A_893 = arith.index_cast %add3A_892 : i32 to index
        %get3A_894 = arith.constant 0 : index
        %get3A_895 = tpu.vector_load %arg9[%get3A_893, %get3A_894] {strides = array<i32>} : memref<80x64xi32, #tpu.memory_space<vmem>>, vector<16xi32>,
        %get3A_896 = arith.index_cast %add3A_892 : i32 to index
        %get3A_897 = arith.constant 0 : index
        %get3A_898 = tpu.vector_load %arg10[%get3A_896, %get3A_897] {strides = array<i32>} : memref<80x64xi32, #tpu.memory_space<vmem>>, vector<16xi32>,
        %bitcast3A_899 = vector.bitcast %get3A_895 : vector<16xi32> to vector<32xbf16>
        %bitcast3A_900 = vector.bitcast %get3A_898 : vector<16xi32> to vector<32xbf16>
        %mul3A_901 = arith.mulf %bitcast3A_899, %bitcast3A_900 : vector<32xbf16>
        %bitcast3A_902 = vector.bitcast %mul3A_901 : vector<32xbf16> to vector<16xi32>
        %shift_left3A_903 = arith.constant 16 : i32
        %shift_left3A_904 = vector.broadcast %shift_left3A_903 : i32 to vector<16xi32>
        %shift_left3A_905 = arith.shli %bitcast3A_902, %shift_left3A_904 : vector<16xi32>
        %bitcast3A_906 = vector.bitcast %shift_left3A_905 : vector<16xi32> to vector<16xf32>
        %bitcast3A_907 = vector.bitcast %bitcast3A_902 : vector<16xi32> to vector<16xf32>
        %get3A_908 = arith.index_cast %add3A_892 : i32 to index
        %get3A_909 = arith.constant 16 : index
        %get3A_910 = tpu.vector_load %arg9[%get3A_908, %get3A_909] {strides = array<i32>} : memref<80x64xi32, #tpu.memory_space<vmem>>, vector<16xi32>,
        %get3A_911 = arith.index_cast %add3A_892 : i32 to index
        %get3A_912 = arith.constant 16 : index
        %get3A_913 = tpu.vector_load %arg10[%get3A_911, %get3A_912] {strides = array<i32>} : memref<80x64xi32, #tpu.memory_space<vmem>>, vector<16xi32>,
        %bitcast3A_914 = vector.bitcast %get3A_910 : vector<16xi32> to vector<32xbf16>
        %bitcast3A_915 = vector.bitcast %get3A_913 : vector<16xi32> to vector<32xbf16>
        %mul3A_916 = arith.mulf %bitcast3A_914, %bitcast3A_915 : vector<32xbf16>
        %bitcast3A_917 = vector.bitcast %mul3A_916 : vector<32xbf16> to vector<16xi32>
        %shift_left3A_918 = arith.constant 16 : i32
        %shift_left3A_919 = vector.broadcast %shift_left3A_918 : i32 to vector<16xi32>
        %shift_left3A_920 = arith.shli %bitcast3A_917, %shift_left3A_919 : vector<16xi32>
        %bitcast3A_921 = vector.bitcast %shift_left3A_920 : vector<16xi32> to vector<16xf32>
        %bitcast3A_922 = vector.bitcast %bitcast3A_917 : vector<16xi32> to vector<16xf32>
        %add3A_923 = arith.addf %bitcast3A_906, %bitcast3A_921 : vector<16xf32>
        %add3A_924 = arith.addf %bitcast3A_907, %bitcast3A_922 : vector<16xf32>
        %get3A_925 = arith.index_cast %add3A_892 : i32 to index
        %get3A_926 = arith.constant 32 : index
        %get3A_927 = tpu.vector_load %arg9[%get3A_925, %get3A_926] {strides = array<i32>} : memref<80x64xi32, #tpu.memory_space<vmem>>, vector<16xi32>,
        %get3A_928 = arith.index_cast %add3A_892 : i32 to index
        %get3A_929 = arith.constant 32 : index
        %get3A_930 = tpu.vector_load %arg10[%get3A_928, %get3A_929] {strides = array<i32>} : memref<80x64xi32, #tpu.memory_space<vmem>>, vector<16xi32>,
        %bitcast3A_931 = vector.bitcast %get3A_927 : vector<16xi32> to vector<32xbf16>
        %bitcast3A_932 = vector.bitcast %get3A_930 : vector<16xi32> to vector<32xbf16>
        %mul3A_933 = arith.mulf %bitcast3A_931, %bitcast3A_932 : vector<32xbf16>
        %bitcast3A_934 = vector.bitcast %mul3A_933 : vector<32xbf16> to vector<16xi32>
        %shift_left3A_935 = arith.constant 16 : i32
        %shift_left3A_936 = vector.broadcast %shift_left3A_935 : i32 to vector<16xi32>
        %shift_left3A_937 = arith.shli %bitcast3A_934, %shift_left3A_936 : vector<16xi32>
        %bitcast3A_938 = vector.bitcast %shift_left3A_937 : vector<16xi32> to vector<16xf32>
        %bitcast3A_939 = vector.bitcast %bitcast3A_934 : vector<16xi32> to vector<16xf32>
        %add3A_940 = arith.addf %add3A_923, %bitcast3A_938 : vector<16xf32>
        %add3A_941 = arith.addf %add3A_924, %bitcast3A_939 : vector<16xf32>
        %get3A_942 = arith.index_cast %add3A_892 : i32 to index
        %get3A_943 = arith.constant 48 : index
        %get3A_944 = tpu.vector_load %arg9[%get3A_942, %get3A_943] {strides = array<i32>} : memref<80x64xi32, #tpu.memory_space<vmem>>, vector<16xi32>,
        %get3A_945 = arith.index_cast %add3A_892 : i32 to index
        %get3A_946 = arith.constant 48 : index
        %get3A_947 = tpu.vector_load %arg10[%get3A_945, %get3A_946] {strides = array<i32>} : memref<80x64xi32, #tpu.memory_space<vmem>>, vector<16xi32>,
        %bitcast3A_948 = vector.bitcast %get3A_944 : vector<16xi32> to vector<32xbf16>
        %bitcast3A_949 = vector.bitcast %get3A_947 : vector<16xi32> to vector<32xbf16>
        %mul3A_950 = arith.mulf %bitcast3A_948, %bitcast3A_949 : vector<32xbf16>
        %bitcast3A_951 = vector.bitcast %mul3A_950 : vector<32xbf16> to vector<16xi32>
        %shift_left3A_952 = arith.constant 16 : i32
        %shift_left3A_953 = vector.broadcast %shift_left3A_952 : i32 to vector<16xi32>
        %shift_left3A_954 = arith.shli %bitcast3A_951, %shift_left3A_953 : vector<16xi32>
        %bitcast3A_955 = vector.bitcast %shift_left3A_954 : vector<16xi32> to vector<16xf32>
        %bitcast3A_956 = vector.bitcast %bitcast3A_951 : vector<16xi32> to vector<16xf32>
        %add3A_957 = arith.addf %add3A_940, %bitcast3A_955 : vector<16xf32>
        %add3A_958 = arith.addf %add3A_941, %bitcast3A_956 : vector<16xf32>
        %add3A_959 = arith.addf %add3A_957, %add3A_958 : vector<16xf32>
        %reduce_sum3A_960 = arith.constant true
        %reduce_sum3A_961 = vector.broadcast %reduce_sum3A_960 : i1 to vector<16xi1>
        %reduce_sum3A_962 = tpu.scan <sum>, %add3A_959 masked %reduce_sum3A_961 : vector<16xf32>, vector<16xi1> -> vector<16xf32>
        %reduce_sum3A_963 = vector.extract %reduce_sum3A_962[15] : f32 from vector<16xf32>
        %eq3A_964 = arith.constant 10 : i32
        %eq3A_965 = vector.broadcast %eq3A_964 : i32 to vector<16xi32>
        %eq3A_966 = arith.cmpi eq, %iota3A, %eq3A_965 : vector<16xi32>
        %broadcast_in_dim3A_967 = vector.broadcast %reduce_sum3A_963 : f32 to vector<16xf32>
        %select_n3A_968 = arith.select %eq3A_966, %broadcast_in_dim3A_967, %select_n3A_888 : vector<16xi1>, vector<16xf32>
        %mul3A_969 = arith.constant 16 : i32
        %mul3A_970 = arith.muli %scan3A_93, %mul3A_969 : i32
        %add3A_971 = arith.constant 11 : i32
        %add3A_972 = arith.addi %mul3A_970, %add3A_971 : i32
        %get3A_973 = arith.index_cast %add3A_972 : i32 to index
        %get3A_974 = arith.constant 0 : index
        %get3A_975 = tpu.vector_load %arg9[%get3A_973, %get3A_974] {strides = array<i32>} : memref<80x64xi32, #tpu.memory_space<vmem>>, vector<16xi32>,
        %get3A_976 = arith.index_cast %add3A_972 : i32 to index
        %get3A_977 = arith.constant 0 : index
        %get3A_978 = tpu.vector_load %arg10[%get3A_976, %get3A_977] {strides = array<i32>} : memref<80x64xi32, #tpu.memory_space<vmem>>, vector<16xi32>,
        %bitcast3A_979 = vector.bitcast %get3A_975 : vector<16xi32> to vector<32xbf16>
        %bitcast3A_980 = vector.bitcast %get3A_978 : vector<16xi32> to vector<32xbf16>
        %mul3A_981 = arith.mulf %bitcast3A_979, %bitcast3A_980 : vector<32xbf16>
        %bitcast3A_982 = vector.bitcast %mul3A_981 : vector<32xbf16> to vector<16xi32>
        %shift_left3A_983 = arith.constant 16 : i32
        %shift_left3A_984 = vector.broadcast %shift_left3A_983 : i32 to vector<16xi32>
        %shift_left3A_985 = arith.shli %bitcast3A_982, %shift_left3A_984 : vector<16xi32>
        %bitcast3A_986 = vector.bitcast %shift_left3A_985 : vector<16xi32> to vector<16xf32>
        %bitcast3A_987 = vector.bitcast %bitcast3A_982 : vector<16xi32> to vector<16xf32>
        %get3A_988 = arith.index_cast %add3A_972 : i32 to index
        %get3A_989 = arith.constant 16 : index
        %get3A_990 = tpu.vector_load %arg9[%get3A_988, %get3A_989] {strides = array<i32>} : memref<80x64xi32, #tpu.memory_space<vmem>>, vector<16xi32>,
        %get3A_991 = arith.index_cast %add3A_972 : i32 to index
        %get3A_992 = arith.constant 16 : index
        %get3A_993 = tpu.vector_load %arg10[%get3A_991, %get3A_992] {strides = array<i32>} : memref<80x64xi32, #tpu.memory_space<vmem>>, vector<16xi32>,
        %bitcast3A_994 = vector.bitcast %get3A_990 : vector<16xi32> to vector<32xbf16>
        %bitcast3A_995 = vector.bitcast %get3A_993 : vector<16xi32> to vector<32xbf16>
        %mul3A_996 = arith.mulf %bitcast3A_994, %bitcast3A_995 : vector<32xbf16>
        %bitcast3A_997 = vector.bitcast %mul3A_996 : vector<32xbf16> to vector<16xi32>
        %shift_left3A_998 = arith.constant 16 : i32
        %shift_left3A_999 = vector.broadcast %shift_left3A_998 : i32 to vector<16xi32>
        %shift_left3A_1000 = arith.shli %bitcast3A_997, %shift_left3A_999 : vector<16xi32>
        %bitcast3A_1001 = vector.bitcast %shift_left3A_1000 : vector<16xi32> to vector<16xf32>
        %bitcast3A_1002 = vector.bitcast %bitcast3A_997 : vector<16xi32> to vector<16xf32>
        %add3A_1003 = arith.addf %bitcast3A_986, %bitcast3A_1001 : vector<16xf32>
        %add3A_1004 = arith.addf %bitcast3A_987, %bitcast3A_1002 : vector<16xf32>
        %get3A_1005 = arith.index_cast %add3A_972 : i32 to index
        %get3A_1006 = arith.constant 32 : index
        %get3A_1007 = tpu.vector_load %arg9[%get3A_1005, %get3A_1006] {strides = array<i32>} : memref<80x64xi32, #tpu.memory_space<vmem>>, vector<16xi32>,
        %get3A_1008 = arith.index_cast %add3A_972 : i32 to index
        %get3A_1009 = arith.constant 32 : index
        %get3A_1010 = tpu.vector_load %arg10[%get3A_1008, %get3A_1009] {strides = array<i32>} : memref<80x64xi32, #tpu.memory_space<vmem>>, vector<16xi32>,
        %bitcast3A_1011 = vector.bitcast %get3A_1007 : vector<16xi32> to vector<32xbf16>
        %bitcast3A_1012 = vector.bitcast %get3A_1010 : vector<16xi32> to vector<32xbf16>
        %mul3A_1013 = arith.mulf %bitcast3A_1011, %bitcast3A_1012 : vector<32xbf16>
        %bitcast3A_1014 = vector.bitcast %mul3A_1013 : vector<32xbf16> to vector<16xi32>
        %shift_left3A_1015 = arith.constant 16 : i32
        %shift_left3A_1016 = vector.broadcast %shift_left3A_1015 : i32 to vector<16xi32>
        %shift_left3A_1017 = arith.shli %bitcast3A_1014, %shift_left3A_1016 : vector<16xi32>
        %bitcast3A_1018 = vector.bitcast %shift_left3A_1017 : vector<16xi32> to vector<16xf32>
        %bitcast3A_1019 = vector.bitcast %bitcast3A_1014 : vector<16xi32> to vector<16xf32>
        %add3A_1020 = arith.addf %add3A_1003, %bitcast3A_1018 : vector<16xf32>
        %add3A_1021 = arith.addf %add3A_1004, %bitcast3A_1019 : vector<16xf32>
        %get3A_1022 = arith.index_cast %add3A_972 : i32 to index
        %get3A_1023 = arith.constant 48 : index
        %get3A_1024 = tpu.vector_load %arg9[%get3A_1022, %get3A_1023] {strides = array<i32>} : memref<80x64xi32, #tpu.memory_space<vmem>>, vector<16xi32>,
        %get3A_1025 = arith.index_cast %add3A_972 : i32 to index
        %get3A_1026 = arith.constant 48 : index
        %get3A_1027 = tpu.vector_load %arg10[%get3A_1025, %get3A_1026] {strides = array<i32>} : memref<80x64xi32, #tpu.memory_space<vmem>>, vector<16xi32>,
        %bitcast3A_1028 = vector.bitcast %get3A_1024 : vector<16xi32> to vector<32xbf16>
        %bitcast3A_1029 = vector.bitcast %get3A_1027 : vector<16xi32> to vector<32xbf16>
        %mul3A_1030 = arith.mulf %bitcast3A_1028, %bitcast3A_1029 : vector<32xbf16>
        %bitcast3A_1031 = vector.bitcast %mul3A_1030 : vector<32xbf16> to vector<16xi32>
        %shift_left3A_1032 = arith.constant 16 : i32
        %shift_left3A_1033 = vector.broadcast %shift_left3A_1032 : i32 to vector<16xi32>
        %shift_left3A_1034 = arith.shli %bitcast3A_1031, %shift_left3A_1033 : vector<16xi32>
        %bitcast3A_1035 = vector.bitcast %shift_left3A_1034 : vector<16xi32> to vector<16xf32>
        %bitcast3A_1036 = vector.bitcast %bitcast3A_1031 : vector<16xi32> to vector<16xf32>
        %add3A_1037 = arith.addf %add3A_1020, %bitcast3A_1035 : vector<16xf32>
        %add3A_1038 = arith.addf %add3A_1021, %bitcast3A_1036 : vector<16xf32>
        %add3A_1039 = arith.addf %add3A_1037, %add3A_1038 : vector<16xf32>
        %reduce_sum3A_1040 = arith.constant true
        %reduce_sum3A_1041 = vector.broadcast %reduce_sum3A_1040 : i1 to vector<16xi1>
        %reduce_sum3A_1042 = tpu.scan <sum>, %add3A_1039 masked %reduce_sum3A_1041 : vector<16xf32>, vector<16xi1> -> vector<16xf32>
        %reduce_sum3A_1043 = vector.extract %reduce_sum3A_1042[15] : f32 from vector<16xf32>
        %eq3A_1044 = arith.constant 11 : i32
        %eq3A_1045 = vector.broadcast %eq3A_1044 : i32 to vector<16xi32>
        %eq3A_1046 = arith.cmpi eq, %iota3A, %eq3A_1045 : vector<16xi32>
        %broadcast_in_dim3A_1047 = vector.broadcast %reduce_sum3A_1043 : f32 to vector<16xf32>
        %select_n3A_1048 = arith.select %eq3A_1046, %broadcast_in_dim3A_1047, %select_n3A_968 : vector<16xi1>, vector<16xf32>
        %mul3A_1049 = arith.constant 16 : i32
        %mul3A_1050 = arith.muli %scan3A_93, %mul3A_1049 : i32
        %add3A_1051 = arith.constant 12 : i32
        %add3A_1052 = arith.addi %mul3A_1050, %add3A_1051 : i32
        %get3A_1053 = arith.index_cast %add3A_1052 : i32 to index
        %get3A_1054 = arith.constant 0 : index
        %get3A_1055 = tpu.vector_load %arg9[%get3A_1053, %get3A_1054] {strides = array<i32>} : memref<80x64xi32, #tpu.memory_space<vmem>>, vector<16xi32>,
        %get3A_1056 = arith.index_cast %add3A_1052 : i32 to index
        %get3A_1057 = arith.constant 0 : index
        %get3A_1058 = tpu.vector_load %arg10[%get3A_1056, %get3A_1057] {strides = array<i32>} : memref<80x64xi32, #tpu.memory_space<vmem>>, vector<16xi32>,
        %bitcast3A_1059 = vector.bitcast %get3A_1055 : vector<16xi32> to vector<32xbf16>
        %bitcast3A_1060 = vector.bitcast %get3A_1058 : vector<16xi32> to vector<32xbf16>
        %mul3A_1061 = arith.mulf %bitcast3A_1059, %bitcast3A_1060 : vector<32xbf16>
        %bitcast3A_1062 = vector.bitcast %mul3A_1061 : vector<32xbf16> to vector<16xi32>
        %shift_left3A_1063 = arith.constant 16 : i32
        %shift_left3A_1064 = vector.broadcast %shift_left3A_1063 : i32 to vector<16xi32>
        %shift_left3A_1065 = arith.shli %bitcast3A_1062, %shift_left3A_1064 : vector<16xi32>
        %bitcast3A_1066 = vector.bitcast %shift_left3A_1065 : vector<16xi32> to vector<16xf32>
        %bitcast3A_1067 = vector.bitcast %bitcast3A_1062 : vector<16xi32> to vector<16xf32>
        %get3A_1068 = arith.index_cast %add3A_1052 : i32 to index
        %get3A_1069 = arith.constant 16 : index
        %get3A_1070 = tpu.vector_load %arg9[%get3A_1068, %get3A_1069] {strides = array<i32>} : memref<80x64xi32, #tpu.memory_space<vmem>>, vector<16xi32>,
        %get3A_1071 = arith.index_cast %add3A_1052 : i32 to index
        %get3A_1072 = arith.constant 16 : index
        %get3A_1073 = tpu.vector_load %arg10[%get3A_1071, %get3A_1072] {strides = array<i32>} : memref<80x64xi32, #tpu.memory_space<vmem>>, vector<16xi32>,
        %bitcast3A_1074 = vector.bitcast %get3A_1070 : vector<16xi32> to vector<32xbf16>
        %bitcast3A_1075 = vector.bitcast %get3A_1073 : vector<16xi32> to vector<32xbf16>
        %mul3A_1076 = arith.mulf %bitcast3A_1074, %bitcast3A_1075 : vector<32xbf16>
        %bitcast3A_1077 = vector.bitcast %mul3A_1076 : vector<32xbf16> to vector<16xi32>
        %shift_left3A_1078 = arith.constant 16 : i32
        %shift_left3A_1079 = vector.broadcast %shift_left3A_1078 : i32 to vector<16xi32>
        %shift_left3A_1080 = arith.shli %bitcast3A_1077, %shift_left3A_1079 : vector<16xi32>
        %bitcast3A_1081 = vector.bitcast %shift_left3A_1080 : vector<16xi32> to vector<16xf32>
        %bitcast3A_1082 = vector.bitcast %bitcast3A_1077 : vector<16xi32> to vector<16xf32>
        %add3A_1083 = arith.addf %bitcast3A_1066, %bitcast3A_1081 : vector<16xf32>
        %add3A_1084 = arith.addf %bitcast3A_1067, %bitcast3A_1082 : vector<16xf32>
        %get3A_1085 = arith.index_cast %add3A_1052 : i32 to index
        %get3A_1086 = arith.constant 32 : index
        %get3A_1087 = tpu.vector_load %arg9[%get3A_1085, %get3A_1086] {strides = array<i32>} : memref<80x64xi32, #tpu.memory_space<vmem>>, vector<16xi32>,
        %get3A_1088 = arith.index_cast %add3A_1052 : i32 to index
        %get3A_1089 = arith.constant 32 : index
        %get3A_1090 = tpu.vector_load %arg10[%get3A_1088, %get3A_1089] {strides = array<i32>} : memref<80x64xi32, #tpu.memory_space<vmem>>, vector<16xi32>,
        %bitcast3A_1091 = vector.bitcast %get3A_1087 : vector<16xi32> to vector<32xbf16>
        %bitcast3A_1092 = vector.bitcast %get3A_1090 : vector<16xi32> to vector<32xbf16>
        %mul3A_1093 = arith.mulf %bitcast3A_1091, %bitcast3A_1092 : vector<32xbf16>
        %bitcast3A_1094 = vector.bitcast %mul3A_1093 : vector<32xbf16> to vector<16xi32>
        %shift_left3A_1095 = arith.constant 16 : i32
        %shift_left3A_1096 = vector.broadcast %shift_left3A_1095 : i32 to vector<16xi32>
        %shift_left3A_1097 = arith.shli %bitcast3A_1094, %shift_left3A_1096 : vector<16xi32>
        %bitcast3A_1098 = vector.bitcast %shift_left3A_1097 : vector<16xi32> to vector<16xf32>
        %bitcast3A_1099 = vector.bitcast %bitcast3A_1094 : vector<16xi32> to vector<16xf32>
        %add3A_1100 = arith.addf %add3A_1083, %bitcast3A_1098 : vector<16xf32>
        %add3A_1101 = arith.addf %add3A_1084, %bitcast3A_1099 : vector<16xf32>
        %get3A_1102 = arith.index_cast %add3A_1052 : i32 to index
        %get3A_1103 = arith.constant 48 : index
        %get3A_1104 = tpu.vector_load %arg9[%get3A_1102, %get3A_1103] {strides = array<i32>} : memref<80x64xi32, #tpu.memory_space<vmem>>, vector<16xi32>,
        %get3A_1105 = arith.index_cast %add3A_1052 : i32 to index
        %get3A_1106 = arith.constant 48 : index
        %get3A_1107 = tpu.vector_load %arg10[%get3A_1105, %get3A_1106] {strides = array<i32>} : memref<80x64xi32, #tpu.memory_space<vmem>>, vector<16xi32>,
        %bitcast3A_1108 = vector.bitcast %get3A_1104 : vector<16xi32> to vector<32xbf16>
        %bitcast3A_1109 = vector.bitcast %get3A_1107 : vector<16xi32> to vector<32xbf16>
        %mul3A_1110 = arith.mulf %bitcast3A_1108, %bitcast3A_1109 : vector<32xbf16>
        %bitcast3A_1111 = vector.bitcast %mul3A_1110 : vector<32xbf16> to vector<16xi32>
        %shift_left3A_1112 = arith.constant 16 : i32
        %shift_left3A_1113 = vector.broadcast %shift_left3A_1112 : i32 to vector<16xi32>
        %shift_left3A_1114 = arith.shli %bitcast3A_1111, %shift_left3A_1113 : vector<16xi32>
        %bitcast3A_1115 = vector.bitcast %shift_left3A_1114 : vector<16xi32> to vector<16xf32>
        %bitcast3A_1116 = vector.bitcast %bitcast3A_1111 : vector<16xi32> to vector<16xf32>
        %add3A_1117 = arith.addf %add3A_1100, %bitcast3A_1115 : vector<16xf32>
        %add3A_1118 = arith.addf %add3A_1101, %bitcast3A_1116 : vector<16xf32>
        %add3A_1119 = arith.addf %add3A_1117, %add3A_1118 : vector<16xf32>
        %reduce_sum3A_1120 = arith.constant true
        %reduce_sum3A_1121 = vector.broadcast %reduce_sum3A_1120 : i1 to vector<16xi1>
        %reduce_sum3A_1122 = tpu.scan <sum>, %add3A_1119 masked %reduce_sum3A_1121 : vector<16xf32>, vector<16xi1> -> vector<16xf32>
        %reduce_sum3A_1123 = vector.extract %reduce_sum3A_1122[15] : f32 from vector<16xf32>
        %eq3A_1124 = arith.constant 12 : i32
        %eq3A_1125 = vector.broadcast %eq3A_1124 : i32 to vector<16xi32>
        %eq3A_1126 = arith.cmpi eq, %iota3A, %eq3A_1125 : vector<16xi32>
        %broadcast_in_dim3A_1127 = vector.broadcast %reduce_sum3A_1123 : f32 to vector<16xf32>
        %select_n3A_1128 = arith.select %eq3A_1126, %broadcast_in_dim3A_1127, %select_n3A_1048 : vector<16xi1>, vector<16xf32>
        %mul3A_1129 = arith.constant 16 : i32
        %mul3A_1130 = arith.muli %scan3A_93, %mul3A_1129 : i32
        %add3A_1131 = arith.constant 13 : i32
        %add3A_1132 = arith.addi %mul3A_1130, %add3A_1131 : i32
        %get3A_1133 = arith.index_cast %add3A_1132 : i32 to index
        %get3A_1134 = arith.constant 0 : index
        %get3A_1135 = tpu.vector_load %arg9[%get3A_1133, %get3A_1134] {strides = array<i32>} : memref<80x64xi32, #tpu.memory_space<vmem>>, vector<16xi32>,
        %get3A_1136 = arith.index_cast %add3A_1132 : i32 to index
        %get3A_1137 = arith.constant 0 : index
        %get3A_1138 = tpu.vector_load %arg10[%get3A_1136, %get3A_1137] {strides = array<i32>} : memref<80x64xi32, #tpu.memory_space<vmem>>, vector<16xi32>,
        %bitcast3A_1139 = vector.bitcast %get3A_1135 : vector<16xi32> to vector<32xbf16>
        %bitcast3A_1140 = vector.bitcast %get3A_1138 : vector<16xi32> to vector<32xbf16>
        %mul3A_1141 = arith.mulf %bitcast3A_1139, %bitcast3A_1140 : vector<32xbf16>
        %bitcast3A_1142 = vector.bitcast %mul3A_1141 : vector<32xbf16> to vector<16xi32>
        %shift_left3A_1143 = arith.constant 16 : i32
        %shift_left3A_1144 = vector.broadcast %shift_left3A_1143 : i32 to vector<16xi32>
        %shift_left3A_1145 = arith.shli %bitcast3A_1142, %shift_left3A_1144 : vector<16xi32>
        %bitcast3A_1146 = vector.bitcast %shift_left3A_1145 : vector<16xi32> to vector<16xf32>
        %bitcast3A_1147 = vector.bitcast %bitcast3A_1142 : vector<16xi32> to vector<16xf32>
        %get3A_1148 = arith.index_cast %add3A_1132 : i32 to index
        %get3A_1149 = arith.constant 16 : index
        %get3A_1150 = tpu.vector_load %arg9[%get3A_1148, %get3A_1149] {strides = array<i32>} : memref<80x64xi32, #tpu.memory_space<vmem>>, vector<16xi32>,
        %get3A_1151 = arith.index_cast %add3A_1132 : i32 to index
        %get3A_1152 = arith.constant 16 : index
        %get3A_1153 = tpu.vector_load %arg10[%get3A_1151, %get3A_1152] {strides = array<i32>} : memref<80x64xi32, #tpu.memory_space<vmem>>, vector<16xi32>,
        %bitcast3A_1154 = vector.bitcast %get3A_1150 : vector<16xi32> to vector<32xbf16>
        %bitcast3A_1155 = vector.bitcast %get3A_1153 : vector<16xi32> to vector<32xbf16>
        %mul3A_1156 = arith.mulf %bitcast3A_1154, %bitcast3A_1155 : vector<32xbf16>
        %bitcast3A_1157 = vector.bitcast %mul3A_1156 : vector<32xbf16> to vector<16xi32>
        %shift_left3A_1158 = arith.constant 16 : i32
        %shift_left3A_1159 = vector.broadcast %shift_left3A_1158 : i32 to vector<16xi32>
        %shift_left3A_1160 = arith.shli %bitcast3A_1157, %shift_left3A_1159 : vector<16xi32>
        %bitcast3A_1161 = vector.bitcast %shift_left3A_1160 : vector<16xi32> to vector<16xf32>
        %bitcast3A_1162 = vector.bitcast %bitcast3A_1157 : vector<16xi32> to vector<16xf32>
        %add3A_1163 = arith.addf %bitcast3A_1146, %bitcast3A_1161 : vector<16xf32>
        %add3A_1164 = arith.addf %bitcast3A_1147, %bitcast3A_1162 : vector<16xf32>
        %get3A_1165 = arith.index_cast %add3A_1132 : i32 to index
        %get3A_1166 = arith.constant 32 : index
        %get3A_1167 = tpu.vector_load %arg9[%get3A_1165, %get3A_1166] {strides = array<i32>} : memref<80x64xi32, #tpu.memory_space<vmem>>, vector<16xi32>,
        %get3A_1168 = arith.index_cast %add3A_1132 : i32 to index
        %get3A_1169 = arith.constant 32 : index
        %get3A_1170 = tpu.vector_load %arg10[%get3A_1168, %get3A_1169] {strides = array<i32>} : memref<80x64xi32, #tpu.memory_space<vmem>>, vector<16xi32>,
        %bitcast3A_1171 = vector.bitcast %get3A_1167 : vector<16xi32> to vector<32xbf16>
        %bitcast3A_1172 = vector.bitcast %get3A_1170 : vector<16xi32> to vector<32xbf16>
        %mul3A_1173 = arith.mulf %bitcast3A_1171, %bitcast3A_1172 : vector<32xbf16>
        %bitcast3A_1174 = vector.bitcast %mul3A_1173 : vector<32xbf16> to vector<16xi32>
        %shift_left3A_1175 = arith.constant 16 : i32
        %shift_left3A_1176 = vector.broadcast %shift_left3A_1175 : i32 to vector<16xi32>
        %shift_left3A_1177 = arith.shli %bitcast3A_1174, %shift_left3A_1176 : vector<16xi32>
        %bitcast3A_1178 = vector.bitcast %shift_left3A_1177 : vector<16xi32> to vector<16xf32>
        %bitcast3A_1179 = vector.bitcast %bitcast3A_1174 : vector<16xi32> to vector<16xf32>
        %add3A_1180 = arith.addf %add3A_1163, %bitcast3A_1178 : vector<16xf32>
        %add3A_1181 = arith.addf %add3A_1164, %bitcast3A_1179 : vector<16xf32>
        %get3A_1182 = arith.index_cast %add3A_1132 : i32 to index
        %get3A_1183 = arith.constant 48 : index
        %get3A_1184 = tpu.vector_load %arg9[%get3A_1182, %get3A_1183] {strides = array<i32>} : memref<80x64xi32, #tpu.memory_space<vmem>>, vector<16xi32>,
        %get3A_1185 = arith.index_cast %add3A_1132 : i32 to index
        %get3A_1186 = arith.constant 48 : index
        %get3A_1187 = tpu.vector_load %arg10[%get3A_1185, %get3A_1186] {strides = array<i32>} : memref<80x64xi32, #tpu.memory_space<vmem>>, vector<16xi32>,
        %bitcast3A_1188 = vector.bitcast %get3A_1184 : vector<16xi32> to vector<32xbf16>
        %bitcast3A_1189 = vector.bitcast %get3A_1187 : vector<16xi32> to vector<32xbf16>
        %mul3A_1190 = arith.mulf %bitcast3A_1188, %bitcast3A_1189 : vector<32xbf16>
        %bitcast3A_1191 = vector.bitcast %mul3A_1190 : vector<32xbf16> to vector<16xi32>
        %shift_left3A_1192 = arith.constant 16 : i32
        %shift_left3A_1193 = vector.broadcast %shift_left3A_1192 : i32 to vector<16xi32>
        %shift_left3A_1194 = arith.shli %bitcast3A_1191, %shift_left3A_1193 : vector<16xi32>
        %bitcast3A_1195 = vector.bitcast %shift_left3A_1194 : vector<16xi32> to vector<16xf32>
        %bitcast3A_1196 = vector.bitcast %bitcast3A_1191 : vector<16xi32> to vector<16xf32>
        %add3A_1197 = arith.addf %add3A_1180, %bitcast3A_1195 : vector<16xf32>
        %add3A_1198 = arith.addf %add3A_1181, %bitcast3A_1196 : vector<16xf32>
        %add3A_1199 = arith.addf %add3A_1197, %add3A_1198 : vector<16xf32>
        %reduce_sum3A_1200 = arith.constant true
        %reduce_sum3A_1201 = vector.broadcast %reduce_sum3A_1200 : i1 to vector<16xi1>
        %reduce_sum3A_1202 = tpu.scan <sum>, %add3A_1199 masked %reduce_sum3A_1201 : vector<16xf32>, vector<16xi1> -> vector<16xf32>
        %reduce_sum3A_1203 = vector.extract %reduce_sum3A_1202[15] : f32 from vector<16xf32>
        %eq3A_1204 = arith.constant 13 : i32
        %eq3A_1205 = vector.broadcast %eq3A_1204 : i32 to vector<16xi32>
        %eq3A_1206 = arith.cmpi eq, %iota3A, %eq3A_1205 : vector<16xi32>
        %broadcast_in_dim3A_1207 = vector.broadcast %reduce_sum3A_1203 : f32 to vector<16xf32>
        %select_n3A_1208 = arith.select %eq3A_1206, %broadcast_in_dim3A_1207, %select_n3A_1128 : vector<16xi1>, vector<16xf32>
        %mul3A_1209 = arith.constant 16 : i32
        %mul3A_1210 = arith.muli %scan3A_93, %mul3A_1209 : i32
        %add3A_1211 = arith.constant 14 : i32
        %add3A_1212 = arith.addi %mul3A_1210, %add3A_1211 : i32
        %get3A_1213 = arith.index_cast %add3A_1212 : i32 to index
        %get3A_1214 = arith.constant 0 : index
        %get3A_1215 = tpu.vector_load %arg9[%get3A_1213, %get3A_1214] {strides = array<i32>} : memref<80x64xi32, #tpu.memory_space<vmem>>, vector<16xi32>,
        %get3A_1216 = arith.index_cast %add3A_1212 : i32 to index
        %get3A_1217 = arith.constant 0 : index
        %get3A_1218 = tpu.vector_load %arg10[%get3A_1216, %get3A_1217] {strides = array<i32>} : memref<80x64xi32, #tpu.memory_space<vmem>>, vector<16xi32>,
        %bitcast3A_1219 = vector.bitcast %get3A_1215 : vector<16xi32> to vector<32xbf16>
        %bitcast3A_1220 = vector.bitcast %get3A_1218 : vector<16xi32> to vector<32xbf16>
        %mul3A_1221 = arith.mulf %bitcast3A_1219, %bitcast3A_1220 : vector<32xbf16>
        %bitcast3A_1222 = vector.bitcast %mul3A_1221 : vector<32xbf16> to vector<16xi32>
        %shift_left3A_1223 = arith.constant 16 : i32
        %shift_left3A_1224 = vector.broadcast %shift_left3A_1223 : i32 to vector<16xi32>
        %shift_left3A_1225 = arith.shli %bitcast3A_1222, %shift_left3A_1224 : vector<16xi32>
        %bitcast3A_1226 = vector.bitcast %shift_left3A_1225 : vector<16xi32> to vector<16xf32>
        %bitcast3A_1227 = vector.bitcast %bitcast3A_1222 : vector<16xi32> to vector<16xf32>
        %get3A_1228 = arith.index_cast %add3A_1212 : i32 to index
        %get3A_1229 = arith.constant 16 : index
        %get3A_1230 = tpu.vector_load %arg9[%get3A_1228, %get3A_1229] {strides = array<i32>} : memref<80x64xi32, #tpu.memory_space<vmem>>, vector<16xi32>,
        %get3A_1231 = arith.index_cast %add3A_1212 : i32 to index
        %get3A_1232 = arith.constant 16 : index
        %get3A_1233 = tpu.vector_load %arg10[%get3A_1231, %get3A_1232] {strides = array<i32>} : memref<80x64xi32, #tpu.memory_space<vmem>>, vector<16xi32>,
        %bitcast3A_1234 = vector.bitcast %get3A_1230 : vector<16xi32> to vector<32xbf16>
        %bitcast3A_1235 = vector.bitcast %get3A_1233 : vector<16xi32> to vector<32xbf16>
        %mul3A_1236 = arith.mulf %bitcast3A_1234, %bitcast3A_1235 : vector<32xbf16>
        %bitcast3A_1237 = vector.bitcast %mul3A_1236 : vector<32xbf16> to vector<16xi32>
        %shift_left3A_1238 = arith.constant 16 : i32
        %shift_left3A_1239 = vector.broadcast %shift_left3A_1238 : i32 to vector<16xi32>
        %shift_left3A_1240 = arith.shli %bitcast3A_1237, %shift_left3A_1239 : vector<16xi32>
        %bitcast3A_1241 = vector.bitcast %shift_left3A_1240 : vector<16xi32> to vector<16xf32>
        %bitcast3A_1242 = vector.bitcast %bitcast3A_1237 : vector<16xi32> to vector<16xf32>
        %add3A_1243 = arith.addf %bitcast3A_1226, %bitcast3A_1241 : vector<16xf32>
        %add3A_1244 = arith.addf %bitcast3A_1227, %bitcast3A_1242 : vector<16xf32>
        %get3A_1245 = arith.index_cast %add3A_1212 : i32 to index
        %get3A_1246 = arith.constant 32 : index
        %get3A_1247 = tpu.vector_load %arg9[%get3A_1245, %get3A_1246] {strides = array<i32>} : memref<80x64xi32, #tpu.memory_space<vmem>>, vector<16xi32>,
        %get3A_1248 = arith.index_cast %add3A_1212 : i32 to index
        %get3A_1249 = arith.constant 32 : index
        %get3A_1250 = tpu.vector_load %arg10[%get3A_1248, %get3A_1249] {strides = array<i32>} : memref<80x64xi32, #tpu.memory_space<vmem>>, vector<16xi32>,
        %bitcast3A_1251 = vector.bitcast %get3A_1247 : vector<16xi32> to vector<32xbf16>
        %bitcast3A_1252 = vector.bitcast %get3A_1250 : vector<16xi32> to vector<32xbf16>
        %mul3A_1253 = arith.mulf %bitcast3A_1251, %bitcast3A_1252 : vector<32xbf16>
        %bitcast3A_1254 = vector.bitcast %mul3A_1253 : vector<32xbf16> to vector<16xi32>
        %shift_left3A_1255 = arith.constant 16 : i32
        %shift_left3A_1256 = vector.broadcast %shift_left3A_1255 : i32 to vector<16xi32>
        %shift_left3A_1257 = arith.shli %bitcast3A_1254, %shift_left3A_1256 : vector<16xi32>
        %bitcast3A_1258 = vector.bitcast %shift_left3A_1257 : vector<16xi32> to vector<16xf32>
        %bitcast3A_1259 = vector.bitcast %bitcast3A_1254 : vector<16xi32> to vector<16xf32>
        %add3A_1260 = arith.addf %add3A_1243, %bitcast3A_1258 : vector<16xf32>
        %add3A_1261 = arith.addf %add3A_1244, %bitcast3A_1259 : vector<16xf32>
        %get3A_1262 = arith.index_cast %add3A_1212 : i32 to index
        %get3A_1263 = arith.constant 48 : index
        %get3A_1264 = tpu.vector_load %arg9[%get3A_1262, %get3A_1263] {strides = array<i32>} : memref<80x64xi32, #tpu.memory_space<vmem>>, vector<16xi32>,
        %get3A_1265 = arith.index_cast %add3A_1212 : i32 to index
        %get3A_1266 = arith.constant 48 : index
        %get3A_1267 = tpu.vector_load %arg10[%get3A_1265, %get3A_1266] {strides = array<i32>} : memref<80x64xi32, #tpu.memory_space<vmem>>, vector<16xi32>,
        %bitcast3A_1268 = vector.bitcast %get3A_1264 : vector<16xi32> to vector<32xbf16>
        %bitcast3A_1269 = vector.bitcast %get3A_1267 : vector<16xi32> to vector<32xbf16>
        %mul3A_1270 = arith.mulf %bitcast3A_1268, %bitcast3A_1269 : vector<32xbf16>
        %bitcast3A_1271 = vector.bitcast %mul3A_1270 : vector<32xbf16> to vector<16xi32>
        %shift_left3A_1272 = arith.constant 16 : i32
        %shift_left3A_1273 = vector.broadcast %shift_left3A_1272 : i32 to vector<16xi32>
        %shift_left3A_1274 = arith.shli %bitcast3A_1271, %shift_left3A_1273 : vector<16xi32>
        %bitcast3A_1275 = vector.bitcast %shift_left3A_1274 : vector<16xi32> to vector<16xf32>
        %bitcast3A_1276 = vector.bitcast %bitcast3A_1271 : vector<16xi32> to vector<16xf32>
        %add3A_1277 = arith.addf %add3A_1260, %bitcast3A_1275 : vector<16xf32>
        %add3A_1278 = arith.addf %add3A_1261, %bitcast3A_1276 : vector<16xf32>
        %add3A_1279 = arith.addf %add3A_1277, %add3A_1278 : vector<16xf32>
        %reduce_sum3A_1280 = arith.constant true
        %reduce_sum3A_1281 = vector.broadcast %reduce_sum3A_1280 : i1 to vector<16xi1>
        %reduce_sum3A_1282 = tpu.scan <sum>, %add3A_1279 masked %reduce_sum3A_1281 : vector<16xf32>, vector<16xi1> -> vector<16xf32>
        %reduce_sum3A_1283 = vector.extract %reduce_sum3A_1282[15] : f32 from vector<16xf32>
        %eq3A_1284 = arith.constant 14 : i32
        %eq3A_1285 = vector.broadcast %eq3A_1284 : i32 to vector<16xi32>
        %eq3A_1286 = arith.cmpi eq, %iota3A, %eq3A_1285 : vector<16xi32>
        %broadcast_in_dim3A_1287 = vector.broadcast %reduce_sum3A_1283 : f32 to vector<16xf32>
        %select_n3A_1288 = arith.select %eq3A_1286, %broadcast_in_dim3A_1287, %select_n3A_1208 : vector<16xi1>, vector<16xf32>
        %mul3A_1289 = arith.constant 16 : i32
        %mul3A_1290 = arith.muli %scan3A_93, %mul3A_1289 : i32
        %add3A_1291 = arith.constant 15 : i32
        %add3A_1292 = arith.addi %mul3A_1290, %add3A_1291 : i32
        %get3A_1293 = arith.index_cast %add3A_1292 : i32 to index
        %get3A_1294 = arith.constant 0 : index
        %get3A_1295 = tpu.vector_load %arg9[%get3A_1293, %get3A_1294] {strides = array<i32>} : memref<80x64xi32, #tpu.memory_space<vmem>>, vector<16xi32>,
        %get3A_1296 = arith.index_cast %add3A_1292 : i32 to index
        %get3A_1297 = arith.constant 0 : index
        %get3A_1298 = tpu.vector_load %arg10[%get3A_1296, %get3A_1297] {strides = array<i32>} : memref<80x64xi32, #tpu.memory_space<vmem>>, vector<16xi32>,
        %bitcast3A_1299 = vector.bitcast %get3A_1295 : vector<16xi32> to vector<32xbf16>
        %bitcast3A_1300 = vector.bitcast %get3A_1298 : vector<16xi32> to vector<32xbf16>
        %mul3A_1301 = arith.mulf %bitcast3A_1299, %bitcast3A_1300 : vector<32xbf16>
        %bitcast3A_1302 = vector.bitcast %mul3A_1301 : vector<32xbf16> to vector<16xi32>
        %shift_left3A_1303 = arith.constant 16 : i32
        %shift_left3A_1304 = vector.broadcast %shift_left3A_1303 : i32 to vector<16xi32>
        %shift_left3A_1305 = arith.shli %bitcast3A_1302, %shift_left3A_1304 : vector<16xi32>
        %bitcast3A_1306 = vector.bitcast %shift_left3A_1305 : vector<16xi32> to vector<16xf32>
        %bitcast3A_1307 = vector.bitcast %bitcast3A_1302 : vector<16xi32> to vector<16xf32>
        %get3A_1308 = arith.index_cast %add3A_1292 : i32 to index
        %get3A_1309 = arith.constant 16 : index
        %get3A_1310 = tpu.vector_load %arg9[%get3A_1308, %get3A_1309] {strides = array<i32>} : memref<80x64xi32, #tpu.memory_space<vmem>>, vector<16xi32>,
        %get3A_1311 = arith.index_cast %add3A_1292 : i32 to index
        %get3A_1312 = arith.constant 16 : index
        %get3A_1313 = tpu.vector_load %arg10[%get3A_1311, %get3A_1312] {strides = array<i32>} : memref<80x64xi32, #tpu.memory_space<vmem>>, vector<16xi32>,
        %bitcast3A_1314 = vector.bitcast %get3A_1310 : vector<16xi32> to vector<32xbf16>
        %bitcast3A_1315 = vector.bitcast %get3A_1313 : vector<16xi32> to vector<32xbf16>
        %mul3A_1316 = arith.mulf %bitcast3A_1314, %bitcast3A_1315 : vector<32xbf16>
        %bitcast3A_1317 = vector.bitcast %mul3A_1316 : vector<32xbf16> to vector<16xi32>
        %shift_left3A_1318 = arith.constant 16 : i32
        %shift_left3A_1319 = vector.broadcast %shift_left3A_1318 : i32 to vector<16xi32>
        %shift_left3A_1320 = arith.shli %bitcast3A_1317, %shift_left3A_1319 : vector<16xi32>
        %bitcast3A_1321 = vector.bitcast %shift_left3A_1320 : vector<16xi32> to vector<16xf32>
        %bitcast3A_1322 = vector.bitcast %bitcast3A_1317 : vector<16xi32> to vector<16xf32>
        %add3A_1323 = arith.addf %bitcast3A_1306, %bitcast3A_1321 : vector<16xf32>
        %add3A_1324 = arith.addf %bitcast3A_1307, %bitcast3A_1322 : vector<16xf32>
        %get3A_1325 = arith.index_cast %add3A_1292 : i32 to index
        %get3A_1326 = arith.constant 32 : index
        %get3A_1327 = tpu.vector_load %arg9[%get3A_1325, %get3A_1326] {strides = array<i32>} : memref<80x64xi32, #tpu.memory_space<vmem>>, vector<16xi32>,
        %get3A_1328 = arith.index_cast %add3A_1292 : i32 to index
        %get3A_1329 = arith.constant 32 : index
        %get3A_1330 = tpu.vector_load %arg10[%get3A_1328, %get3A_1329] {strides = array<i32>} : memref<80x64xi32, #tpu.memory_space<vmem>>, vector<16xi32>,
        %bitcast3A_1331 = vector.bitcast %get3A_1327 : vector<16xi32> to vector<32xbf16>
        %bitcast3A_1332 = vector.bitcast %get3A_1330 : vector<16xi32> to vector<32xbf16>
        %mul3A_1333 = arith.mulf %bitcast3A_1331, %bitcast3A_1332 : vector<32xbf16>
        %bitcast3A_1334 = vector.bitcast %mul3A_1333 : vector<32xbf16> to vector<16xi32>
        %shift_left3A_1335 = arith.constant 16 : i32
        %shift_left3A_1336 = vector.broadcast %shift_left3A_1335 : i32 to vector<16xi32>
        %shift_left3A_1337 = arith.shli %bitcast3A_1334, %shift_left3A_1336 : vector<16xi32>
        %bitcast3A_1338 = vector.bitcast %shift_left3A_1337 : vector<16xi32> to vector<16xf32>
        %bitcast3A_1339 = vector.bitcast %bitcast3A_1334 : vector<16xi32> to vector<16xf32>
        %add3A_1340 = arith.addf %add3A_1323, %bitcast3A_1338 : vector<16xf32>
        %add3A_1341 = arith.addf %add3A_1324, %bitcast3A_1339 : vector<16xf32>
        %get3A_1342 = arith.index_cast %add3A_1292 : i32 to index
        %get3A_1343 = arith.constant 48 : index
        %get3A_1344 = tpu.vector_load %arg9[%get3A_1342, %get3A_1343] {strides = array<i32>} : memref<80x64xi32, #tpu.memory_space<vmem>>, vector<16xi32>,
        %get3A_1345 = arith.index_cast %add3A_1292 : i32 to index
        %get3A_1346 = arith.constant 48 : index
        %get3A_1347 = tpu.vector_load %arg10[%get3A_1345, %get3A_1346] {strides = array<i32>} : memref<80x64xi32, #tpu.memory_space<vmem>>, vector<16xi32>,
        %bitcast3A_1348 = vector.bitcast %get3A_1344 : vector<16xi32> to vector<32xbf16>
        %bitcast3A_1349 = vector.bitcast %get3A_1347 : vector<16xi32> to vector<32xbf16>
        %mul3A_1350 = arith.mulf %bitcast3A_1348, %bitcast3A_1349 : vector<32xbf16>
        %bitcast3A_1351 = vector.bitcast %mul3A_1350 : vector<32xbf16> to vector<16xi32>
        %shift_left3A_1352 = arith.constant 16 : i32
        %shift_left3A_1353 = vector.broadcast %shift_left3A_1352 : i32 to vector<16xi32>
        %shift_left3A_1354 = arith.shli %bitcast3A_1351, %shift_left3A_1353 : vector<16xi32>
        %bitcast3A_1355 = vector.bitcast %shift_left3A_1354 : vector<16xi32> to vector<16xf32>
        %bitcast3A_1356 = vector.bitcast %bitcast3A_1351 : vector<16xi32> to vector<16xf32>
        %add3A_1357 = arith.addf %add3A_1340, %bitcast3A_1355 : vector<16xf32>
        %add3A_1358 = arith.addf %add3A_1341, %bitcast3A_1356 : vector<16xf32>
        %add3A_1359 = arith.addf %add3A_1357, %add3A_1358 : vector<16xf32>
        %reduce_sum3A_1360 = arith.constant true
        %reduce_sum3A_1361 = vector.broadcast %reduce_sum3A_1360 : i1 to vector<16xi1>
        %reduce_sum3A_1362 = tpu.scan <sum>, %add3A_1359 masked %reduce_sum3A_1361 : vector<16xf32>, vector<16xi1> -> vector<16xf32>
        %reduce_sum3A_1363 = vector.extract %reduce_sum3A_1362[15] : f32 from vector<16xf32>
        %eq3A_1364 = arith.constant 15 : i32
        %eq3A_1365 = vector.broadcast %eq3A_1364 : i32 to vector<16xi32>
        %eq3A_1366 = arith.cmpi eq, %iota3A, %eq3A_1365 : vector<16xi32>
        %broadcast_in_dim3A_1367 = vector.broadcast %reduce_sum3A_1363 : f32 to vector<16xf32>
        %select_n3A_1368 = arith.select %eq3A_1366, %broadcast_in_dim3A_1367, %select_n3A_1288 : vector<16xi1>, vector<16xf32>
        %mul3A_1369 = arith.constant 80 : i32
        %mul3A_1370 = arith.muli %mul3A_32, %mul3A_1369 : i32
        %mul3A_1371 = arith.constant 16 : i32
        %mul3A_1372 = arith.muli %scan3A_93, %mul3A_1371 : i32
        %add3A_1373 = arith.addi %mul3A_1370, %mul3A_1372 : i32
        %swap3A = arith.index_cast %add3A_1373 : i32 to index
        %swap3A_1374 = tpu.vector_load %arg8[%swap3A] {strides = array<i32>} : memref<10000xf32, #tpu.memory_space<vmem>>, vector<16xf32>,
        tpu.vector_store %arg8[%swap3A], %select_n3A_1368 {strides = array<i32>} : memref<10000xf32, #tpu.memory_space<vmem>>, vector<16xf32>,
      }
      %scan3A_61 = arith.constant 5 : i32
      %add3A_62 = arith.constant 2 : i32
      %add3A_63 = arith.addi %mul3A_32, %add3A_62 : i32
      %mul3A_64 = arith.constant 80 : i32
      %mul3A_65 = arith.muli %add3A_63, %mul3A_64 : i32
      %dma_start3A_66 = tpu.memref_slice %arg6[%mul3A_65] : memref<10000xi32, #tpu.memory_space<vmem>> -> memref<80xi32, #tpu.memory_space<vmem>>
      %dma_start3A_67 = arith.constant 0 : i32
      %dma_start3A_68 = arith.constant 0 : i32
      %dma_start3A_69 = tpu.memref_slice %arg2[%dma_start3A_67, %dma_start3A_68] : memref<10000x64xi32, #tpu.memory_space<hbm>> -> memref<10000x64xi32, #tpu.memory_space<hbm>>
      tpu.enqueue_indirect_dma source(%dma_start3A_69 : memref<10000x64xi32, #tpu.memory_space<hbm>>) target(%arg9 : memref<80x64xi32, #tpu.memory_space<vmem>>) offsets(%dma_start3A_66 : memref<80xi32, #tpu.memory_space<vmem>>) semaphore(%arg13 : memref<!tpu.dma_semaphore, #tpu.memory_space<semaphore_mem>>)
      %mul3A_70 = arith.constant 80 : i32
      %mul3A_71 = arith.muli %add3A_63, %mul3A_70 : i32
      %dma_start3A_72 = tpu.memref_slice %arg7[%mul3A_71] : memref<10000xi32, #tpu.memory_space<vmem>> -> memref<80xi32, #tpu.memory_space<vmem>>
      %dma_start3A_73 = arith.constant 0 : i32
      %dma_start3A_74 = arith.constant 0 : i32
      %dma_start3A_75 = tpu.memref_slice %arg2[%dma_start3A_73, %dma_start3A_74] : memref<10000x64xi32, #tpu.memory_space<hbm>> -> memref<10000x64xi32, #tpu.memory_space<hbm>>
      tpu.enqueue_indirect_dma source(%dma_start3A_75 : memref<10000x64xi32, #tpu.memory_space<hbm>>) target(%arg10 : memref<80x64xi32, #tpu.memory_space<vmem>>) offsets(%dma_start3A_72 : memref<80xi32, #tpu.memory_space<vmem>>) semaphore(%arg13 : memref<!tpu.dma_semaphore, #tpu.memory_space<semaphore_mem>>)
      %dma_wait3A_76 = arith.constant 0 : i32
      %dma_wait3A_77 = tpu.memref_slice %arg6[%dma_wait3A_76] : memref<10000xi32, #tpu.memory_space<vmem>> -> memref<80xi32, #tpu.memory_space<vmem>>
      %dma_wait3A_78 = arith.constant 0 : i32
      %dma_wait3A_79 = arith.constant 0 : i32
      %dma_wait3A_80 = tpu.memref_slice %arg2[%dma_wait3A_78, %dma_wait3A_79] : memref<10000x64xi32, #tpu.memory_space<hbm>> -> memref<10000x64xi32, #tpu.memory_space<hbm>>
      tpu.wait_indirect_dma semaphore(%arg14 : memref<!tpu.dma_semaphore, #tpu.memory_space<semaphore_mem>>) src(%dma_wait3A_80 : memref<10000x64xi32, #tpu.memory_space<hbm>>) dst(%arg11 : memref<80x64xi32, #tpu.memory_space<vmem>>)
      %dma_wait3A_81 = arith.constant 0 : i32
      %dma_wait3A_82 = tpu.memref_slice %arg7[%dma_wait3A_81] : memref<10000xi32, #tpu.memory_space<vmem>> -> memref<80xi32, #tpu.memory_space<vmem>>
      %dma_wait3A_83 = arith.constant 0 : i32
      %dma_wait3A_84 = arith.constant 0 : i32
      %dma_wait3A_85 = tpu.memref_slice %arg2[%dma_wait3A_83, %dma_wait3A_84] : memref<10000x64xi32, #tpu.memory_space<hbm>> -> memref<10000x64xi32, #tpu.memory_space<hbm>>
      tpu.wait_indirect_dma semaphore(%arg14 : memref<!tpu.dma_semaphore, #tpu.memory_space<semaphore_mem>>) src(%dma_wait3A_85 : memref<10000x64xi32, #tpu.memory_space<hbm>>) dst(%arg12 : memref<80x64xi32, #tpu.memory_space<vmem>>)
      %add3A_86 = arith.constant 1 : i32
      %add3A_87 = arith.addi %mul3A_32, %add3A_86 : i32
      %scan3A_88 = arith.constant 0 : i32
      %scan3A_89 = arith.constant 5 : i32
      %scan3A_90 = arith.addi %scan3A_88, %scan3A_89 : i32
      %scan3A_91 = arith.constant 1 : i32
      scf.for %scan3A_93 = %scan3A_88 to %scan3A_90 step %scan3A_91  : i32 {
        %broadcast_in_dim3A = arith.constant 0.000000e+00 : f32
        %broadcast_in_dim3A_94 = vector.broadcast %broadcast_in_dim3A : f32 to vector<16xf32>
        %mul3A_95 = arith.constant 16 : i32
        %mul3A_96 = arith.muli %scan3A_93, %mul3A_95 : i32
        %add3A_97 = arith.constant 0 : i32
        %add3A_98 = arith.addi %mul3A_96, %add3A_97 : i32
        %get3A = arith.index_cast %add3A_98 : i32 to index
        %get3A_99 = arith.constant 0 : index
        %get3A_100 = tpu.vector_load %arg11[%get3A, %get3A_99] {strides = array<i32>} : memref<80x64xi32, #tpu.memory_space<vmem>>, vector<16xi32>,
        %get3A_101 = arith.index_cast %add3A_98 : i32 to index
        %get3A_102 = arith.constant 0 : index
        %get3A_103 = tpu.vector_load %arg12[%get3A_101, %get3A_102] {strides = array<i32>} : memref<80x64xi32, #tpu.memory_space<vmem>>, vector<16xi32>,
        %bitcast3A = vector.bitcast %get3A_100 : vector<16xi32> to vector<32xbf16>
        %bitcast3A_104 = vector.bitcast %get3A_103 : vector<16xi32> to vector<32xbf16>
        %mul3A_105 = arith.mulf %bitcast3A, %bitcast3A_104 : vector<32xbf16>
        %bitcast3A_106 = vector.bitcast %mul3A_105 : vector<32xbf16> to vector<16xi32>
        %shift_left3A = arith.constant 16 : i32
        %shift_left3A_107 = vector.broadcast %shift_left3A : i32 to vector<16xi32>
        %shift_left3A_108 = arith.shli %bitcast3A_106, %shift_left3A_107 : vector<16xi32>
        %bitcast3A_109 = vector.bitcast %shift_left3A_108 : vector<16xi32> to vector<16xf32>
        %bitcast3A_110 = vector.bitcast %bitcast3A_106 : vector<16xi32> to vector<16xf32>
        %get3A_111 = arith.index_cast %add3A_98 : i32 to index
        %get3A_112 = arith.constant 16 : index
        %get3A_113 = tpu.vector_load %arg11[%get3A_111, %get3A_112] {strides = array<i32>} : memref<80x64xi32, #tpu.memory_space<vmem>>, vector<16xi32>,
        %get3A_114 = arith.index_cast %add3A_98 : i32 to index
        %get3A_115 = arith.constant 16 : index
        %get3A_116 = tpu.vector_load %arg12[%get3A_114, %get3A_115] {strides = array<i32>} : memref<80x64xi32, #tpu.memory_space<vmem>>, vector<16xi32>,
        %bitcast3A_117 = vector.bitcast %get3A_113 : vector<16xi32> to vector<32xbf16>
        %bitcast3A_118 = vector.bitcast %get3A_116 : vector<16xi32> to vector<32xbf16>
        %mul3A_119 = arith.mulf %bitcast3A_117, %bitcast3A_118 : vector<32xbf16>
        %bitcast3A_120 = vector.bitcast %mul3A_119 : vector<32xbf16> to vector<16xi32>
        %shift_left3A_121 = arith.constant 16 : i32
        %shift_left3A_122 = vector.broadcast %shift_left3A_121 : i32 to vector<16xi32>
        %shift_left3A_123 = arith.shli %bitcast3A_120, %shift_left3A_122 : vector<16xi32>
        %bitcast3A_124 = vector.bitcast %shift_left3A_123 : vector<16xi32> to vector<16xf32>
        %bitcast3A_125 = vector.bitcast %bitcast3A_120 : vector<16xi32> to vector<16xf32>
        %add3A_126 = arith.addf %bitcast3A_109, %bitcast3A_124 : vector<16xf32>
        %add3A_127 = arith.addf %bitcast3A_110, %bitcast3A_125 : vector<16xf32>
        %get3A_128 = arith.index_cast %add3A_98 : i32 to index
        %get3A_129 = arith.constant 32 : index
        %get3A_130 = tpu.vector_load %arg11[%get3A_128, %get3A_129] {strides = array<i32>} : memref<80x64xi32, #tpu.memory_space<vmem>>, vector<16xi32>,
        %get3A_131 = arith.index_cast %add3A_98 : i32 to index
        %get3A_132 = arith.constant 32 : index
        %get3A_133 = tpu.vector_load %arg12[%get3A_131, %get3A_132] {strides = array<i32>} : memref<80x64xi32, #tpu.memory_space<vmem>>, vector<16xi32>,
        %bitcast3A_134 = vector.bitcast %get3A_130 : vector<16xi32> to vector<32xbf16>
        %bitcast3A_135 = vector.bitcast %get3A_133 : vector<16xi32> to vector<32xbf16>
        %mul3A_136 = arith.mulf %bitcast3A_134, %bitcast3A_135 : vector<32xbf16>
        %bitcast3A_137 = vector.bitcast %mul3A_136 : vector<32xbf16> to vector<16xi32>
        %shift_left3A_138 = arith.constant 16 : i32
        %shift_left3A_139 = vector.broadcast %shift_left3A_138 : i32 to vector<16xi32>
        %shift_left3A_140 = arith.shli %bitcast3A_137, %shift_left3A_139 : vector<16xi32>
        %bitcast3A_141 = vector.bitcast %shift_left3A_140 : vector<16xi32> to vector<16xf32>
        %bitcast3A_142 = vector.bitcast %bitcast3A_137 : vector<16xi32> to vector<16xf32>
        %add3A_143 = arith.addf %add3A_126, %bitcast3A_141 : vector<16xf32>
        %add3A_144 = arith.addf %add3A_127, %bitcast3A_142 : vector<16xf32>
        %get3A_145 = arith.index_cast %add3A_98 : i32 to index
        %get3A_146 = arith.constant 48 : index
        %get3A_147 = tpu.vector_load %arg11[%get3A_145, %get3A_146] {strides = array<i32>} : memref<80x64xi32, #tpu.memory_space<vmem>>, vector<16xi32>,
        %get3A_148 = arith.index_cast %add3A_98 : i32 to index
        %get3A_149 = arith.constant 48 : index
        %get3A_150 = tpu.vector_load %arg12[%get3A_148, %get3A_149] {strides = array<i32>} : memref<80x64xi32, #tpu.memory_space<vmem>>, vector<16xi32>,
        %bitcast3A_151 = vector.bitcast %get3A_147 : vector<16xi32> to vector<32xbf16>
        %bitcast3A_152 = vector.bitcast %get3A_150 : vector<16xi32> to vector<32xbf16>
        %mul3A_153 = arith.mulf %bitcast3A_151, %bitcast3A_152 : vector<32xbf16>
        %bitcast3A_154 = vector.bitcast %mul3A_153 : vector<32xbf16> to vector<16xi32>
        %shift_left3A_155 = arith.constant 16 : i32
        %shift_left3A_156 = vector.broadcast %shift_left3A_155 : i32 to vector<16xi32>
        %shift_left3A_157 = arith.shli %bitcast3A_154, %shift_left3A_156 : vector<16xi32>
        %bitcast3A_158 = vector.bitcast %shift_left3A_157 : vector<16xi32> to vector<16xf32>
        %bitcast3A_159 = vector.bitcast %bitcast3A_154 : vector<16xi32> to vector<16xf32>
        %add3A_160 = arith.addf %add3A_143, %bitcast3A_158 : vector<16xf32>
        %add3A_161 = arith.addf %add3A_144, %bitcast3A_159 : vector<16xf32>
        %add3A_162 = arith.addf %add3A_160, %add3A_161 : vector<16xf32>
        %reduce_sum3A = arith.constant true
        %reduce_sum3A_163 = vector.broadcast %reduce_sum3A : i1 to vector<16xi1>
        %reduce_sum3A_164 = tpu.scan <sum>, %add3A_162 masked %reduce_sum3A_163 : vector<16xf32>, vector<16xi1> -> vector<16xf32>
        %reduce_sum3A_165 = vector.extract %reduce_sum3A_164[15] : f32 from vector<16xf32>
        %eq3A = arith.constant 0 : i32
        %eq3A_166 = vector.broadcast %eq3A : i32 to vector<16xi32>
        %eq3A_167 = arith.cmpi eq, %iota3A, %eq3A_166 : vector<16xi32>
        %broadcast_in_dim3A_168 = vector.broadcast %reduce_sum3A_165 : f32 to vector<16xf32>
        %select_n3A = arith.select %eq3A_167, %broadcast_in_dim3A_168, %broadcast_in_dim3A_94 : vector<16xi1>, vector<16xf32>
        %mul3A_169 = arith.constant 16 : i32
        %mul3A_170 = arith.muli %scan3A_93, %mul3A_169 : i32
        %add3A_171 = arith.constant 1 : i32
        %add3A_172 = arith.addi %mul3A_170, %add3A_171 : i32
        %get3A_173 = arith.index_cast %add3A_172 : i32 to index
        %get3A_174 = arith.constant 0 : index
        %get3A_175 = tpu.vector_load %arg11[%get3A_173, %get3A_174] {strides = array<i32>} : memref<80x64xi32, #tpu.memory_space<vmem>>, vector<16xi32>,
        %get3A_176 = arith.index_cast %add3A_172 : i32 to index
        %get3A_177 = arith.constant 0 : index
        %get3A_178 = tpu.vector_load %arg12[%get3A_176, %get3A_177] {strides = array<i32>} : memref<80x64xi32, #tpu.memory_space<vmem>>, vector<16xi32>,
        %bitcast3A_179 = vector.bitcast %get3A_175 : vector<16xi32> to vector<32xbf16>
        %bitcast3A_180 = vector.bitcast %get3A_178 : vector<16xi32> to vector<32xbf16>
        %mul3A_181 = arith.mulf %bitcast3A_179, %bitcast3A_180 : vector<32xbf16>
        %bitcast3A_182 = vector.bitcast %mul3A_181 : vector<32xbf16> to vector<16xi32>
        %shift_left3A_183 = arith.constant 16 : i32
        %shift_left3A_184 = vector.broadcast %shift_left3A_183 : i32 to vector<16xi32>
        %shift_left3A_185 = arith.shli %bitcast3A_182, %shift_left3A_184 : vector<16xi32>
        %bitcast3A_186 = vector.bitcast %shift_left3A_185 : vector<16xi32> to vector<16xf32>
        %bitcast3A_187 = vector.bitcast %bitcast3A_182 : vector<16xi32> to vector<16xf32>
        %get3A_188 = arith.index_cast %add3A_172 : i32 to index
        %get3A_189 = arith.constant 16 : index
        %get3A_190 = tpu.vector_load %arg11[%get3A_188, %get3A_189] {strides = array<i32>} : memref<80x64xi32, #tpu.memory_space<vmem>>, vector<16xi32>,
        %get3A_191 = arith.index_cast %add3A_172 : i32 to index
        %get3A_192 = arith.constant 16 : index
        %get3A_193 = tpu.vector_load %arg12[%get3A_191, %get3A_192] {strides = array<i32>} : memref<80x64xi32, #tpu.memory_space<vmem>>, vector<16xi32>,
        %bitcast3A_194 = vector.bitcast %get3A_190 : vector<16xi32> to vector<32xbf16>
        %bitcast3A_195 = vector.bitcast %get3A_193 : vector<16xi32> to vector<32xbf16>
        %mul3A_196 = arith.mulf %bitcast3A_194, %bitcast3A_195 : vector<32xbf16>
        %bitcast3A_197 = vector.bitcast %mul3A_196 : vector<32xbf16> to vector<16xi32>
        %shift_left3A_198 = arith.constant 16 : i32
        %shift_left3A_199 = vector.broadcast %shift_left3A_198 : i32 to vector<16xi32>
        %shift_left3A_200 = arith.shli %bitcast3A_197, %shift_left3A_199 : vector<16xi32>
        %bitcast3A_201 = vector.bitcast %shift_left3A_200 : vector<16xi32> to vector<16xf32>
        %bitcast3A_202 = vector.bitcast %bitcast3A_197 : vector<16xi32> to vector<16xf32>
        %add3A_203 = arith.addf %bitcast3A_186, %bitcast3A_201 : vector<16xf32>
        %add3A_204 = arith.addf %bitcast3A_187, %bitcast3A_202 : vector<16xf32>
        %get3A_205 = arith.index_cast %add3A_172 : i32 to index
        %get3A_206 = arith.constant 32 : index
        %get3A_207 = tpu.vector_load %arg11[%get3A_205, %get3A_206] {strides = array<i32>} : memref<80x64xi32, #tpu.memory_space<vmem>>, vector<16xi32>,
        %get3A_208 = arith.index_cast %add3A_172 : i32 to index
        %get3A_209 = arith.constant 32 : index
        %get3A_210 = tpu.vector_load %arg12[%get3A_208, %get3A_209] {strides = array<i32>} : memref<80x64xi32, #tpu.memory_space<vmem>>, vector<16xi32>,
        %bitcast3A_211 = vector.bitcast %get3A_207 : vector<16xi32> to vector<32xbf16>
        %bitcast3A_212 = vector.bitcast %get3A_210 : vector<16xi32> to vector<32xbf16>
        %mul3A_213 = arith.mulf %bitcast3A_211, %bitcast3A_212 : vector<32xbf16>
        %bitcast3A_214 = vector.bitcast %mul3A_213 : vector<32xbf16> to vector<16xi32>
        %shift_left3A_215 = arith.constant 16 : i32
        %shift_left3A_216 = vector.broadcast %shift_left3A_215 : i32 to vector<16xi32>
        %shift_left3A_217 = arith.shli %bitcast3A_214, %shift_left3A_216 : vector<16xi32>
        %bitcast3A_218 = vector.bitcast %shift_left3A_217 : vector<16xi32> to vector<16xf32>
        %bitcast3A_219 = vector.bitcast %bitcast3A_214 : vector<16xi32> to vector<16xf32>
        %add3A_220 = arith.addf %add3A_203, %bitcast3A_218 : vector<16xf32>
        %add3A_221 = arith.addf %add3A_204, %bitcast3A_219 : vector<16xf32>
        %get3A_222 = arith.index_cast %add3A_172 : i32 to index
        %get3A_223 = arith.constant 48 : index
        %get3A_224 = tpu.vector_load %arg11[%get3A_222, %get3A_223] {strides = array<i32>} : memref<80x64xi32, #tpu.memory_space<vmem>>, vector<16xi32>,
        %get3A_225 = arith.index_cast %add3A_172 : i32 to index
        %get3A_226 = arith.constant 48 : index
        %get3A_227 = tpu.vector_load %arg12[%get3A_225, %get3A_226] {strides = array<i32>} : memref<80x64xi32, #tpu.memory_space<vmem>>, vector<16xi32>,
        %bitcast3A_228 = vector.bitcast %get3A_224 : vector<16xi32> to vector<32xbf16>
        %bitcast3A_229 = vector.bitcast %get3A_227 : vector<16xi32> to vector<32xbf16>
        %mul3A_230 = arith.mulf %bitcast3A_228, %bitcast3A_229 : vector<32xbf16>
        %bitcast3A_231 = vector.bitcast %mul3A_230 : vector<32xbf16> to vector<16xi32>
        %shift_left3A_232 = arith.constant 16 : i32
        %shift_left3A_233 = vector.broadcast %shift_left3A_232 : i32 to vector<16xi32>
        %shift_left3A_234 = arith.shli %bitcast3A_231, %shift_left3A_233 : vector<16xi32>
        %bitcast3A_235 = vector.bitcast %shift_left3A_234 : vector<16xi32> to vector<16xf32>
        %bitcast3A_236 = vector.bitcast %bitcast3A_231 : vector<16xi32> to vector<16xf32>
        %add3A_237 = arith.addf %add3A_220, %bitcast3A_235 : vector<16xf32>
        %add3A_238 = arith.addf %add3A_221, %bitcast3A_236 : vector<16xf32>
        %add3A_239 = arith.addf %add3A_237, %add3A_238 : vector<16xf32>
        %reduce_sum3A_240 = arith.constant true
        %reduce_sum3A_241 = vector.broadcast %reduce_sum3A_240 : i1 to vector<16xi1>
        %reduce_sum3A_242 = tpu.scan <sum>, %add3A_239 masked %reduce_sum3A_241 : vector<16xf32>, vector<16xi1> -> vector<16xf32>
        %reduce_sum3A_243 = vector.extract %reduce_sum3A_242[15] : f32 from vector<16xf32>
        %eq3A_244 = arith.constant 1 : i32
        %eq3A_245 = vector.broadcast %eq3A_244 : i32 to vector<16xi32>
        %eq3A_246 = arith.cmpi eq, %iota3A, %eq3A_245 : vector<16xi32>
        %broadcast_in_dim3A_247 = vector.broadcast %reduce_sum3A_243 : f32 to vector<16xf32>
        %select_n3A_248 = arith.select %eq3A_246, %broadcast_in_dim3A_247, %select_n3A : vector<16xi1>, vector<16xf32>
        %mul3A_249 = arith.constant 16 : i32
        %mul3A_250 = arith.muli %scan3A_93, %mul3A_249 : i32
        %add3A_251 = arith.constant 2 : i32
        %add3A_252 = arith.addi %mul3A_250, %add3A_251 : i32
        %get3A_253 = arith.index_cast %add3A_252 : i32 to index
        %get3A_254 = arith.constant 0 : index
        %get3A_255 = tpu.vector_load %arg11[%get3A_253, %get3A_254] {strides = array<i32>} : memref<80x64xi32, #tpu.memory_space<vmem>>, vector<16xi32>,
        %get3A_256 = arith.index_cast %add3A_252 : i32 to index
        %get3A_257 = arith.constant 0 : index
        %get3A_258 = tpu.vector_load %arg12[%get3A_256, %get3A_257] {strides = array<i32>} : memref<80x64xi32, #tpu.memory_space<vmem>>, vector<16xi32>,
        %bitcast3A_259 = vector.bitcast %get3A_255 : vector<16xi32> to vector<32xbf16>
        %bitcast3A_260 = vector.bitcast %get3A_258 : vector<16xi32> to vector<32xbf16>
        %mul3A_261 = arith.mulf %bitcast3A_259, %bitcast3A_260 : vector<32xbf16>
        %bitcast3A_262 = vector.bitcast %mul3A_261 : vector<32xbf16> to vector<16xi32>
        %shift_left3A_263 = arith.constant 16 : i32
        %shift_left3A_264 = vector.broadcast %shift_left3A_263 : i32 to vector<16xi32>
        %shift_left3A_265 = arith.shli %bitcast3A_262, %shift_left3A_264 : vector<16xi32>
        %bitcast3A_266 = vector.bitcast %shift_left3A_265 : vector<16xi32> to vector<16xf32>
        %bitcast3A_267 = vector.bitcast %bitcast3A_262 : vector<16xi32> to vector<16xf32>
        %get3A_268 = arith.index_cast %add3A_252 : i32 to index
        %get3A_269 = arith.constant 16 : index
        %get3A_270 = tpu.vector_load %arg11[%get3A_268, %get3A_269] {strides = array<i32>} : memref<80x64xi32, #tpu.memory_space<vmem>>, vector<16xi32>,
        %get3A_271 = arith.index_cast %add3A_252 : i32 to index
        %get3A_272 = arith.constant 16 : index
        %get3A_273 = tpu.vector_load %arg12[%get3A_271, %get3A_272] {strides = array<i32>} : memref<80x64xi32, #tpu.memory_space<vmem>>, vector<16xi32>,
        %bitcast3A_274 = vector.bitcast %get3A_270 : vector<16xi32> to vector<32xbf16>
        %bitcast3A_275 = vector.bitcast %get3A_273 : vector<16xi32> to vector<32xbf16>
        %mul3A_276 = arith.mulf %bitcast3A_274, %bitcast3A_275 : vector<32xbf16>
        %bitcast3A_277 = vector.bitcast %mul3A_276 : vector<32xbf16> to vector<16xi32>
        %shift_left3A_278 = arith.constant 16 : i32
        %shift_left3A_279 = vector.broadcast %shift_left3A_278 : i32 to vector<16xi32>
        %shift_left3A_280 = arith.shli %bitcast3A_277, %shift_left3A_279 : vector<16xi32>
        %bitcast3A_281 = vector.bitcast %shift_left3A_280 : vector<16xi32> to vector<16xf32>
        %bitcast3A_282 = vector.bitcast %bitcast3A_277 : vector<16xi32> to vector<16xf32>
        %add3A_283 = arith.addf %bitcast3A_266, %bitcast3A_281 : vector<16xf32>
        %add3A_284 = arith.addf %bitcast3A_267, %bitcast3A_282 : vector<16xf32>
        %get3A_285 = arith.index_cast %add3A_252 : i32 to index
        %get3A_286 = arith.constant 32 : index
        %get3A_287 = tpu.vector_load %arg11[%get3A_285, %get3A_286] {strides = array<i32>} : memref<80x64xi32, #tpu.memory_space<vmem>>, vector<16xi32>,
        %get3A_288 = arith.index_cast %add3A_252 : i32 to index
        %get3A_289 = arith.constant 32 : index
        %get3A_290 = tpu.vector_load %arg12[%get3A_288, %get3A_289] {strides = array<i32>} : memref<80x64xi32, #tpu.memory_space<vmem>>, vector<16xi32>,
        %bitcast3A_291 = vector.bitcast %get3A_287 : vector<16xi32> to vector<32xbf16>
        %bitcast3A_292 = vector.bitcast %get3A_290 : vector<16xi32> to vector<32xbf16>
        %mul3A_293 = arith.mulf %bitcast3A_291, %bitcast3A_292 : vector<32xbf16>
        %bitcast3A_294 = vector.bitcast %mul3A_293 : vector<32xbf16> to vector<16xi32>
        %shift_left3A_295 = arith.constant 16 : i32
        %shift_left3A_296 = vector.broadcast %shift_left3A_295 : i32 to vector<16xi32>
        %shift_left3A_297 = arith.shli %bitcast3A_294, %shift_left3A_296 : vector<16xi32>
        %bitcast3A_298 = vector.bitcast %shift_left3A_297 : vector<16xi32> to vector<16xf32>
        %bitcast3A_299 = vector.bitcast %bitcast3A_294 : vector<16xi32> to vector<16xf32>
        %add3A_300 = arith.addf %add3A_283, %bitcast3A_298 : vector<16xf32>
        %add3A_301 = arith.addf %add3A_284, %bitcast3A_299 : vector<16xf32>
        %get3A_302 = arith.index_cast %add3A_252 : i32 to index
        %get3A_303 = arith.constant 48 : index
        %get3A_304 = tpu.vector_load %arg11[%get3A_302, %get3A_303] {strides = array<i32>} : memref<80x64xi32, #tpu.memory_space<vmem>>, vector<16xi32>,
        %get3A_305 = arith.index_cast %add3A_252 : i32 to index
        %get3A_306 = arith.constant 48 : index
        %get3A_307 = tpu.vector_load %arg12[%get3A_305, %get3A_306] {strides = array<i32>} : memref<80x64xi32, #tpu.memory_space<vmem>>, vector<16xi32>,
        %bitcast3A_308 = vector.bitcast %get3A_304 : vector<16xi32> to vector<32xbf16>
        %bitcast3A_309 = vector.bitcast %get3A_307 : vector<16xi32> to vector<32xbf16>
        %mul3A_310 = arith.mulf %bitcast3A_308, %bitcast3A_309 : vector<32xbf16>
        %bitcast3A_311 = vector.bitcast %mul3A_310 : vector<32xbf16> to vector<16xi32>
        %shift_left3A_312 = arith.constant 16 : i32
        %shift_left3A_313 = vector.broadcast %shift_left3A_312 : i32 to vector<16xi32>
        %shift_left3A_314 = arith.shli %bitcast3A_311, %shift_left3A_313 : vector<16xi32>
        %bitcast3A_315 = vector.bitcast %shift_left3A_314 : vector<16xi32> to vector<16xf32>
        %bitcast3A_316 = vector.bitcast %bitcast3A_311 : vector<16xi32> to vector<16xf32>
        %add3A_317 = arith.addf %add3A_300, %bitcast3A_315 : vector<16xf32>
        %add3A_318 = arith.addf %add3A_301, %bitcast3A_316 : vector<16xf32>
        %add3A_319 = arith.addf %add3A_317, %add3A_318 : vector<16xf32>
        %reduce_sum3A_320 = arith.constant true
        %reduce_sum3A_321 = vector.broadcast %reduce_sum3A_320 : i1 to vector<16xi1>
        %reduce_sum3A_322 = tpu.scan <sum>, %add3A_319 masked %reduce_sum3A_321 : vector<16xf32>, vector<16xi1> -> vector<16xf32>
        %reduce_sum3A_323 = vector.extract %reduce_sum3A_322[15] : f32 from vector<16xf32>
        %eq3A_324 = arith.constant 2 : i32
        %eq3A_325 = vector.broadcast %eq3A_324 : i32 to vector<16xi32>
        %eq3A_326 = arith.cmpi eq, %iota3A, %eq3A_325 : vector<16xi32>
        %broadcast_in_dim3A_327 = vector.broadcast %reduce_sum3A_323 : f32 to vector<16xf32>
        %select_n3A_328 = arith.select %eq3A_326, %broadcast_in_dim3A_327, %select_n3A_248 : vector<16xi1>, vector<16xf32>
        %mul3A_329 = arith.constant 16 : i32
        %mul3A_330 = arith.muli %scan3A_93, %mul3A_329 : i32
        %add3A_331 = arith.constant 3 : i32
        %add3A_332 = arith.addi %mul3A_330, %add3A_331 : i32
        %get3A_333 = arith.index_cast %add3A_332 : i32 to index
        %get3A_334 = arith.constant 0 : index
        %get3A_335 = tpu.vector_load %arg11[%get3A_333, %get3A_334] {strides = array<i32>} : memref<80x64xi32, #tpu.memory_space<vmem>>, vector<16xi32>,
        %get3A_336 = arith.index_cast %add3A_332 : i32 to index
        %get3A_337 = arith.constant 0 : index
        %get3A_338 = tpu.vector_load %arg12[%get3A_336, %get3A_337] {strides = array<i32>} : memref<80x64xi32, #tpu.memory_space<vmem>>, vector<16xi32>,
        %bitcast3A_339 = vector.bitcast %get3A_335 : vector<16xi32> to vector<32xbf16>
        %bitcast3A_340 = vector.bitcast %get3A_338 : vector<16xi32> to vector<32xbf16>
        %mul3A_341 = arith.mulf %bitcast3A_339, %bitcast3A_340 : vector<32xbf16>
        %bitcast3A_342 = vector.bitcast %mul3A_341 : vector<32xbf16> to vector<16xi32>
        %shift_left3A_343 = arith.constant 16 : i32
        %shift_left3A_344 = vector.broadcast %shift_left3A_343 : i32 to vector<16xi32>
        %shift_left3A_345 = arith.shli %bitcast3A_342, %shift_left3A_344 : vector<16xi32>
        %bitcast3A_346 = vector.bitcast %shift_left3A_345 : vector<16xi32> to vector<16xf32>
        %bitcast3A_347 = vector.bitcast %bitcast3A_342 : vector<16xi32> to vector<16xf32>
        %get3A_348 = arith.index_cast %add3A_332 : i32 to index
        %get3A_349 = arith.constant 16 : index
        %get3A_350 = tpu.vector_load %arg11[%get3A_348, %get3A_349] {strides = array<i32>} : memref<80x64xi32, #tpu.memory_space<vmem>>, vector<16xi32>,
        %get3A_351 = arith.index_cast %add3A_332 : i32 to index
        %get3A_352 = arith.constant 16 : index
        %get3A_353 = tpu.vector_load %arg12[%get3A_351, %get3A_352] {strides = array<i32>} : memref<80x64xi32, #tpu.memory_space<vmem>>, vector<16xi32>,
        %bitcast3A_354 = vector.bitcast %get3A_350 : vector<16xi32> to vector<32xbf16>
        %bitcast3A_355 = vector.bitcast %get3A_353 : vector<16xi32> to vector<32xbf16>
        %mul3A_356 = arith.mulf %bitcast3A_354, %bitcast3A_355 : vector<32xbf16>
        %bitcast3A_357 = vector.bitcast %mul3A_356 : vector<32xbf16> to vector<16xi32>
        %shift_left3A_358 = arith.constant 16 : i32
        %shift_left3A_359 = vector.broadcast %shift_left3A_358 : i32 to vector<16xi32>
        %shift_left3A_360 = arith.shli %bitcast3A_357, %shift_left3A_359 : vector<16xi32>
        %bitcast3A_361 = vector.bitcast %shift_left3A_360 : vector<16xi32> to vector<16xf32>
        %bitcast3A_362 = vector.bitcast %bitcast3A_357 : vector<16xi32> to vector<16xf32>
        %add3A_363 = arith.addf %bitcast3A_346, %bitcast3A_361 : vector<16xf32>
        %add3A_364 = arith.addf %bitcast3A_347, %bitcast3A_362 : vector<16xf32>
        %get3A_365 = arith.index_cast %add3A_332 : i32 to index
        %get3A_366 = arith.constant 32 : index
        %get3A_367 = tpu.vector_load %arg11[%get3A_365, %get3A_366] {strides = array<i32>} : memref<80x64xi32, #tpu.memory_space<vmem>>, vector<16xi32>,
        %get3A_368 = arith.index_cast %add3A_332 : i32 to index
        %get3A_369 = arith.constant 32 : index
        %get3A_370 = tpu.vector_load %arg12[%get3A_368, %get3A_369] {strides = array<i32>} : memref<80x64xi32, #tpu.memory_space<vmem>>, vector<16xi32>,
        %bitcast3A_371 = vector.bitcast %get3A_367 : vector<16xi32> to vector<32xbf16>
        %bitcast3A_372 = vector.bitcast %get3A_370 : vector<16xi32> to vector<32xbf16>
        %mul3A_373 = arith.mulf %bitcast3A_371, %bitcast3A_372 : vector<32xbf16>
        %bitcast3A_374 = vector.bitcast %mul3A_373 : vector<32xbf16> to vector<16xi32>
        %shift_left3A_375 = arith.constant 16 : i32
        %shift_left3A_376 = vector.broadcast %shift_left3A_375 : i32 to vector<16xi32>
        %shift_left3A_377 = arith.shli %bitcast3A_374, %shift_left3A_376 : vector<16xi32>
        %bitcast3A_378 = vector.bitcast %shift_left3A_377 : vector<16xi32> to vector<16xf32>
        %bitcast3A_379 = vector.bitcast %bitcast3A_374 : vector<16xi32> to vector<16xf32>
        %add3A_380 = arith.addf %add3A_363, %bitcast3A_378 : vector<16xf32>
        %add3A_381 = arith.addf %add3A_364, %bitcast3A_379 : vector<16xf32>
        %get3A_382 = arith.index_cast %add3A_332 : i32 to index
        %get3A_383 = arith.constant 48 : index
        %get3A_384 = tpu.vector_load %arg11[%get3A_382, %get3A_383] {strides = array<i32>} : memref<80x64xi32, #tpu.memory_space<vmem>>, vector<16xi32>,
        %get3A_385 = arith.index_cast %add3A_332 : i32 to index
        %get3A_386 = arith.constant 48 : index
        %get3A_387 = tpu.vector_load %arg12[%get3A_385, %get3A_386] {strides = array<i32>} : memref<80x64xi32, #tpu.memory_space<vmem>>, vector<16xi32>,
        %bitcast3A_388 = vector.bitcast %get3A_384 : vector<16xi32> to vector<32xbf16>
        %bitcast3A_389 = vector.bitcast %get3A_387 : vector<16xi32> to vector<32xbf16>
        %mul3A_390 = arith.mulf %bitcast3A_388, %bitcast3A_389 : vector<32xbf16>
        %bitcast3A_391 = vector.bitcast %mul3A_390 : vector<32xbf16> to vector<16xi32>
        %shift_left3A_392 = arith.constant 16 : i32
        %shift_left3A_393 = vector.broadcast %shift_left3A_392 : i32 to vector<16xi32>
        %shift_left3A_394 = arith.shli %bitcast3A_391, %shift_left3A_393 : vector<16xi32>
        %bitcast3A_395 = vector.bitcast %shift_left3A_394 : vector<16xi32> to vector<16xf32>
        %bitcast3A_396 = vector.bitcast %bitcast3A_391 : vector<16xi32> to vector<16xf32>
        %add3A_397 = arith.addf %add3A_380, %bitcast3A_395 : vector<16xf32>
        %add3A_398 = arith.addf %add3A_381, %bitcast3A_396 : vector<16xf32>
        %add3A_399 = arith.addf %add3A_397, %add3A_398 : vector<16xf32>
        %reduce_sum3A_400 = arith.constant true
        %reduce_sum3A_401 = vector.broadcast %reduce_sum3A_400 : i1 to vector<16xi1>
        %reduce_sum3A_402 = tpu.scan <sum>, %add3A_399 masked %reduce_sum3A_401 : vector<16xf32>, vector<16xi1> -> vector<16xf32>
        %reduce_sum3A_403 = vector.extract %reduce_sum3A_402[15] : f32 from vector<16xf32>
        %eq3A_404 = arith.constant 3 : i32
        %eq3A_405 = vector.broadcast %eq3A_404 : i32 to vector<16xi32>
        %eq3A_406 = arith.cmpi eq, %iota3A, %eq3A_405 : vector<16xi32>
        %broadcast_in_dim3A_407 = vector.broadcast %reduce_sum3A_403 : f32 to vector<16xf32>
        %select_n3A_408 = arith.select %eq3A_406, %broadcast_in_dim3A_407, %select_n3A_328 : vector<16xi1>, vector<16xf32>
        %mul3A_409 = arith.constant 16 : i32
        %mul3A_410 = arith.muli %scan3A_93, %mul3A_409 : i32
        %add3A_411 = arith.constant 4 : i32
        %add3A_412 = arith.addi %mul3A_410, %add3A_411 : i32
        %get3A_413 = arith.index_cast %add3A_412 : i32 to index
        %get3A_414 = arith.constant 0 : index
        %get3A_415 = tpu.vector_load %arg11[%get3A_413, %get3A_414] {strides = array<i32>} : memref<80x64xi32, #tpu.memory_space<vmem>>, vector<16xi32>,
        %get3A_416 = arith.index_cast %add3A_412 : i32 to index
        %get3A_417 = arith.constant 0 : index
        %get3A_418 = tpu.vector_load %arg12[%get3A_416, %get3A_417] {strides = array<i32>} : memref<80x64xi32, #tpu.memory_space<vmem>>, vector<16xi32>,
        %bitcast3A_419 = vector.bitcast %get3A_415 : vector<16xi32> to vector<32xbf16>
        %bitcast3A_420 = vector.bitcast %get3A_418 : vector<16xi32> to vector<32xbf16>
        %mul3A_421 = arith.mulf %bitcast3A_419, %bitcast3A_420 : vector<32xbf16>
        %bitcast3A_422 = vector.bitcast %mul3A_421 : vector<32xbf16> to vector<16xi32>
        %shift_left3A_423 = arith.constant 16 : i32
        %shift_left3A_424 = vector.broadcast %shift_left3A_423 : i32 to vector<16xi32>
        %shift_left3A_425 = arith.shli %bitcast3A_422, %shift_left3A_424 : vector<16xi32>
        %bitcast3A_426 = vector.bitcast %shift_left3A_425 : vector<16xi32> to vector<16xf32>
        %bitcast3A_427 = vector.bitcast %bitcast3A_422 : vector<16xi32> to vector<16xf32>
        %get3A_428 = arith.index_cast %add3A_412 : i32 to index
        %get3A_429 = arith.constant 16 : index
        %get3A_430 = tpu.vector_load %arg11[%get3A_428, %get3A_429] {strides = array<i32>} : memref<80x64xi32, #tpu.memory_space<vmem>>, vector<16xi32>,
        %get3A_431 = arith.index_cast %add3A_412 : i32 to index
        %get3A_432 = arith.constant 16 : index
        %get3A_433 = tpu.vector_load %arg12[%get3A_431, %get3A_432] {strides = array<i32>} : memref<80x64xi32, #tpu.memory_space<vmem>>, vector<16xi32>,
        %bitcast3A_434 = vector.bitcast %get3A_430 : vector<16xi32> to vector<32xbf16>
        %bitcast3A_435 = vector.bitcast %get3A_433 : vector<16xi32> to vector<32xbf16>
        %mul3A_436 = arith.mulf %bitcast3A_434, %bitcast3A_435 : vector<32xbf16>
        %bitcast3A_437 = vector.bitcast %mul3A_436 : vector<32xbf16> to vector<16xi32>
        %shift_left3A_438 = arith.constant 16 : i32
        %shift_left3A_439 = vector.broadcast %shift_left3A_438 : i32 to vector<16xi32>
        %shift_left3A_440 = arith.shli %bitcast3A_437, %shift_left3A_439 : vector<16xi32>
        %bitcast3A_441 = vector.bitcast %shift_left3A_440 : vector<16xi32> to vector<16xf32>
        %bitcast3A_442 = vector.bitcast %bitcast3A_437 : vector<16xi32> to vector<16xf32>
        %add3A_443 = arith.addf %bitcast3A_426, %bitcast3A_441 : vector<16xf32>
        %add3A_444 = arith.addf %bitcast3A_427, %bitcast3A_442 : vector<16xf32>
        %get3A_445 = arith.index_cast %add3A_412 : i32 to index
        %get3A_446 = arith.constant 32 : index
        %get3A_447 = tpu.vector_load %arg11[%get3A_445, %get3A_446] {strides = array<i32>} : memref<80x64xi32, #tpu.memory_space<vmem>>, vector<16xi32>,
        %get3A_448 = arith.index_cast %add3A_412 : i32 to index
        %get3A_449 = arith.constant 32 : index
        %get3A_450 = tpu.vector_load %arg12[%get3A_448, %get3A_449] {strides = array<i32>} : memref<80x64xi32, #tpu.memory_space<vmem>>, vector<16xi32>,
        %bitcast3A_451 = vector.bitcast %get3A_447 : vector<16xi32> to vector<32xbf16>
        %bitcast3A_452 = vector.bitcast %get3A_450 : vector<16xi32> to vector<32xbf16>
        %mul3A_453 = arith.mulf %bitcast3A_451, %bitcast3A_452 : vector<32xbf16>
        %bitcast3A_454 = vector.bitcast %mul3A_453 : vector<32xbf16> to vector<16xi32>
        %shift_left3A_455 = arith.constant 16 : i32
        %shift_left3A_456 = vector.broadcast %shift_left3A_455 : i32 to vector<16xi32>
        %shift_left3A_457 = arith.shli %bitcast3A_454, %shift_left3A_456 : vector<16xi32>
        %bitcast3A_458 = vector.bitcast %shift_left3A_457 : vector<16xi32> to vector<16xf32>
        %bitcast3A_459 = vector.bitcast %bitcast3A_454 : vector<16xi32> to vector<16xf32>
        %add3A_460 = arith.addf %add3A_443, %bitcast3A_458 : vector<16xf32>
        %add3A_461 = arith.addf %add3A_444, %bitcast3A_459 : vector<16xf32>
        %get3A_462 = arith.index_cast %add3A_412 : i32 to index
        %get3A_463 = arith.constant 48 : index
        %get3A_464 = tpu.vector_load %arg11[%get3A_462, %get3A_463] {strides = array<i32>} : memref<80x64xi32, #tpu.memory_space<vmem>>, vector<16xi32>,
        %get3A_465 = arith.index_cast %add3A_412 : i32 to index
        %get3A_466 = arith.constant 48 : index
        %get3A_467 = tpu.vector_load %arg12[%get3A_465, %get3A_466] {strides = array<i32>} : memref<80x64xi32, #tpu.memory_space<vmem>>, vector<16xi32>,
        %bitcast3A_468 = vector.bitcast %get3A_464 : vector<16xi32> to vector<32xbf16>
        %bitcast3A_469 = vector.bitcast %get3A_467 : vector<16xi32> to vector<32xbf16>
        %mul3A_470 = arith.mulf %bitcast3A_468, %bitcast3A_469 : vector<32xbf16>
        %bitcast3A_471 = vector.bitcast %mul3A_470 : vector<32xbf16> to vector<16xi32>
        %shift_left3A_472 = arith.constant 16 : i32
        %shift_left3A_473 = vector.broadcast %shift_left3A_472 : i32 to vector<16xi32>
        %shift_left3A_474 = arith.shli %bitcast3A_471, %shift_left3A_473 : vector<16xi32>
        %bitcast3A_475 = vector.bitcast %shift_left3A_474 : vector<16xi32> to vector<16xf32>
        %bitcast3A_476 = vector.bitcast %bitcast3A_471 : vector<16xi32> to vector<16xf32>
        %add3A_477 = arith.addf %add3A_460, %bitcast3A_475 : vector<16xf32>
        %add3A_478 = arith.addf %add3A_461, %bitcast3A_476 : vector<16xf32>
        %add3A_479 = arith.addf %add3A_477, %add3A_478 : vector<16xf32>
        %reduce_sum3A_480 = arith.constant true
        %reduce_sum3A_481 = vector.broadcast %reduce_sum3A_480 : i1 to vector<16xi1>
        %reduce_sum3A_482 = tpu.scan <sum>, %add3A_479 masked %reduce_sum3A_481 : vector<16xf32>, vector<16xi1> -> vector<16xf32>
        %reduce_sum3A_483 = vector.extract %reduce_sum3A_482[15] : f32 from vector<16xf32>
        %eq3A_484 = arith.constant 4 : i32
        %eq3A_485 = vector.broadcast %eq3A_484 : i32 to vector<16xi32>
        %eq3A_486 = arith.cmpi eq, %iota3A, %eq3A_485 : vector<16xi32>
        %broadcast_in_dim3A_487 = vector.broadcast %reduce_sum3A_483 : f32 to vector<16xf32>
        %select_n3A_488 = arith.select %eq3A_486, %broadcast_in_dim3A_487, %select_n3A_408 : vector<16xi1>, vector<16xf32>
        %mul3A_489 = arith.constant 16 : i32
        %mul3A_490 = arith.muli %scan3A_93, %mul3A_489 : i32
        %add3A_491 = arith.constant 5 : i32
        %add3A_492 = arith.addi %mul3A_490, %add3A_491 : i32
        %get3A_493 = arith.index_cast %add3A_492 : i32 to index
        %get3A_494 = arith.constant 0 : index
        %get3A_495 = tpu.vector_load %arg11[%get3A_493, %get3A_494] {strides = array<i32>} : memref<80x64xi32, #tpu.memory_space<vmem>>, vector<16xi32>,
        %get3A_496 = arith.index_cast %add3A_492 : i32 to index
        %get3A_497 = arith.constant 0 : index
        %get3A_498 = tpu.vector_load %arg12[%get3A_496, %get3A_497] {strides = array<i32>} : memref<80x64xi32, #tpu.memory_space<vmem>>, vector<16xi32>,
        %bitcast3A_499 = vector.bitcast %get3A_495 : vector<16xi32> to vector<32xbf16>
        %bitcast3A_500 = vector.bitcast %get3A_498 : vector<16xi32> to vector<32xbf16>
        %mul3A_501 = arith.mulf %bitcast3A_499, %bitcast3A_500 : vector<32xbf16>
        %bitcast3A_502 = vector.bitcast %mul3A_501 : vector<32xbf16> to vector<16xi32>
        %shift_left3A_503 = arith.constant 16 : i32
        %shift_left3A_504 = vector.broadcast %shift_left3A_503 : i32 to vector<16xi32>
        %shift_left3A_505 = arith.shli %bitcast3A_502, %shift_left3A_504 : vector<16xi32>
        %bitcast3A_506 = vector.bitcast %shift_left3A_505 : vector<16xi32> to vector<16xf32>
        %bitcast3A_507 = vector.bitcast %bitcast3A_502 : vector<16xi32> to vector<16xf32>
        %get3A_508 = arith.index_cast %add3A_492 : i32 to index
        %get3A_509 = arith.constant 16 : index
        %get3A_510 = tpu.vector_load %arg11[%get3A_508, %get3A_509] {strides = array<i32>} : memref<80x64xi32, #tpu.memory_space<vmem>>, vector<16xi32>,
        %get3A_511 = arith.index_cast %add3A_492 : i32 to index
        %get3A_512 = arith.constant 16 : index
        %get3A_513 = tpu.vector_load %arg12[%get3A_511, %get3A_512] {strides = array<i32>} : memref<80x64xi32, #tpu.memory_space<vmem>>, vector<16xi32>,
        %bitcast3A_514 = vector.bitcast %get3A_510 : vector<16xi32> to vector<32xbf16>
        %bitcast3A_515 = vector.bitcast %get3A_513 : vector<16xi32> to vector<32xbf16>
        %mul3A_516 = arith.mulf %bitcast3A_514, %bitcast3A_515 : vector<32xbf16>
        %bitcast3A_517 = vector.bitcast %mul3A_516 : vector<32xbf16> to vector<16xi32>
        %shift_left3A_518 = arith.constant 16 : i32
        %shift_left3A_519 = vector.broadcast %shift_left3A_518 : i32 to vector<16xi32>
        %shift_left3A_520 = arith.shli %bitcast3A_517, %shift_left3A_519 : vector<16xi32>
        %bitcast3A_521 = vector.bitcast %shift_left3A_520 : vector<16xi32> to vector<16xf32>
        %bitcast3A_522 = vector.bitcast %bitcast3A_517 : vector<16xi32> to vector<16xf32>
        %add3A_523 = arith.addf %bitcast3A_506, %bitcast3A_521 : vector<16xf32>
        %add3A_524 = arith.addf %bitcast3A_507, %bitcast3A_522 : vector<16xf32>
        %get3A_525 = arith.index_cast %add3A_492 : i32 to index
        %get3A_526 = arith.constant 32 : index
        %get3A_527 = tpu.vector_load %arg11[%get3A_525, %get3A_526] {strides = array<i32>} : memref<80x64xi32, #tpu.memory_space<vmem>>, vector<16xi32>,
        %get3A_528 = arith.index_cast %add3A_492 : i32 to index
        %get3A_529 = arith.constant 32 : index
        %get3A_530 = tpu.vector_load %arg12[%get3A_528, %get3A_529] {strides = array<i32>} : memref<80x64xi32, #tpu.memory_space<vmem>>, vector<16xi32>,
        %bitcast3A_531 = vector.bitcast %get3A_527 : vector<16xi32> to vector<32xbf16>
        %bitcast3A_532 = vector.bitcast %get3A_530 : vector<16xi32> to vector<32xbf16>
        %mul3A_533 = arith.mulf %bitcast3A_531, %bitcast3A_532 : vector<32xbf16>
        %bitcast3A_534 = vector.bitcast %mul3A_533 : vector<32xbf16> to vector<16xi32>
        %shift_left3A_535 = arith.constant 16 : i32
        %shift_left3A_536 = vector.broadcast %shift_left3A_535 : i32 to vector<16xi32>
        %shift_left3A_537 = arith.shli %bitcast3A_534, %shift_left3A_536 : vector<16xi32>
        %bitcast3A_538 = vector.bitcast %shift_left3A_537 : vector<16xi32> to vector<16xf32>
        %bitcast3A_539 = vector.bitcast %bitcast3A_534 : vector<16xi32> to vector<16xf32>
        %add3A_540 = arith.addf %add3A_523, %bitcast3A_538 : vector<16xf32>
        %add3A_541 = arith.addf %add3A_524, %bitcast3A_539 : vector<16xf32>
        %get3A_542 = arith.index_cast %add3A_492 : i32 to index
        %get3A_543 = arith.constant 48 : index
        %get3A_544 = tpu.vector_load %arg11[%get3A_542, %get3A_543] {strides = array<i32>} : memref<80x64xi32, #tpu.memory_space<vmem>>, vector<16xi32>,
        %get3A_545 = arith.index_cast %add3A_492 : i32 to index
        %get3A_546 = arith.constant 48 : index
        %get3A_547 = tpu.vector_load %arg12[%get3A_545, %get3A_546] {strides = array<i32>} : memref<80x64xi32, #tpu.memory_space<vmem>>, vector<16xi32>,
        %bitcast3A_548 = vector.bitcast %get3A_544 : vector<16xi32> to vector<32xbf16>
        %bitcast3A_549 = vector.bitcast %get3A_547 : vector<16xi32> to vector<32xbf16>
        %mul3A_550 = arith.mulf %bitcast3A_548, %bitcast3A_549 : vector<32xbf16>
        %bitcast3A_551 = vector.bitcast %mul3A_550 : vector<32xbf16> to vector<16xi32>
        %shift_left3A_552 = arith.constant 16 : i32
        %shift_left3A_553 = vector.broadcast %shift_left3A_552 : i32 to vector<16xi32>
        %shift_left3A_554 = arith.shli %bitcast3A_551, %shift_left3A_553 : vector<16xi32>
        %bitcast3A_555 = vector.bitcast %shift_left3A_554 : vector<16xi32> to vector<16xf32>
        %bitcast3A_556 = vector.bitcast %bitcast3A_551 : vector<16xi32> to vector<16xf32>
        %add3A_557 = arith.addf %add3A_540, %bitcast3A_555 : vector<16xf32>
        %add3A_558 = arith.addf %add3A_541, %bitcast3A_556 : vector<16xf32>
        %add3A_559 = arith.addf %add3A_557, %add3A_558 : vector<16xf32>
        %reduce_sum3A_560 = arith.constant true
        %reduce_sum3A_561 = vector.broadcast %reduce_sum3A_560 : i1 to vector<16xi1>
        %reduce_sum3A_562 = tpu.scan <sum>, %add3A_559 masked %reduce_sum3A_561 : vector<16xf32>, vector<16xi1> -> vector<16xf32>
        %reduce_sum3A_563 = vector.extract %reduce_sum3A_562[15] : f32 from vector<16xf32>
        %eq3A_564 = arith.constant 5 : i32
        %eq3A_565 = vector.broadcast %eq3A_564 : i32 to vector<16xi32>
        %eq3A_566 = arith.cmpi eq, %iota3A, %eq3A_565 : vector<16xi32>
        %broadcast_in_dim3A_567 = vector.broadcast %reduce_sum3A_563 : f32 to vector<16xf32>
        %select_n3A_568 = arith.select %eq3A_566, %broadcast_in_dim3A_567, %select_n3A_488 : vector<16xi1>, vector<16xf32>
        %mul3A_569 = arith.constant 16 : i32
        %mul3A_570 = arith.muli %scan3A_93, %mul3A_569 : i32
        %add3A_571 = arith.constant 6 : i32
        %add3A_572 = arith.addi %mul3A_570, %add3A_571 : i32
        %get3A_573 = arith.index_cast %add3A_572 : i32 to index
        %get3A_574 = arith.constant 0 : index
        %get3A_575 = tpu.vector_load %arg11[%get3A_573, %get3A_574] {strides = array<i32>} : memref<80x64xi32, #tpu.memory_space<vmem>>, vector<16xi32>,
        %get3A_576 = arith.index_cast %add3A_572 : i32 to index
        %get3A_577 = arith.constant 0 : index
        %get3A_578 = tpu.vector_load %arg12[%get3A_576, %get3A_577] {strides = array<i32>} : memref<80x64xi32, #tpu.memory_space<vmem>>, vector<16xi32>,
        %bitcast3A_579 = vector.bitcast %get3A_575 : vector<16xi32> to vector<32xbf16>
        %bitcast3A_580 = vector.bitcast %get3A_578 : vector<16xi32> to vector<32xbf16>
        %mul3A_581 = arith.mulf %bitcast3A_579, %bitcast3A_580 : vector<32xbf16>
        %bitcast3A_582 = vector.bitcast %mul3A_581 : vector<32xbf16> to vector<16xi32>
        %shift_left3A_583 = arith.constant 16 : i32
        %shift_left3A_584 = vector.broadcast %shift_left3A_583 : i32 to vector<16xi32>
        %shift_left3A_585 = arith.shli %bitcast3A_582, %shift_left3A_584 : vector<16xi32>
        %bitcast3A_586 = vector.bitcast %shift_left3A_585 : vector<16xi32> to vector<16xf32>
        %bitcast3A_587 = vector.bitcast %bitcast3A_582 : vector<16xi32> to vector<16xf32>
        %get3A_588 = arith.index_cast %add3A_572 : i32 to index
        %get3A_589 = arith.constant 16 : index
        %get3A_590 = tpu.vector_load %arg11[%get3A_588, %get3A_589] {strides = array<i32>} : memref<80x64xi32, #tpu.memory_space<vmem>>, vector<16xi32>,
        %get3A_591 = arith.index_cast %add3A_572 : i32 to index
        %get3A_592 = arith.constant 16 : index
        %get3A_593 = tpu.vector_load %arg12[%get3A_591, %get3A_592] {strides = array<i32>} : memref<80x64xi32, #tpu.memory_space<vmem>>, vector<16xi32>,
        %bitcast3A_594 = vector.bitcast %get3A_590 : vector<16xi32> to vector<32xbf16>
        %bitcast3A_595 = vector.bitcast %get3A_593 : vector<16xi32> to vector<32xbf16>
        %mul3A_596 = arith.mulf %bitcast3A_594, %bitcast3A_595 : vector<32xbf16>
        %bitcast3A_597 = vector.bitcast %mul3A_596 : vector<32xbf16> to vector<16xi32>
        %shift_left3A_598 = arith.constant 16 : i32
        %shift_left3A_599 = vector.broadcast %shift_left3A_598 : i32 to vector<16xi32>
        %shift_left3A_600 = arith.shli %bitcast3A_597, %shift_left3A_599 : vector<16xi32>
        %bitcast3A_601 = vector.bitcast %shift_left3A_600 : vector<16xi32> to vector<16xf32>
        %bitcast3A_602 = vector.bitcast %bitcast3A_597 : vector<16xi32> to vector<16xf32>
        %add3A_603 = arith.addf %bitcast3A_586, %bitcast3A_601 : vector<16xf32>
        %add3A_604 = arith.addf %bitcast3A_587, %bitcast3A_602 : vector<16xf32>
        %get3A_605 = arith.index_cast %add3A_572 : i32 to index
        %get3A_606 = arith.constant 32 : index
        %get3A_607 = tpu.vector_load %arg11[%get3A_605, %get3A_606] {strides = array<i32>} : memref<80x64xi32, #tpu.memory_space<vmem>>, vector<16xi32>,
        %get3A_608 = arith.index_cast %add3A_572 : i32 to index
        %get3A_609 = arith.constant 32 : index
        %get3A_610 = tpu.vector_load %arg12[%get3A_608, %get3A_609] {strides = array<i32>} : memref<80x64xi32, #tpu.memory_space<vmem>>, vector<16xi32>,
        %bitcast3A_611 = vector.bitcast %get3A_607 : vector<16xi32> to vector<32xbf16>
        %bitcast3A_612 = vector.bitcast %get3A_610 : vector<16xi32> to vector<32xbf16>
        %mul3A_613 = arith.mulf %bitcast3A_611, %bitcast3A_612 : vector<32xbf16>
        %bitcast3A_614 = vector.bitcast %mul3A_613 : vector<32xbf16> to vector<16xi32>
        %shift_left3A_615 = arith.constant 16 : i32
        %shift_left3A_616 = vector.broadcast %shift_left3A_615 : i32 to vector<16xi32>
        %shift_left3A_617 = arith.shli %bitcast3A_614, %shift_left3A_616 : vector<16xi32>
        %bitcast3A_618 = vector.bitcast %shift_left3A_617 : vector<16xi32> to vector<16xf32>
        %bitcast3A_619 = vector.bitcast %bitcast3A_614 : vector<16xi32> to vector<16xf32>
        %add3A_620 = arith.addf %add3A_603, %bitcast3A_618 : vector<16xf32>
        %add3A_621 = arith.addf %add3A_604, %bitcast3A_619 : vector<16xf32>
        %get3A_622 = arith.index_cast %add3A_572 : i32 to index
        %get3A_623 = arith.constant 48 : index
        %get3A_624 = tpu.vector_load %arg11[%get3A_622, %get3A_623] {strides = array<i32>} : memref<80x64xi32, #tpu.memory_space<vmem>>, vector<16xi32>,
        %get3A_625 = arith.index_cast %add3A_572 : i32 to index
        %get3A_626 = arith.constant 48 : index
        %get3A_627 = tpu.vector_load %arg12[%get3A_625, %get3A_626] {strides = array<i32>} : memref<80x64xi32, #tpu.memory_space<vmem>>, vector<16xi32>,
        %bitcast3A_628 = vector.bitcast %get3A_624 : vector<16xi32> to vector<32xbf16>
        %bitcast3A_629 = vector.bitcast %get3A_627 : vector<16xi32> to vector<32xbf16>
        %mul3A_630 = arith.mulf %bitcast3A_628, %bitcast3A_629 : vector<32xbf16>
        %bitcast3A_631 = vector.bitcast %mul3A_630 : vector<32xbf16> to vector<16xi32>
        %shift_left3A_632 = arith.constant 16 : i32
        %shift_left3A_633 = vector.broadcast %shift_left3A_632 : i32 to vector<16xi32>
        %shift_left3A_634 = arith.shli %bitcast3A_631, %shift_left3A_633 : vector<16xi32>
        %bitcast3A_635 = vector.bitcast %shift_left3A_634 : vector<16xi32> to vector<16xf32>
        %bitcast3A_636 = vector.bitcast %bitcast3A_631 : vector<16xi32> to vector<16xf32>
        %add3A_637 = arith.addf %add3A_620, %bitcast3A_635 : vector<16xf32>
        %add3A_638 = arith.addf %add3A_621, %bitcast3A_636 : vector<16xf32>
        %add3A_639 = arith.addf %add3A_637, %add3A_638 : vector<16xf32>
        %reduce_sum3A_640 = arith.constant true
        %reduce_sum3A_641 = vector.broadcast %reduce_sum3A_640 : i1 to vector<16xi1>
        %reduce_sum3A_642 = tpu.scan <sum>, %add3A_639 masked %reduce_sum3A_641 : vector<16xf32>, vector<16xi1> -> vector<16xf32>
        %reduce_sum3A_643 = vector.extract %reduce_sum3A_642[15] : f32 from vector<16xf32>
        %eq3A_644 = arith.constant 6 : i32
        %eq3A_645 = vector.broadcast %eq3A_644 : i32 to vector<16xi32>
        %eq3A_646 = arith.cmpi eq, %iota3A, %eq3A_645 : vector<16xi32>
        %broadcast_in_dim3A_647 = vector.broadcast %reduce_sum3A_643 : f32 to vector<16xf32>
        %select_n3A_648 = arith.select %eq3A_646, %broadcast_in_dim3A_647, %select_n3A_568 : vector<16xi1>, vector<16xf32>
        %mul3A_649 = arith.constant 16 : i32
        %mul3A_650 = arith.muli %scan3A_93, %mul3A_649 : i32
        %add3A_651 = arith.constant 7 : i32
        %add3A_652 = arith.addi %mul3A_650, %add3A_651 : i32
        %get3A_653 = arith.index_cast %add3A_652 : i32 to index
        %get3A_654 = arith.constant 0 : index
        %get3A_655 = tpu.vector_load %arg11[%get3A_653, %get3A_654] {strides = array<i32>} : memref<80x64xi32, #tpu.memory_space<vmem>>, vector<16xi32>,
        %get3A_656 = arith.index_cast %add3A_652 : i32 to index
        %get3A_657 = arith.constant 0 : index
        %get3A_658 = tpu.vector_load %arg12[%get3A_656, %get3A_657] {strides = array<i32>} : memref<80x64xi32, #tpu.memory_space<vmem>>, vector<16xi32>,
        %bitcast3A_659 = vector.bitcast %get3A_655 : vector<16xi32> to vector<32xbf16>
        %bitcast3A_660 = vector.bitcast %get3A_658 : vector<16xi32> to vector<32xbf16>
        %mul3A_661 = arith.mulf %bitcast3A_659, %bitcast3A_660 : vector<32xbf16>
        %bitcast3A_662 = vector.bitcast %mul3A_661 : vector<32xbf16> to vector<16xi32>
        %shift_left3A_663 = arith.constant 16 : i32
        %shift_left3A_664 = vector.broadcast %shift_left3A_663 : i32 to vector<16xi32>
        %shift_left3A_665 = arith.shli %bitcast3A_662, %shift_left3A_664 : vector<16xi32>
        %bitcast3A_666 = vector.bitcast %shift_left3A_665 : vector<16xi32> to vector<16xf32>
        %bitcast3A_667 = vector.bitcast %bitcast3A_662 : vector<16xi32> to vector<16xf32>
        %get3A_668 = arith.index_cast %add3A_652 : i32 to index
        %get3A_669 = arith.constant 16 : index
        %get3A_670 = tpu.vector_load %arg11[%get3A_668, %get3A_669] {strides = array<i32>} : memref<80x64xi32, #tpu.memory_space<vmem>>, vector<16xi32>,
        %get3A_671 = arith.index_cast %add3A_652 : i32 to index
        %get3A_672 = arith.constant 16 : index
        %get3A_673 = tpu.vector_load %arg12[%get3A_671, %get3A_672] {strides = array<i32>} : memref<80x64xi32, #tpu.memory_space<vmem>>, vector<16xi32>,
        %bitcast3A_674 = vector.bitcast %get3A_670 : vector<16xi32> to vector<32xbf16>
        %bitcast3A_675 = vector.bitcast %get3A_673 : vector<16xi32> to vector<32xbf16>
        %mul3A_676 = arith.mulf %bitcast3A_674, %bitcast3A_675 : vector<32xbf16>
        %bitcast3A_677 = vector.bitcast %mul3A_676 : vector<32xbf16> to vector<16xi32>
        %shift_left3A_678 = arith.constant 16 : i32
        %shift_left3A_679 = vector.broadcast %shift_left3A_678 : i32 to vector<16xi32>
        %shift_left3A_680 = arith.shli %bitcast3A_677, %shift_left3A_679 : vector<16xi32>
        %bitcast3A_681 = vector.bitcast %shift_left3A_680 : vector<16xi32> to vector<16xf32>
        %bitcast3A_682 = vector.bitcast %bitcast3A_677 : vector<16xi32> to vector<16xf32>
        %add3A_683 = arith.addf %bitcast3A_666, %bitcast3A_681 : vector<16xf32>
        %add3A_684 = arith.addf %bitcast3A_667, %bitcast3A_682 : vector<16xf32>
        %get3A_685 = arith.index_cast %add3A_652 : i32 to index
        %get3A_686 = arith.constant 32 : index
        %get3A_687 = tpu.vector_load %arg11[%get3A_685, %get3A_686] {strides = array<i32>} : memref<80x64xi32, #tpu.memory_space<vmem>>, vector<16xi32>,
        %get3A_688 = arith.index_cast %add3A_652 : i32 to index
        %get3A_689 = arith.constant 32 : index
        %get3A_690 = tpu.vector_load %arg12[%get3A_688, %get3A_689] {strides = array<i32>} : memref<80x64xi32, #tpu.memory_space<vmem>>, vector<16xi32>,
        %bitcast3A_691 = vector.bitcast %get3A_687 : vector<16xi32> to vector<32xbf16>
        %bitcast3A_692 = vector.bitcast %get3A_690 : vector<16xi32> to vector<32xbf16>
        %mul3A_693 = arith.mulf %bitcast3A_691, %bitcast3A_692 : vector<32xbf16>
        %bitcast3A_694 = vector.bitcast %mul3A_693 : vector<32xbf16> to vector<16xi32>
        %shift_left3A_695 = arith.constant 16 : i32
        %shift_left3A_696 = vector.broadcast %shift_left3A_695 : i32 to vector<16xi32>
        %shift_left3A_697 = arith.shli %bitcast3A_694, %shift_left3A_696 : vector<16xi32>
        %bitcast3A_698 = vector.bitcast %shift_left3A_697 : vector<16xi32> to vector<16xf32>
        %bitcast3A_699 = vector.bitcast %bitcast3A_694 : vector<16xi32> to vector<16xf32>
        %add3A_700 = arith.addf %add3A_683, %bitcast3A_698 : vector<16xf32>
        %add3A_701 = arith.addf %add3A_684, %bitcast3A_699 : vector<16xf32>
        %get3A_702 = arith.index_cast %add3A_652 : i32 to index
        %get3A_703 = arith.constant 48 : index
        %get3A_704 = tpu.vector_load %arg11[%get3A_702, %get3A_703] {strides = array<i32>} : memref<80x64xi32, #tpu.memory_space<vmem>>, vector<16xi32>,
        %get3A_705 = arith.index_cast %add3A_652 : i32 to index
        %get3A_706 = arith.constant 48 : index
        %get3A_707 = tpu.vector_load %arg12[%get3A_705, %get3A_706] {strides = array<i32>} : memref<80x64xi32, #tpu.memory_space<vmem>>, vector<16xi32>,
        %bitcast3A_708 = vector.bitcast %get3A_704 : vector<16xi32> to vector<32xbf16>
        %bitcast3A_709 = vector.bitcast %get3A_707 : vector<16xi32> to vector<32xbf16>
        %mul3A_710 = arith.mulf %bitcast3A_708, %bitcast3A_709 : vector<32xbf16>
        %bitcast3A_711 = vector.bitcast %mul3A_710 : vector<32xbf16> to vector<16xi32>
        %shift_left3A_712 = arith.constant 16 : i32
        %shift_left3A_713 = vector.broadcast %shift_left3A_712 : i32 to vector<16xi32>
        %shift_left3A_714 = arith.shli %bitcast3A_711, %shift_left3A_713 : vector<16xi32>
        %bitcast3A_715 = vector.bitcast %shift_left3A_714 : vector<16xi32> to vector<16xf32>
        %bitcast3A_716 = vector.bitcast %bitcast3A_711 : vector<16xi32> to vector<16xf32>
        %add3A_717 = arith.addf %add3A_700, %bitcast3A_715 : vector<16xf32>
        %add3A_718 = arith.addf %add3A_701, %bitcast3A_716 : vector<16xf32>
        %add3A_719 = arith.addf %add3A_717, %add3A_718 : vector<16xf32>
        %reduce_sum3A_720 = arith.constant true
        %reduce_sum3A_721 = vector.broadcast %reduce_sum3A_720 : i1 to vector<16xi1>
        %reduce_sum3A_722 = tpu.scan <sum>, %add3A_719 masked %reduce_sum3A_721 : vector<16xf32>, vector<16xi1> -> vector<16xf32>
        %reduce_sum3A_723 = vector.extract %reduce_sum3A_722[15] : f32 from vector<16xf32>
        %eq3A_724 = arith.constant 7 : i32
        %eq3A_725 = vector.broadcast %eq3A_724 : i32 to vector<16xi32>
        %eq3A_726 = arith.cmpi eq, %iota3A, %eq3A_725 : vector<16xi32>
        %broadcast_in_dim3A_727 = vector.broadcast %reduce_sum3A_723 : f32 to vector<16xf32>
        %select_n3A_728 = arith.select %eq3A_726, %broadcast_in_dim3A_727, %select_n3A_648 : vector<16xi1>, vector<16xf32>
        %mul3A_729 = arith.constant 16 : i32
        %mul3A_730 = arith.muli %scan3A_93, %mul3A_729 : i32
        %add3A_731 = arith.constant 8 : i32
        %add3A_732 = arith.addi %mul3A_730, %add3A_731 : i32
        %get3A_733 = arith.index_cast %add3A_732 : i32 to index
        %get3A_734 = arith.constant 0 : index
        %get3A_735 = tpu.vector_load %arg11[%get3A_733, %get3A_734] {strides = array<i32>} : memref<80x64xi32, #tpu.memory_space<vmem>>, vector<16xi32>,
        %get3A_736 = arith.index_cast %add3A_732 : i32 to index
        %get3A_737 = arith.constant 0 : index
        %get3A_738 = tpu.vector_load %arg12[%get3A_736, %get3A_737] {strides = array<i32>} : memref<80x64xi32, #tpu.memory_space<vmem>>, vector<16xi32>,
        %bitcast3A_739 = vector.bitcast %get3A_735 : vector<16xi32> to vector<32xbf16>
        %bitcast3A_740 = vector.bitcast %get3A_738 : vector<16xi32> to vector<32xbf16>
        %mul3A_741 = arith.mulf %bitcast3A_739, %bitcast3A_740 : vector<32xbf16>
        %bitcast3A_742 = vector.bitcast %mul3A_741 : vector<32xbf16> to vector<16xi32>
        %shift_left3A_743 = arith.constant 16 : i32
        %shift_left3A_744 = vector.broadcast %shift_left3A_743 : i32 to vector<16xi32>
        %shift_left3A_745 = arith.shli %bitcast3A_742, %shift_left3A_744 : vector<16xi32>
        %bitcast3A_746 = vector.bitcast %shift_left3A_745 : vector<16xi32> to vector<16xf32>
        %bitcast3A_747 = vector.bitcast %bitcast3A_742 : vector<16xi32> to vector<16xf32>
        %get3A_748 = arith.index_cast %add3A_732 : i32 to index
        %get3A_749 = arith.constant 16 : index
        %get3A_750 = tpu.vector_load %arg11[%get3A_748, %get3A_749] {strides = array<i32>} : memref<80x64xi32, #tpu.memory_space<vmem>>, vector<16xi32>,
        %get3A_751 = arith.index_cast %add3A_732 : i32 to index
        %get3A_752 = arith.constant 16 : index
        %get3A_753 = tpu.vector_load %arg12[%get3A_751, %get3A_752] {strides = array<i32>} : memref<80x64xi32, #tpu.memory_space<vmem>>, vector<16xi32>,
        %bitcast3A_754 = vector.bitcast %get3A_750 : vector<16xi32> to vector<32xbf16>
        %bitcast3A_755 = vector.bitcast %get3A_753 : vector<16xi32> to vector<32xbf16>
        %mul3A_756 = arith.mulf %bitcast3A_754, %bitcast3A_755 : vector<32xbf16>
        %bitcast3A_757 = vector.bitcast %mul3A_756 : vector<32xbf16> to vector<16xi32>
        %shift_left3A_758 = arith.constant 16 : i32
        %shift_left3A_759 = vector.broadcast %shift_left3A_758 : i32 to vector<16xi32>
        %shift_left3A_760 = arith.shli %bitcast3A_757, %shift_left3A_759 : vector<16xi32>
        %bitcast3A_761 = vector.bitcast %shift_left3A_760 : vector<16xi32> to vector<16xf32>
        %bitcast3A_762 = vector.bitcast %bitcast3A_757 : vector<16xi32> to vector<16xf32>
        %add3A_763 = arith.addf %bitcast3A_746, %bitcast3A_761 : vector<16xf32>
        %add3A_764 = arith.addf %bitcast3A_747, %bitcast3A_762 : vector<16xf32>
        %get3A_765 = arith.index_cast %add3A_732 : i32 to index
        %get3A_766 = arith.constant 32 : index
        %get3A_767 = tpu.vector_load %arg11[%get3A_765, %get3A_766] {strides = array<i32>} : memref<80x64xi32, #tpu.memory_space<vmem>>, vector<16xi32>,
        %get3A_768 = arith.index_cast %add3A_732 : i32 to index
        %get3A_769 = arith.constant 32 : index
        %get3A_770 = tpu.vector_load %arg12[%get3A_768, %get3A_769] {strides = array<i32>} : memref<80x64xi32, #tpu.memory_space<vmem>>, vector<16xi32>,
        %bitcast3A_771 = vector.bitcast %get3A_767 : vector<16xi32> to vector<32xbf16>
        %bitcast3A_772 = vector.bitcast %get3A_770 : vector<16xi32> to vector<32xbf16>
        %mul3A_773 = arith.mulf %bitcast3A_771, %bitcast3A_772 : vector<32xbf16>
        %bitcast3A_774 = vector.bitcast %mul3A_773 : vector<32xbf16> to vector<16xi32>
        %shift_left3A_775 = arith.constant 16 : i32
        %shift_left3A_776 = vector.broadcast %shift_left3A_775 : i32 to vector<16xi32>
        %shift_left3A_777 = arith.shli %bitcast3A_774, %shift_left3A_776 : vector<16xi32>
        %bitcast3A_778 = vector.bitcast %shift_left3A_777 : vector<16xi32> to vector<16xf32>
        %bitcast3A_779 = vector.bitcast %bitcast3A_774 : vector<16xi32> to vector<16xf32>
        %add3A_780 = arith.addf %add3A_763, %bitcast3A_778 : vector<16xf32>
        %add3A_781 = arith.addf %add3A_764, %bitcast3A_779 : vector<16xf32>
        %get3A_782 = arith.index_cast %add3A_732 : i32 to index
        %get3A_783 = arith.constant 48 : index
        %get3A_784 = tpu.vector_load %arg11[%get3A_782, %get3A_783] {strides = array<i32>} : memref<80x64xi32, #tpu.memory_space<vmem>>, vector<16xi32>,
        %get3A_785 = arith.index_cast %add3A_732 : i32 to index
        %get3A_786 = arith.constant 48 : index
        %get3A_787 = tpu.vector_load %arg12[%get3A_785, %get3A_786] {strides = array<i32>} : memref<80x64xi32, #tpu.memory_space<vmem>>, vector<16xi32>,
        %bitcast3A_788 = vector.bitcast %get3A_784 : vector<16xi32> to vector<32xbf16>
        %bitcast3A_789 = vector.bitcast %get3A_787 : vector<16xi32> to vector<32xbf16>
        %mul3A_790 = arith.mulf %bitcast3A_788, %bitcast3A_789 : vector<32xbf16>
        %bitcast3A_791 = vector.bitcast %mul3A_790 : vector<32xbf16> to vector<16xi32>
        %shift_left3A_792 = arith.constant 16 : i32
        %shift_left3A_793 = vector.broadcast %shift_left3A_792 : i32 to vector<16xi32>
        %shift_left3A_794 = arith.shli %bitcast3A_791, %shift_left3A_793 : vector<16xi32>
        %bitcast3A_795 = vector.bitcast %shift_left3A_794 : vector<16xi32> to vector<16xf32>
        %bitcast3A_796 = vector.bitcast %bitcast3A_791 : vector<16xi32> to vector<16xf32>
        %add3A_797 = arith.addf %add3A_780, %bitcast3A_795 : vector<16xf32>
        %add3A_798 = arith.addf %add3A_781, %bitcast3A_796 : vector<16xf32>
        %add3A_799 = arith.addf %add3A_797, %add3A_798 : vector<16xf32>
        %reduce_sum3A_800 = arith.constant true
        %reduce_sum3A_801 = vector.broadcast %reduce_sum3A_800 : i1 to vector<16xi1>
        %reduce_sum3A_802 = tpu.scan <sum>, %add3A_799 masked %reduce_sum3A_801 : vector<16xf32>, vector<16xi1> -> vector<16xf32>
        %reduce_sum3A_803 = vector.extract %reduce_sum3A_802[15] : f32 from vector<16xf32>
        %eq3A_804 = arith.constant 8 : i32
        %eq3A_805 = vector.broadcast %eq3A_804 : i32 to vector<16xi32>
        %eq3A_806 = arith.cmpi eq, %iota3A, %eq3A_805 : vector<16xi32>
        %broadcast_in_dim3A_807 = vector.broadcast %reduce_sum3A_803 : f32 to vector<16xf32>
        %select_n3A_808 = arith.select %eq3A_806, %broadcast_in_dim3A_807, %select_n3A_728 : vector<16xi1>, vector<16xf32>
        %mul3A_809 = arith.constant 16 : i32
        %mul3A_810 = arith.muli %scan3A_93, %mul3A_809 : i32
        %add3A_811 = arith.constant 9 : i32
        %add3A_812 = arith.addi %mul3A_810, %add3A_811 : i32
        %get3A_813 = arith.index_cast %add3A_812 : i32 to index
        %get3A_814 = arith.constant 0 : index
        %get3A_815 = tpu.vector_load %arg11[%get3A_813, %get3A_814] {strides = array<i32>} : memref<80x64xi32, #tpu.memory_space<vmem>>, vector<16xi32>,
        %get3A_816 = arith.index_cast %add3A_812 : i32 to index
        %get3A_817 = arith.constant 0 : index
        %get3A_818 = tpu.vector_load %arg12[%get3A_816, %get3A_817] {strides = array<i32>} : memref<80x64xi32, #tpu.memory_space<vmem>>, vector<16xi32>,
        %bitcast3A_819 = vector.bitcast %get3A_815 : vector<16xi32> to vector<32xbf16>
        %bitcast3A_820 = vector.bitcast %get3A_818 : vector<16xi32> to vector<32xbf16>
        %mul3A_821 = arith.mulf %bitcast3A_819, %bitcast3A_820 : vector<32xbf16>
        %bitcast3A_822 = vector.bitcast %mul3A_821 : vector<32xbf16> to vector<16xi32>
        %shift_left3A_823 = arith.constant 16 : i32
        %shift_left3A_824 = vector.broadcast %shift_left3A_823 : i32 to vector<16xi32>
        %shift_left3A_825 = arith.shli %bitcast3A_822, %shift_left3A_824 : vector<16xi32>
        %bitcast3A_826 = vector.bitcast %shift_left3A_825 : vector<16xi32> to vector<16xf32>
        %bitcast3A_827 = vector.bitcast %bitcast3A_822 : vector<16xi32> to vector<16xf32>
        %get3A_828 = arith.index_cast %add3A_812 : i32 to index
        %get3A_829 = arith.constant 16 : index
        %get3A_830 = tpu.vector_load %arg11[%get3A_828, %get3A_829] {strides = array<i32>} : memref<80x64xi32, #tpu.memory_space<vmem>>, vector<16xi32>,
        %get3A_831 = arith.index_cast %add3A_812 : i32 to index
        %get3A_832 = arith.constant 16 : index
        %get3A_833 = tpu.vector_load %arg12[%get3A_831, %get3A_832] {strides = array<i32>} : memref<80x64xi32, #tpu.memory_space<vmem>>, vector<16xi32>,
        %bitcast3A_834 = vector.bitcast %get3A_830 : vector<16xi32> to vector<32xbf16>
        %bitcast3A_835 = vector.bitcast %get3A_833 : vector<16xi32> to vector<32xbf16>
        %mul3A_836 = arith.mulf %bitcast3A_834, %bitcast3A_835 : vector<32xbf16>
        %bitcast3A_837 = vector.bitcast %mul3A_836 : vector<32xbf16> to vector<16xi32>
        %shift_left3A_838 = arith.constant 16 : i32
        %shift_left3A_839 = vector.broadcast %shift_left3A_838 : i32 to vector<16xi32>
        %shift_left3A_840 = arith.shli %bitcast3A_837, %shift_left3A_839 : vector<16xi32>
        %bitcast3A_841 = vector.bitcast %shift_left3A_840 : vector<16xi32> to vector<16xf32>
        %bitcast3A_842 = vector.bitcast %bitcast3A_837 : vector<16xi32> to vector<16xf32>
        %add3A_843 = arith.addf %bitcast3A_826, %bitcast3A_841 : vector<16xf32>
        %add3A_844 = arith.addf %bitcast3A_827, %bitcast3A_842 : vector<16xf32>
        %get3A_845 = arith.index_cast %add3A_812 : i32 to index
        %get3A_846 = arith.constant 32 : index
        %get3A_847 = tpu.vector_load %arg11[%get3A_845, %get3A_846] {strides = array<i32>} : memref<80x64xi32, #tpu.memory_space<vmem>>, vector<16xi32>,
        %get3A_848 = arith.index_cast %add3A_812 : i32 to index
        %get3A_849 = arith.constant 32 : index
        %get3A_850 = tpu.vector_load %arg12[%get3A_848, %get3A_849] {strides = array<i32>} : memref<80x64xi32, #tpu.memory_space<vmem>>, vector<16xi32>,
        %bitcast3A_851 = vector.bitcast %get3A_847 : vector<16xi32> to vector<32xbf16>
        %bitcast3A_852 = vector.bitcast %get3A_850 : vector<16xi32> to vector<32xbf16>
        %mul3A_853 = arith.mulf %bitcast3A_851, %bitcast3A_852 : vector<32xbf16>
        %bitcast3A_854 = vector.bitcast %mul3A_853 : vector<32xbf16> to vector<16xi32>
        %shift_left3A_855 = arith.constant 16 : i32
        %shift_left3A_856 = vector.broadcast %shift_left3A_855 : i32 to vector<16xi32>
        %shift_left3A_857 = arith.shli %bitcast3A_854, %shift_left3A_856 : vector<16xi32>
        %bitcast3A_858 = vector.bitcast %shift_left3A_857 : vector<16xi32> to vector<16xf32>
        %bitcast3A_859 = vector.bitcast %bitcast3A_854 : vector<16xi32> to vector<16xf32>
        %add3A_860 = arith.addf %add3A_843, %bitcast3A_858 : vector<16xf32>
        %add3A_861 = arith.addf %add3A_844, %bitcast3A_859 : vector<16xf32>
        %get3A_862 = arith.index_cast %add3A_812 : i32 to index
        %get3A_863 = arith.constant 48 : index
        %get3A_864 = tpu.vector_load %arg11[%get3A_862, %get3A_863] {strides = array<i32>} : memref<80x64xi32, #tpu.memory_space<vmem>>, vector<16xi32>,
        %get3A_865 = arith.index_cast %add3A_812 : i32 to index
        %get3A_866 = arith.constant 48 : index
        %get3A_867 = tpu.vector_load %arg12[%get3A_865, %get3A_866] {strides = array<i32>} : memref<80x64xi32, #tpu.memory_space<vmem>>, vector<16xi32>,
        %bitcast3A_868 = vector.bitcast %get3A_864 : vector<16xi32> to vector<32xbf16>
        %bitcast3A_869 = vector.bitcast %get3A_867 : vector<16xi32> to vector<32xbf16>
        %mul3A_870 = arith.mulf %bitcast3A_868, %bitcast3A_869 : vector<32xbf16>
        %bitcast3A_871 = vector.bitcast %mul3A_870 : vector<32xbf16> to vector<16xi32>
        %shift_left3A_872 = arith.constant 16 : i32
        %shift_left3A_873 = vector.broadcast %shift_left3A_872 : i32 to vector<16xi32>
        %shift_left3A_874 = arith.shli %bitcast3A_871, %shift_left3A_873 : vector<16xi32>
        %bitcast3A_875 = vector.bitcast %shift_left3A_874 : vector<16xi32> to vector<16xf32>
        %bitcast3A_876 = vector.bitcast %bitcast3A_871 : vector<16xi32> to vector<16xf32>
        %add3A_877 = arith.addf %add3A_860, %bitcast3A_875 : vector<16xf32>
        %add3A_878 = arith.addf %add3A_861, %bitcast3A_876 : vector<16xf32>
        %add3A_879 = arith.addf %add3A_877, %add3A_878 : vector<16xf32>
        %reduce_sum3A_880 = arith.constant true
        %reduce_sum3A_881 = vector.broadcast %reduce_sum3A_880 : i1 to vector<16xi1>
        %reduce_sum3A_882 = tpu.scan <sum>, %add3A_879 masked %reduce_sum3A_881 : vector<16xf32>, vector<16xi1> -> vector<16xf32>
        %reduce_sum3A_883 = vector.extract %reduce_sum3A_882[15] : f32 from vector<16xf32>
        %eq3A_884 = arith.constant 9 : i32
        %eq3A_885 = vector.broadcast %eq3A_884 : i32 to vector<16xi32>
        %eq3A_886 = arith.cmpi eq, %iota3A, %eq3A_885 : vector<16xi32>
        %broadcast_in_dim3A_887 = vector.broadcast %reduce_sum3A_883 : f32 to vector<16xf32>
        %select_n3A_888 = arith.select %eq3A_886, %broadcast_in_dim3A_887, %select_n3A_808 : vector<16xi1>, vector<16xf32>
        %mul3A_889 = arith.constant 16 : i32
        %mul3A_890 = arith.muli %scan3A_93, %mul3A_889 : i32
        %add3A_891 = arith.constant 10 : i32
        %add3A_892 = arith.addi %mul3A_890, %add3A_891 : i32
        %get3A_893 = arith.index_cast %add3A_892 : i32 to index
        %get3A_894 = arith.constant 0 : index
        %get3A_895 = tpu.vector_load %arg11[%get3A_893, %get3A_894] {strides = array<i32>} : memref<80x64xi32, #tpu.memory_space<vmem>>, vector<16xi32>,
        %get3A_896 = arith.index_cast %add3A_892 : i32 to index
        %get3A_897 = arith.constant 0 : index
        %get3A_898 = tpu.vector_load %arg12[%get3A_896, %get3A_897] {strides = array<i32>} : memref<80x64xi32, #tpu.memory_space<vmem>>, vector<16xi32>,
        %bitcast3A_899 = vector.bitcast %get3A_895 : vector<16xi32> to vector<32xbf16>
        %bitcast3A_900 = vector.bitcast %get3A_898 : vector<16xi32> to vector<32xbf16>
        %mul3A_901 = arith.mulf %bitcast3A_899, %bitcast3A_900 : vector<32xbf16>
        %bitcast3A_902 = vector.bitcast %mul3A_901 : vector<32xbf16> to vector<16xi32>
        %shift_left3A_903 = arith.constant 16 : i32
        %shift_left3A_904 = vector.broadcast %shift_left3A_903 : i32 to vector<16xi32>
        %shift_left3A_905 = arith.shli %bitcast3A_902, %shift_left3A_904 : vector<16xi32>
        %bitcast3A_906 = vector.bitcast %shift_left3A_905 : vector<16xi32> to vector<16xf32>
        %bitcast3A_907 = vector.bitcast %bitcast3A_902 : vector<16xi32> to vector<16xf32>
        %get3A_908 = arith.index_cast %add3A_892 : i32 to index
        %get3A_909 = arith.constant 16 : index
        %get3A_910 = tpu.vector_load %arg11[%get3A_908, %get3A_909] {strides = array<i32>} : memref<80x64xi32, #tpu.memory_space<vmem>>, vector<16xi32>,
        %get3A_911 = arith.index_cast %add3A_892 : i32 to index
        %get3A_912 = arith.constant 16 : index
        %get3A_913 = tpu.vector_load %arg12[%get3A_911, %get3A_912] {strides = array<i32>} : memref<80x64xi32, #tpu.memory_space<vmem>>, vector<16xi32>,
        %bitcast3A_914 = vector.bitcast %get3A_910 : vector<16xi32> to vector<32xbf16>
        %bitcast3A_915 = vector.bitcast %get3A_913 : vector<16xi32> to vector<32xbf16>
        %mul3A_916 = arith.mulf %bitcast3A_914, %bitcast3A_915 : vector<32xbf16>
        %bitcast3A_917 = vector.bitcast %mul3A_916 : vector<32xbf16> to vector<16xi32>
        %shift_left3A_918 = arith.constant 16 : i32
        %shift_left3A_919 = vector.broadcast %shift_left3A_918 : i32 to vector<16xi32>
        %shift_left3A_920 = arith.shli %bitcast3A_917, %shift_left3A_919 : vector<16xi32>
        %bitcast3A_921 = vector.bitcast %shift_left3A_920 : vector<16xi32> to vector<16xf32>
        %bitcast3A_922 = vector.bitcast %bitcast3A_917 : vector<16xi32> to vector<16xf32>
        %add3A_923 = arith.addf %bitcast3A_906, %bitcast3A_921 : vector<16xf32>
        %add3A_924 = arith.addf %bitcast3A_907, %bitcast3A_922 : vector<16xf32>
        %get3A_925 = arith.index_cast %add3A_892 : i32 to index
        %get3A_926 = arith.constant 32 : index
        %get3A_927 = tpu.vector_load %arg11[%get3A_925, %get3A_926] {strides = array<i32>} : memref<80x64xi32, #tpu.memory_space<vmem>>, vector<16xi32>,
        %get3A_928 = arith.index_cast %add3A_892 : i32 to index
        %get3A_929 = arith.constant 32 : index
        %get3A_930 = tpu.vector_load %arg12[%get3A_928, %get3A_929] {strides = array<i32>} : memref<80x64xi32, #tpu.memory_space<vmem>>, vector<16xi32>,
        %bitcast3A_931 = vector.bitcast %get3A_927 : vector<16xi32> to vector<32xbf16>
        %bitcast3A_932 = vector.bitcast %get3A_930 : vector<16xi32> to vector<32xbf16>
        %mul3A_933 = arith.mulf %bitcast3A_931, %bitcast3A_932 : vector<32xbf16>
        %bitcast3A_934 = vector.bitcast %mul3A_933 : vector<32xbf16> to vector<16xi32>
        %shift_left3A_935 = arith.constant 16 : i32
        %shift_left3A_936 = vector.broadcast %shift_left3A_935 : i32 to vector<16xi32>
        %shift_left3A_937 = arith.shli %bitcast3A_934, %shift_left3A_936 : vector<16xi32>
        %bitcast3A_938 = vector.bitcast %shift_left3A_937 : vector<16xi32> to vector<16xf32>
        %bitcast3A_939 = vector.bitcast %bitcast3A_934 : vector<16xi32> to vector<16xf32>
        %add3A_940 = arith.addf %add3A_923, %bitcast3A_938 : vector<16xf32>
        %add3A_941 = arith.addf %add3A_924, %bitcast3A_939 : vector<16xf32>
        %get3A_942 = arith.index_cast %add3A_892 : i32 to index
        %get3A_943 = arith.constant 48 : index
        %get3A_944 = tpu.vector_load %arg11[%get3A_942, %get3A_943] {strides = array<i32>} : memref<80x64xi32, #tpu.memory_space<vmem>>, vector<16xi32>,
        %get3A_945 = arith.index_cast %add3A_892 : i32 to index
        %get3A_946 = arith.constant 48 : index
        %get3A_947 = tpu.vector_load %arg12[%get3A_945, %get3A_946] {strides = array<i32>} : memref<80x64xi32, #tpu.memory_space<vmem>>, vector<16xi32>,
        %bitcast3A_948 = vector.bitcast %get3A_944 : vector<16xi32> to vector<32xbf16>
        %bitcast3A_949 = vector.bitcast %get3A_947 : vector<16xi32> to vector<32xbf16>
        %mul3A_950 = arith.mulf %bitcast3A_948, %bitcast3A_949 : vector<32xbf16>
        %bitcast3A_951 = vector.bitcast %mul3A_950 : vector<32xbf16> to vector<16xi32>
        %shift_left3A_952 = arith.constant 16 : i32
        %shift_left3A_953 = vector.broadcast %shift_left3A_952 : i32 to vector<16xi32>
        %shift_left3A_954 = arith.shli %bitcast3A_951, %shift_left3A_953 : vector<16xi32>
        %bitcast3A_955 = vector.bitcast %shift_left3A_954 : vector<16xi32> to vector<16xf32>
        %bitcast3A_956 = vector.bitcast %bitcast3A_951 : vector<16xi32> to vector<16xf32>
        %add3A_957 = arith.addf %add3A_940, %bitcast3A_955 : vector<16xf32>
        %add3A_958 = arith.addf %add3A_941, %bitcast3A_956 : vector<16xf32>
        %add3A_959 = arith.addf %add3A_957, %add3A_958 : vector<16xf32>
        %reduce_sum3A_960 = arith.constant true
        %reduce_sum3A_961 = vector.broadcast %reduce_sum3A_960 : i1 to vector<16xi1>
        %reduce_sum3A_962 = tpu.scan <sum>, %add3A_959 masked %reduce_sum3A_961 : vector<16xf32>, vector<16xi1> -> vector<16xf32>
        %reduce_sum3A_963 = vector.extract %reduce_sum3A_962[15] : f32 from vector<16xf32>
        %eq3A_964 = arith.constant 10 : i32
        %eq3A_965 = vector.broadcast %eq3A_964 : i32 to vector<16xi32>
        %eq3A_966 = arith.cmpi eq, %iota3A, %eq3A_965 : vector<16xi32>
        %broadcast_in_dim3A_967 = vector.broadcast %reduce_sum3A_963 : f32 to vector<16xf32>
        %select_n3A_968 = arith.select %eq3A_966, %broadcast_in_dim3A_967, %select_n3A_888 : vector<16xi1>, vector<16xf32>
        %mul3A_969 = arith.constant 16 : i32
        %mul3A_970 = arith.muli %scan3A_93, %mul3A_969 : i32
        %add3A_971 = arith.constant 11 : i32
        %add3A_972 = arith.addi %mul3A_970, %add3A_971 : i32
        %get3A_973 = arith.index_cast %add3A_972 : i32 to index
        %get3A_974 = arith.constant 0 : index
        %get3A_975 = tpu.vector_load %arg11[%get3A_973, %get3A_974] {strides = array<i32>} : memref<80x64xi32, #tpu.memory_space<vmem>>, vector<16xi32>,
        %get3A_976 = arith.index_cast %add3A_972 : i32 to index
        %get3A_977 = arith.constant 0 : index
        %get3A_978 = tpu.vector_load %arg12[%get3A_976, %get3A_977] {strides = array<i32>} : memref<80x64xi32, #tpu.memory_space<vmem>>, vector<16xi32>,
        %bitcast3A_979 = vector.bitcast %get3A_975 : vector<16xi32> to vector<32xbf16>
        %bitcast3A_980 = vector.bitcast %get3A_978 : vector<16xi32> to vector<32xbf16>
        %mul3A_981 = arith.mulf %bitcast3A_979, %bitcast3A_980 : vector<32xbf16>
        %bitcast3A_982 = vector.bitcast %mul3A_981 : vector<32xbf16> to vector<16xi32>
        %shift_left3A_983 = arith.constant 16 : i32
        %shift_left3A_984 = vector.broadcast %shift_left3A_983 : i32 to vector<16xi32>
        %shift_left3A_985 = arith.shli %bitcast3A_982, %shift_left3A_984 : vector<16xi32>
        %bitcast3A_986 = vector.bitcast %shift_left3A_985 : vector<16xi32> to vector<16xf32>
        %bitcast3A_987 = vector.bitcast %bitcast3A_982 : vector<16xi32> to vector<16xf32>
        %get3A_988 = arith.index_cast %add3A_972 : i32 to index
        %get3A_989 = arith.constant 16 : index
        %get3A_990 = tpu.vector_load %arg11[%get3A_988, %get3A_989] {strides = array<i32>} : memref<80x64xi32, #tpu.memory_space<vmem>>, vector<16xi32>,
        %get3A_991 = arith.index_cast %add3A_972 : i32 to index
        %get3A_992 = arith.constant 16 : index
        %get3A_993 = tpu.vector_load %arg12[%get3A_991, %get3A_992] {strides = array<i32>} : memref<80x64xi32, #tpu.memory_space<vmem>>, vector<16xi32>,
        %bitcast3A_994 = vector.bitcast %get3A_990 : vector<16xi32> to vector<32xbf16>
        %bitcast3A_995 = vector.bitcast %get3A_993 : vector<16xi32> to vector<32xbf16>
        %mul3A_996 = arith.mulf %bitcast3A_994, %bitcast3A_995 : vector<32xbf16>
        %bitcast3A_997 = vector.bitcast %mul3A_996 : vector<32xbf16> to vector<16xi32>
        %shift_left3A_998 = arith.constant 16 : i32
        %shift_left3A_999 = vector.broadcast %shift_left3A_998 : i32 to vector<16xi32>
        %shift_left3A_1000 = arith.shli %bitcast3A_997, %shift_left3A_999 : vector<16xi32>
        %bitcast3A_1001 = vector.bitcast %shift_left3A_1000 : vector<16xi32> to vector<16xf32>
        %bitcast3A_1002 = vector.bitcast %bitcast3A_997 : vector<16xi32> to vector<16xf32>
        %add3A_1003 = arith.addf %bitcast3A_986, %bitcast3A_1001 : vector<16xf32>
        %add3A_1004 = arith.addf %bitcast3A_987, %bitcast3A_1002 : vector<16xf32>
        %get3A_1005 = arith.index_cast %add3A_972 : i32 to index
        %get3A_1006 = arith.constant 32 : index
        %get3A_1007 = tpu.vector_load %arg11[%get3A_1005, %get3A_1006] {strides = array<i32>} : memref<80x64xi32, #tpu.memory_space<vmem>>, vector<16xi32>,
        %get3A_1008 = arith.index_cast %add3A_972 : i32 to index
        %get3A_1009 = arith.constant 32 : index
        %get3A_1010 = tpu.vector_load %arg12[%get3A_1008, %get3A_1009] {strides = array<i32>} : memref<80x64xi32, #tpu.memory_space<vmem>>, vector<16xi32>,
        %bitcast3A_1011 = vector.bitcast %get3A_1007 : vector<16xi32> to vector<32xbf16>
        %bitcast3A_1012 = vector.bitcast %get3A_1010 : vector<16xi32> to vector<32xbf16>
        %mul3A_1013 = arith.mulf %bitcast3A_1011, %bitcast3A_1012 : vector<32xbf16>
        %bitcast3A_1014 = vector.bitcast %mul3A_1013 : vector<32xbf16> to vector<16xi32>
        %shift_left3A_1015 = arith.constant 16 : i32
        %shift_left3A_1016 = vector.broadcast %shift_left3A_1015 : i32 to vector<16xi32>
        %shift_left3A_1017 = arith.shli %bitcast3A_1014, %shift_left3A_1016 : vector<16xi32>
        %bitcast3A_1018 = vector.bitcast %shift_left3A_1017 : vector<16xi32> to vector<16xf32>
        %bitcast3A_1019 = vector.bitcast %bitcast3A_1014 : vector<16xi32> to vector<16xf32>
        %add3A_1020 = arith.addf %add3A_1003, %bitcast3A_1018 : vector<16xf32>
        %add3A_1021 = arith.addf %add3A_1004, %bitcast3A_1019 : vector<16xf32>
        %get3A_1022 = arith.index_cast %add3A_972 : i32 to index
        %get3A_1023 = arith.constant 48 : index
        %get3A_1024 = tpu.vector_load %arg11[%get3A_1022, %get3A_1023] {strides = array<i32>} : memref<80x64xi32, #tpu.memory_space<vmem>>, vector<16xi32>,
        %get3A_1025 = arith.index_cast %add3A_972 : i32 to index
        %get3A_1026 = arith.constant 48 : index
        %get3A_1027 = tpu.vector_load %arg12[%get3A_1025, %get3A_1026] {strides = array<i32>} : memref<80x64xi32, #tpu.memory_space<vmem>>, vector<16xi32>,
        %bitcast3A_1028 = vector.bitcast %get3A_1024 : vector<16xi32> to vector<32xbf16>
        %bitcast3A_1029 = vector.bitcast %get3A_1027 : vector<16xi32> to vector<32xbf16>
        %mul3A_1030 = arith.mulf %bitcast3A_1028, %bitcast3A_1029 : vector<32xbf16>
        %bitcast3A_1031 = vector.bitcast %mul3A_1030 : vector<32xbf16> to vector<16xi32>
        %shift_left3A_1032 = arith.constant 16 : i32
        %shift_left3A_1033 = vector.broadcast %shift_left3A_1032 : i32 to vector<16xi32>
        %shift_left3A_1034 = arith.shli %bitcast3A_1031, %shift_left3A_1033 : vector<16xi32>
        %bitcast3A_1035 = vector.bitcast %shift_left3A_1034 : vector<16xi32> to vector<16xf32>
        %bitcast3A_1036 = vector.bitcast %bitcast3A_1031 : vector<16xi32> to vector<16xf32>
        %add3A_1037 = arith.addf %add3A_1020, %bitcast3A_1035 : vector<16xf32>
        %add3A_1038 = arith.addf %add3A_1021, %bitcast3A_1036 : vector<16xf32>
        %add3A_1039 = arith.addf %add3A_1037, %add3A_1038 : vector<16xf32>
        %reduce_sum3A_1040 = arith.constant true
        %reduce_sum3A_1041 = vector.broadcast %reduce_sum3A_1040 : i1 to vector<16xi1>
        %reduce_sum3A_1042 = tpu.scan <sum>, %add3A_1039 masked %reduce_sum3A_1041 : vector<16xf32>, vector<16xi1> -> vector<16xf32>
        %reduce_sum3A_1043 = vector.extract %reduce_sum3A_1042[15] : f32 from vector<16xf32>
        %eq3A_1044 = arith.constant 11 : i32
        %eq3A_1045 = vector.broadcast %eq3A_1044 : i32 to vector<16xi32>
        %eq3A_1046 = arith.cmpi eq, %iota3A, %eq3A_1045 : vector<16xi32>
        %broadcast_in_dim3A_1047 = vector.broadcast %reduce_sum3A_1043 : f32 to vector<16xf32>
        %select_n3A_1048 = arith.select %eq3A_1046, %broadcast_in_dim3A_1047, %select_n3A_968 : vector<16xi1>, vector<16xf32>
        %mul3A_1049 = arith.constant 16 : i32
        %mul3A_1050 = arith.muli %scan3A_93, %mul3A_1049 : i32
        %add3A_1051 = arith.constant 12 : i32
        %add3A_1052 = arith.addi %mul3A_1050, %add3A_1051 : i32
        %get3A_1053 = arith.index_cast %add3A_1052 : i32 to index
        %get3A_1054 = arith.constant 0 : index
        %get3A_1055 = tpu.vector_load %arg11[%get3A_1053, %get3A_1054] {strides = array<i32>} : memref<80x64xi32, #tpu.memory_space<vmem>>, vector<16xi32>,
        %get3A_1056 = arith.index_cast %add3A_1052 : i32 to index
        %get3A_1057 = arith.constant 0 : index
        %get3A_1058 = tpu.vector_load %arg12[%get3A_1056, %get3A_1057] {strides = array<i32>} : memref<80x64xi32, #tpu.memory_space<vmem>>, vector<16xi32>,
        %bitcast3A_1059 = vector.bitcast %get3A_1055 : vector<16xi32> to vector<32xbf16>
        %bitcast3A_1060 = vector.bitcast %get3A_1058 : vector<16xi32> to vector<32xbf16>
        %mul3A_1061 = arith.mulf %bitcast3A_1059, %bitcast3A_1060 : vector<32xbf16>
        %bitcast3A_1062 = vector.bitcast %mul3A_1061 : vector<32xbf16> to vector<16xi32>
        %shift_left3A_1063 = arith.constant 16 : i32
        %shift_left3A_1064 = vector.broadcast %shift_left3A_1063 : i32 to vector<16xi32>
        %shift_left3A_1065 = arith.shli %bitcast3A_1062, %shift_left3A_1064 : vector<16xi32>
        %bitcast3A_1066 = vector.bitcast %shift_left3A_1065 : vector<16xi32> to vector<16xf32>
        %bitcast3A_1067 = vector.bitcast %bitcast3A_1062 : vector<16xi32> to vector<16xf32>
        %get3A_1068 = arith.index_cast %add3A_1052 : i32 to index
        %get3A_1069 = arith.constant 16 : index
        %get3A_1070 = tpu.vector_load %arg11[%get3A_1068, %get3A_1069] {strides = array<i32>} : memref<80x64xi32, #tpu.memory_space<vmem>>, vector<16xi32>,
        %get3A_1071 = arith.index_cast %add3A_1052 : i32 to index
        %get3A_1072 = arith.constant 16 : index
        %get3A_1073 = tpu.vector_load %arg12[%get3A_1071, %get3A_1072] {strides = array<i32>} : memref<80x64xi32, #tpu.memory_space<vmem>>, vector<16xi32>,
        %bitcast3A_1074 = vector.bitcast %get3A_1070 : vector<16xi32> to vector<32xbf16>
        %bitcast3A_1075 = vector.bitcast %get3A_1073 : vector<16xi32> to vector<32xbf16>
        %mul3A_1076 = arith.mulf %bitcast3A_1074, %bitcast3A_1075 : vector<32xbf16>
        %bitcast3A_1077 = vector.bitcast %mul3A_1076 : vector<32xbf16> to vector<16xi32>
        %shift_left3A_1078 = arith.constant 16 : i32
        %shift_left3A_1079 = vector.broadcast %shift_left3A_1078 : i32 to vector<16xi32>
        %shift_left3A_1080 = arith.shli %bitcast3A_1077, %shift_left3A_1079 : vector<16xi32>
        %bitcast3A_1081 = vector.bitcast %shift_left3A_1080 : vector<16xi32> to vector<16xf32>
        %bitcast3A_1082 = vector.bitcast %bitcast3A_1077 : vector<16xi32> to vector<16xf32>
        %add3A_1083 = arith.addf %bitcast3A_1066, %bitcast3A_1081 : vector<16xf32>
        %add3A_1084 = arith.addf %bitcast3A_1067, %bitcast3A_1082 : vector<16xf32>
        %get3A_1085 = arith.index_cast %add3A_1052 : i32 to index
        %get3A_1086 = arith.constant 32 : index
        %get3A_1087 = tpu.vector_load %arg11[%get3A_1085, %get3A_1086] {strides = array<i32>} : memref<80x64xi32, #tpu.memory_space<vmem>>, vector<16xi32>,
        %get3A_1088 = arith.index_cast %add3A_1052 : i32 to index
        %get3A_1089 = arith.constant 32 : index
        %get3A_1090 = tpu.vector_load %arg12[%get3A_1088, %get3A_1089] {strides = array<i32>} : memref<80x64xi32, #tpu.memory_space<vmem>>, vector<16xi32>,
        %bitcast3A_1091 = vector.bitcast %get3A_1087 : vector<16xi32> to vector<32xbf16>
        %bitcast3A_1092 = vector.bitcast %get3A_1090 : vector<16xi32> to vector<32xbf16>
        %mul3A_1093 = arith.mulf %bitcast3A_1091, %bitcast3A_1092 : vector<32xbf16>
        %bitcast3A_1094 = vector.bitcast %mul3A_1093 : vector<32xbf16> to vector<16xi32>
        %shift_left3A_1095 = arith.constant 16 : i32
        %shift_left3A_1096 = vector.broadcast %shift_left3A_1095 : i32 to vector<16xi32>
        %shift_left3A_1097 = arith.shli %bitcast3A_1094, %shift_left3A_1096 : vector<16xi32>
        %bitcast3A_1098 = vector.bitcast %shift_left3A_1097 : vector<16xi32> to vector<16xf32>
        %bitcast3A_1099 = vector.bitcast %bitcast3A_1094 : vector<16xi32> to vector<16xf32>
        %add3A_1100 = arith.addf %add3A_1083, %bitcast3A_1098 : vector<16xf32>
        %add3A_1101 = arith.addf %add3A_1084, %bitcast3A_1099 : vector<16xf32>
        %get3A_1102 = arith.index_cast %add3A_1052 : i32 to index
        %get3A_1103 = arith.constant 48 : index
        %get3A_1104 = tpu.vector_load %arg11[%get3A_1102, %get3A_1103] {strides = array<i32>} : memref<80x64xi32, #tpu.memory_space<vmem>>, vector<16xi32>,
        %get3A_1105 = arith.index_cast %add3A_1052 : i32 to index
        %get3A_1106 = arith.constant 48 : index
        %get3A_1107 = tpu.vector_load %arg12[%get3A_1105, %get3A_1106] {strides = array<i32>} : memref<80x64xi32, #tpu.memory_space<vmem>>, vector<16xi32>,
        %bitcast3A_1108 = vector.bitcast %get3A_1104 : vector<16xi32> to vector<32xbf16>
        %bitcast3A_1109 = vector.bitcast %get3A_1107 : vector<16xi32> to vector<32xbf16>
        %mul3A_1110 = arith.mulf %bitcast3A_1108, %bitcast3A_1109 : vector<32xbf16>
        %bitcast3A_1111 = vector.bitcast %mul3A_1110 : vector<32xbf16> to vector<16xi32>
        %shift_left3A_1112 = arith.constant 16 : i32
        %shift_left3A_1113 = vector.broadcast %shift_left3A_1112 : i32 to vector<16xi32>
        %shift_left3A_1114 = arith.shli %bitcast3A_1111, %shift_left3A_1113 : vector<16xi32>
        %bitcast3A_1115 = vector.bitcast %shift_left3A_1114 : vector<16xi32> to vector<16xf32>
        %bitcast3A_1116 = vector.bitcast %bitcast3A_1111 : vector<16xi32> to vector<16xf32>
        %add3A_1117 = arith.addf %add3A_1100, %bitcast3A_1115 : vector<16xf32>
        %add3A_1118 = arith.addf %add3A_1101, %bitcast3A_1116 : vector<16xf32>
        %add3A_1119 = arith.addf %add3A_1117, %add3A_1118 : vector<16xf32>
        %reduce_sum3A_1120 = arith.constant true
        %reduce_sum3A_1121 = vector.broadcast %reduce_sum3A_1120 : i1 to vector<16xi1>
        %reduce_sum3A_1122 = tpu.scan <sum>, %add3A_1119 masked %reduce_sum3A_1121 : vector<16xf32>, vector<16xi1> -> vector<16xf32>
        %reduce_sum3A_1123 = vector.extract %reduce_sum3A_1122[15] : f32 from vector<16xf32>
        %eq3A_1124 = arith.constant 12 : i32
        %eq3A_1125 = vector.broadcast %eq3A_1124 : i32 to vector<16xi32>
        %eq3A_1126 = arith.cmpi eq, %iota3A, %eq3A_1125 : vector<16xi32>
        %broadcast_in_dim3A_1127 = vector.broadcast %reduce_sum3A_1123 : f32 to vector<16xf32>
        %select_n3A_1128 = arith.select %eq3A_1126, %broadcast_in_dim3A_1127, %select_n3A_1048 : vector<16xi1>, vector<16xf32>
        %mul3A_1129 = arith.constant 16 : i32
        %mul3A_1130 = arith.muli %scan3A_93, %mul3A_1129 : i32
        %add3A_1131 = arith.constant 13 : i32
        %add3A_1132 = arith.addi %mul3A_1130, %add3A_1131 : i32
        %get3A_1133 = arith.index_cast %add3A_1132 : i32 to index
        %get3A_1134 = arith.constant 0 : index
        %get3A_1135 = tpu.vector_load %arg11[%get3A_1133, %get3A_1134] {strides = array<i32>} : memref<80x64xi32, #tpu.memory_space<vmem>>, vector<16xi32>,
        %get3A_1136 = arith.index_cast %add3A_1132 : i32 to index
        %get3A_1137 = arith.constant 0 : index
        %get3A_1138 = tpu.vector_load %arg12[%get3A_1136, %get3A_1137] {strides = array<i32>} : memref<80x64xi32, #tpu.memory_space<vmem>>, vector<16xi32>,
        %bitcast3A_1139 = vector.bitcast %get3A_1135 : vector<16xi32> to vector<32xbf16>
        %bitcast3A_1140 = vector.bitcast %get3A_1138 : vector<16xi32> to vector<32xbf16>
        %mul3A_1141 = arith.mulf %bitcast3A_1139, %bitcast3A_1140 : vector<32xbf16>
        %bitcast3A_1142 = vector.bitcast %mul3A_1141 : vector<32xbf16> to vector<16xi32>
        %shift_left3A_1143 = arith.constant 16 : i32
        %shift_left3A_1144 = vector.broadcast %shift_left3A_1143 : i32 to vector<16xi32>
        %shift_left3A_1145 = arith.shli %bitcast3A_1142, %shift_left3A_1144 : vector<16xi32>
        %bitcast3A_1146 = vector.bitcast %shift_left3A_1145 : vector<16xi32> to vector<16xf32>
        %bitcast3A_1147 = vector.bitcast %bitcast3A_1142 : vector<16xi32> to vector<16xf32>
        %get3A_1148 = arith.index_cast %add3A_1132 : i32 to index
        %get3A_1149 = arith.constant 16 : index
        %get3A_1150 = tpu.vector_load %arg11[%get3A_1148, %get3A_1149] {strides = array<i32>} : memref<80x64xi32, #tpu.memory_space<vmem>>, vector<16xi32>,
        %get3A_1151 = arith.index_cast %add3A_1132 : i32 to index
        %get3A_1152 = arith.constant 16 : index
        %get3A_1153 = tpu.vector_load %arg12[%get3A_1151, %get3A_1152] {strides = array<i32>} : memref<80x64xi32, #tpu.memory_space<vmem>>, vector<16xi32>,
        %bitcast3A_1154 = vector.bitcast %get3A_1150 : vector<16xi32> to vector<32xbf16>
        %bitcast3A_1155 = vector.bitcast %get3A_1153 : vector<16xi32> to vector<32xbf16>
        %mul3A_1156 = arith.mulf %bitcast3A_1154, %bitcast3A_1155 : vector<32xbf16>
        %bitcast3A_1157 = vector.bitcast %mul3A_1156 : vector<32xbf16> to vector<16xi32>
        %shift_left3A_1158 = arith.constant 16 : i32
        %shift_left3A_1159 = vector.broadcast %shift_left3A_1158 : i32 to vector<16xi32>
        %shift_left3A_1160 = arith.shli %bitcast3A_1157, %shift_left3A_1159 : vector<16xi32>
        %bitcast3A_1161 = vector.bitcast %shift_left3A_1160 : vector<16xi32> to vector<16xf32>
        %bitcast3A_1162 = vector.bitcast %bitcast3A_1157 : vector<16xi32> to vector<16xf32>
        %add3A_1163 = arith.addf %bitcast3A_1146, %bitcast3A_1161 : vector<16xf32>
        %add3A_1164 = arith.addf %bitcast3A_1147, %bitcast3A_1162 : vector<16xf32>
        %get3A_1165 = arith.index_cast %add3A_1132 : i32 to index
        %get3A_1166 = arith.constant 32 : index
        %get3A_1167 = tpu.vector_load %arg11[%get3A_1165, %get3A_1166] {strides = array<i32>} : memref<80x64xi32, #tpu.memory_space<vmem>>, vector<16xi32>,
        %get3A_1168 = arith.index_cast %add3A_1132 : i32 to index
        %get3A_1169 = arith.constant 32 : index
        %get3A_1170 = tpu.vector_load %arg12[%get3A_1168, %get3A_1169] {strides = array<i32>} : memref<80x64xi32, #tpu.memory_space<vmem>>, vector<16xi32>,
        %bitcast3A_1171 = vector.bitcast %get3A_1167 : vector<16xi32> to vector<32xbf16>
        %bitcast3A_1172 = vector.bitcast %get3A_1170 : vector<16xi32> to vector<32xbf16>
        %mul3A_1173 = arith.mulf %bitcast3A_1171, %bitcast3A_1172 : vector<32xbf16>
        %bitcast3A_1174 = vector.bitcast %mul3A_1173 : vector<32xbf16> to vector<16xi32>
        %shift_left3A_1175 = arith.constant 16 : i32
        %shift_left3A_1176 = vector.broadcast %shift_left3A_1175 : i32 to vector<16xi32>
        %shift_left3A_1177 = arith.shli %bitcast3A_1174, %shift_left3A_1176 : vector<16xi32>
        %bitcast3A_1178 = vector.bitcast %shift_left3A_1177 : vector<16xi32> to vector<16xf32>
        %bitcast3A_1179 = vector.bitcast %bitcast3A_1174 : vector<16xi32> to vector<16xf32>
        %add3A_1180 = arith.addf %add3A_1163, %bitcast3A_1178 : vector<16xf32>
        %add3A_1181 = arith.addf %add3A_1164, %bitcast3A_1179 : vector<16xf32>
        %get3A_1182 = arith.index_cast %add3A_1132 : i32 to index
        %get3A_1183 = arith.constant 48 : index
        %get3A_1184 = tpu.vector_load %arg11[%get3A_1182, %get3A_1183] {strides = array<i32>} : memref<80x64xi32, #tpu.memory_space<vmem>>, vector<16xi32>,
        %get3A_1185 = arith.index_cast %add3A_1132 : i32 to index
        %get3A_1186 = arith.constant 48 : index
        %get3A_1187 = tpu.vector_load %arg12[%get3A_1185, %get3A_1186] {strides = array<i32>} : memref<80x64xi32, #tpu.memory_space<vmem>>, vector<16xi32>,
        %bitcast3A_1188 = vector.bitcast %get3A_1184 : vector<16xi32> to vector<32xbf16>
        %bitcast3A_1189 = vector.bitcast %get3A_1187 : vector<16xi32> to vector<32xbf16>
        %mul3A_1190 = arith.mulf %bitcast3A_1188, %bitcast3A_1189 : vector<32xbf16>
        %bitcast3A_1191 = vector.bitcast %mul3A_1190 : vector<32xbf16> to vector<16xi32>
        %shift_left3A_1192 = arith.constant 16 : i32
        %shift_left3A_1193 = vector.broadcast %shift_left3A_1192 : i32 to vector<16xi32>
        %shift_left3A_1194 = arith.shli %bitcast3A_1191, %shift_left3A_1193 : vector<16xi32>
        %bitcast3A_1195 = vector.bitcast %shift_left3A_1194 : vector<16xi32> to vector<16xf32>
        %bitcast3A_1196 = vector.bitcast %bitcast3A_1191 : vector<16xi32> to vector<16xf32>
        %add3A_1197 = arith.addf %add3A_1180, %bitcast3A_1195 : vector<16xf32>
        %add3A_1198 = arith.addf %add3A_1181, %bitcast3A_1196 : vector<16xf32>
        %add3A_1199 = arith.addf %add3A_1197, %add3A_1198 : vector<16xf32>
        %reduce_sum3A_1200 = arith.constant true
        %reduce_sum3A_1201 = vector.broadcast %reduce_sum3A_1200 : i1 to vector<16xi1>
        %reduce_sum3A_1202 = tpu.scan <sum>, %add3A_1199 masked %reduce_sum3A_1201 : vector<16xf32>, vector<16xi1> -> vector<16xf32>
        %reduce_sum3A_1203 = vector.extract %reduce_sum3A_1202[15] : f32 from vector<16xf32>
        %eq3A_1204 = arith.constant 13 : i32
        %eq3A_1205 = vector.broadcast %eq3A_1204 : i32 to vector<16xi32>
        %eq3A_1206 = arith.cmpi eq, %iota3A, %eq3A_1205 : vector<16xi32>
        %broadcast_in_dim3A_1207 = vector.broadcast %reduce_sum3A_1203 : f32 to vector<16xf32>
        %select_n3A_1208 = arith.select %eq3A_1206, %broadcast_in_dim3A_1207, %select_n3A_1128 : vector<16xi1>, vector<16xf32>
        %mul3A_1209 = arith.constant 16 : i32
        %mul3A_1210 = arith.muli %scan3A_93, %mul3A_1209 : i32
        %add3A_1211 = arith.constant 14 : i32
        %add3A_1212 = arith.addi %mul3A_1210, %add3A_1211 : i32
        %get3A_1213 = arith.index_cast %add3A_1212 : i32 to index
        %get3A_1214 = arith.constant 0 : index
        %get3A_1215 = tpu.vector_load %arg11[%get3A_1213, %get3A_1214] {strides = array<i32>} : memref<80x64xi32, #tpu.memory_space<vmem>>, vector<16xi32>,
        %get3A_1216 = arith.index_cast %add3A_1212 : i32 to index
        %get3A_1217 = arith.constant 0 : index
        %get3A_1218 = tpu.vector_load %arg12[%get3A_1216, %get3A_1217] {strides = array<i32>} : memref<80x64xi32, #tpu.memory_space<vmem>>, vector<16xi32>,
        %bitcast3A_1219 = vector.bitcast %get3A_1215 : vector<16xi32> to vector<32xbf16>
        %bitcast3A_1220 = vector.bitcast %get3A_1218 : vector<16xi32> to vector<32xbf16>
        %mul3A_1221 = arith.mulf %bitcast3A_1219, %bitcast3A_1220 : vector<32xbf16>
        %bitcast3A_1222 = vector.bitcast %mul3A_1221 : vector<32xbf16> to vector<16xi32>
        %shift_left3A_1223 = arith.constant 16 : i32
        %shift_left3A_1224 = vector.broadcast %shift_left3A_1223 : i32 to vector<16xi32>
        %shift_left3A_1225 = arith.shli %bitcast3A_1222, %shift_left3A_1224 : vector<16xi32>
        %bitcast3A_1226 = vector.bitcast %shift_left3A_1225 : vector<16xi32> to vector<16xf32>
        %bitcast3A_1227 = vector.bitcast %bitcast3A_1222 : vector<16xi32> to vector<16xf32>
        %get3A_1228 = arith.index_cast %add3A_1212 : i32 to index
        %get3A_1229 = arith.constant 16 : index
        %get3A_1230 = tpu.vector_load %arg11[%get3A_1228, %get3A_1229] {strides = array<i32>} : memref<80x64xi32, #tpu.memory_space<vmem>>, vector<16xi32>,
        %get3A_1231 = arith.index_cast %add3A_1212 : i32 to index
        %get3A_1232 = arith.constant 16 : index
        %get3A_1233 = tpu.vector_load %arg12[%get3A_1231, %get3A_1232] {strides = array<i32>} : memref<80x64xi32, #tpu.memory_space<vmem>>, vector<16xi32>,
        %bitcast3A_1234 = vector.bitcast %get3A_1230 : vector<16xi32> to vector<32xbf16>
        %bitcast3A_1235 = vector.bitcast %get3A_1233 : vector<16xi32> to vector<32xbf16>
        %mul3A_1236 = arith.mulf %bitcast3A_1234, %bitcast3A_1235 : vector<32xbf16>
        %bitcast3A_1237 = vector.bitcast %mul3A_1236 : vector<32xbf16> to vector<16xi32>
        %shift_left3A_1238 = arith.constant 16 : i32
        %shift_left3A_1239 = vector.broadcast %shift_left3A_1238 : i32 to vector<16xi32>
        %shift_left3A_1240 = arith.shli %bitcast3A_1237, %shift_left3A_1239 : vector<16xi32>
        %bitcast3A_1241 = vector.bitcast %shift_left3A_1240 : vector<16xi32> to vector<16xf32>
        %bitcast3A_1242 = vector.bitcast %bitcast3A_1237 : vector<16xi32> to vector<16xf32>
        %add3A_1243 = arith.addf %bitcast3A_1226, %bitcast3A_1241 : vector<16xf32>
        %add3A_1244 = arith.addf %bitcast3A_1227, %bitcast3A_1242 : vector<16xf32>
        %get3A_1245 = arith.index_cast %add3A_1212 : i32 to index
        %get3A_1246 = arith.constant 32 : index
        %get3A_1247 = tpu.vector_load %arg11[%get3A_1245, %get3A_1246] {strides = array<i32>} : memref<80x64xi32, #tpu.memory_space<vmem>>, vector<16xi32>,
        %get3A_1248 = arith.index_cast %add3A_1212 : i32 to index
        %get3A_1249 = arith.constant 32 : index
        %get3A_1250 = tpu.vector_load %arg12[%get3A_1248, %get3A_1249] {strides = array<i32>} : memref<80x64xi32, #tpu.memory_space<vmem>>, vector<16xi32>,
        %bitcast3A_1251 = vector.bitcast %get3A_1247 : vector<16xi32> to vector<32xbf16>
        %bitcast3A_1252 = vector.bitcast %get3A_1250 : vector<16xi32> to vector<32xbf16>
        %mul3A_1253 = arith.mulf %bitcast3A_1251, %bitcast3A_1252 : vector<32xbf16>
        %bitcast3A_1254 = vector.bitcast %mul3A_1253 : vector<32xbf16> to vector<16xi32>
        %shift_left3A_1255 = arith.constant 16 : i32
        %shift_left3A_1256 = vector.broadcast %shift_left3A_1255 : i32 to vector<16xi32>
        %shift_left3A_1257 = arith.shli %bitcast3A_1254, %shift_left3A_1256 : vector<16xi32>
        %bitcast3A_1258 = vector.bitcast %shift_left3A_1257 : vector<16xi32> to vector<16xf32>
        %bitcast3A_1259 = vector.bitcast %bitcast3A_1254 : vector<16xi32> to vector<16xf32>
        %add3A_1260 = arith.addf %add3A_1243, %bitcast3A_1258 : vector<16xf32>
        %add3A_1261 = arith.addf %add3A_1244, %bitcast3A_1259 : vector<16xf32>
        %get3A_1262 = arith.index_cast %add3A_1212 : i32 to index
        %get3A_1263 = arith.constant 48 : index
        %get3A_1264 = tpu.vector_load %arg11[%get3A_1262, %get3A_1263] {strides = array<i32>} : memref<80x64xi32, #tpu.memory_space<vmem>>, vector<16xi32>,
        %get3A_1265 = arith.index_cast %add3A_1212 : i32 to index
        %get3A_1266 = arith.constant 48 : index
        %get3A_1267 = tpu.vector_load %arg12[%get3A_1265, %get3A_1266] {strides = array<i32>} : memref<80x64xi32, #tpu.memory_space<vmem>>, vector<16xi32>,
        %bitcast3A_1268 = vector.bitcast %get3A_1264 : vector<16xi32> to vector<32xbf16>
        %bitcast3A_1269 = vector.bitcast %get3A_1267 : vector<16xi32> to vector<32xbf16>
        %mul3A_1270 = arith.mulf %bitcast3A_1268, %bitcast3A_1269 : vector<32xbf16>
        %bitcast3A_1271 = vector.bitcast %mul3A_1270 : vector<32xbf16> to vector<16xi32>
        %shift_left3A_1272 = arith.constant 16 : i32
        %shift_left3A_1273 = vector.broadcast %shift_left3A_1272 : i32 to vector<16xi32>
        %shift_left3A_1274 = arith.shli %bitcast3A_1271, %shift_left3A_1273 : vector<16xi32>
        %bitcast3A_1275 = vector.bitcast %shift_left3A_1274 : vector<16xi32> to vector<16xf32>
        %bitcast3A_1276 = vector.bitcast %bitcast3A_1271 : vector<16xi32> to vector<16xf32>
        %add3A_1277 = arith.addf %add3A_1260, %bitcast3A_1275 : vector<16xf32>
        %add3A_1278 = arith.addf %add3A_1261, %bitcast3A_1276 : vector<16xf32>
        %add3A_1279 = arith.addf %add3A_1277, %add3A_1278 : vector<16xf32>
        %reduce_sum3A_1280 = arith.constant true
        %reduce_sum3A_1281 = vector.broadcast %reduce_sum3A_1280 : i1 to vector<16xi1>
        %reduce_sum3A_1282 = tpu.scan <sum>, %add3A_1279 masked %reduce_sum3A_1281 : vector<16xf32>, vector<16xi1> -> vector<16xf32>
        %reduce_sum3A_1283 = vector.extract %reduce_sum3A_1282[15] : f32 from vector<16xf32>
        %eq3A_1284 = arith.constant 14 : i32
        %eq3A_1285 = vector.broadcast %eq3A_1284 : i32 to vector<16xi32>
        %eq3A_1286 = arith.cmpi eq, %iota3A, %eq3A_1285 : vector<16xi32>
        %broadcast_in_dim3A_1287 = vector.broadcast %reduce_sum3A_1283 : f32 to vector<16xf32>
        %select_n3A_1288 = arith.select %eq3A_1286, %broadcast_in_dim3A_1287, %select_n3A_1208 : vector<16xi1>, vector<16xf32>
        %mul3A_1289 = arith.constant 16 : i32
        %mul3A_1290 = arith.muli %scan3A_93, %mul3A_1289 : i32
        %add3A_1291 = arith.constant 15 : i32
        %add3A_1292 = arith.addi %mul3A_1290, %add3A_1291 : i32
        %get3A_1293 = arith.index_cast %add3A_1292 : i32 to index
        %get3A_1294 = arith.constant 0 : index
        %get3A_1295 = tpu.vector_load %arg11[%get3A_1293, %get3A_1294] {strides = array<i32>} : memref<80x64xi32, #tpu.memory_space<vmem>>, vector<16xi32>,
        %get3A_1296 = arith.index_cast %add3A_1292 : i32 to index
        %get3A_1297 = arith.constant 0 : index
        %get3A_1298 = tpu.vector_load %arg12[%get3A_1296, %get3A_1297] {strides = array<i32>} : memref<80x64xi32, #tpu.memory_space<vmem>>, vector<16xi32>,
        %bitcast3A_1299 = vector.bitcast %get3A_1295 : vector<16xi32> to vector<32xbf16>
        %bitcast3A_1300 = vector.bitcast %get3A_1298 : vector<16xi32> to vector<32xbf16>
        %mul3A_1301 = arith.mulf %bitcast3A_1299, %bitcast3A_1300 : vector<32xbf16>
        %bitcast3A_1302 = vector.bitcast %mul3A_1301 : vector<32xbf16> to vector<16xi32>
        %shift_left3A_1303 = arith.constant 16 : i32
        %shift_left3A_1304 = vector.broadcast %shift_left3A_1303 : i32 to vector<16xi32>
        %shift_left3A_1305 = arith.shli %bitcast3A_1302, %shift_left3A_1304 : vector<16xi32>
        %bitcast3A_1306 = vector.bitcast %shift_left3A_1305 : vector<16xi32> to vector<16xf32>
        %bitcast3A_1307 = vector.bitcast %bitcast3A_1302 : vector<16xi32> to vector<16xf32>
        %get3A_1308 = arith.index_cast %add3A_1292 : i32 to index
        %get3A_1309 = arith.constant 16 : index
        %get3A_1310 = tpu.vector_load %arg11[%get3A_1308, %get3A_1309] {strides = array<i32>} : memref<80x64xi32, #tpu.memory_space<vmem>>, vector<16xi32>,
        %get3A_1311 = arith.index_cast %add3A_1292 : i32 to index
        %get3A_1312 = arith.constant 16 : index
        %get3A_1313 = tpu.vector_load %arg12[%get3A_1311, %get3A_1312] {strides = array<i32>} : memref<80x64xi32, #tpu.memory_space<vmem>>, vector<16xi32>,
        %bitcast3A_1314 = vector.bitcast %get3A_1310 : vector<16xi32> to vector<32xbf16>
        %bitcast3A_1315 = vector.bitcast %get3A_1313 : vector<16xi32> to vector<32xbf16>
        %mul3A_1316 = arith.mulf %bitcast3A_1314, %bitcast3A_1315 : vector<32xbf16>
        %bitcast3A_1317 = vector.bitcast %mul3A_1316 : vector<32xbf16> to vector<16xi32>
        %shift_left3A_1318 = arith.constant 16 : i32
        %shift_left3A_1319 = vector.broadcast %shift_left3A_1318 : i32 to vector<16xi32>
        %shift_left3A_1320 = arith.shli %bitcast3A_1317, %shift_left3A_1319 : vector<16xi32>
        %bitcast3A_1321 = vector.bitcast %shift_left3A_1320 : vector<16xi32> to vector<16xf32>
        %bitcast3A_1322 = vector.bitcast %bitcast3A_1317 : vector<16xi32> to vector<16xf32>
        %add3A_1323 = arith.addf %bitcast3A_1306, %bitcast3A_1321 : vector<16xf32>
        %add3A_1324 = arith.addf %bitcast3A_1307, %bitcast3A_1322 : vector<16xf32>
        %get3A_1325 = arith.index_cast %add3A_1292 : i32 to index
        %get3A_1326 = arith.constant 32 : index
        %get3A_1327 = tpu.vector_load %arg11[%get3A_1325, %get3A_1326] {strides = array<i32>} : memref<80x64xi32, #tpu.memory_space<vmem>>, vector<16xi32>,
        %get3A_1328 = arith.index_cast %add3A_1292 : i32 to index
        %get3A_1329 = arith.constant 32 : index
        %get3A_1330 = tpu.vector_load %arg12[%get3A_1328, %get3A_1329] {strides = array<i32>} : memref<80x64xi32, #tpu.memory_space<vmem>>, vector<16xi32>,
        %bitcast3A_1331 = vector.bitcast %get3A_1327 : vector<16xi32> to vector<32xbf16>
        %bitcast3A_1332 = vector.bitcast %get3A_1330 : vector<16xi32> to vector<32xbf16>
        %mul3A_1333 = arith.mulf %bitcast3A_1331, %bitcast3A_1332 : vector<32xbf16>
        %bitcast3A_1334 = vector.bitcast %mul3A_1333 : vector<32xbf16> to vector<16xi32>
        %shift_left3A_1335 = arith.constant 16 : i32
        %shift_left3A_1336 = vector.broadcast %shift_left3A_1335 : i32 to vector<16xi32>
        %shift_left3A_1337 = arith.shli %bitcast3A_1334, %shift_left3A_1336 : vector<16xi32>
        %bitcast3A_1338 = vector.bitcast %shift_left3A_1337 : vector<16xi32> to vector<16xf32>
        %bitcast3A_1339 = vector.bitcast %bitcast3A_1334 : vector<16xi32> to vector<16xf32>
        %add3A_1340 = arith.addf %add3A_1323, %bitcast3A_1338 : vector<16xf32>
        %add3A_1341 = arith.addf %add3A_1324, %bitcast3A_1339 : vector<16xf32>
        %get3A_1342 = arith.index_cast %add3A_1292 : i32 to index
        %get3A_1343 = arith.constant 48 : index
        %get3A_1344 = tpu.vector_load %arg11[%get3A_1342, %get3A_1343] {strides = array<i32>} : memref<80x64xi32, #tpu.memory_space<vmem>>, vector<16xi32>,
        %get3A_1345 = arith.index_cast %add3A_1292 : i32 to index
        %get3A_1346 = arith.constant 48 : index
        %get3A_1347 = tpu.vector_load %arg12[%get3A_1345, %get3A_1346] {strides = array<i32>} : memref<80x64xi32, #tpu.memory_space<vmem>>, vector<16xi32>,
        %bitcast3A_1348 = vector.bitcast %get3A_1344 : vector<16xi32> to vector<32xbf16>
        %bitcast3A_1349 = vector.bitcast %get3A_1347 : vector<16xi32> to vector<32xbf16>
        %mul3A_1350 = arith.mulf %bitcast3A_1348, %bitcast3A_1349 : vector<32xbf16>
        %bitcast3A_1351 = vector.bitcast %mul3A_1350 : vector<32xbf16> to vector<16xi32>
        %shift_left3A_1352 = arith.constant 16 : i32
        %shift_left3A_1353 = vector.broadcast %shift_left3A_1352 : i32 to vector<16xi32>
        %shift_left3A_1354 = arith.shli %bitcast3A_1351, %shift_left3A_1353 : vector<16xi32>
        %bitcast3A_1355 = vector.bitcast %shift_left3A_1354 : vector<16xi32> to vector<16xf32>
        %bitcast3A_1356 = vector.bitcast %bitcast3A_1351 : vector<16xi32> to vector<16xf32>
        %add3A_1357 = arith.addf %add3A_1340, %bitcast3A_1355 : vector<16xf32>
        %add3A_1358 = arith.addf %add3A_1341, %bitcast3A_1356 : vector<16xf32>
        %add3A_1359 = arith.addf %add3A_1357, %add3A_1358 : vector<16xf32>
        %reduce_sum3A_1360 = arith.constant true
        %reduce_sum3A_1361 = vector.broadcast %reduce_sum3A_1360 : i1 to vector<16xi1>
        %reduce_sum3A_1362 = tpu.scan <sum>, %add3A_1359 masked %reduce_sum3A_1361 : vector<16xf32>, vector<16xi1> -> vector<16xf32>
        %reduce_sum3A_1363 = vector.extract %reduce_sum3A_1362[15] : f32 from vector<16xf32>
        %eq3A_1364 = arith.constant 15 : i32
        %eq3A_1365 = vector.broadcast %eq3A_1364 : i32 to vector<16xi32>
        %eq3A_1366 = arith.cmpi eq, %iota3A, %eq3A_1365 : vector<16xi32>
        %broadcast_in_dim3A_1367 = vector.broadcast %reduce_sum3A_1363 : f32 to vector<16xf32>
        %select_n3A_1368 = arith.select %eq3A_1366, %broadcast_in_dim3A_1367, %select_n3A_1288 : vector<16xi1>, vector<16xf32>
        %mul3A_1369 = arith.constant 80 : i32
        %mul3A_1370 = arith.muli %add3A_87, %mul3A_1369 : i32
        %mul3A_1371 = arith.constant 16 : i32
        %mul3A_1372 = arith.muli %scan3A_93, %mul3A_1371 : i32
        %add3A_1373 = arith.addi %mul3A_1370, %mul3A_1372 : i32
        %swap3A = arith.index_cast %add3A_1373 : i32 to index
        %swap3A_1374 = tpu.vector_load %arg8[%swap3A] {strides = array<i32>} : memref<10000xf32, #tpu.memory_space<vmem>>, vector<16xf32>,
        tpu.vector_store %arg8[%swap3A], %select_n3A_1368 {strides = array<i32>} : memref<10000xf32, #tpu.memory_space<vmem>>, vector<16xf32>,
      }
      %scan3A_92 = arith.constant 5 : i32
    }
    %scan3A_15 = arith.constant 62 : i32
    %dma_wait3A = arith.constant 0 : i32
    %dma_wait3A_16 = tpu.memref_slice %arg6[%dma_wait3A] : memref<10000xi32, #tpu.memory_space<vmem>> -> memref<80xi32, #tpu.memory_space<vmem>>
    %dma_wait3A_17 = arith.constant 0 : i32
    %dma_wait3A_18 = arith.constant 0 : i32
    %dma_wait3A_19 = tpu.memref_slice %arg2[%dma_wait3A_17, %dma_wait3A_18] : memref<10000x64xi32, #tpu.memory_space<hbm>> -> memref<10000x64xi32, #tpu.memory_space<hbm>>
    tpu.wait_indirect_dma semaphore(%arg13 : memref<!tpu.dma_semaphore, #tpu.memory_space<semaphore_mem>>) src(%dma_wait3A_19 : memref<10000x64xi32, #tpu.memory_space<hbm>>) dst(%arg9 : memref<80x64xi32, #tpu.memory_space<vmem>>)
    %dma_wait3A_20 = arith.constant 0 : i32
    %dma_wait3A_21 = tpu.memref_slice %arg7[%dma_wait3A_20] : memref<10000xi32, #tpu.memory_space<vmem>> -> memref<80xi32, #tpu.memory_space<vmem>>
    %dma_wait3A_22 = arith.constant 0 : i32
    %dma_wait3A_23 = arith.constant 0 : i32
    %dma_wait3A_24 = tpu.memref_slice %arg2[%dma_wait3A_22, %dma_wait3A_23] : memref<10000x64xi32, #tpu.memory_space<hbm>> -> memref<10000x64xi32, #tpu.memory_space<hbm>>
    tpu.wait_indirect_dma semaphore(%arg13 : memref<!tpu.dma_semaphore, #tpu.memory_space<semaphore_mem>>) src(%dma_wait3A_24 : memref<10000x64xi32, #tpu.memory_space<hbm>>) dst(%arg10 : memref<80x64xi32, #tpu.memory_space<vmem>>)
    %scan3A_25 = arith.constant 0 : i32
    %scan3A_26 = arith.constant 5 : i32
    %scan3A_27 = arith.addi %scan3A_25, %scan3A_26 : i32
    %scan3A_28 = arith.constant 1 : i32
    scf.for %scan3A_30 = %scan3A_25 to %scan3A_27 step %scan3A_28  : i32 {
      %broadcast_in_dim3A = arith.constant 0.000000e+00 : f32
      %broadcast_in_dim3A_31 = vector.broadcast %broadcast_in_dim3A : f32 to vector<16xf32>
      %mul3A_32 = arith.constant 16 : i32
      %mul3A_33 = arith.muli %scan3A_30, %mul3A_32 : i32
      %add3A_34 = arith.constant 0 : i32
      %add3A_35 = arith.addi %mul3A_33, %add3A_34 : i32
      %get3A = arith.index_cast %add3A_35 : i32 to index
      %get3A_36 = arith.constant 0 : index
      %get3A_37 = tpu.vector_load %arg9[%get3A, %get3A_36] {strides = array<i32>} : memref<80x64xi32, #tpu.memory_space<vmem>>, vector<16xi32>,
      %get3A_38 = arith.index_cast %add3A_35 : i32 to index
      %get3A_39 = arith.constant 0 : index
      %get3A_40 = tpu.vector_load %arg10[%get3A_38, %get3A_39] {strides = array<i32>} : memref<80x64xi32, #tpu.memory_space<vmem>>, vector<16xi32>,
      %bitcast3A = vector.bitcast %get3A_37 : vector<16xi32> to vector<32xbf16>
      %bitcast3A_41 = vector.bitcast %get3A_40 : vector<16xi32> to vector<32xbf16>
      %mul3A_42 = arith.mulf %bitcast3A, %bitcast3A_41 : vector<32xbf16>
      %bitcast3A_43 = vector.bitcast %mul3A_42 : vector<32xbf16> to vector<16xi32>
      %shift_left3A = arith.constant 16 : i32
      %shift_left3A_44 = vector.broadcast %shift_left3A : i32 to vector<16xi32>
      %shift_left3A_45 = arith.shli %bitcast3A_43, %shift_left3A_44 : vector<16xi32>
      %bitcast3A_46 = vector.bitcast %shift_left3A_45 : vector<16xi32> to vector<16xf32>
      %bitcast3A_47 = vector.bitcast %bitcast3A_43 : vector<16xi32> to vector<16xf32>
      %get3A_48 = arith.index_cast %add3A_35 : i32 to index
      %get3A_49 = arith.constant 16 : index
      %get3A_50 = tpu.vector_load %arg9[%get3A_48, %get3A_49] {strides = array<i32>} : memref<80x64xi32, #tpu.memory_space<vmem>>, vector<16xi32>,
      %get3A_51 = arith.index_cast %add3A_35 : i32 to index
      %get3A_52 = arith.constant 16 : index
      %get3A_53 = tpu.vector_load %arg10[%get3A_51, %get3A_52] {strides = array<i32>} : memref<80x64xi32, #tpu.memory_space<vmem>>, vector<16xi32>,
      %bitcast3A_54 = vector.bitcast %get3A_50 : vector<16xi32> to vector<32xbf16>
      %bitcast3A_55 = vector.bitcast %get3A_53 : vector<16xi32> to vector<32xbf16>
      %mul3A_56 = arith.mulf %bitcast3A_54, %bitcast3A_55 : vector<32xbf16>
      %bitcast3A_57 = vector.bitcast %mul3A_56 : vector<32xbf16> to vector<16xi32>
      %shift_left3A_58 = arith.constant 16 : i32
      %shift_left3A_59 = vector.broadcast %shift_left3A_58 : i32 to vector<16xi32>
      %shift_left3A_60 = arith.shli %bitcast3A_57, %shift_left3A_59 : vector<16xi32>
      %bitcast3A_61 = vector.bitcast %shift_left3A_60 : vector<16xi32> to vector<16xf32>
      %bitcast3A_62 = vector.bitcast %bitcast3A_57 : vector<16xi32> to vector<16xf32>
      %add3A_63 = arith.addf %bitcast3A_46, %bitcast3A_61 : vector<16xf32>
      %add3A_64 = arith.addf %bitcast3A_47, %bitcast3A_62 : vector<16xf32>
      %get3A_65 = arith.index_cast %add3A_35 : i32 to index
      %get3A_66 = arith.constant 32 : index
      %get3A_67 = tpu.vector_load %arg9[%get3A_65, %get3A_66] {strides = array<i32>} : memref<80x64xi32, #tpu.memory_space<vmem>>, vector<16xi32>,
      %get3A_68 = arith.index_cast %add3A_35 : i32 to index
      %get3A_69 = arith.constant 32 : index
      %get3A_70 = tpu.vector_load %arg10[%get3A_68, %get3A_69] {strides = array<i32>} : memref<80x64xi32, #tpu.memory_space<vmem>>, vector<16xi32>,
      %bitcast3A_71 = vector.bitcast %get3A_67 : vector<16xi32> to vector<32xbf16>
      %bitcast3A_72 = vector.bitcast %get3A_70 : vector<16xi32> to vector<32xbf16>
      %mul3A_73 = arith.mulf %bitcast3A_71, %bitcast3A_72 : vector<32xbf16>
      %bitcast3A_74 = vector.bitcast %mul3A_73 : vector<32xbf16> to vector<16xi32>
      %shift_left3A_75 = arith.constant 16 : i32
      %shift_left3A_76 = vector.broadcast %shift_left3A_75 : i32 to vector<16xi32>
      %shift_left3A_77 = arith.shli %bitcast3A_74, %shift_left3A_76 : vector<16xi32>
      %bitcast3A_78 = vector.bitcast %shift_left3A_77 : vector<16xi32> to vector<16xf32>
      %bitcast3A_79 = vector.bitcast %bitcast3A_74 : vector<16xi32> to vector<16xf32>
      %add3A_80 = arith.addf %add3A_63, %bitcast3A_78 : vector<16xf32>
      %add3A_81 = arith.addf %add3A_64, %bitcast3A_79 : vector<16xf32>
      %get3A_82 = arith.index_cast %add3A_35 : i32 to index
      %get3A_83 = arith.constant 48 : index
      %get3A_84 = tpu.vector_load %arg9[%get3A_82, %get3A_83] {strides = array<i32>} : memref<80x64xi32, #tpu.memory_space<vmem>>, vector<16xi32>,
      %get3A_85 = arith.index_cast %add3A_35 : i32 to index
      %get3A_86 = arith.constant 48 : index
      %get3A_87 = tpu.vector_load %arg10[%get3A_85, %get3A_86] {strides = array<i32>} : memref<80x64xi32, #tpu.memory_space<vmem>>, vector<16xi32>,
      %bitcast3A_88 = vector.bitcast %get3A_84 : vector<16xi32> to vector<32xbf16>
      %bitcast3A_89 = vector.bitcast %get3A_87 : vector<16xi32> to vector<32xbf16>
      %mul3A_90 = arith.mulf %bitcast3A_88, %bitcast3A_89 : vector<32xbf16>
      %bitcast3A_91 = vector.bitcast %mul3A_90 : vector<32xbf16> to vector<16xi32>
      %shift_left3A_92 = arith.constant 16 : i32
      %shift_left3A_93 = vector.broadcast %shift_left3A_92 : i32 to vector<16xi32>
      %shift_left3A_94 = arith.shli %bitcast3A_91, %shift_left3A_93 : vector<16xi32>
      %bitcast3A_95 = vector.bitcast %shift_left3A_94 : vector<16xi32> to vector<16xf32>
      %bitcast3A_96 = vector.bitcast %bitcast3A_91 : vector<16xi32> to vector<16xf32>
      %add3A_97 = arith.addf %add3A_80, %bitcast3A_95 : vector<16xf32>
      %add3A_98 = arith.addf %add3A_81, %bitcast3A_96 : vector<16xf32>
      %add3A_99 = arith.addf %add3A_97, %add3A_98 : vector<16xf32>
      %reduce_sum3A = arith.constant true
      %reduce_sum3A_100 = vector.broadcast %reduce_sum3A : i1 to vector<16xi1>
      %reduce_sum3A_101 = tpu.scan <sum>, %add3A_99 masked %reduce_sum3A_100 : vector<16xf32>, vector<16xi1> -> vector<16xf32>
      %reduce_sum3A_102 = vector.extract %reduce_sum3A_101[15] : f32 from vector<16xf32>
      %eq3A = arith.constant 0 : i32
      %eq3A_103 = vector.broadcast %eq3A : i32 to vector<16xi32>
      %eq3A_104 = arith.cmpi eq, %iota3A, %eq3A_103 : vector<16xi32>
      %broadcast_in_dim3A_105 = vector.broadcast %reduce_sum3A_102 : f32 to vector<16xf32>
      %select_n3A = arith.select %eq3A_104, %broadcast_in_dim3A_105, %broadcast_in_dim3A_31 : vector<16xi1>, vector<16xf32>
      %mul3A_106 = arith.constant 16 : i32
      %mul3A_107 = arith.muli %scan3A_30, %mul3A_106 : i32
      %add3A_108 = arith.constant 1 : i32
      %add3A_109 = arith.addi %mul3A_107, %add3A_108 : i32
      %get3A_110 = arith.index_cast %add3A_109 : i32 to index
      %get3A_111 = arith.constant 0 : index
      %get3A_112 = tpu.vector_load %arg9[%get3A_110, %get3A_111] {strides = array<i32>} : memref<80x64xi32, #tpu.memory_space<vmem>>, vector<16xi32>,
      %get3A_113 = arith.index_cast %add3A_109 : i32 to index
      %get3A_114 = arith.constant 0 : index
      %get3A_115 = tpu.vector_load %arg10[%get3A_113, %get3A_114] {strides = array<i32>} : memref<80x64xi32, #tpu.memory_space<vmem>>, vector<16xi32>,
      %bitcast3A_116 = vector.bitcast %get3A_112 : vector<16xi32> to vector<32xbf16>
      %bitcast3A_117 = vector.bitcast %get3A_115 : vector<16xi32> to vector<32xbf16>
      %mul3A_118 = arith.mulf %bitcast3A_116, %bitcast3A_117 : vector<32xbf16>
      %bitcast3A_119 = vector.bitcast %mul3A_118 : vector<32xbf16> to vector<16xi32>
      %shift_left3A_120 = arith.constant 16 : i32
      %shift_left3A_121 = vector.broadcast %shift_left3A_120 : i32 to vector<16xi32>
      %shift_left3A_122 = arith.shli %bitcast3A_119, %shift_left3A_121 : vector<16xi32>
      %bitcast3A_123 = vector.bitcast %shift_left3A_122 : vector<16xi32> to vector<16xf32>
      %bitcast3A_124 = vector.bitcast %bitcast3A_119 : vector<16xi32> to vector<16xf32>
      %get3A_125 = arith.index_cast %add3A_109 : i32 to index
      %get3A_126 = arith.constant 16 : index
      %get3A_127 = tpu.vector_load %arg9[%get3A_125, %get3A_126] {strides = array<i32>} : memref<80x64xi32, #tpu.memory_space<vmem>>, vector<16xi32>,
      %get3A_128 = arith.index_cast %add3A_109 : i32 to index
      %get3A_129 = arith.constant 16 : index
      %get3A_130 = tpu.vector_load %arg10[%get3A_128, %get3A_129] {strides = array<i32>} : memref<80x64xi32, #tpu.memory_space<vmem>>, vector<16xi32>,
      %bitcast3A_131 = vector.bitcast %get3A_127 : vector<16xi32> to vector<32xbf16>
      %bitcast3A_132 = vector.bitcast %get3A_130 : vector<16xi32> to vector<32xbf16>
      %mul3A_133 = arith.mulf %bitcast3A_131, %bitcast3A_132 : vector<32xbf16>
      %bitcast3A_134 = vector.bitcast %mul3A_133 : vector<32xbf16> to vector<16xi32>
      %shift_left3A_135 = arith.constant 16 : i32
      %shift_left3A_136 = vector.broadcast %shift_left3A_135 : i32 to vector<16xi32>
      %shift_left3A_137 = arith.shli %bitcast3A_134, %shift_left3A_136 : vector<16xi32>
      %bitcast3A_138 = vector.bitcast %shift_left3A_137 : vector<16xi32> to vector<16xf32>
      %bitcast3A_139 = vector.bitcast %bitcast3A_134 : vector<16xi32> to vector<16xf32>
      %add3A_140 = arith.addf %bitcast3A_123, %bitcast3A_138 : vector<16xf32>
      %add3A_141 = arith.addf %bitcast3A_124, %bitcast3A_139 : vector<16xf32>
      %get3A_142 = arith.index_cast %add3A_109 : i32 to index
      %get3A_143 = arith.constant 32 : index
      %get3A_144 = tpu.vector_load %arg9[%get3A_142, %get3A_143] {strides = array<i32>} : memref<80x64xi32, #tpu.memory_space<vmem>>, vector<16xi32>,
      %get3A_145 = arith.index_cast %add3A_109 : i32 to index
      %get3A_146 = arith.constant 32 : index
      %get3A_147 = tpu.vector_load %arg10[%get3A_145, %get3A_146] {strides = array<i32>} : memref<80x64xi32, #tpu.memory_space<vmem>>, vector<16xi32>,
      %bitcast3A_148 = vector.bitcast %get3A_144 : vector<16xi32> to vector<32xbf16>
      %bitcast3A_149 = vector.bitcast %get3A_147 : vector<16xi32> to vector<32xbf16>
      %mul3A_150 = arith.mulf %bitcast3A_148, %bitcast3A_149 : vector<32xbf16>
      %bitcast3A_151 = vector.bitcast %mul3A_150 : vector<32xbf16> to vector<16xi32>
      %shift_left3A_152 = arith.constant 16 : i32
      %shift_left3A_153 = vector.broadcast %shift_left3A_152 : i32 to vector<16xi32>
      %shift_left3A_154 = arith.shli %bitcast3A_151, %shift_left3A_153 : vector<16xi32>
      %bitcast3A_155 = vector.bitcast %shift_left3A_154 : vector<16xi32> to vector<16xf32>
      %bitcast3A_156 = vector.bitcast %bitcast3A_151 : vector<16xi32> to vector<16xf32>
      %add3A_157 = arith.addf %add3A_140, %bitcast3A_155 : vector<16xf32>
      %add3A_158 = arith.addf %add3A_141, %bitcast3A_156 : vector<16xf32>
      %get3A_159 = arith.index_cast %add3A_109 : i32 to index
      %get3A_160 = arith.constant 48 : index
      %get3A_161 = tpu.vector_load %arg9[%get3A_159, %get3A_160] {strides = array<i32>} : memref<80x64xi32, #tpu.memory_space<vmem>>, vector<16xi32>,
      %get3A_162 = arith.index_cast %add3A_109 : i32 to index
      %get3A_163 = arith.constant 48 : index
      %get3A_164 = tpu.vector_load %arg10[%get3A_162, %get3A_163] {strides = array<i32>} : memref<80x64xi32, #tpu.memory_space<vmem>>, vector<16xi32>,
      %bitcast3A_165 = vector.bitcast %get3A_161 : vector<16xi32> to vector<32xbf16>
      %bitcast3A_166 = vector.bitcast %get3A_164 : vector<16xi32> to vector<32xbf16>
      %mul3A_167 = arith.mulf %bitcast3A_165, %bitcast3A_166 : vector<32xbf16>
      %bitcast3A_168 = vector.bitcast %mul3A_167 : vector<32xbf16> to vector<16xi32>
      %shift_left3A_169 = arith.constant 16 : i32
      %shift_left3A_170 = vector.broadcast %shift_left3A_169 : i32 to vector<16xi32>
      %shift_left3A_171 = arith.shli %bitcast3A_168, %shift_left3A_170 : vector<16xi32>
      %bitcast3A_172 = vector.bitcast %shift_left3A_171 : vector<16xi32> to vector<16xf32>
      %bitcast3A_173 = vector.bitcast %bitcast3A_168 : vector<16xi32> to vector<16xf32>
      %add3A_174 = arith.addf %add3A_157, %bitcast3A_172 : vector<16xf32>
      %add3A_175 = arith.addf %add3A_158, %bitcast3A_173 : vector<16xf32>
      %add3A_176 = arith.addf %add3A_174, %add3A_175 : vector<16xf32>
      %reduce_sum3A_177 = arith.constant true
      %reduce_sum3A_178 = vector.broadcast %reduce_sum3A_177 : i1 to vector<16xi1>
      %reduce_sum3A_179 = tpu.scan <sum>, %add3A_176 masked %reduce_sum3A_178 : vector<16xf32>, vector<16xi1> -> vector<16xf32>
      %reduce_sum3A_180 = vector.extract %reduce_sum3A_179[15] : f32 from vector<16xf32>
      %eq3A_181 = arith.constant 1 : i32
      %eq3A_182 = vector.broadcast %eq3A_181 : i32 to vector<16xi32>
      %eq3A_183 = arith.cmpi eq, %iota3A, %eq3A_182 : vector<16xi32>
      %broadcast_in_dim3A_184 = vector.broadcast %reduce_sum3A_180 : f32 to vector<16xf32>
      %select_n3A_185 = arith.select %eq3A_183, %broadcast_in_dim3A_184, %select_n3A : vector<16xi1>, vector<16xf32>
      %mul3A_186 = arith.constant 16 : i32
      %mul3A_187 = arith.muli %scan3A_30, %mul3A_186 : i32
      %add3A_188 = arith.constant 2 : i32
      %add3A_189 = arith.addi %mul3A_187, %add3A_188 : i32
      %get3A_190 = arith.index_cast %add3A_189 : i32 to index
      %get3A_191 = arith.constant 0 : index
      %get3A_192 = tpu.vector_load %arg9[%get3A_190, %get3A_191] {strides = array<i32>} : memref<80x64xi32, #tpu.memory_space<vmem>>, vector<16xi32>,
      %get3A_193 = arith.index_cast %add3A_189 : i32 to index
      %get3A_194 = arith.constant 0 : index
      %get3A_195 = tpu.vector_load %arg10[%get3A_193, %get3A_194] {strides = array<i32>} : memref<80x64xi32, #tpu.memory_space<vmem>>, vector<16xi32>,
      %bitcast3A_196 = vector.bitcast %get3A_192 : vector<16xi32> to vector<32xbf16>
      %bitcast3A_197 = vector.bitcast %get3A_195 : vector<16xi32> to vector<32xbf16>
      %mul3A_198 = arith.mulf %bitcast3A_196, %bitcast3A_197 : vector<32xbf16>
      %bitcast3A_199 = vector.bitcast %mul3A_198 : vector<32xbf16> to vector<16xi32>
      %shift_left3A_200 = arith.constant 16 : i32
      %shift_left3A_201 = vector.broadcast %shift_left3A_200 : i32 to vector<16xi32>
      %shift_left3A_202 = arith.shli %bitcast3A_199, %shift_left3A_201 : vector<16xi32>
      %bitcast3A_203 = vector.bitcast %shift_left3A_202 : vector<16xi32> to vector<16xf32>
      %bitcast3A_204 = vector.bitcast %bitcast3A_199 : vector<16xi32> to vector<16xf32>
      %get3A_205 = arith.index_cast %add3A_189 : i32 to index
      %get3A_206 = arith.constant 16 : index
      %get3A_207 = tpu.vector_load %arg9[%get3A_205, %get3A_206] {strides = array<i32>} : memref<80x64xi32, #tpu.memory_space<vmem>>, vector<16xi32>,
      %get3A_208 = arith.index_cast %add3A_189 : i32 to index
      %get3A_209 = arith.constant 16 : index
      %get3A_210 = tpu.vector_load %arg10[%get3A_208, %get3A_209] {strides = array<i32>} : memref<80x64xi32, #tpu.memory_space<vmem>>, vector<16xi32>,
      %bitcast3A_211 = vector.bitcast %get3A_207 : vector<16xi32> to vector<32xbf16>
      %bitcast3A_212 = vector.bitcast %get3A_210 : vector<16xi32> to vector<32xbf16>
      %mul3A_213 = arith.mulf %bitcast3A_211, %bitcast3A_212 : vector<32xbf16>
      %bitcast3A_214 = vector.bitcast %mul3A_213 : vector<32xbf16> to vector<16xi32>
      %shift_left3A_215 = arith.constant 16 : i32
      %shift_left3A_216 = vector.broadcast %shift_left3A_215 : i32 to vector<16xi32>
      %shift_left3A_217 = arith.shli %bitcast3A_214, %shift_left3A_216 : vector<16xi32>
      %bitcast3A_218 = vector.bitcast %shift_left3A_217 : vector<16xi32> to vector<16xf32>
      %bitcast3A_219 = vector.bitcast %bitcast3A_214 : vector<16xi32> to vector<16xf32>
      %add3A_220 = arith.addf %bitcast3A_203, %bitcast3A_218 : vector<16xf32>
      %add3A_221 = arith.addf %bitcast3A_204, %bitcast3A_219 : vector<16xf32>
      %get3A_222 = arith.index_cast %add3A_189 : i32 to index
      %get3A_223 = arith.constant 32 : index
      %get3A_224 = tpu.vector_load %arg9[%get3A_222, %get3A_223] {strides = array<i32>} : memref<80x64xi32, #tpu.memory_space<vmem>>, vector<16xi32>,
      %get3A_225 = arith.index_cast %add3A_189 : i32 to index
      %get3A_226 = arith.constant 32 : index
      %get3A_227 = tpu.vector_load %arg10[%get3A_225, %get3A_226] {strides = array<i32>} : memref<80x64xi32, #tpu.memory_space<vmem>>, vector<16xi32>,
      %bitcast3A_228 = vector.bitcast %get3A_224 : vector<16xi32> to vector<32xbf16>
      %bitcast3A_229 = vector.bitcast %get3A_227 : vector<16xi32> to vector<32xbf16>
      %mul3A_230 = arith.mulf %bitcast3A_228, %bitcast3A_229 : vector<32xbf16>
      %bitcast3A_231 = vector.bitcast %mul3A_230 : vector<32xbf16> to vector<16xi32>
      %shift_left3A_232 = arith.constant 16 : i32
      %shift_left3A_233 = vector.broadcast %shift_left3A_232 : i32 to vector<16xi32>
      %shift_left3A_234 = arith.shli %bitcast3A_231, %shift_left3A_233 : vector<16xi32>
      %bitcast3A_235 = vector.bitcast %shift_left3A_234 : vector<16xi32> to vector<16xf32>
      %bitcast3A_236 = vector.bitcast %bitcast3A_231 : vector<16xi32> to vector<16xf32>
      %add3A_237 = arith.addf %add3A_220, %bitcast3A_235 : vector<16xf32>
      %add3A_238 = arith.addf %add3A_221, %bitcast3A_236 : vector<16xf32>
      %get3A_239 = arith.index_cast %add3A_189 : i32 to index
      %get3A_240 = arith.constant 48 : index
      %get3A_241 = tpu.vector_load %arg9[%get3A_239, %get3A_240] {strides = array<i32>} : memref<80x64xi32, #tpu.memory_space<vmem>>, vector<16xi32>,
      %get3A_242 = arith.index_cast %add3A_189 : i32 to index
      %get3A_243 = arith.constant 48 : index
      %get3A_244 = tpu.vector_load %arg10[%get3A_242, %get3A_243] {strides = array<i32>} : memref<80x64xi32, #tpu.memory_space<vmem>>, vector<16xi32>,
      %bitcast3A_245 = vector.bitcast %get3A_241 : vector<16xi32> to vector<32xbf16>
      %bitcast3A_246 = vector.bitcast %get3A_244 : vector<16xi32> to vector<32xbf16>
      %mul3A_247 = arith.mulf %bitcast3A_245, %bitcast3A_246 : vector<32xbf16>
      %bitcast3A_248 = vector.bitcast %mul3A_247 : vector<32xbf16> to vector<16xi32>
      %shift_left3A_249 = arith.constant 16 : i32
      %shift_left3A_250 = vector.broadcast %shift_left3A_249 : i32 to vector<16xi32>
      %shift_left3A_251 = arith.shli %bitcast3A_248, %shift_left3A_250 : vector<16xi32>
      %bitcast3A_252 = vector.bitcast %shift_left3A_251 : vector<16xi32> to vector<16xf32>
      %bitcast3A_253 = vector.bitcast %bitcast3A_248 : vector<16xi32> to vector<16xf32>
      %add3A_254 = arith.addf %add3A_237, %bitcast3A_252 : vector<16xf32>
      %add3A_255 = arith.addf %add3A_238, %bitcast3A_253 : vector<16xf32>
      %add3A_256 = arith.addf %add3A_254, %add3A_255 : vector<16xf32>
      %reduce_sum3A_257 = arith.constant true
      %reduce_sum3A_258 = vector.broadcast %reduce_sum3A_257 : i1 to vector<16xi1>
      %reduce_sum3A_259 = tpu.scan <sum>, %add3A_256 masked %reduce_sum3A_258 : vector<16xf32>, vector<16xi1> -> vector<16xf32>
      %reduce_sum3A_260 = vector.extract %reduce_sum3A_259[15] : f32 from vector<16xf32>
      %eq3A_261 = arith.constant 2 : i32
      %eq3A_262 = vector.broadcast %eq3A_261 : i32 to vector<16xi32>
      %eq3A_263 = arith.cmpi eq, %iota3A, %eq3A_262 : vector<16xi32>
      %broadcast_in_dim3A_264 = vector.broadcast %reduce_sum3A_260 : f32 to vector<16xf32>
      %select_n3A_265 = arith.select %eq3A_263, %broadcast_in_dim3A_264, %select_n3A_185 : vector<16xi1>, vector<16xf32>
      %mul3A_266 = arith.constant 16 : i32
      %mul3A_267 = arith.muli %scan3A_30, %mul3A_266 : i32
      %add3A_268 = arith.constant 3 : i32
      %add3A_269 = arith.addi %mul3A_267, %add3A_268 : i32
      %get3A_270 = arith.index_cast %add3A_269 : i32 to index
      %get3A_271 = arith.constant 0 : index
      %get3A_272 = tpu.vector_load %arg9[%get3A_270, %get3A_271] {strides = array<i32>} : memref<80x64xi32, #tpu.memory_space<vmem>>, vector<16xi32>,
      %get3A_273 = arith.index_cast %add3A_269 : i32 to index
      %get3A_274 = arith.constant 0 : index
      %get3A_275 = tpu.vector_load %arg10[%get3A_273, %get3A_274] {strides = array<i32>} : memref<80x64xi32, #tpu.memory_space<vmem>>, vector<16xi32>,
      %bitcast3A_276 = vector.bitcast %get3A_272 : vector<16xi32> to vector<32xbf16>
      %bitcast3A_277 = vector.bitcast %get3A_275 : vector<16xi32> to vector<32xbf16>
      %mul3A_278 = arith.mulf %bitcast3A_276, %bitcast3A_277 : vector<32xbf16>
      %bitcast3A_279 = vector.bitcast %mul3A_278 : vector<32xbf16> to vector<16xi32>
      %shift_left3A_280 = arith.constant 16 : i32
      %shift_left3A_281 = vector.broadcast %shift_left3A_280 : i32 to vector<16xi32>
      %shift_left3A_282 = arith.shli %bitcast3A_279, %shift_left3A_281 : vector<16xi32>
      %bitcast3A_283 = vector.bitcast %shift_left3A_282 : vector<16xi32> to vector<16xf32>
      %bitcast3A_284 = vector.bitcast %bitcast3A_279 : vector<16xi32> to vector<16xf32>
      %get3A_285 = arith.index_cast %add3A_269 : i32 to index
      %get3A_286 = arith.constant 16 : index
      %get3A_287 = tpu.vector_load %arg9[%get3A_285, %get3A_286] {strides = array<i32>} : memref<80x64xi32, #tpu.memory_space<vmem>>, vector<16xi32>,
      %get3A_288 = arith.index_cast %add3A_269 : i32 to index
      %get3A_289 = arith.constant 16 : index
      %get3A_290 = tpu.vector_load %arg10[%get3A_288, %get3A_289] {strides = array<i32>} : memref<80x64xi32, #tpu.memory_space<vmem>>, vector<16xi32>,
      %bitcast3A_291 = vector.bitcast %get3A_287 : vector<16xi32> to vector<32xbf16>
      %bitcast3A_292 = vector.bitcast %get3A_290 : vector<16xi32> to vector<32xbf16>
      %mul3A_293 = arith.mulf %bitcast3A_291, %bitcast3A_292 : vector<32xbf16>
      %bitcast3A_294 = vector.bitcast %mul3A_293 : vector<32xbf16> to vector<16xi32>
      %shift_left3A_295 = arith.constant 16 : i32
      %shift_left3A_296 = vector.broadcast %shift_left3A_295 : i32 to vector<16xi32>
      %shift_left3A_297 = arith.shli %bitcast3A_294, %shift_left3A_296 : vector<16xi32>
      %bitcast3A_298 = vector.bitcast %shift_left3A_297 : vector<16xi32> to vector<16xf32>
      %bitcast3A_299 = vector.bitcast %bitcast3A_294 : vector<16xi32> to vector<16xf32>
      %add3A_300 = arith.addf %bitcast3A_283, %bitcast3A_298 : vector<16xf32>
      %add3A_301 = arith.addf %bitcast3A_284, %bitcast3A_299 : vector<16xf32>
      %get3A_302 = arith.index_cast %add3A_269 : i32 to index
      %get3A_303 = arith.constant 32 : index
      %get3A_304 = tpu.vector_load %arg9[%get3A_302, %get3A_303] {strides = array<i32>} : memref<80x64xi32, #tpu.memory_space<vmem>>, vector<16xi32>,
      %get3A_305 = arith.index_cast %add3A_269 : i32 to index
      %get3A_306 = arith.constant 32 : index
      %get3A_307 = tpu.vector_load %arg10[%get3A_305, %get3A_306] {strides = array<i32>} : memref<80x64xi32, #tpu.memory_space<vmem>>, vector<16xi32>,
      %bitcast3A_308 = vector.bitcast %get3A_304 : vector<16xi32> to vector<32xbf16>
      %bitcast3A_309 = vector.bitcast %get3A_307 : vector<16xi32> to vector<32xbf16>
      %mul3A_310 = arith.mulf %bitcast3A_308, %bitcast3A_309 : vector<32xbf16>
      %bitcast3A_311 = vector.bitcast %mul3A_310 : vector<32xbf16> to vector<16xi32>
      %shift_left3A_312 = arith.constant 16 : i32
      %shift_left3A_313 = vector.broadcast %shift_left3A_312 : i32 to vector<16xi32>
      %shift_left3A_314 = arith.shli %bitcast3A_311, %shift_left3A_313 : vector<16xi32>
      %bitcast3A_315 = vector.bitcast %shift_left3A_314 : vector<16xi32> to vector<16xf32>
      %bitcast3A_316 = vector.bitcast %bitcast3A_311 : vector<16xi32> to vector<16xf32>
      %add3A_317 = arith.addf %add3A_300, %bitcast3A_315 : vector<16xf32>
      %add3A_318 = arith.addf %add3A_301, %bitcast3A_316 : vector<16xf32>
      %get3A_319 = arith.index_cast %add3A_269 : i32 to index
      %get3A_320 = arith.constant 48 : index
      %get3A_321 = tpu.vector_load %arg9[%get3A_319, %get3A_320] {strides = array<i32>} : memref<80x64xi32, #tpu.memory_space<vmem>>, vector<16xi32>,
      %get3A_322 = arith.index_cast %add3A_269 : i32 to index
      %get3A_323 = arith.constant 48 : index
      %get3A_324 = tpu.vector_load %arg10[%get3A_322, %get3A_323] {strides = array<i32>} : memref<80x64xi32, #tpu.memory_space<vmem>>, vector<16xi32>,
      %bitcast3A_325 = vector.bitcast %get3A_321 : vector<16xi32> to vector<32xbf16>
      %bitcast3A_326 = vector.bitcast %get3A_324 : vector<16xi32> to vector<32xbf16>
      %mul3A_327 = arith.mulf %bitcast3A_325, %bitcast3A_326 : vector<32xbf16>
      %bitcast3A_328 = vector.bitcast %mul3A_327 : vector<32xbf16> to vector<16xi32>
      %shift_left3A_329 = arith.constant 16 : i32
      %shift_left3A_330 = vector.broadcast %shift_left3A_329 : i32 to vector<16xi32>
      %shift_left3A_331 = arith.shli %bitcast3A_328, %shift_left3A_330 : vector<16xi32>
      %bitcast3A_332 = vector.bitcast %shift_left3A_331 : vector<16xi32> to vector<16xf32>
      %bitcast3A_333 = vector.bitcast %bitcast3A_328 : vector<16xi32> to vector<16xf32>
      %add3A_334 = arith.addf %add3A_317, %bitcast3A_332 : vector<16xf32>
      %add3A_335 = arith.addf %add3A_318, %bitcast3A_333 : vector<16xf32>
      %add3A_336 = arith.addf %add3A_334, %add3A_335 : vector<16xf32>
      %reduce_sum3A_337 = arith.constant true
      %reduce_sum3A_338 = vector.broadcast %reduce_sum3A_337 : i1 to vector<16xi1>
      %reduce_sum3A_339 = tpu.scan <sum>, %add3A_336 masked %reduce_sum3A_338 : vector<16xf32>, vector<16xi1> -> vector<16xf32>
      %reduce_sum3A_340 = vector.extract %reduce_sum3A_339[15] : f32 from vector<16xf32>
      %eq3A_341 = arith.constant 3 : i32
      %eq3A_342 = vector.broadcast %eq3A_341 : i32 to vector<16xi32>
      %eq3A_343 = arith.cmpi eq, %iota3A, %eq3A_342 : vector<16xi32>
      %broadcast_in_dim3A_344 = vector.broadcast %reduce_sum3A_340 : f32 to vector<16xf32>
      %select_n3A_345 = arith.select %eq3A_343, %broadcast_in_dim3A_344, %select_n3A_265 : vector<16xi1>, vector<16xf32>
      %mul3A_346 = arith.constant 16 : i32
      %mul3A_347 = arith.muli %scan3A_30, %mul3A_346 : i32
      %add3A_348 = arith.constant 4 : i32
      %add3A_349 = arith.addi %mul3A_347, %add3A_348 : i32
      %get3A_350 = arith.index_cast %add3A_349 : i32 to index
      %get3A_351 = arith.constant 0 : index
      %get3A_352 = tpu.vector_load %arg9[%get3A_350, %get3A_351] {strides = array<i32>} : memref<80x64xi32, #tpu.memory_space<vmem>>, vector<16xi32>,
      %get3A_353 = arith.index_cast %add3A_349 : i32 to index
      %get3A_354 = arith.constant 0 : index
      %get3A_355 = tpu.vector_load %arg10[%get3A_353, %get3A_354] {strides = array<i32>} : memref<80x64xi32, #tpu.memory_space<vmem>>, vector<16xi32>,
      %bitcast3A_356 = vector.bitcast %get3A_352 : vector<16xi32> to vector<32xbf16>
      %bitcast3A_357 = vector.bitcast %get3A_355 : vector<16xi32> to vector<32xbf16>
      %mul3A_358 = arith.mulf %bitcast3A_356, %bitcast3A_357 : vector<32xbf16>
      %bitcast3A_359 = vector.bitcast %mul3A_358 : vector<32xbf16> to vector<16xi32>
      %shift_left3A_360 = arith.constant 16 : i32
      %shift_left3A_361 = vector.broadcast %shift_left3A_360 : i32 to vector<16xi32>
      %shift_left3A_362 = arith.shli %bitcast3A_359, %shift_left3A_361 : vector<16xi32>
      %bitcast3A_363 = vector.bitcast %shift_left3A_362 : vector<16xi32> to vector<16xf32>
      %bitcast3A_364 = vector.bitcast %bitcast3A_359 : vector<16xi32> to vector<16xf32>
      %get3A_365 = arith.index_cast %add3A_349 : i32 to index
      %get3A_366 = arith.constant 16 : index
      %get3A_367 = tpu.vector_load %arg9[%get3A_365, %get3A_366] {strides = array<i32>} : memref<80x64xi32, #tpu.memory_space<vmem>>, vector<16xi32>,
      %get3A_368 = arith.index_cast %add3A_349 : i32 to index
      %get3A_369 = arith.constant 16 : index
      %get3A_370 = tpu.vector_load %arg10[%get3A_368, %get3A_369] {strides = array<i32>} : memref<80x64xi32, #tpu.memory_space<vmem>>, vector<16xi32>,
      %bitcast3A_371 = vector.bitcast %get3A_367 : vector<16xi32> to vector<32xbf16>
      %bitcast3A_372 = vector.bitcast %get3A_370 : vector<16xi32> to vector<32xbf16>
      %mul3A_373 = arith.mulf %bitcast3A_371, %bitcast3A_372 : vector<32xbf16>
      %bitcast3A_374 = vector.bitcast %mul3A_373 : vector<32xbf16> to vector<16xi32>
      %shift_left3A_375 = arith.constant 16 : i32
      %shift_left3A_376 = vector.broadcast %shift_left3A_375 : i32 to vector<16xi32>
      %shift_left3A_377 = arith.shli %bitcast3A_374, %shift_left3A_376 : vector<16xi32>
      %bitcast3A_378 = vector.bitcast %shift_left3A_377 : vector<16xi32> to vector<16xf32>
      %bitcast3A_379 = vector.bitcast %bitcast3A_374 : vector<16xi32> to vector<16xf32>
      %add3A_380 = arith.addf %bitcast3A_363, %bitcast3A_378 : vector<16xf32>
      %add3A_381 = arith.addf %bitcast3A_364, %bitcast3A_379 : vector<16xf32>
      %get3A_382 = arith.index_cast %add3A_349 : i32 to index
      %get3A_383 = arith.constant 32 : index
      %get3A_384 = tpu.vector_load %arg9[%get3A_382, %get3A_383] {strides = array<i32>} : memref<80x64xi32, #tpu.memory_space<vmem>>, vector<16xi32>,
      %get3A_385 = arith.index_cast %add3A_349 : i32 to index
      %get3A_386 = arith.constant 32 : index
      %get3A_387 = tpu.vector_load %arg10[%get3A_385, %get3A_386] {strides = array<i32>} : memref<80x64xi32, #tpu.memory_space<vmem>>, vector<16xi32>,
      %bitcast3A_388 = vector.bitcast %get3A_384 : vector<16xi32> to vector<32xbf16>
      %bitcast3A_389 = vector.bitcast %get3A_387 : vector<16xi32> to vector<32xbf16>
      %mul3A_390 = arith.mulf %bitcast3A_388, %bitcast3A_389 : vector<32xbf16>
      %bitcast3A_391 = vector.bitcast %mul3A_390 : vector<32xbf16> to vector<16xi32>
      %shift_left3A_392 = arith.constant 16 : i32
      %shift_left3A_393 = vector.broadcast %shift_left3A_392 : i32 to vector<16xi32>
      %shift_left3A_394 = arith.shli %bitcast3A_391, %shift_left3A_393 : vector<16xi32>
      %bitcast3A_395 = vector.bitcast %shift_left3A_394 : vector<16xi32> to vector<16xf32>
      %bitcast3A_396 = vector.bitcast %bitcast3A_391 : vector<16xi32> to vector<16xf32>
      %add3A_397 = arith.addf %add3A_380, %bitcast3A_395 : vector<16xf32>
      %add3A_398 = arith.addf %add3A_381, %bitcast3A_396 : vector<16xf32>
      %get3A_399 = arith.index_cast %add3A_349 : i32 to index
      %get3A_400 = arith.constant 48 : index
      %get3A_401 = tpu.vector_load %arg9[%get3A_399, %get3A_400] {strides = array<i32>} : memref<80x64xi32, #tpu.memory_space<vmem>>, vector<16xi32>,
      %get3A_402 = arith.index_cast %add3A_349 : i32 to index
      %get3A_403 = arith.constant 48 : index
      %get3A_404 = tpu.vector_load %arg10[%get3A_402, %get3A_403] {strides = array<i32>} : memref<80x64xi32, #tpu.memory_space<vmem>>, vector<16xi32>,
      %bitcast3A_405 = vector.bitcast %get3A_401 : vector<16xi32> to vector<32xbf16>
      %bitcast3A_406 = vector.bitcast %get3A_404 : vector<16xi32> to vector<32xbf16>
      %mul3A_407 = arith.mulf %bitcast3A_405, %bitcast3A_406 : vector<32xbf16>
      %bitcast3A_408 = vector.bitcast %mul3A_407 : vector<32xbf16> to vector<16xi32>
      %shift_left3A_409 = arith.constant 16 : i32
      %shift_left3A_410 = vector.broadcast %shift_left3A_409 : i32 to vector<16xi32>
      %shift_left3A_411 = arith.shli %bitcast3A_408, %shift_left3A_410 : vector<16xi32>
      %bitcast3A_412 = vector.bitcast %shift_left3A_411 : vector<16xi32> to vector<16xf32>
      %bitcast3A_413 = vector.bitcast %bitcast3A_408 : vector<16xi32> to vector<16xf32>
      %add3A_414 = arith.addf %add3A_397, %bitcast3A_412 : vector<16xf32>
      %add3A_415 = arith.addf %add3A_398, %bitcast3A_413 : vector<16xf32>
      %add3A_416 = arith.addf %add3A_414, %add3A_415 : vector<16xf32>
      %reduce_sum3A_417 = arith.constant true
      %reduce_sum3A_418 = vector.broadcast %reduce_sum3A_417 : i1 to vector<16xi1>
      %reduce_sum3A_419 = tpu.scan <sum>, %add3A_416 masked %reduce_sum3A_418 : vector<16xf32>, vector<16xi1> -> vector<16xf32>
      %reduce_sum3A_420 = vector.extract %reduce_sum3A_419[15] : f32 from vector<16xf32>
      %eq3A_421 = arith.constant 4 : i32
      %eq3A_422 = vector.broadcast %eq3A_421 : i32 to vector<16xi32>
      %eq3A_423 = arith.cmpi eq, %iota3A, %eq3A_422 : vector<16xi32>
      %broadcast_in_dim3A_424 = vector.broadcast %reduce_sum3A_420 : f32 to vector<16xf32>
      %select_n3A_425 = arith.select %eq3A_423, %broadcast_in_dim3A_424, %select_n3A_345 : vector<16xi1>, vector<16xf32>
      %mul3A_426 = arith.constant 16 : i32
      %mul3A_427 = arith.muli %scan3A_30, %mul3A_426 : i32
      %add3A_428 = arith.constant 5 : i32
      %add3A_429 = arith.addi %mul3A_427, %add3A_428 : i32
      %get3A_430 = arith.index_cast %add3A_429 : i32 to index
      %get3A_431 = arith.constant 0 : index
      %get3A_432 = tpu.vector_load %arg9[%get3A_430, %get3A_431] {strides = array<i32>} : memref<80x64xi32, #tpu.memory_space<vmem>>, vector<16xi32>,
      %get3A_433 = arith.index_cast %add3A_429 : i32 to index
      %get3A_434 = arith.constant 0 : index
      %get3A_435 = tpu.vector_load %arg10[%get3A_433, %get3A_434] {strides = array<i32>} : memref<80x64xi32, #tpu.memory_space<vmem>>, vector<16xi32>,
      %bitcast3A_436 = vector.bitcast %get3A_432 : vector<16xi32> to vector<32xbf16>
      %bitcast3A_437 = vector.bitcast %get3A_435 : vector<16xi32> to vector<32xbf16>
      %mul3A_438 = arith.mulf %bitcast3A_436, %bitcast3A_437 : vector<32xbf16>
      %bitcast3A_439 = vector.bitcast %mul3A_438 : vector<32xbf16> to vector<16xi32>
      %shift_left3A_440 = arith.constant 16 : i32
      %shift_left3A_441 = vector.broadcast %shift_left3A_440 : i32 to vector<16xi32>
      %shift_left3A_442 = arith.shli %bitcast3A_439, %shift_left3A_441 : vector<16xi32>
      %bitcast3A_443 = vector.bitcast %shift_left3A_442 : vector<16xi32> to vector<16xf32>
      %bitcast3A_444 = vector.bitcast %bitcast3A_439 : vector<16xi32> to vector<16xf32>
      %get3A_445 = arith.index_cast %add3A_429 : i32 to index
      %get3A_446 = arith.constant 16 : index
      %get3A_447 = tpu.vector_load %arg9[%get3A_445, %get3A_446] {strides = array<i32>} : memref<80x64xi32, #tpu.memory_space<vmem>>, vector<16xi32>,
      %get3A_448 = arith.index_cast %add3A_429 : i32 to index
      %get3A_449 = arith.constant 16 : index
      %get3A_450 = tpu.vector_load %arg10[%get3A_448, %get3A_449] {strides = array<i32>} : memref<80x64xi32, #tpu.memory_space<vmem>>, vector<16xi32>,
      %bitcast3A_451 = vector.bitcast %get3A_447 : vector<16xi32> to vector<32xbf16>
      %bitcast3A_452 = vector.bitcast %get3A_450 : vector<16xi32> to vector<32xbf16>
      %mul3A_453 = arith.mulf %bitcast3A_451, %bitcast3A_452 : vector<32xbf16>
      %bitcast3A_454 = vector.bitcast %mul3A_453 : vector<32xbf16> to vector<16xi32>
      %shift_left3A_455 = arith.constant 16 : i32
      %shift_left3A_456 = vector.broadcast %shift_left3A_455 : i32 to vector<16xi32>
      %shift_left3A_457 = arith.shli %bitcast3A_454, %shift_left3A_456 : vector<16xi32>
      %bitcast3A_458 = vector.bitcast %shift_left3A_457 : vector<16xi32> to vector<16xf32>
      %bitcast3A_459 = vector.bitcast %bitcast3A_454 : vector<16xi32> to vector<16xf32>
      %add3A_460 = arith.addf %bitcast3A_443, %bitcast3A_458 : vector<16xf32>
      %add3A_461 = arith.addf %bitcast3A_444, %bitcast3A_459 : vector<16xf32>
      %get3A_462 = arith.index_cast %add3A_429 : i32 to index
      %get3A_463 = arith.constant 32 : index
      %get3A_464 = tpu.vector_load %arg9[%get3A_462, %get3A_463] {strides = array<i32>} : memref<80x64xi32, #tpu.memory_space<vmem>>, vector<16xi32>,
      %get3A_465 = arith.index_cast %add3A_429 : i32 to index
      %get3A_466 = arith.constant 32 : index
      %get3A_467 = tpu.vector_load %arg10[%get3A_465, %get3A_466] {strides = array<i32>} : memref<80x64xi32, #tpu.memory_space<vmem>>, vector<16xi32>,
      %bitcast3A_468 = vector.bitcast %get3A_464 : vector<16xi32> to vector<32xbf16>
      %bitcast3A_469 = vector.bitcast %get3A_467 : vector<16xi32> to vector<32xbf16>
      %mul3A_470 = arith.mulf %bitcast3A_468, %bitcast3A_469 : vector<32xbf16>
      %bitcast3A_471 = vector.bitcast %mul3A_470 : vector<32xbf16> to vector<16xi32>
      %shift_left3A_472 = arith.constant 16 : i32
      %shift_left3A_473 = vector.broadcast %shift_left3A_472 : i32 to vector<16xi32>
      %shift_left3A_474 = arith.shli %bitcast3A_471, %shift_left3A_473 : vector<16xi32>
      %bitcast3A_475 = vector.bitcast %shift_left3A_474 : vector<16xi32> to vector<16xf32>
      %bitcast3A_476 = vector.bitcast %bitcast3A_471 : vector<16xi32> to vector<16xf32>
      %add3A_477 = arith.addf %add3A_460, %bitcast3A_475 : vector<16xf32>
      %add3A_478 = arith.addf %add3A_461, %bitcast3A_476 : vector<16xf32>
      %get3A_479 = arith.index_cast %add3A_429 : i32 to index
      %get3A_480 = arith.constant 48 : index
      %get3A_481 = tpu.vector_load %arg9[%get3A_479, %get3A_480] {strides = array<i32>} : memref<80x64xi32, #tpu.memory_space<vmem>>, vector<16xi32>,
      %get3A_482 = arith.index_cast %add3A_429 : i32 to index
      %get3A_483 = arith.constant 48 : index
      %get3A_484 = tpu.vector_load %arg10[%get3A_482, %get3A_483] {strides = array<i32>} : memref<80x64xi32, #tpu.memory_space<vmem>>, vector<16xi32>,
      %bitcast3A_485 = vector.bitcast %get3A_481 : vector<16xi32> to vector<32xbf16>
      %bitcast3A_486 = vector.bitcast %get3A_484 : vector<16xi32> to vector<32xbf16>
      %mul3A_487 = arith.mulf %bitcast3A_485, %bitcast3A_486 : vector<32xbf16>
      %bitcast3A_488 = vector.bitcast %mul3A_487 : vector<32xbf16> to vector<16xi32>
      %shift_left3A_489 = arith.constant 16 : i32
      %shift_left3A_490 = vector.broadcast %shift_left3A_489 : i32 to vector<16xi32>
      %shift_left3A_491 = arith.shli %bitcast3A_488, %shift_left3A_490 : vector<16xi32>
      %bitcast3A_492 = vector.bitcast %shift_left3A_491 : vector<16xi32> to vector<16xf32>
      %bitcast3A_493 = vector.bitcast %bitcast3A_488 : vector<16xi32> to vector<16xf32>
      %add3A_494 = arith.addf %add3A_477, %bitcast3A_492 : vector<16xf32>
      %add3A_495 = arith.addf %add3A_478, %bitcast3A_493 : vector<16xf32>
      %add3A_496 = arith.addf %add3A_494, %add3A_495 : vector<16xf32>
      %reduce_sum3A_497 = arith.constant true
      %reduce_sum3A_498 = vector.broadcast %reduce_sum3A_497 : i1 to vector<16xi1>
      %reduce_sum3A_499 = tpu.scan <sum>, %add3A_496 masked %reduce_sum3A_498 : vector<16xf32>, vector<16xi1> -> vector<16xf32>
      %reduce_sum3A_500 = vector.extract %reduce_sum3A_499[15] : f32 from vector<16xf32>
      %eq3A_501 = arith.constant 5 : i32
      %eq3A_502 = vector.broadcast %eq3A_501 : i32 to vector<16xi32>
      %eq3A_503 = arith.cmpi eq, %iota3A, %eq3A_502 : vector<16xi32>
      %broadcast_in_dim3A_504 = vector.broadcast %reduce_sum3A_500 : f32 to vector<16xf32>
      %select_n3A_505 = arith.select %eq3A_503, %broadcast_in_dim3A_504, %select_n3A_425 : vector<16xi1>, vector<16xf32>
      %mul3A_506 = arith.constant 16 : i32
      %mul3A_507 = arith.muli %scan3A_30, %mul3A_506 : i32
      %add3A_508 = arith.constant 6 : i32
      %add3A_509 = arith.addi %mul3A_507, %add3A_508 : i32
      %get3A_510 = arith.index_cast %add3A_509 : i32 to index
      %get3A_511 = arith.constant 0 : index
      %get3A_512 = tpu.vector_load %arg9[%get3A_510, %get3A_511] {strides = array<i32>} : memref<80x64xi32, #tpu.memory_space<vmem>>, vector<16xi32>,
      %get3A_513 = arith.index_cast %add3A_509 : i32 to index
      %get3A_514 = arith.constant 0 : index
      %get3A_515 = tpu.vector_load %arg10[%get3A_513, %get3A_514] {strides = array<i32>} : memref<80x64xi32, #tpu.memory_space<vmem>>, vector<16xi32>,
      %bitcast3A_516 = vector.bitcast %get3A_512 : vector<16xi32> to vector<32xbf16>
      %bitcast3A_517 = vector.bitcast %get3A_515 : vector<16xi32> to vector<32xbf16>
      %mul3A_518 = arith.mulf %bitcast3A_516, %bitcast3A_517 : vector<32xbf16>
      %bitcast3A_519 = vector.bitcast %mul3A_518 : vector<32xbf16> to vector<16xi32>
      %shift_left3A_520 = arith.constant 16 : i32
      %shift_left3A_521 = vector.broadcast %shift_left3A_520 : i32 to vector<16xi32>
      %shift_left3A_522 = arith.shli %bitcast3A_519, %shift_left3A_521 : vector<16xi32>
      %bitcast3A_523 = vector.bitcast %shift_left3A_522 : vector<16xi32> to vector<16xf32>
      %bitcast3A_524 = vector.bitcast %bitcast3A_519 : vector<16xi32> to vector<16xf32>
      %get3A_525 = arith.index_cast %add3A_509 : i32 to index
      %get3A_526 = arith.constant 16 : index
      %get3A_527 = tpu.vector_load %arg9[%get3A_525, %get3A_526] {strides = array<i32>} : memref<80x64xi32, #tpu.memory_space<vmem>>, vector<16xi32>,
      %get3A_528 = arith.index_cast %add3A_509 : i32 to index
      %get3A_529 = arith.constant 16 : index
      %get3A_530 = tpu.vector_load %arg10[%get3A_528, %get3A_529] {strides = array<i32>} : memref<80x64xi32, #tpu.memory_space<vmem>>, vector<16xi32>,
      %bitcast3A_531 = vector.bitcast %get3A_527 : vector<16xi32> to vector<32xbf16>
      %bitcast3A_532 = vector.bitcast %get3A_530 : vector<16xi32> to vector<32xbf16>
      %mul3A_533 = arith.mulf %bitcast3A_531, %bitcast3A_532 : vector<32xbf16>
      %bitcast3A_534 = vector.bitcast %mul3A_533 : vector<32xbf16> to vector<16xi32>
      %shift_left3A_535 = arith.constant 16 : i32
      %shift_left3A_536 = vector.broadcast %shift_left3A_535 : i32 to vector<16xi32>
      %shift_left3A_537 = arith.shli %bitcast3A_534, %shift_left3A_536 : vector<16xi32>
      %bitcast3A_538 = vector.bitcast %shift_left3A_537 : vector<16xi32> to vector<16xf32>
      %bitcast3A_539 = vector.bitcast %bitcast3A_534 : vector<16xi32> to vector<16xf32>
      %add3A_540 = arith.addf %bitcast3A_523, %bitcast3A_538 : vector<16xf32>
      %add3A_541 = arith.addf %bitcast3A_524, %bitcast3A_539 : vector<16xf32>
      %get3A_542 = arith.index_cast %add3A_509 : i32 to index
      %get3A_543 = arith.constant 32 : index
      %get3A_544 = tpu.vector_load %arg9[%get3A_542, %get3A_543] {strides = array<i32>} : memref<80x64xi32, #tpu.memory_space<vmem>>, vector<16xi32>,
      %get3A_545 = arith.index_cast %add3A_509 : i32 to index
      %get3A_546 = arith.constant 32 : index
      %get3A_547 = tpu.vector_load %arg10[%get3A_545, %get3A_546] {strides = array<i32>} : memref<80x64xi32, #tpu.memory_space<vmem>>, vector<16xi32>,
      %bitcast3A_548 = vector.bitcast %get3A_544 : vector<16xi32> to vector<32xbf16>
      %bitcast3A_549 = vector.bitcast %get3A_547 : vector<16xi32> to vector<32xbf16>
      %mul3A_550 = arith.mulf %bitcast3A_548, %bitcast3A_549 : vector<32xbf16>
      %bitcast3A_551 = vector.bitcast %mul3A_550 : vector<32xbf16> to vector<16xi32>
      %shift_left3A_552 = arith.constant 16 : i32
      %shift_left3A_553 = vector.broadcast %shift_left3A_552 : i32 to vector<16xi32>
      %shift_left3A_554 = arith.shli %bitcast3A_551, %shift_left3A_553 : vector<16xi32>
      %bitcast3A_555 = vector.bitcast %shift_left3A_554 : vector<16xi32> to vector<16xf32>
      %bitcast3A_556 = vector.bitcast %bitcast3A_551 : vector<16xi32> to vector<16xf32>
      %add3A_557 = arith.addf %add3A_540, %bitcast3A_555 : vector<16xf32>
      %add3A_558 = arith.addf %add3A_541, %bitcast3A_556 : vector<16xf32>
      %get3A_559 = arith.index_cast %add3A_509 : i32 to index
      %get3A_560 = arith.constant 48 : index
      %get3A_561 = tpu.vector_load %arg9[%get3A_559, %get3A_560] {strides = array<i32>} : memref<80x64xi32, #tpu.memory_space<vmem>>, vector<16xi32>,
      %get3A_562 = arith.index_cast %add3A_509 : i32 to index
      %get3A_563 = arith.constant 48 : index
      %get3A_564 = tpu.vector_load %arg10[%get3A_562, %get3A_563] {strides = array<i32>} : memref<80x64xi32, #tpu.memory_space<vmem>>, vector<16xi32>,
      %bitcast3A_565 = vector.bitcast %get3A_561 : vector<16xi32> to vector<32xbf16>
      %bitcast3A_566 = vector.bitcast %get3A_564 : vector<16xi32> to vector<32xbf16>
      %mul3A_567 = arith.mulf %bitcast3A_565, %bitcast3A_566 : vector<32xbf16>
      %bitcast3A_568 = vector.bitcast %mul3A_567 : vector<32xbf16> to vector<16xi32>
      %shift_left3A_569 = arith.constant 16 : i32
      %shift_left3A_570 = vector.broadcast %shift_left3A_569 : i32 to vector<16xi32>
      %shift_left3A_571 = arith.shli %bitcast3A_568, %shift_left3A_570 : vector<16xi32>
      %bitcast3A_572 = vector.bitcast %shift_left3A_571 : vector<16xi32> to vector<16xf32>
      %bitcast3A_573 = vector.bitcast %bitcast3A_568 : vector<16xi32> to vector<16xf32>
      %add3A_574 = arith.addf %add3A_557, %bitcast3A_572 : vector<16xf32>
      %add3A_575 = arith.addf %add3A_558, %bitcast3A_573 : vector<16xf32>
      %add3A_576 = arith.addf %add3A_574, %add3A_575 : vector<16xf32>
      %reduce_sum3A_577 = arith.constant true
      %reduce_sum3A_578 = vector.broadcast %reduce_sum3A_577 : i1 to vector<16xi1>
      %reduce_sum3A_579 = tpu.scan <sum>, %add3A_576 masked %reduce_sum3A_578 : vector<16xf32>, vector<16xi1> -> vector<16xf32>
      %reduce_sum3A_580 = vector.extract %reduce_sum3A_579[15] : f32 from vector<16xf32>
      %eq3A_581 = arith.constant 6 : i32
      %eq3A_582 = vector.broadcast %eq3A_581 : i32 to vector<16xi32>
      %eq3A_583 = arith.cmpi eq, %iota3A, %eq3A_582 : vector<16xi32>
      %broadcast_in_dim3A_584 = vector.broadcast %reduce_sum3A_580 : f32 to vector<16xf32>
      %select_n3A_585 = arith.select %eq3A_583, %broadcast_in_dim3A_584, %select_n3A_505 : vector<16xi1>, vector<16xf32>
      %mul3A_586 = arith.constant 16 : i32
      %mul3A_587 = arith.muli %scan3A_30, %mul3A_586 : i32
      %add3A_588 = arith.constant 7 : i32
      %add3A_589 = arith.addi %mul3A_587, %add3A_588 : i32
      %get3A_590 = arith.index_cast %add3A_589 : i32 to index
      %get3A_591 = arith.constant 0 : index
      %get3A_592 = tpu.vector_load %arg9[%get3A_590, %get3A_591] {strides = array<i32>} : memref<80x64xi32, #tpu.memory_space<vmem>>, vector<16xi32>,
      %get3A_593 = arith.index_cast %add3A_589 : i32 to index
      %get3A_594 = arith.constant 0 : index
      %get3A_595 = tpu.vector_load %arg10[%get3A_593, %get3A_594] {strides = array<i32>} : memref<80x64xi32, #tpu.memory_space<vmem>>, vector<16xi32>,
      %bitcast3A_596 = vector.bitcast %get3A_592 : vector<16xi32> to vector<32xbf16>
      %bitcast3A_597 = vector.bitcast %get3A_595 : vector<16xi32> to vector<32xbf16>
      %mul3A_598 = arith.mulf %bitcast3A_596, %bitcast3A_597 : vector<32xbf16>
      %bitcast3A_599 = vector.bitcast %mul3A_598 : vector<32xbf16> to vector<16xi32>
      %shift_left3A_600 = arith.constant 16 : i32
      %shift_left3A_601 = vector.broadcast %shift_left3A_600 : i32 to vector<16xi32>
      %shift_left3A_602 = arith.shli %bitcast3A_599, %shift_left3A_601 : vector<16xi32>
      %bitcast3A_603 = vector.bitcast %shift_left3A_602 : vector<16xi32> to vector<16xf32>
      %bitcast3A_604 = vector.bitcast %bitcast3A_599 : vector<16xi32> to vector<16xf32>
      %get3A_605 = arith.index_cast %add3A_589 : i32 to index
      %get3A_606 = arith.constant 16 : index
      %get3A_607 = tpu.vector_load %arg9[%get3A_605, %get3A_606] {strides = array<i32>} : memref<80x64xi32, #tpu.memory_space<vmem>>, vector<16xi32>,
      %get3A_608 = arith.index_cast %add3A_589 : i32 to index
      %get3A_609 = arith.constant 16 : index
      %get3A_610 = tpu.vector_load %arg10[%get3A_608, %get3A_609] {strides = array<i32>} : memref<80x64xi32, #tpu.memory_space<vmem>>, vector<16xi32>,
      %bitcast3A_611 = vector.bitcast %get3A_607 : vector<16xi32> to vector<32xbf16>
      %bitcast3A_612 = vector.bitcast %get3A_610 : vector<16xi32> to vector<32xbf16>
      %mul3A_613 = arith.mulf %bitcast3A_611, %bitcast3A_612 : vector<32xbf16>
      %bitcast3A_614 = vector.bitcast %mul3A_613 : vector<32xbf16> to vector<16xi32>
      %shift_left3A_615 = arith.constant 16 : i32
      %shift_left3A_616 = vector.broadcast %shift_left3A_615 : i32 to vector<16xi32>
      %shift_left3A_617 = arith.shli %bitcast3A_614, %shift_left3A_616 : vector<16xi32>
      %bitcast3A_618 = vector.bitcast %shift_left3A_617 : vector<16xi32> to vector<16xf32>
      %bitcast3A_619 = vector.bitcast %bitcast3A_614 : vector<16xi32> to vector<16xf32>
      %add3A_620 = arith.addf %bitcast3A_603, %bitcast3A_618 : vector<16xf32>
      %add3A_621 = arith.addf %bitcast3A_604, %bitcast3A_619 : vector<16xf32>
      %get3A_622 = arith.index_cast %add3A_589 : i32 to index
      %get3A_623 = arith.constant 32 : index
      %get3A_624 = tpu.vector_load %arg9[%get3A_622, %get3A_623] {strides = array<i32>} : memref<80x64xi32, #tpu.memory_space<vmem>>, vector<16xi32>,
      %get3A_625 = arith.index_cast %add3A_589 : i32 to index
      %get3A_626 = arith.constant 32 : index
      %get3A_627 = tpu.vector_load %arg10[%get3A_625, %get3A_626] {strides = array<i32>} : memref<80x64xi32, #tpu.memory_space<vmem>>, vector<16xi32>,
      %bitcast3A_628 = vector.bitcast %get3A_624 : vector<16xi32> to vector<32xbf16>
      %bitcast3A_629 = vector.bitcast %get3A_627 : vector<16xi32> to vector<32xbf16>
      %mul3A_630 = arith.mulf %bitcast3A_628, %bitcast3A_629 : vector<32xbf16>
      %bitcast3A_631 = vector.bitcast %mul3A_630 : vector<32xbf16> to vector<16xi32>
      %shift_left3A_632 = arith.constant 16 : i32
      %shift_left3A_633 = vector.broadcast %shift_left3A_632 : i32 to vector<16xi32>
      %shift_left3A_634 = arith.shli %bitcast3A_631, %shift_left3A_633 : vector<16xi32>
      %bitcast3A_635 = vector.bitcast %shift_left3A_634 : vector<16xi32> to vector<16xf32>
      %bitcast3A_636 = vector.bitcast %bitcast3A_631 : vector<16xi32> to vector<16xf32>
      %add3A_637 = arith.addf %add3A_620, %bitcast3A_635 : vector<16xf32>
      %add3A_638 = arith.addf %add3A_621, %bitcast3A_636 : vector<16xf32>
      %get3A_639 = arith.index_cast %add3A_589 : i32 to index
      %get3A_640 = arith.constant 48 : index
      %get3A_641 = tpu.vector_load %arg9[%get3A_639, %get3A_640] {strides = array<i32>} : memref<80x64xi32, #tpu.memory_space<vmem>>, vector<16xi32>,
      %get3A_642 = arith.index_cast %add3A_589 : i32 to index
      %get3A_643 = arith.constant 48 : index
      %get3A_644 = tpu.vector_load %arg10[%get3A_642, %get3A_643] {strides = array<i32>} : memref<80x64xi32, #tpu.memory_space<vmem>>, vector<16xi32>,
      %bitcast3A_645 = vector.bitcast %get3A_641 : vector<16xi32> to vector<32xbf16>
      %bitcast3A_646 = vector.bitcast %get3A_644 : vector<16xi32> to vector<32xbf16>
      %mul3A_647 = arith.mulf %bitcast3A_645, %bitcast3A_646 : vector<32xbf16>
      %bitcast3A_648 = vector.bitcast %mul3A_647 : vector<32xbf16> to vector<16xi32>
      %shift_left3A_649 = arith.constant 16 : i32
      %shift_left3A_650 = vector.broadcast %shift_left3A_649 : i32 to vector<16xi32>
      %shift_left3A_651 = arith.shli %bitcast3A_648, %shift_left3A_650 : vector<16xi32>
      %bitcast3A_652 = vector.bitcast %shift_left3A_651 : vector<16xi32> to vector<16xf32>
      %bitcast3A_653 = vector.bitcast %bitcast3A_648 : vector<16xi32> to vector<16xf32>
      %add3A_654 = arith.addf %add3A_637, %bitcast3A_652 : vector<16xf32>
      %add3A_655 = arith.addf %add3A_638, %bitcast3A_653 : vector<16xf32>
      %add3A_656 = arith.addf %add3A_654, %add3A_655 : vector<16xf32>
      %reduce_sum3A_657 = arith.constant true
      %reduce_sum3A_658 = vector.broadcast %reduce_sum3A_657 : i1 to vector<16xi1>
      %reduce_sum3A_659 = tpu.scan <sum>, %add3A_656 masked %reduce_sum3A_658 : vector<16xf32>, vector<16xi1> -> vector<16xf32>
      %reduce_sum3A_660 = vector.extract %reduce_sum3A_659[15] : f32 from vector<16xf32>
      %eq3A_661 = arith.constant 7 : i32
      %eq3A_662 = vector.broadcast %eq3A_661 : i32 to vector<16xi32>
      %eq3A_663 = arith.cmpi eq, %iota3A, %eq3A_662 : vector<16xi32>
      %broadcast_in_dim3A_664 = vector.broadcast %reduce_sum3A_660 : f32 to vector<16xf32>
      %select_n3A_665 = arith.select %eq3A_663, %broadcast_in_dim3A_664, %select_n3A_585 : vector<16xi1>, vector<16xf32>
      %mul3A_666 = arith.constant 16 : i32
      %mul3A_667 = arith.muli %scan3A_30, %mul3A_666 : i32
      %add3A_668 = arith.constant 8 : i32
      %add3A_669 = arith.addi %mul3A_667, %add3A_668 : i32
      %get3A_670 = arith.index_cast %add3A_669 : i32 to index
      %get3A_671 = arith.constant 0 : index
      %get3A_672 = tpu.vector_load %arg9[%get3A_670, %get3A_671] {strides = array<i32>} : memref<80x64xi32, #tpu.memory_space<vmem>>, vector<16xi32>,
      %get3A_673 = arith.index_cast %add3A_669 : i32 to index
      %get3A_674 = arith.constant 0 : index
      %get3A_675 = tpu.vector_load %arg10[%get3A_673, %get3A_674] {strides = array<i32>} : memref<80x64xi32, #tpu.memory_space<vmem>>, vector<16xi32>,
      %bitcast3A_676 = vector.bitcast %get3A_672 : vector<16xi32> to vector<32xbf16>
      %bitcast3A_677 = vector.bitcast %get3A_675 : vector<16xi32> to vector<32xbf16>
      %mul3A_678 = arith.mulf %bitcast3A_676, %bitcast3A_677 : vector<32xbf16>
      %bitcast3A_679 = vector.bitcast %mul3A_678 : vector<32xbf16> to vector<16xi32>
      %shift_left3A_680 = arith.constant 16 : i32
      %shift_left3A_681 = vector.broadcast %shift_left3A_680 : i32 to vector<16xi32>
      %shift_left3A_682 = arith.shli %bitcast3A_679, %shift_left3A_681 : vector<16xi32>
      %bitcast3A_683 = vector.bitcast %shift_left3A_682 : vector<16xi32> to vector<16xf32>
      %bitcast3A_684 = vector.bitcast %bitcast3A_679 : vector<16xi32> to vector<16xf32>
      %get3A_685 = arith.index_cast %add3A_669 : i32 to index
      %get3A_686 = arith.constant 16 : index
      %get3A_687 = tpu.vector_load %arg9[%get3A_685, %get3A_686] {strides = array<i32>} : memref<80x64xi32, #tpu.memory_space<vmem>>, vector<16xi32>,
      %get3A_688 = arith.index_cast %add3A_669 : i32 to index
      %get3A_689 = arith.constant 16 : index
      %get3A_690 = tpu.vector_load %arg10[%get3A_688, %get3A_689] {strides = array<i32>} : memref<80x64xi32, #tpu.memory_space<vmem>>, vector<16xi32>,
      %bitcast3A_691 = vector.bitcast %get3A_687 : vector<16xi32> to vector<32xbf16>
      %bitcast3A_692 = vector.bitcast %get3A_690 : vector<16xi32> to vector<32xbf16>
      %mul3A_693 = arith.mulf %bitcast3A_691, %bitcast3A_692 : vector<32xbf16>
      %bitcast3A_694 = vector.bitcast %mul3A_693 : vector<32xbf16> to vector<16xi32>
      %shift_left3A_695 = arith.constant 16 : i32
      %shift_left3A_696 = vector.broadcast %shift_left3A_695 : i32 to vector<16xi32>
      %shift_left3A_697 = arith.shli %bitcast3A_694, %shift_left3A_696 : vector<16xi32>
      %bitcast3A_698 = vector.bitcast %shift_left3A_697 : vector<16xi32> to vector<16xf32>
      %bitcast3A_699 = vector.bitcast %bitcast3A_694 : vector<16xi32> to vector<16xf32>
      %add3A_700 = arith.addf %bitcast3A_683, %bitcast3A_698 : vector<16xf32>
      %add3A_701 = arith.addf %bitcast3A_684, %bitcast3A_699 : vector<16xf32>
      %get3A_702 = arith.index_cast %add3A_669 : i32 to index
      %get3A_703 = arith.constant 32 : index
      %get3A_704 = tpu.vector_load %arg9[%get3A_702, %get3A_703] {strides = array<i32>} : memref<80x64xi32, #tpu.memory_space<vmem>>, vector<16xi32>,
      %get3A_705 = arith.index_cast %add3A_669 : i32 to index
      %get3A_706 = arith.constant 32 : index
      %get3A_707 = tpu.vector_load %arg10[%get3A_705, %get3A_706] {strides = array<i32>} : memref<80x64xi32, #tpu.memory_space<vmem>>, vector<16xi32>,
      %bitcast3A_708 = vector.bitcast %get3A_704 : vector<16xi32> to vector<32xbf16>
      %bitcast3A_709 = vector.bitcast %get3A_707 : vector<16xi32> to vector<32xbf16>
      %mul3A_710 = arith.mulf %bitcast3A_708, %bitcast3A_709 : vector<32xbf16>
      %bitcast3A_711 = vector.bitcast %mul3A_710 : vector<32xbf16> to vector<16xi32>
      %shift_left3A_712 = arith.constant 16 : i32
      %shift_left3A_713 = vector.broadcast %shift_left3A_712 : i32 to vector<16xi32>
      %shift_left3A_714 = arith.shli %bitcast3A_711, %shift_left3A_713 : vector<16xi32>
      %bitcast3A_715 = vector.bitcast %shift_left3A_714 : vector<16xi32> to vector<16xf32>
      %bitcast3A_716 = vector.bitcast %bitcast3A_711 : vector<16xi32> to vector<16xf32>
      %add3A_717 = arith.addf %add3A_700, %bitcast3A_715 : vector<16xf32>
      %add3A_718 = arith.addf %add3A_701, %bitcast3A_716 : vector<16xf32>
      %get3A_719 = arith.index_cast %add3A_669 : i32 to index
      %get3A_720 = arith.constant 48 : index
      %get3A_721 = tpu.vector_load %arg9[%get3A_719, %get3A_720] {strides = array<i32>} : memref<80x64xi32, #tpu.memory_space<vmem>>, vector<16xi32>,
      %get3A_722 = arith.index_cast %add3A_669 : i32 to index
      %get3A_723 = arith.constant 48 : index
      %get3A_724 = tpu.vector_load %arg10[%get3A_722, %get3A_723] {strides = array<i32>} : memref<80x64xi32, #tpu.memory_space<vmem>>, vector<16xi32>,
      %bitcast3A_725 = vector.bitcast %get3A_721 : vector<16xi32> to vector<32xbf16>
      %bitcast3A_726 = vector.bitcast %get3A_724 : vector<16xi32> to vector<32xbf16>
      %mul3A_727 = arith.mulf %bitcast3A_725, %bitcast3A_726 : vector<32xbf16>
      %bitcast3A_728 = vector.bitcast %mul3A_727 : vector<32xbf16> to vector<16xi32>
      %shift_left3A_729 = arith.constant 16 : i32
      %shift_left3A_730 = vector.broadcast %shift_left3A_729 : i32 to vector<16xi32>
      %shift_left3A_731 = arith.shli %bitcast3A_728, %shift_left3A_730 : vector<16xi32>
      %bitcast3A_732 = vector.bitcast %shift_left3A_731 : vector<16xi32> to vector<16xf32>
      %bitcast3A_733 = vector.bitcast %bitcast3A_728 : vector<16xi32> to vector<16xf32>
      %add3A_734 = arith.addf %add3A_717, %bitcast3A_732 : vector<16xf32>
      %add3A_735 = arith.addf %add3A_718, %bitcast3A_733 : vector<16xf32>
      %add3A_736 = arith.addf %add3A_734, %add3A_735 : vector<16xf32>
      %reduce_sum3A_737 = arith.constant true
      %reduce_sum3A_738 = vector.broadcast %reduce_sum3A_737 : i1 to vector<16xi1>
      %reduce_sum3A_739 = tpu.scan <sum>, %add3A_736 masked %reduce_sum3A_738 : vector<16xf32>, vector<16xi1> -> vector<16xf32>
      %reduce_sum3A_740 = vector.extract %reduce_sum3A_739[15] : f32 from vector<16xf32>
      %eq3A_741 = arith.constant 8 : i32
      %eq3A_742 = vector.broadcast %eq3A_741 : i32 to vector<16xi32>
      %eq3A_743 = arith.cmpi eq, %iota3A, %eq3A_742 : vector<16xi32>
      %broadcast_in_dim3A_744 = vector.broadcast %reduce_sum3A_740 : f32 to vector<16xf32>
      %select_n3A_745 = arith.select %eq3A_743, %broadcast_in_dim3A_744, %select_n3A_665 : vector<16xi1>, vector<16xf32>
      %mul3A_746 = arith.constant 16 : i32
      %mul3A_747 = arith.muli %scan3A_30, %mul3A_746 : i32
      %add3A_748 = arith.constant 9 : i32
      %add3A_749 = arith.addi %mul3A_747, %add3A_748 : i32
      %get3A_750 = arith.index_cast %add3A_749 : i32 to index
      %get3A_751 = arith.constant 0 : index
      %get3A_752 = tpu.vector_load %arg9[%get3A_750, %get3A_751] {strides = array<i32>} : memref<80x64xi32, #tpu.memory_space<vmem>>, vector<16xi32>,
      %get3A_753 = arith.index_cast %add3A_749 : i32 to index
      %get3A_754 = arith.constant 0 : index
      %get3A_755 = tpu.vector_load %arg10[%get3A_753, %get3A_754] {strides = array<i32>} : memref<80x64xi32, #tpu.memory_space<vmem>>, vector<16xi32>,
      %bitcast3A_756 = vector.bitcast %get3A_752 : vector<16xi32> to vector<32xbf16>
      %bitcast3A_757 = vector.bitcast %get3A_755 : vector<16xi32> to vector<32xbf16>
      %mul3A_758 = arith.mulf %bitcast3A_756, %bitcast3A_757 : vector<32xbf16>
      %bitcast3A_759 = vector.bitcast %mul3A_758 : vector<32xbf16> to vector<16xi32>
      %shift_left3A_760 = arith.constant 16 : i32
      %shift_left3A_761 = vector.broadcast %shift_left3A_760 : i32 to vector<16xi32>
      %shift_left3A_762 = arith.shli %bitcast3A_759, %shift_left3A_761 : vector<16xi32>
      %bitcast3A_763 = vector.bitcast %shift_left3A_762 : vector<16xi32> to vector<16xf32>
      %bitcast3A_764 = vector.bitcast %bitcast3A_759 : vector<16xi32> to vector<16xf32>
      %get3A_765 = arith.index_cast %add3A_749 : i32 to index
      %get3A_766 = arith.constant 16 : index
      %get3A_767 = tpu.vector_load %arg9[%get3A_765, %get3A_766] {strides = array<i32>} : memref<80x64xi32, #tpu.memory_space<vmem>>, vector<16xi32>,
      %get3A_768 = arith.index_cast %add3A_749 : i32 to index
      %get3A_769 = arith.constant 16 : index
      %get3A_770 = tpu.vector_load %arg10[%get3A_768, %get3A_769] {strides = array<i32>} : memref<80x64xi32, #tpu.memory_space<vmem>>, vector<16xi32>,
      %bitcast3A_771 = vector.bitcast %get3A_767 : vector<16xi32> to vector<32xbf16>
      %bitcast3A_772 = vector.bitcast %get3A_770 : vector<16xi32> to vector<32xbf16>
      %mul3A_773 = arith.mulf %bitcast3A_771, %bitcast3A_772 : vector<32xbf16>
      %bitcast3A_774 = vector.bitcast %mul3A_773 : vector<32xbf16> to vector<16xi32>
      %shift_left3A_775 = arith.constant 16 : i32
      %shift_left3A_776 = vector.broadcast %shift_left3A_775 : i32 to vector<16xi32>
      %shift_left3A_777 = arith.shli %bitcast3A_774, %shift_left3A_776 : vector<16xi32>
      %bitcast3A_778 = vector.bitcast %shift_left3A_777 : vector<16xi32> to vector<16xf32>
      %bitcast3A_779 = vector.bitcast %bitcast3A_774 : vector<16xi32> to vector<16xf32>
      %add3A_780 = arith.addf %bitcast3A_763, %bitcast3A_778 : vector<16xf32>
      %add3A_781 = arith.addf %bitcast3A_764, %bitcast3A_779 : vector<16xf32>
      %get3A_782 = arith.index_cast %add3A_749 : i32 to index
      %get3A_783 = arith.constant 32 : index
      %get3A_784 = tpu.vector_load %arg9[%get3A_782, %get3A_783] {strides = array<i32>} : memref<80x64xi32, #tpu.memory_space<vmem>>, vector<16xi32>,
      %get3A_785 = arith.index_cast %add3A_749 : i32 to index
      %get3A_786 = arith.constant 32 : index
      %get3A_787 = tpu.vector_load %arg10[%get3A_785, %get3A_786] {strides = array<i32>} : memref<80x64xi32, #tpu.memory_space<vmem>>, vector<16xi32>,
      %bitcast3A_788 = vector.bitcast %get3A_784 : vector<16xi32> to vector<32xbf16>
      %bitcast3A_789 = vector.bitcast %get3A_787 : vector<16xi32> to vector<32xbf16>
      %mul3A_790 = arith.mulf %bitcast3A_788, %bitcast3A_789 : vector<32xbf16>
      %bitcast3A_791 = vector.bitcast %mul3A_790 : vector<32xbf16> to vector<16xi32>
      %shift_left3A_792 = arith.constant 16 : i32
      %shift_left3A_793 = vector.broadcast %shift_left3A_792 : i32 to vector<16xi32>
      %shift_left3A_794 = arith.shli %bitcast3A_791, %shift_left3A_793 : vector<16xi32>
      %bitcast3A_795 = vector.bitcast %shift_left3A_794 : vector<16xi32> to vector<16xf32>
      %bitcast3A_796 = vector.bitcast %bitcast3A_791 : vector<16xi32> to vector<16xf32>
      %add3A_797 = arith.addf %add3A_780, %bitcast3A_795 : vector<16xf32>
      %add3A_798 = arith.addf %add3A_781, %bitcast3A_796 : vector<16xf32>
      %get3A_799 = arith.index_cast %add3A_749 : i32 to index
      %get3A_800 = arith.constant 48 : index
      %get3A_801 = tpu.vector_load %arg9[%get3A_799, %get3A_800] {strides = array<i32>} : memref<80x64xi32, #tpu.memory_space<vmem>>, vector<16xi32>,
      %get3A_802 = arith.index_cast %add3A_749 : i32 to index
      %get3A_803 = arith.constant 48 : index
      %get3A_804 = tpu.vector_load %arg10[%get3A_802, %get3A_803] {strides = array<i32>} : memref<80x64xi32, #tpu.memory_space<vmem>>, vector<16xi32>,
      %bitcast3A_805 = vector.bitcast %get3A_801 : vector<16xi32> to vector<32xbf16>
      %bitcast3A_806 = vector.bitcast %get3A_804 : vector<16xi32> to vector<32xbf16>
      %mul3A_807 = arith.mulf %bitcast3A_805, %bitcast3A_806 : vector<32xbf16>
      %bitcast3A_808 = vector.bitcast %mul3A_807 : vector<32xbf16> to vector<16xi32>
      %shift_left3A_809 = arith.constant 16 : i32
      %shift_left3A_810 = vector.broadcast %shift_left3A_809 : i32 to vector<16xi32>
      %shift_left3A_811 = arith.shli %bitcast3A_808, %shift_left3A_810 : vector<16xi32>
      %bitcast3A_812 = vector.bitcast %shift_left3A_811 : vector<16xi32> to vector<16xf32>
      %bitcast3A_813 = vector.bitcast %bitcast3A_808 : vector<16xi32> to vector<16xf32>
      %add3A_814 = arith.addf %add3A_797, %bitcast3A_812 : vector<16xf32>
      %add3A_815 = arith.addf %add3A_798, %bitcast3A_813 : vector<16xf32>
      %add3A_816 = arith.addf %add3A_814, %add3A_815 : vector<16xf32>
      %reduce_sum3A_817 = arith.constant true
      %reduce_sum3A_818 = vector.broadcast %reduce_sum3A_817 : i1 to vector<16xi1>
      %reduce_sum3A_819 = tpu.scan <sum>, %add3A_816 masked %reduce_sum3A_818 : vector<16xf32>, vector<16xi1> -> vector<16xf32>
      %reduce_sum3A_820 = vector.extract %reduce_sum3A_819[15] : f32 from vector<16xf32>
      %eq3A_821 = arith.constant 9 : i32
      %eq3A_822 = vector.broadcast %eq3A_821 : i32 to vector<16xi32>
      %eq3A_823 = arith.cmpi eq, %iota3A, %eq3A_822 : vector<16xi32>
      %broadcast_in_dim3A_824 = vector.broadcast %reduce_sum3A_820 : f32 to vector<16xf32>
      %select_n3A_825 = arith.select %eq3A_823, %broadcast_in_dim3A_824, %select_n3A_745 : vector<16xi1>, vector<16xf32>
      %mul3A_826 = arith.constant 16 : i32
      %mul3A_827 = arith.muli %scan3A_30, %mul3A_826 : i32
      %add3A_828 = arith.constant 10 : i32
      %add3A_829 = arith.addi %mul3A_827, %add3A_828 : i32
      %get3A_830 = arith.index_cast %add3A_829 : i32 to index
      %get3A_831 = arith.constant 0 : index
      %get3A_832 = tpu.vector_load %arg9[%get3A_830, %get3A_831] {strides = array<i32>} : memref<80x64xi32, #tpu.memory_space<vmem>>, vector<16xi32>,
      %get3A_833 = arith.index_cast %add3A_829 : i32 to index
      %get3A_834 = arith.constant 0 : index
      %get3A_835 = tpu.vector_load %arg10[%get3A_833, %get3A_834] {strides = array<i32>} : memref<80x64xi32, #tpu.memory_space<vmem>>, vector<16xi32>,
      %bitcast3A_836 = vector.bitcast %get3A_832 : vector<16xi32> to vector<32xbf16>
      %bitcast3A_837 = vector.bitcast %get3A_835 : vector<16xi32> to vector<32xbf16>
      %mul3A_838 = arith.mulf %bitcast3A_836, %bitcast3A_837 : vector<32xbf16>
      %bitcast3A_839 = vector.bitcast %mul3A_838 : vector<32xbf16> to vector<16xi32>
      %shift_left3A_840 = arith.constant 16 : i32
      %shift_left3A_841 = vector.broadcast %shift_left3A_840 : i32 to vector<16xi32>
      %shift_left3A_842 = arith.shli %bitcast3A_839, %shift_left3A_841 : vector<16xi32>
      %bitcast3A_843 = vector.bitcast %shift_left3A_842 : vector<16xi32> to vector<16xf32>
      %bitcast3A_844 = vector.bitcast %bitcast3A_839 : vector<16xi32> to vector<16xf32>
      %get3A_845 = arith.index_cast %add3A_829 : i32 to index
      %get3A_846 = arith.constant 16 : index
      %get3A_847 = tpu.vector_load %arg9[%get3A_845, %get3A_846] {strides = array<i32>} : memref<80x64xi32, #tpu.memory_space<vmem>>, vector<16xi32>,
      %get3A_848 = arith.index_cast %add3A_829 : i32 to index
      %get3A_849 = arith.constant 16 : index
      %get3A_850 = tpu.vector_load %arg10[%get3A_848, %get3A_849] {strides = array<i32>} : memref<80x64xi32, #tpu.memory_space<vmem>>, vector<16xi32>,
      %bitcast3A_851 = vector.bitcast %get3A_847 : vector<16xi32> to vector<32xbf16>
      %bitcast3A_852 = vector.bitcast %get3A_850 : vector<16xi32> to vector<32xbf16>
      %mul3A_853 = arith.mulf %bitcast3A_851, %bitcast3A_852 : vector<32xbf16>
      %bitcast3A_854 = vector.bitcast %mul3A_853 : vector<32xbf16> to vector<16xi32>
      %shift_left3A_855 = arith.constant 16 : i32
      %shift_left3A_856 = vector.broadcast %shift_left3A_855 : i32 to vector<16xi32>
      %shift_left3A_857 = arith.shli %bitcast3A_854, %shift_left3A_856 : vector<16xi32>
      %bitcast3A_858 = vector.bitcast %shift_left3A_857 : vector<16xi32> to vector<16xf32>
      %bitcast3A_859 = vector.bitcast %bitcast3A_854 : vector<16xi32> to vector<16xf32>
      %add3A_860 = arith.addf %bitcast3A_843, %bitcast3A_858 : vector<16xf32>
      %add3A_861 = arith.addf %bitcast3A_844, %bitcast3A_859 : vector<16xf32>
      %get3A_862 = arith.index_cast %add3A_829 : i32 to index
      %get3A_863 = arith.constant 32 : index
      %get3A_864 = tpu.vector_load %arg9[%get3A_862, %get3A_863] {strides = array<i32>} : memref<80x64xi32, #tpu.memory_space<vmem>>, vector<16xi32>,
      %get3A_865 = arith.index_cast %add3A_829 : i32 to index
      %get3A_866 = arith.constant 32 : index
      %get3A_867 = tpu.vector_load %arg10[%get3A_865, %get3A_866] {strides = array<i32>} : memref<80x64xi32, #tpu.memory_space<vmem>>, vector<16xi32>,
      %bitcast3A_868 = vector.bitcast %get3A_864 : vector<16xi32> to vector<32xbf16>
      %bitcast3A_869 = vector.bitcast %get3A_867 : vector<16xi32> to vector<32xbf16>
      %mul3A_870 = arith.mulf %bitcast3A_868, %bitcast3A_869 : vector<32xbf16>
      %bitcast3A_871 = vector.bitcast %mul3A_870 : vector<32xbf16> to vector<16xi32>
      %shift_left3A_872 = arith.constant 16 : i32
      %shift_left3A_873 = vector.broadcast %shift_left3A_872 : i32 to vector<16xi32>
      %shift_left3A_874 = arith.shli %bitcast3A_871, %shift_left3A_873 : vector<16xi32>
      %bitcast3A_875 = vector.bitcast %shift_left3A_874 : vector<16xi32> to vector<16xf32>
      %bitcast3A_876 = vector.bitcast %bitcast3A_871 : vector<16xi32> to vector<16xf32>
      %add3A_877 = arith.addf %add3A_860, %bitcast3A_875 : vector<16xf32>
      %add3A_878 = arith.addf %add3A_861, %bitcast3A_876 : vector<16xf32>
      %get3A_879 = arith.index_cast %add3A_829 : i32 to index
      %get3A_880 = arith.constant 48 : index
      %get3A_881 = tpu.vector_load %arg9[%get3A_879, %get3A_880] {strides = array<i32>} : memref<80x64xi32, #tpu.memory_space<vmem>>, vector<16xi32>,
      %get3A_882 = arith.index_cast %add3A_829 : i32 to index
      %get3A_883 = arith.constant 48 : index
      %get3A_884 = tpu.vector_load %arg10[%get3A_882, %get3A_883] {strides = array<i32>} : memref<80x64xi32, #tpu.memory_space<vmem>>, vector<16xi32>,
      %bitcast3A_885 = vector.bitcast %get3A_881 : vector<16xi32> to vector<32xbf16>
      %bitcast3A_886 = vector.bitcast %get3A_884 : vector<16xi32> to vector<32xbf16>
      %mul3A_887 = arith.mulf %bitcast3A_885, %bitcast3A_886 : vector<32xbf16>
      %bitcast3A_888 = vector.bitcast %mul3A_887 : vector<32xbf16> to vector<16xi32>
      %shift_left3A_889 = arith.constant 16 : i32
      %shift_left3A_890 = vector.broadcast %shift_left3A_889 : i32 to vector<16xi32>
      %shift_left3A_891 = arith.shli %bitcast3A_888, %shift_left3A_890 : vector<16xi32>
      %bitcast3A_892 = vector.bitcast %shift_left3A_891 : vector<16xi32> to vector<16xf32>
      %bitcast3A_893 = vector.bitcast %bitcast3A_888 : vector<16xi32> to vector<16xf32>
      %add3A_894 = arith.addf %add3A_877, %bitcast3A_892 : vector<16xf32>
      %add3A_895 = arith.addf %add3A_878, %bitcast3A_893 : vector<16xf32>
      %add3A_896 = arith.addf %add3A_894, %add3A_895 : vector<16xf32>
      %reduce_sum3A_897 = arith.constant true
      %reduce_sum3A_898 = vector.broadcast %reduce_sum3A_897 : i1 to vector<16xi1>
      %reduce_sum3A_899 = tpu.scan <sum>, %add3A_896 masked %reduce_sum3A_898 : vector<16xf32>, vector<16xi1> -> vector<16xf32>
      %reduce_sum3A_900 = vector.extract %reduce_sum3A_899[15] : f32 from vector<16xf32>
      %eq3A_901 = arith.constant 10 : i32
      %eq3A_902 = vector.broadcast %eq3A_901 : i32 to vector<16xi32>
      %eq3A_903 = arith.cmpi eq, %iota3A, %eq3A_902 : vector<16xi32>
      %broadcast_in_dim3A_904 = vector.broadcast %reduce_sum3A_900 : f32 to vector<16xf32>
      %select_n3A_905 = arith.select %eq3A_903, %broadcast_in_dim3A_904, %select_n3A_825 : vector<16xi1>, vector<16xf32>
      %mul3A_906 = arith.constant 16 : i32
      %mul3A_907 = arith.muli %scan3A_30, %mul3A_906 : i32
      %add3A_908 = arith.constant 11 : i32
      %add3A_909 = arith.addi %mul3A_907, %add3A_908 : i32
      %get3A_910 = arith.index_cast %add3A_909 : i32 to index
      %get3A_911 = arith.constant 0 : index
      %get3A_912 = tpu.vector_load %arg9[%get3A_910, %get3A_911] {strides = array<i32>} : memref<80x64xi32, #tpu.memory_space<vmem>>, vector<16xi32>,
      %get3A_913 = arith.index_cast %add3A_909 : i32 to index
      %get3A_914 = arith.constant 0 : index
      %get3A_915 = tpu.vector_load %arg10[%get3A_913, %get3A_914] {strides = array<i32>} : memref<80x64xi32, #tpu.memory_space<vmem>>, vector<16xi32>,
      %bitcast3A_916 = vector.bitcast %get3A_912 : vector<16xi32> to vector<32xbf16>
      %bitcast3A_917 = vector.bitcast %get3A_915 : vector<16xi32> to vector<32xbf16>
      %mul3A_918 = arith.mulf %bitcast3A_916, %bitcast3A_917 : vector<32xbf16>
      %bitcast3A_919 = vector.bitcast %mul3A_918 : vector<32xbf16> to vector<16xi32>
      %shift_left3A_920 = arith.constant 16 : i32
      %shift_left3A_921 = vector.broadcast %shift_left3A_920 : i32 to vector<16xi32>
      %shift_left3A_922 = arith.shli %bitcast3A_919, %shift_left3A_921 : vector<16xi32>
      %bitcast3A_923 = vector.bitcast %shift_left3A_922 : vector<16xi32> to vector<16xf32>
      %bitcast3A_924 = vector.bitcast %bitcast3A_919 : vector<16xi32> to vector<16xf32>
      %get3A_925 = arith.index_cast %add3A_909 : i32 to index
      %get3A_926 = arith.constant 16 : index
      %get3A_927 = tpu.vector_load %arg9[%get3A_925, %get3A_926] {strides = array<i32>} : memref<80x64xi32, #tpu.memory_space<vmem>>, vector<16xi32>,
      %get3A_928 = arith.index_cast %add3A_909 : i32 to index
      %get3A_929 = arith.constant 16 : index
      %get3A_930 = tpu.vector_load %arg10[%get3A_928, %get3A_929] {strides = array<i32>} : memref<80x64xi32, #tpu.memory_space<vmem>>, vector<16xi32>,
      %bitcast3A_931 = vector.bitcast %get3A_927 : vector<16xi32> to vector<32xbf16>
      %bitcast3A_932 = vector.bitcast %get3A_930 : vector<16xi32> to vector<32xbf16>
      %mul3A_933 = arith.mulf %bitcast3A_931, %bitcast3A_932 : vector<32xbf16>
      %bitcast3A_934 = vector.bitcast %mul3A_933 : vector<32xbf16> to vector<16xi32>
      %shift_left3A_935 = arith.constant 16 : i32
      %shift_left3A_936 = vector.broadcast %shift_left3A_935 : i32 to vector<16xi32>
      %shift_left3A_937 = arith.shli %bitcast3A_934, %shift_left3A_936 : vector<16xi32>
      %bitcast3A_938 = vector.bitcast %shift_left3A_937 : vector<16xi32> to vector<16xf32>
      %bitcast3A_939 = vector.bitcast %bitcast3A_934 : vector<16xi32> to vector<16xf32>
      %add3A_940 = arith.addf %bitcast3A_923, %bitcast3A_938 : vector<16xf32>
      %add3A_941 = arith.addf %bitcast3A_924, %bitcast3A_939 : vector<16xf32>
      %get3A_942 = arith.index_cast %add3A_909 : i32 to index
      %get3A_943 = arith.constant 32 : index
      %get3A_944 = tpu.vector_load %arg9[%get3A_942, %get3A_943] {strides = array<i32>} : memref<80x64xi32, #tpu.memory_space<vmem>>, vector<16xi32>,
      %get3A_945 = arith.index_cast %add3A_909 : i32 to index
      %get3A_946 = arith.constant 32 : index
      %get3A_947 = tpu.vector_load %arg10[%get3A_945, %get3A_946] {strides = array<i32>} : memref<80x64xi32, #tpu.memory_space<vmem>>, vector<16xi32>,
      %bitcast3A_948 = vector.bitcast %get3A_944 : vector<16xi32> to vector<32xbf16>
      %bitcast3A_949 = vector.bitcast %get3A_947 : vector<16xi32> to vector<32xbf16>
      %mul3A_950 = arith.mulf %bitcast3A_948, %bitcast3A_949 : vector<32xbf16>
      %bitcast3A_951 = vector.bitcast %mul3A_950 : vector<32xbf16> to vector<16xi32>
      %shift_left3A_952 = arith.constant 16 : i32
      %shift_left3A_953 = vector.broadcast %shift_left3A_952 : i32 to vector<16xi32>
      %shift_left3A_954 = arith.shli %bitcast3A_951, %shift_left3A_953 : vector<16xi32>
      %bitcast3A_955 = vector.bitcast %shift_left3A_954 : vector<16xi32> to vector<16xf32>
      %bitcast3A_956 = vector.bitcast %bitcast3A_951 : vector<16xi32> to vector<16xf32>
      %add3A_957 = arith.addf %add3A_940, %bitcast3A_955 : vector<16xf32>
      %add3A_958 = arith.addf %add3A_941, %bitcast3A_956 : vector<16xf32>
      %get3A_959 = arith.index_cast %add3A_909 : i32 to index
      %get3A_960 = arith.constant 48 : index
      %get3A_961 = tpu.vector_load %arg9[%get3A_959, %get3A_960] {strides = array<i32>} : memref<80x64xi32, #tpu.memory_space<vmem>>, vector<16xi32>,
      %get3A_962 = arith.index_cast %add3A_909 : i32 to index
      %get3A_963 = arith.constant 48 : index
      %get3A_964 = tpu.vector_load %arg10[%get3A_962, %get3A_963] {strides = array<i32>} : memref<80x64xi32, #tpu.memory_space<vmem>>, vector<16xi32>,
      %bitcast3A_965 = vector.bitcast %get3A_961 : vector<16xi32> to vector<32xbf16>
      %bitcast3A_966 = vector.bitcast %get3A_964 : vector<16xi32> to vector<32xbf16>
      %mul3A_967 = arith.mulf %bitcast3A_965, %bitcast3A_966 : vector<32xbf16>
      %bitcast3A_968 = vector.bitcast %mul3A_967 : vector<32xbf16> to vector<16xi32>
      %shift_left3A_969 = arith.constant 16 : i32
      %shift_left3A_970 = vector.broadcast %shift_left3A_969 : i32 to vector<16xi32>
      %shift_left3A_971 = arith.shli %bitcast3A_968, %shift_left3A_970 : vector<16xi32>
      %bitcast3A_972 = vector.bitcast %shift_left3A_971 : vector<16xi32> to vector<16xf32>
      %bitcast3A_973 = vector.bitcast %bitcast3A_968 : vector<16xi32> to vector<16xf32>
      %add3A_974 = arith.addf %add3A_957, %bitcast3A_972 : vector<16xf32>
      %add3A_975 = arith.addf %add3A_958, %bitcast3A_973 : vector<16xf32>
      %add3A_976 = arith.addf %add3A_974, %add3A_975 : vector<16xf32>
      %reduce_sum3A_977 = arith.constant true
      %reduce_sum3A_978 = vector.broadcast %reduce_sum3A_977 : i1 to vector<16xi1>
      %reduce_sum3A_979 = tpu.scan <sum>, %add3A_976 masked %reduce_sum3A_978 : vector<16xf32>, vector<16xi1> -> vector<16xf32>
      %reduce_sum3A_980 = vector.extract %reduce_sum3A_979[15] : f32 from vector<16xf32>
      %eq3A_981 = arith.constant 11 : i32
      %eq3A_982 = vector.broadcast %eq3A_981 : i32 to vector<16xi32>
      %eq3A_983 = arith.cmpi eq, %iota3A, %eq3A_982 : vector<16xi32>
      %broadcast_in_dim3A_984 = vector.broadcast %reduce_sum3A_980 : f32 to vector<16xf32>
      %select_n3A_985 = arith.select %eq3A_983, %broadcast_in_dim3A_984, %select_n3A_905 : vector<16xi1>, vector<16xf32>
      %mul3A_986 = arith.constant 16 : i32
      %mul3A_987 = arith.muli %scan3A_30, %mul3A_986 : i32
      %add3A_988 = arith.constant 12 : i32
      %add3A_989 = arith.addi %mul3A_987, %add3A_988 : i32
      %get3A_990 = arith.index_cast %add3A_989 : i32 to index
      %get3A_991 = arith.constant 0 : index
      %get3A_992 = tpu.vector_load %arg9[%get3A_990, %get3A_991] {strides = array<i32>} : memref<80x64xi32, #tpu.memory_space<vmem>>, vector<16xi32>,
      %get3A_993 = arith.index_cast %add3A_989 : i32 to index
      %get3A_994 = arith.constant 0 : index
      %get3A_995 = tpu.vector_load %arg10[%get3A_993, %get3A_994] {strides = array<i32>} : memref<80x64xi32, #tpu.memory_space<vmem>>, vector<16xi32>,
      %bitcast3A_996 = vector.bitcast %get3A_992 : vector<16xi32> to vector<32xbf16>
      %bitcast3A_997 = vector.bitcast %get3A_995 : vector<16xi32> to vector<32xbf16>
      %mul3A_998 = arith.mulf %bitcast3A_996, %bitcast3A_997 : vector<32xbf16>
      %bitcast3A_999 = vector.bitcast %mul3A_998 : vector<32xbf16> to vector<16xi32>
      %shift_left3A_1000 = arith.constant 16 : i32
      %shift_left3A_1001 = vector.broadcast %shift_left3A_1000 : i32 to vector<16xi32>
      %shift_left3A_1002 = arith.shli %bitcast3A_999, %shift_left3A_1001 : vector<16xi32>
      %bitcast3A_1003 = vector.bitcast %shift_left3A_1002 : vector<16xi32> to vector<16xf32>
      %bitcast3A_1004 = vector.bitcast %bitcast3A_999 : vector<16xi32> to vector<16xf32>
      %get3A_1005 = arith.index_cast %add3A_989 : i32 to index
      %get3A_1006 = arith.constant 16 : index
      %get3A_1007 = tpu.vector_load %arg9[%get3A_1005, %get3A_1006] {strides = array<i32>} : memref<80x64xi32, #tpu.memory_space<vmem>>, vector<16xi32>,
      %get3A_1008 = arith.index_cast %add3A_989 : i32 to index
      %get3A_1009 = arith.constant 16 : index
      %get3A_1010 = tpu.vector_load %arg10[%get3A_1008, %get3A_1009] {strides = array<i32>} : memref<80x64xi32, #tpu.memory_space<vmem>>, vector<16xi32>,
      %bitcast3A_1011 = vector.bitcast %get3A_1007 : vector<16xi32> to vector<32xbf16>
      %bitcast3A_1012 = vector.bitcast %get3A_1010 : vector<16xi32> to vector<32xbf16>
      %mul3A_1013 = arith.mulf %bitcast3A_1011, %bitcast3A_1012 : vector<32xbf16>
      %bitcast3A_1014 = vector.bitcast %mul3A_1013 : vector<32xbf16> to vector<16xi32>
      %shift_left3A_1015 = arith.constant 16 : i32
      %shift_left3A_1016 = vector.broadcast %shift_left3A_1015 : i32 to vector<16xi32>
      %shift_left3A_1017 = arith.shli %bitcast3A_1014, %shift_left3A_1016 : vector<16xi32>
      %bitcast3A_1018 = vector.bitcast %shift_left3A_1017 : vector<16xi32> to vector<16xf32>
      %bitcast3A_1019 = vector.bitcast %bitcast3A_1014 : vector<16xi32> to vector<16xf32>
      %add3A_1020 = arith.addf %bitcast3A_1003, %bitcast3A_1018 : vector<16xf32>
      %add3A_1021 = arith.addf %bitcast3A_1004, %bitcast3A_1019 : vector<16xf32>
      %get3A_1022 = arith.index_cast %add3A_989 : i32 to index
      %get3A_1023 = arith.constant 32 : index
      %get3A_1024 = tpu.vector_load %arg9[%get3A_1022, %get3A_1023] {strides = array<i32>} : memref<80x64xi32, #tpu.memory_space<vmem>>, vector<16xi32>,
      %get3A_1025 = arith.index_cast %add3A_989 : i32 to index
      %get3A_1026 = arith.constant 32 : index
      %get3A_1027 = tpu.vector_load %arg10[%get3A_1025, %get3A_1026] {strides = array<i32>} : memref<80x64xi32, #tpu.memory_space<vmem>>, vector<16xi32>,
      %bitcast3A_1028 = vector.bitcast %get3A_1024 : vector<16xi32> to vector<32xbf16>
      %bitcast3A_1029 = vector.bitcast %get3A_1027 : vector<16xi32> to vector<32xbf16>
      %mul3A_1030 = arith.mulf %bitcast3A_1028, %bitcast3A_1029 : vector<32xbf16>
      %bitcast3A_1031 = vector.bitcast %mul3A_1030 : vector<32xbf16> to vector<16xi32>
      %shift_left3A_1032 = arith.constant 16 : i32
      %shift_left3A_1033 = vector.broadcast %shift_left3A_1032 : i32 to vector<16xi32>
      %shift_left3A_1034 = arith.shli %bitcast3A_1031, %shift_left3A_1033 : vector<16xi32>
      %bitcast3A_1035 = vector.bitcast %shift_left3A_1034 : vector<16xi32> to vector<16xf32>
      %bitcast3A_1036 = vector.bitcast %bitcast3A_1031 : vector<16xi32> to vector<16xf32>
      %add3A_1037 = arith.addf %add3A_1020, %bitcast3A_1035 : vector<16xf32>
      %add3A_1038 = arith.addf %add3A_1021, %bitcast3A_1036 : vector<16xf32>
      %get3A_1039 = arith.index_cast %add3A_989 : i32 to index
      %get3A_1040 = arith.constant 48 : index
      %get3A_1041 = tpu.vector_load %arg9[%get3A_1039, %get3A_1040] {strides = array<i32>} : memref<80x64xi32, #tpu.memory_space<vmem>>, vector<16xi32>,
      %get3A_1042 = arith.index_cast %add3A_989 : i32 to index
      %get3A_1043 = arith.constant 48 : index
      %get3A_1044 = tpu.vector_load %arg10[%get3A_1042, %get3A_1043] {strides = array<i32>} : memref<80x64xi32, #tpu.memory_space<vmem>>, vector<16xi32>,
      %bitcast3A_1045 = vector.bitcast %get3A_1041 : vector<16xi32> to vector<32xbf16>
      %bitcast3A_1046 = vector.bitcast %get3A_1044 : vector<16xi32> to vector<32xbf16>
      %mul3A_1047 = arith.mulf %bitcast3A_1045, %bitcast3A_1046 : vector<32xbf16>
      %bitcast3A_1048 = vector.bitcast %mul3A_1047 : vector<32xbf16> to vector<16xi32>
      %shift_left3A_1049 = arith.constant 16 : i32
      %shift_left3A_1050 = vector.broadcast %shift_left3A_1049 : i32 to vector<16xi32>
      %shift_left3A_1051 = arith.shli %bitcast3A_1048, %shift_left3A_1050 : vector<16xi32>
      %bitcast3A_1052 = vector.bitcast %shift_left3A_1051 : vector<16xi32> to vector<16xf32>
      %bitcast3A_1053 = vector.bitcast %bitcast3A_1048 : vector<16xi32> to vector<16xf32>
      %add3A_1054 = arith.addf %add3A_1037, %bitcast3A_1052 : vector<16xf32>
      %add3A_1055 = arith.addf %add3A_1038, %bitcast3A_1053 : vector<16xf32>
      %add3A_1056 = arith.addf %add3A_1054, %add3A_1055 : vector<16xf32>
      %reduce_sum3A_1057 = arith.constant true
      %reduce_sum3A_1058 = vector.broadcast %reduce_sum3A_1057 : i1 to vector<16xi1>
      %reduce_sum3A_1059 = tpu.scan <sum>, %add3A_1056 masked %reduce_sum3A_1058 : vector<16xf32>, vector<16xi1> -> vector<16xf32>
      %reduce_sum3A_1060 = vector.extract %reduce_sum3A_1059[15] : f32 from vector<16xf32>
      %eq3A_1061 = arith.constant 12 : i32
      %eq3A_1062 = vector.broadcast %eq3A_1061 : i32 to vector<16xi32>
      %eq3A_1063 = arith.cmpi eq, %iota3A, %eq3A_1062 : vector<16xi32>
      %broadcast_in_dim3A_1064 = vector.broadcast %reduce_sum3A_1060 : f32 to vector<16xf32>
      %select_n3A_1065 = arith.select %eq3A_1063, %broadcast_in_dim3A_1064, %select_n3A_985 : vector<16xi1>, vector<16xf32>
      %mul3A_1066 = arith.constant 16 : i32
      %mul3A_1067 = arith.muli %scan3A_30, %mul3A_1066 : i32
      %add3A_1068 = arith.constant 13 : i32
      %add3A_1069 = arith.addi %mul3A_1067, %add3A_1068 : i32
      %get3A_1070 = arith.index_cast %add3A_1069 : i32 to index
      %get3A_1071 = arith.constant 0 : index
      %get3A_1072 = tpu.vector_load %arg9[%get3A_1070, %get3A_1071] {strides = array<i32>} : memref<80x64xi32, #tpu.memory_space<vmem>>, vector<16xi32>,
      %get3A_1073 = arith.index_cast %add3A_1069 : i32 to index
      %get3A_1074 = arith.constant 0 : index
      %get3A_1075 = tpu.vector_load %arg10[%get3A_1073, %get3A_1074] {strides = array<i32>} : memref<80x64xi32, #tpu.memory_space<vmem>>, vector<16xi32>,
      %bitcast3A_1076 = vector.bitcast %get3A_1072 : vector<16xi32> to vector<32xbf16>
      %bitcast3A_1077 = vector.bitcast %get3A_1075 : vector<16xi32> to vector<32xbf16>
      %mul3A_1078 = arith.mulf %bitcast3A_1076, %bitcast3A_1077 : vector<32xbf16>
      %bitcast3A_1079 = vector.bitcast %mul3A_1078 : vector<32xbf16> to vector<16xi32>
      %shift_left3A_1080 = arith.constant 16 : i32
      %shift_left3A_1081 = vector.broadcast %shift_left3A_1080 : i32 to vector<16xi32>
      %shift_left3A_1082 = arith.shli %bitcast3A_1079, %shift_left3A_1081 : vector<16xi32>
      %bitcast3A_1083 = vector.bitcast %shift_left3A_1082 : vector<16xi32> to vector<16xf32>
      %bitcast3A_1084 = vector.bitcast %bitcast3A_1079 : vector<16xi32> to vector<16xf32>
      %get3A_1085 = arith.index_cast %add3A_1069 : i32 to index
      %get3A_1086 = arith.constant 16 : index
      %get3A_1087 = tpu.vector_load %arg9[%get3A_1085, %get3A_1086] {strides = array<i32>} : memref<80x64xi32, #tpu.memory_space<vmem>>, vector<16xi32>,
      %get3A_1088 = arith.index_cast %add3A_1069 : i32 to index
      %get3A_1089 = arith.constant 16 : index
      %get3A_1090 = tpu.vector_load %arg10[%get3A_1088, %get3A_1089] {strides = array<i32>} : memref<80x64xi32, #tpu.memory_space<vmem>>, vector<16xi32>,
      %bitcast3A_1091 = vector.bitcast %get3A_1087 : vector<16xi32> to vector<32xbf16>
      %bitcast3A_1092 = vector.bitcast %get3A_1090 : vector<16xi32> to vector<32xbf16>
      %mul3A_1093 = arith.mulf %bitcast3A_1091, %bitcast3A_1092 : vector<32xbf16>
      %bitcast3A_1094 = vector.bitcast %mul3A_1093 : vector<32xbf16> to vector<16xi32>
      %shift_left3A_1095 = arith.constant 16 : i32
      %shift_left3A_1096 = vector.broadcast %shift_left3A_1095 : i32 to vector<16xi32>
      %shift_left3A_1097 = arith.shli %bitcast3A_1094, %shift_left3A_1096 : vector<16xi32>
      %bitcast3A_1098 = vector.bitcast %shift_left3A_1097 : vector<16xi32> to vector<16xf32>
      %bitcast3A_1099 = vector.bitcast %bitcast3A_1094 : vector<16xi32> to vector<16xf32>
      %add3A_1100 = arith.addf %bitcast3A_1083, %bitcast3A_1098 : vector<16xf32>
      %add3A_1101 = arith.addf %bitcast3A_1084, %bitcast3A_1099 : vector<16xf32>
      %get3A_1102 = arith.index_cast %add3A_1069 : i32 to index
      %get3A_1103 = arith.constant 32 : index
      %get3A_1104 = tpu.vector_load %arg9[%get3A_1102, %get3A_1103] {strides = array<i32>} : memref<80x64xi32, #tpu.memory_space<vmem>>, vector<16xi32>,
      %get3A_1105 = arith.index_cast %add3A_1069 : i32 to index
      %get3A_1106 = arith.constant 32 : index
      %get3A_1107 = tpu.vector_load %arg10[%get3A_1105, %get3A_1106] {strides = array<i32>} : memref<80x64xi32, #tpu.memory_space<vmem>>, vector<16xi32>,
      %bitcast3A_1108 = vector.bitcast %get3A_1104 : vector<16xi32> to vector<32xbf16>
      %bitcast3A_1109 = vector.bitcast %get3A_1107 : vector<16xi32> to vector<32xbf16>
      %mul3A_1110 = arith.mulf %bitcast3A_1108, %bitcast3A_1109 : vector<32xbf16>
      %bitcast3A_1111 = vector.bitcast %mul3A_1110 : vector<32xbf16> to vector<16xi32>
      %shift_left3A_1112 = arith.constant 16 : i32
      %shift_left3A_1113 = vector.broadcast %shift_left3A_1112 : i32 to vector<16xi32>
      %shift_left3A_1114 = arith.shli %bitcast3A_1111, %shift_left3A_1113 : vector<16xi32>
      %bitcast3A_1115 = vector.bitcast %shift_left3A_1114 : vector<16xi32> to vector<16xf32>
      %bitcast3A_1116 = vector.bitcast %bitcast3A_1111 : vector<16xi32> to vector<16xf32>
      %add3A_1117 = arith.addf %add3A_1100, %bitcast3A_1115 : vector<16xf32>
      %add3A_1118 = arith.addf %add3A_1101, %bitcast3A_1116 : vector<16xf32>
      %get3A_1119 = arith.index_cast %add3A_1069 : i32 to index
      %get3A_1120 = arith.constant 48 : index
      %get3A_1121 = tpu.vector_load %arg9[%get3A_1119, %get3A_1120] {strides = array<i32>} : memref<80x64xi32, #tpu.memory_space<vmem>>, vector<16xi32>,
      %get3A_1122 = arith.index_cast %add3A_1069 : i32 to index
      %get3A_1123 = arith.constant 48 : index
      %get3A_1124 = tpu.vector_load %arg10[%get3A_1122, %get3A_1123] {strides = array<i32>} : memref<80x64xi32, #tpu.memory_space<vmem>>, vector<16xi32>,
      %bitcast3A_1125 = vector.bitcast %get3A_1121 : vector<16xi32> to vector<32xbf16>
      %bitcast3A_1126 = vector.bitcast %get3A_1124 : vector<16xi32> to vector<32xbf16>
      %mul3A_1127 = arith.mulf %bitcast3A_1125, %bitcast3A_1126 : vector<32xbf16>
      %bitcast3A_1128 = vector.bitcast %mul3A_1127 : vector<32xbf16> to vector<16xi32>
      %shift_left3A_1129 = arith.constant 16 : i32
      %shift_left3A_1130 = vector.broadcast %shift_left3A_1129 : i32 to vector<16xi32>
      %shift_left3A_1131 = arith.shli %bitcast3A_1128, %shift_left3A_1130 : vector<16xi32>
      %bitcast3A_1132 = vector.bitcast %shift_left3A_1131 : vector<16xi32> to vector<16xf32>
      %bitcast3A_1133 = vector.bitcast %bitcast3A_1128 : vector<16xi32> to vector<16xf32>
      %add3A_1134 = arith.addf %add3A_1117, %bitcast3A_1132 : vector<16xf32>
      %add3A_1135 = arith.addf %add3A_1118, %bitcast3A_1133 : vector<16xf32>
      %add3A_1136 = arith.addf %add3A_1134, %add3A_1135 : vector<16xf32>
      %reduce_sum3A_1137 = arith.constant true
      %reduce_sum3A_1138 = vector.broadcast %reduce_sum3A_1137 : i1 to vector<16xi1>
      %reduce_sum3A_1139 = tpu.scan <sum>, %add3A_1136 masked %reduce_sum3A_1138 : vector<16xf32>, vector<16xi1> -> vector<16xf32>
      %reduce_sum3A_1140 = vector.extract %reduce_sum3A_1139[15] : f32 from vector<16xf32>
      %eq3A_1141 = arith.constant 13 : i32
      %eq3A_1142 = vector.broadcast %eq3A_1141 : i32 to vector<16xi32>
      %eq3A_1143 = arith.cmpi eq, %iota3A, %eq3A_1142 : vector<16xi32>
      %broadcast_in_dim3A_1144 = vector.broadcast %reduce_sum3A_1140 : f32 to vector<16xf32>
      %select_n3A_1145 = arith.select %eq3A_1143, %broadcast_in_dim3A_1144, %select_n3A_1065 : vector<16xi1>, vector<16xf32>
      %mul3A_1146 = arith.constant 16 : i32
      %mul3A_1147 = arith.muli %scan3A_30, %mul3A_1146 : i32
      %add3A_1148 = arith.constant 14 : i32
      %add3A_1149 = arith.addi %mul3A_1147, %add3A_1148 : i32
      %get3A_1150 = arith.index_cast %add3A_1149 : i32 to index
      %get3A_1151 = arith.constant 0 : index
      %get3A_1152 = tpu.vector_load %arg9[%get3A_1150, %get3A_1151] {strides = array<i32>} : memref<80x64xi32, #tpu.memory_space<vmem>>, vector<16xi32>,
      %get3A_1153 = arith.index_cast %add3A_1149 : i32 to index
      %get3A_1154 = arith.constant 0 : index
      %get3A_1155 = tpu.vector_load %arg10[%get3A_1153, %get3A_1154] {strides = array<i32>} : memref<80x64xi32, #tpu.memory_space<vmem>>, vector<16xi32>,
      %bitcast3A_1156 = vector.bitcast %get3A_1152 : vector<16xi32> to vector<32xbf16>
      %bitcast3A_1157 = vector.bitcast %get3A_1155 : vector<16xi32> to vector<32xbf16>
      %mul3A_1158 = arith.mulf %bitcast3A_1156, %bitcast3A_1157 : vector<32xbf16>
      %bitcast3A_1159 = vector.bitcast %mul3A_1158 : vector<32xbf16> to vector<16xi32>
      %shift_left3A_1160 = arith.constant 16 : i32
      %shift_left3A_1161 = vector.broadcast %shift_left3A_1160 : i32 to vector<16xi32>
      %shift_left3A_1162 = arith.shli %bitcast3A_1159, %shift_left3A_1161 : vector<16xi32>
      %bitcast3A_1163 = vector.bitcast %shift_left3A_1162 : vector<16xi32> to vector<16xf32>
      %bitcast3A_1164 = vector.bitcast %bitcast3A_1159 : vector<16xi32> to vector<16xf32>
      %get3A_1165 = arith.index_cast %add3A_1149 : i32 to index
      %get3A_1166 = arith.constant 16 : index
      %get3A_1167 = tpu.vector_load %arg9[%get3A_1165, %get3A_1166] {strides = array<i32>} : memref<80x64xi32, #tpu.memory_space<vmem>>, vector<16xi32>,
      %get3A_1168 = arith.index_cast %add3A_1149 : i32 to index
      %get3A_1169 = arith.constant 16 : index
      %get3A_1170 = tpu.vector_load %arg10[%get3A_1168, %get3A_1169] {strides = array<i32>} : memref<80x64xi32, #tpu.memory_space<vmem>>, vector<16xi32>,
      %bitcast3A_1171 = vector.bitcast %get3A_1167 : vector<16xi32> to vector<32xbf16>
      %bitcast3A_1172 = vector.bitcast %get3A_1170 : vector<16xi32> to vector<32xbf16>
      %mul3A_1173 = arith.mulf %bitcast3A_1171, %bitcast3A_1172 : vector<32xbf16>
      %bitcast3A_1174 = vector.bitcast %mul3A_1173 : vector<32xbf16> to vector<16xi32>
      %shift_left3A_1175 = arith.constant 16 : i32
      %shift_left3A_1176 = vector.broadcast %shift_left3A_1175 : i32 to vector<16xi32>
      %shift_left3A_1177 = arith.shli %bitcast3A_1174, %shift_left3A_1176 : vector<16xi32>
      %bitcast3A_1178 = vector.bitcast %shift_left3A_1177 : vector<16xi32> to vector<16xf32>
      %bitcast3A_1179 = vector.bitcast %bitcast3A_1174 : vector<16xi32> to vector<16xf32>
      %add3A_1180 = arith.addf %bitcast3A_1163, %bitcast3A_1178 : vector<16xf32>
      %add3A_1181 = arith.addf %bitcast3A_1164, %bitcast3A_1179 : vector<16xf32>
      %get3A_1182 = arith.index_cast %add3A_1149 : i32 to index
      %get3A_1183 = arith.constant 32 : index
      %get3A_1184 = tpu.vector_load %arg9[%get3A_1182, %get3A_1183] {strides = array<i32>} : memref<80x64xi32, #tpu.memory_space<vmem>>, vector<16xi32>,
      %get3A_1185 = arith.index_cast %add3A_1149 : i32 to index
      %get3A_1186 = arith.constant 32 : index
      %get3A_1187 = tpu.vector_load %arg10[%get3A_1185, %get3A_1186] {strides = array<i32>} : memref<80x64xi32, #tpu.memory_space<vmem>>, vector<16xi32>,
      %bitcast3A_1188 = vector.bitcast %get3A_1184 : vector<16xi32> to vector<32xbf16>
      %bitcast3A_1189 = vector.bitcast %get3A_1187 : vector<16xi32> to vector<32xbf16>
      %mul3A_1190 = arith.mulf %bitcast3A_1188, %bitcast3A_1189 : vector<32xbf16>
      %bitcast3A_1191 = vector.bitcast %mul3A_1190 : vector<32xbf16> to vector<16xi32>
      %shift_left3A_1192 = arith.constant 16 : i32
      %shift_left3A_1193 = vector.broadcast %shift_left3A_1192 : i32 to vector<16xi32>
      %shift_left3A_1194 = arith.shli %bitcast3A_1191, %shift_left3A_1193 : vector<16xi32>
      %bitcast3A_1195 = vector.bitcast %shift_left3A_1194 : vector<16xi32> to vector<16xf32>
      %bitcast3A_1196 = vector.bitcast %bitcast3A_1191 : vector<16xi32> to vector<16xf32>
      %add3A_1197 = arith.addf %add3A_1180, %bitcast3A_1195 : vector<16xf32>
      %add3A_1198 = arith.addf %add3A_1181, %bitcast3A_1196 : vector<16xf32>
      %get3A_1199 = arith.index_cast %add3A_1149 : i32 to index
      %get3A_1200 = arith.constant 48 : index
      %get3A_1201 = tpu.vector_load %arg9[%get3A_1199, %get3A_1200] {strides = array<i32>} : memref<80x64xi32, #tpu.memory_space<vmem>>, vector<16xi32>,
      %get3A_1202 = arith.index_cast %add3A_1149 : i32 to index
      %get3A_1203 = arith.constant 48 : index
      %get3A_1204 = tpu.vector_load %arg10[%get3A_1202, %get3A_1203] {strides = array<i32>} : memref<80x64xi32, #tpu.memory_space<vmem>>, vector<16xi32>,
      %bitcast3A_1205 = vector.bitcast %get3A_1201 : vector<16xi32> to vector<32xbf16>
      %bitcast3A_1206 = vector.bitcast %get3A_1204 : vector<16xi32> to vector<32xbf16>
      %mul3A_1207 = arith.mulf %bitcast3A_1205, %bitcast3A_1206 : vector<32xbf16>
      %bitcast3A_1208 = vector.bitcast %mul3A_1207 : vector<32xbf16> to vector<16xi32>
      %shift_left3A_1209 = arith.constant 16 : i32
      %shift_left3A_1210 = vector.broadcast %shift_left3A_1209 : i32 to vector<16xi32>
      %shift_left3A_1211 = arith.shli %bitcast3A_1208, %shift_left3A_1210 : vector<16xi32>
      %bitcast3A_1212 = vector.bitcast %shift_left3A_1211 : vector<16xi32> to vector<16xf32>
      %bitcast3A_1213 = vector.bitcast %bitcast3A_1208 : vector<16xi32> to vector<16xf32>
      %add3A_1214 = arith.addf %add3A_1197, %bitcast3A_1212 : vector<16xf32>
      %add3A_1215 = arith.addf %add3A_1198, %bitcast3A_1213 : vector<16xf32>
      %add3A_1216 = arith.addf %add3A_1214, %add3A_1215 : vector<16xf32>
      %reduce_sum3A_1217 = arith.constant true
      %reduce_sum3A_1218 = vector.broadcast %reduce_sum3A_1217 : i1 to vector<16xi1>
      %reduce_sum3A_1219 = tpu.scan <sum>, %add3A_1216 masked %reduce_sum3A_1218 : vector<16xf32>, vector<16xi1> -> vector<16xf32>
      %reduce_sum3A_1220 = vector.extract %reduce_sum3A_1219[15] : f32 from vector<16xf32>
      %eq3A_1221 = arith.constant 14 : i32
      %eq3A_1222 = vector.broadcast %eq3A_1221 : i32 to vector<16xi32>
      %eq3A_1223 = arith.cmpi eq, %iota3A, %eq3A_1222 : vector<16xi32>
      %broadcast_in_dim3A_1224 = vector.broadcast %reduce_sum3A_1220 : f32 to vector<16xf32>
      %select_n3A_1225 = arith.select %eq3A_1223, %broadcast_in_dim3A_1224, %select_n3A_1145 : vector<16xi1>, vector<16xf32>
      %mul3A_1226 = arith.constant 16 : i32
      %mul3A_1227 = arith.muli %scan3A_30, %mul3A_1226 : i32
      %add3A_1228 = arith.constant 15 : i32
      %add3A_1229 = arith.addi %mul3A_1227, %add3A_1228 : i32
      %get3A_1230 = arith.index_cast %add3A_1229 : i32 to index
      %get3A_1231 = arith.constant 0 : index
      %get3A_1232 = tpu.vector_load %arg9[%get3A_1230, %get3A_1231] {strides = array<i32>} : memref<80x64xi32, #tpu.memory_space<vmem>>, vector<16xi32>,
      %get3A_1233 = arith.index_cast %add3A_1229 : i32 to index
      %get3A_1234 = arith.constant 0 : index
      %get3A_1235 = tpu.vector_load %arg10[%get3A_1233, %get3A_1234] {strides = array<i32>} : memref<80x64xi32, #tpu.memory_space<vmem>>, vector<16xi32>,
      %bitcast3A_1236 = vector.bitcast %get3A_1232 : vector<16xi32> to vector<32xbf16>
      %bitcast3A_1237 = vector.bitcast %get3A_1235 : vector<16xi32> to vector<32xbf16>
      %mul3A_1238 = arith.mulf %bitcast3A_1236, %bitcast3A_1237 : vector<32xbf16>
      %bitcast3A_1239 = vector.bitcast %mul3A_1238 : vector<32xbf16> to vector<16xi32>
      %shift_left3A_1240 = arith.constant 16 : i32
      %shift_left3A_1241 = vector.broadcast %shift_left3A_1240 : i32 to vector<16xi32>
      %shift_left3A_1242 = arith.shli %bitcast3A_1239, %shift_left3A_1241 : vector<16xi32>
      %bitcast3A_1243 = vector.bitcast %shift_left3A_1242 : vector<16xi32> to vector<16xf32>
      %bitcast3A_1244 = vector.bitcast %bitcast3A_1239 : vector<16xi32> to vector<16xf32>
      %get3A_1245 = arith.index_cast %add3A_1229 : i32 to index
      %get3A_1246 = arith.constant 16 : index
      %get3A_1247 = tpu.vector_load %arg9[%get3A_1245, %get3A_1246] {strides = array<i32>} : memref<80x64xi32, #tpu.memory_space<vmem>>, vector<16xi32>,
      %get3A_1248 = arith.index_cast %add3A_1229 : i32 to index
      %get3A_1249 = arith.constant 16 : index
      %get3A_1250 = tpu.vector_load %arg10[%get3A_1248, %get3A_1249] {strides = array<i32>} : memref<80x64xi32, #tpu.memory_space<vmem>>, vector<16xi32>,
      %bitcast3A_1251 = vector.bitcast %get3A_1247 : vector<16xi32> to vector<32xbf16>
      %bitcast3A_1252 = vector.bitcast %get3A_1250 : vector<16xi32> to vector<32xbf16>
      %mul3A_1253 = arith.mulf %bitcast3A_1251, %bitcast3A_1252 : vector<32xbf16>
      %bitcast3A_1254 = vector.bitcast %mul3A_1253 : vector<32xbf16> to vector<16xi32>
      %shift_left3A_1255 = arith.constant 16 : i32
      %shift_left3A_1256 = vector.broadcast %shift_left3A_1255 : i32 to vector<16xi32>
      %shift_left3A_1257 = arith.shli %bitcast3A_1254, %shift_left3A_1256 : vector<16xi32>
      %bitcast3A_1258 = vector.bitcast %shift_left3A_1257 : vector<16xi32> to vector<16xf32>
      %bitcast3A_1259 = vector.bitcast %bitcast3A_1254 : vector<16xi32> to vector<16xf32>
      %add3A_1260 = arith.addf %bitcast3A_1243, %bitcast3A_1258 : vector<16xf32>
      %add3A_1261 = arith.addf %bitcast3A_1244, %bitcast3A_1259 : vector<16xf32>
      %get3A_1262 = arith.index_cast %add3A_1229 : i32 to index
      %get3A_1263 = arith.constant 32 : index
      %get3A_1264 = tpu.vector_load %arg9[%get3A_1262, %get3A_1263] {strides = array<i32>} : memref<80x64xi32, #tpu.memory_space<vmem>>, vector<16xi32>,
      %get3A_1265 = arith.index_cast %add3A_1229 : i32 to index
      %get3A_1266 = arith.constant 32 : index
      %get3A_1267 = tpu.vector_load %arg10[%get3A_1265, %get3A_1266] {strides = array<i32>} : memref<80x64xi32, #tpu.memory_space<vmem>>, vector<16xi32>,
      %bitcast3A_1268 = vector.bitcast %get3A_1264 : vector<16xi32> to vector<32xbf16>
      %bitcast3A_1269 = vector.bitcast %get3A_1267 : vector<16xi32> to vector<32xbf16>
      %mul3A_1270 = arith.mulf %bitcast3A_1268, %bitcast3A_1269 : vector<32xbf16>
      %bitcast3A_1271 = vector.bitcast %mul3A_1270 : vector<32xbf16> to vector<16xi32>
      %shift_left3A_1272 = arith.constant 16 : i32
      %shift_left3A_1273 = vector.broadcast %shift_left3A_1272 : i32 to vector<16xi32>
      %shift_left3A_1274 = arith.shli %bitcast3A_1271, %shift_left3A_1273 : vector<16xi32>
      %bitcast3A_1275 = vector.bitcast %shift_left3A_1274 : vector<16xi32> to vector<16xf32>
      %bitcast3A_1276 = vector.bitcast %bitcast3A_1271 : vector<16xi32> to vector<16xf32>
      %add3A_1277 = arith.addf %add3A_1260, %bitcast3A_1275 : vector<16xf32>
      %add3A_1278 = arith.addf %add3A_1261, %bitcast3A_1276 : vector<16xf32>
      %get3A_1279 = arith.index_cast %add3A_1229 : i32 to index
      %get3A_1280 = arith.constant 48 : index
      %get3A_1281 = tpu.vector_load %arg9[%get3A_1279, %get3A_1280] {strides = array<i32>} : memref<80x64xi32, #tpu.memory_space<vmem>>, vector<16xi32>,
      %get3A_1282 = arith.index_cast %add3A_1229 : i32 to index
      %get3A_1283 = arith.constant 48 : index
      %get3A_1284 = tpu.vector_load %arg10[%get3A_1282, %get3A_1283] {strides = array<i32>} : memref<80x64xi32, #tpu.memory_space<vmem>>, vector<16xi32>,
      %bitcast3A_1285 = vector.bitcast %get3A_1281 : vector<16xi32> to vector<32xbf16>
      %bitcast3A_1286 = vector.bitcast %get3A_1284 : vector<16xi32> to vector<32xbf16>
      %mul3A_1287 = arith.mulf %bitcast3A_1285, %bitcast3A_1286 : vector<32xbf16>
      %bitcast3A_1288 = vector.bitcast %mul3A_1287 : vector<32xbf16> to vector<16xi32>
      %shift_left3A_1289 = arith.constant 16 : i32
      %shift_left3A_1290 = vector.broadcast %shift_left3A_1289 : i32 to vector<16xi32>
      %shift_left3A_1291 = arith.shli %bitcast3A_1288, %shift_left3A_1290 : vector<16xi32>
      %bitcast3A_1292 = vector.bitcast %shift_left3A_1291 : vector<16xi32> to vector<16xf32>
      %bitcast3A_1293 = vector.bitcast %bitcast3A_1288 : vector<16xi32> to vector<16xf32>
      %add3A_1294 = arith.addf %add3A_1277, %bitcast3A_1292 : vector<16xf32>
      %add3A_1295 = arith.addf %add3A_1278, %bitcast3A_1293 : vector<16xf32>
      %add3A_1296 = arith.addf %add3A_1294, %add3A_1295 : vector<16xf32>
      %reduce_sum3A_1297 = arith.constant true
      %reduce_sum3A_1298 = vector.broadcast %reduce_sum3A_1297 : i1 to vector<16xi1>
      %reduce_sum3A_1299 = tpu.scan <sum>, %add3A_1296 masked %reduce_sum3A_1298 : vector<16xf32>, vector<16xi1> -> vector<16xf32>
      %reduce_sum3A_1300 = vector.extract %reduce_sum3A_1299[15] : f32 from vector<16xf32>
      %eq3A_1301 = arith.constant 15 : i32
      %eq3A_1302 = vector.broadcast %eq3A_1301 : i32 to vector<16xi32>
      %eq3A_1303 = arith.cmpi eq, %iota3A, %eq3A_1302 : vector<16xi32>
      %broadcast_in_dim3A_1304 = vector.broadcast %reduce_sum3A_1300 : f32 to vector<16xf32>
      %select_n3A_1305 = arith.select %eq3A_1303, %broadcast_in_dim3A_1304, %select_n3A_1225 : vector<16xi1>, vector<16xf32>
      %mul3A_1306 = arith.constant 16 : i32
      %mul3A_1307 = arith.muli %scan3A_30, %mul3A_1306 : i32
      %add3A_1308 = arith.constant 9920 : i32
      %add3A_1309 = arith.addi %add3A_1308, %mul3A_1307 : i32
      %swap3A = arith.index_cast %add3A_1309 : i32 to index
      %swap3A_1310 = tpu.vector_load %arg8[%swap3A] {strides = array<i32>} : memref<10000xf32, #tpu.memory_space<vmem>>, vector<16xf32>,
      tpu.vector_store %arg8[%swap3A], %select_n3A_1305 {strides = array<i32>} : memref<10000xf32, #tpu.memory_space<vmem>>, vector<16xf32>,
    }
    %scan3A_29 = arith.constant 5 : i32
    "tpu.region"() ({
      %run_scoped3A = tpu.sem_alloc : memref<!tpu.dma_semaphore, #tpu.memory_space<semaphore_mem>>
      %dma_start3A_30 = tpu.memref_slice %arg5[%mul3A_2] : memref<320000xf32, #tpu.memory_space<hbm>> -> memref<10000xf32, #tpu.memory_space<hbm>>
      %dma_start3A_31 = tpu.memref_slice %arg5[%mul3A_2] : memref<320000xf32, #tpu.memory_space<hbm>> -> memref<10000xf32, #tpu.memory_space<hbm>>
      tpu.enqueue_dma source(%arg8 : memref<10000xf32, #tpu.memory_space<vmem>>) target(%dma_start3A_31 : memref<10000xf32, #tpu.memory_space<hbm>>) target_semaphore(%run_scoped3A : memref<!tpu.dma_semaphore, #tpu.memory_space<semaphore_mem>>)
      %dma_wait3A_32 = tpu.memref_slice %arg5[%mul3A_2] : memref<320000xf32, #tpu.memory_space<hbm>> -> memref<10000xf32, #tpu.memory_space<hbm>>
      %dma_wait3A_33 = tpu.memref_slice %arg5[%mul3A_2] : memref<320000xf32, #tpu.memory_space<hbm>> -> memref<10000xf32, #tpu.memory_space<hbm>>
      tpu.wait_dma2 semaphore(%run_scoped3A : memref<!tpu.dma_semaphore, #tpu.memory_space<semaphore_mem>>) src(%arg8 : memref<10000xf32, #tpu.memory_space<vmem>>) dst(%dma_wait3A_33 : memref<10000xf32, #tpu.memory_space<hbm>>)
      tpu.yield
    }) : () -> ()
    return
  }
}

</mosaic_0001>

<sc_bundles>
// kernel: kernel.3.cloned.1.call-start
scs
__scs_entry_jumppad:
0x0: {  	(pc) =	sbr.rel $0x88, $3  }
0x1: {  	(tag) =	ssettag $0x0;
	lr =	simm.s32 $0x1  }
0x2: {  	[smem:$0x3F9E] =	sst lr;
	_ =	strace $0xD0000000  }
0x3: {  	_ = 	snop  }
0x4: {  	_ = 	snop  }
0x5: {  	_ = 	snop  }
0x6: {  	_ = 	snop  }
0x7: {  	_ = 	snop  }
__scs_overlays_trampoline_lowered:
0x8: {  	[smem:$0x3FAD] =	sst s0  }
0x9: {  	[smem:$0x3FAE] =	sst s1  }
0xa: {  	[smem:$0x3FAF] =	sst s2  }
0xb: {  	[smem:$0x3FB0] =	sst s3  }
0xc: {  	[smem:$0x3FB1] =	sst s4  }
0xd: {  	[smem:$0x3FB2] =	sst s5  }
0xe: {  	[smem:$0x3FB3] =	sst s6  }
0xf: {  	[smem:$0x3FB4] =	sst s7  }
0x10: {  	[smem:$0x3FB5] =	sst s8  }
0x11: {  	[smem:$0x3FB6] =	sst s9;
	s0 =	simm.s32 @!p0 $0x0  }
0x12: {  	s1 =	sld [smem:$0x3F9C];
	s0 =	simm.s32 @p0 $0x1  }
0x13: {  	[smem:$0x3FB7] =	sst s0;
	s0 =	simm.s32 @!p1 $0x0  }
0x14: {  	s2 =	sld [smem:$0x3F9B];
	s0 =	simm.s32 @p1 $0x1  }
0x15: {  	[smem:$0x3FB8] =	sst s0;
	s0 =	simm.s32 @!p2 $0x0  }
0x16: {  	s3 =	sld [smem:$0x3FDB];
	s0 =	simm.s32 @p2 $0x1  }
0x17: {  	s4 =	simm.s32 $0x1BF5;
	[smem:$0x3FBA] =	sst s0  }
0x18: {  	s0 =	sld [smem:$0x3F9D];
	_ =	swait.ge [sflag:s4], $0x0  }
0x19: {  	s7 =	sld [smem:$0x3F9E]  }
0x1a: {  	s8 =	sadd.s32 $0xFFFFE003, lr  }
0x1b: {  	s9 =	sadd.s32 $0xFFFFFEF7, lr;
	s5 =	simm.s32 $0xFFFFFFFF;
	p2 =	slt.u32 s8, $0xFFFFF086  }
0x1c: {  	p1 =	slt.u32 s9, $0xF7A;
	s5 =	simm.s32 @!p2 $0x0  }
0x1d: {  	s5 =	simm.s32 @p1 $0x1;
	p0 =	seq.s32 s7, s2  }
0x1e: {  	s7 =	smul.u32 @!p0 $0xF7A, s2;
	p2 =	seq.s32 @!p0 s5, $0x0  }
0x1f: {  	s9 =	smul.u32 $0xF7A, s1;
	s8 =	simm.s32 @!p0 $0x1BF5;
	p2 =	por !p2, p0  }
0x20: {  	[sflag:s8] =	ssyncset.s32 @!p0 $0xFFFFF086;
	s6 =	sadd.s32 @!p0 s3, s7;
	s7 =	simm.s32 @!p0 $0x108  }
0x21: {  	s3 =	sadd.s32 s3, s9;
	s6 =	sadd.s32 @!p0 $0x88, s6;
	s7 =	simm.s32 @p2 $0x1082  }
0x22: {  	[simem:s7], [sflag:s8] =	dma.local @!p0 [hbm:s6], $0xF7A  }
0x23: {  	s9 =	sor.u32 $0xD0000000, s2;
	s6 =	simm.s32 $0x108;
	_ =	swait.ge @!p0 [sflag:s8], $0x0  }
0x24: {  	s3 =	sadd.s32 $0x88, s3;
	s6 =	simm.s32 @!p1 $0x1082;
	[sflag:s4] =	ssyncset.s32 $0xFFFFF086  }
0x25: {  	[simem:s6], [sflag:s4] =	dma.local [hbm:s3], $0xF7A  }
0x26: {  	[smem:$0x3F9E] =	sst s1;
	(tag) =	ssettag s2;
	_ =	strace s9  }
0x27: {  	s1 =	sld [smem:$0x3FAE]  }
0x28: {  	s2 =	sld [smem:$0x3FAF]  }
0x29: {  	s4 =	sld [smem:$0x3FB1]  }
0x2a: {  	p0 =	seq.s32 s5, $0x0;
	s5 =	sld [smem:$0x3FB2]  }
0x2b: {  	s6 =	sld [smem:$0x3FB3]  }
0x2c: {  	s7 =	sld [smem:$0x3FB4]  }
0x2d: {  	s3 =	simm.s32 $0x108;
	s8 =	sld [smem:$0x3FB5]  }
0x2e: {  	s3 =	simm.s32 @!p0 $0x1082;
	s9 =	sld [smem:$0x3FB6]  }
0x2f: {  	lr =	sadd.s32 s0, s3;
	s0 =	sld [smem:$0x3FAD]  }
0x30: {  	s3 =	sld [smem:$0x3FB0]  }
0x31: {  	[smem:$0x3FB9] =	sst s10  }
0x32: {  	s10 =	sld [smem:$0x3FB7];
	_ =	sdelay $0x3  }
0x33: {  	p0 =	seq.s32 s10, $0x1;
	s10 =	sld [smem:$0x3FB9];
	_ =	sdelay $0x3  }
0x34: {  	[smem:$0x3FB9] =	sst s10  }
0x35: {  	s10 =	sld [smem:$0x3FB8];
	_ =	sdelay $0x3  }
0x36: {  	p1 =	seq.s32 s10, $0x1;
	s10 =	sld [smem:$0x3FB9];
	_ =	sdelay $0x3  }
0x37: {  	[smem:$0x3FB9] =	sst s10  }
0x38: {  	s10 =	sld [smem:$0x3FBA]  }
0x39: {  	_ = 	snop;
	(pc) =	sbr.ind lr, $3  }
0x3a: {  	_ = 	snop  }
0x3b: {  	_ = 	snop  }
0x3c: {  	p2 =	seq.s32 s10, $0x1;
	s10 =	sld [smem:$0x3FB9]  }
0x3d: {  	_ =	shalt  }
0x3e: {  	_ =	shalt  }
0x3f: {  	_ =	shalt  }
0x40: {  	_ =	shalt  }
0x41: {  	_ =	shalt  }
0x42: {  	_ =	shalt  }
0x43: {  	_ =	shalt  }
0x44: {  	_ =	shalt  }
0x45: {  	_ =	shalt  }
0x46: {  	_ =	shalt  }
0x47: {  	_ =	shalt  }
0x48: {  	_ =	shalt  }
0x49: {  	_ =	shalt  }
0x4a: {  	_ =	shalt  }
0x4b: {  	_ =	shalt  }
0x4c: {  	_ =	shalt  }
0x4d: {  	_ =	shalt  }
0x4e: {  	_ =	shalt  }
0x4f: {  	_ =	shalt  }
0x50: {  	_ =	shalt  }
0x51: {  	_ =	shalt  }
0x52: {  	_ =	shalt  }
0x53: {  	_ =	shalt  }
0x54: {  	_ =	shalt  }
0x55: {  	_ =	shalt  }
0x56: {  	_ =	shalt  }
0x57: {  	_ =	shalt  }
0x58: {  	_ =	shalt  }
0x59: {  	_ =	shalt  }
0x5a: {  	_ =	shalt  }
0x5b: {  	_ =	shalt  }
0x5c: {  	_ =	shalt  }
0x5d: {  	_ =	shalt  }
0x5e: {  	_ =	shalt  }
0x5f: {  	_ =	shalt  }
0x60: {  	_ =	shalt  }
0x61: {  	_ =	shalt  }
0x62: {  	_ =	shalt  }
0x63: {  	_ =	shalt  }
0x64: {  	_ =	shalt  }
0x65: {  	_ =	shalt  }
0x66: {  	_ =	shalt  }
0x67: {  	_ =	shalt  }
0x68: {  	_ =	shalt  }
0x69: {  	_ =	shalt  }
0x6a: {  	_ =	shalt  }
0x6b: {  	_ =	shalt  }
0x6c: {  	_ =	shalt  }
0x6d: {  	_ =	shalt  }
0x6e: {  	_ =	shalt  }
0x6f: {  	_ =	shalt  }
0x70: {  	_ =	shalt  }
0x71: {  	_ =	shalt  }
0x72: {  	_ =	shalt  }
0x73: {  	_ =	shalt  }
0x74: {  	_ =	shalt  }
0x75: {  	_ =	shalt  }
0x76: {  	_ =	shalt  }
0x77: {  	_ =	shalt  }
0x78: {  	_ =	shalt  }
0x79: {  	_ =	shalt  }
0x7a: {  	_ =	shalt  }
0x7b: {  	_ =	shalt  }
0x7c: {  	_ =	shalt  }
0x7d: {  	_ =	shalt  }
0x7e: {  	_ =	shalt  }
0x7f: {  	_ =	shalt  }
0x80: {  	_ =	shalt  }
0x81: {  	_ =	shalt  }
0x82: {  	_ =	shalt  }
0x83: {  	_ =	shalt  }
0x84: {  	_ =	shalt  }
0x85: {  	_ =	shalt  }
0x86: {  	_ =	shalt  }
0x87: {  	_ =	shalt  }
.Lfunc_end0:
.L_simem_size_0:
called_computation_lowered:
.L_overlay_start_0:
0x88: {  	s2 =	sld [smem:$0x3FD9]  }
0x89: {  	s3 =	sld [smem:$0x3FFE];
	_ =	sdelay $0x1  }
0x8a: {  	s1 =	srdreg.scid  }
0x8b: {  	s0 =	sand.u32 $0x1, s1  }
0x8c: {  	s17 =	sshll.u32 s0, $0xA;
	s2 =	sadd.s32 s3, s2  }
0x8d: {  	s2 =	sadd.s32 s2, s17  }
0x8e: {  	[smem:$0x3FC5] =	sst s2  }
0x8f: {  	_ = 	snop  }
0x90: {  	s2 =	sld [smem:$0x3FD0];
	(tm) =	ssettm $0x1  }
0x91: {  	s18 =	sld [smem:$0x3FFB];
	_ =	sdelay $0x3  }
0x92: {  	_ =	strace s18  }
0x93: {  	s3 =	sld [smem:$0x3FFC];
	_ =	sdelay $0x3  }
0x94: {  	_ =	strace s3  }
0x95: {  	s3 =	sld [smem:$0x3FFD];
	_ =	sdelay $0x3  }
0x96: {  	_ =	strace s3  }
0x97: {  	_ =	strace $0x8FFFFFFF  }
0x98: {  	s19 =	sld [smem:$0x3FDB];
	_ =	sdelay $0x1  }
0x99: {  	s4 =	simm.s32 $_scs_section_size  }
0x9a: {  	s5 =	simm.s32 $_size__tile_overlayer_lowered;
	s6 =	simm.s32 $_tile_overlayer_lowered  }
0x9b: {  	s22 =	simm.s32 $0x1BFF;
	s21 =	sshll.u32 s6, $0x1;
	s3 =	sadd.s32 s4, s19  }
0x9c: {  	s7 =	simm.s32 $0x0;
	s20 =	sshll.u32 s5, $0x1;
	s5 =	sadd.s32 s21, s3  }
0x9d: {  	[timem:s7], [sflag:s22] =	dma.local [hbm:s5], s20  }
0x9e: {  	_ =	swait.ge [sflag:s22], s20  }
0x9f: {  	s4 =	ssub.s32 $0x0, s20;
	[sflag:s22] =	ssyncset.done $0x0  }
0xa0: {  	[sflag:s22] =	ssyncadd.s32 s4;
	_ =	sdelay $0x1  }
0xa1: {  	s23 =	simm.s32 $0x1B8B  }
0xa2: {  	_ =	swait.ge [sflag:s23], $0x1  }
0xa3: {  	[sflag:s23] =	ssyncset.done $0x0  }
0xa4: {  	s25 =	simm.s32 $0x1B8E;
	s24 =	sld [smem:$0x3FFE];
	[sflag:s23] =	ssyncadd.s32 $0xFFFFFFFF  }
0xa5: {  	s26 =	simm.s32 $execute0_lowered;
	[smem:$0x3FD2] =	sst s25  }
0xa6: {  	s5 =	sshll.u32 s26, $0x1;
	_ =	strace $0x80000046;
	[dreg:$0x1] =	wrdreg $0xFFFFFFFF  }
0xa7: {  	s28 =	simm.s32 $_size_execute0_lowered;
	s3 =	sadd.s32 s3, s5;
	[dreg:$0x0] =	wrdreg $0x0  }
0xa8: {  	s5 =	sshll.u32 s28, $0x1;
	[dreg:$0x2] =	wrdreg s3  }
0xa9: {  	[dreg:$0x3] =	wrdreg s5  }
0xaa: {  	[dreg:$0x4] =	wrdreg $0xC0  }
0xab: {  	_ =	task [dreg:s7], $0x5FFFF  }
0xac: {  	[dreg:$0x1] =	wrdreg $0xFFFFFFFF  }
0xad: {  	[dreg:$0x0] =	wrdreg $0x60  }
0xae: {  	[dreg:$0x2] =	wrdreg s24  }
0xaf: {  	[dreg:$0x3] =	wrdreg s2  }
0xb0: {  	[dreg:$0x4] =	wrdreg $0x9  }
0xb1: {  	_ =	task.clear_ibuf [dreg:s7], $0x5FFFF;
	_ =	strace $0x90000046  }
0xb2: {  	s29 =	simm.s32 $0x9;
	_ =	strace $0x80000048  }
0xb3: {  	_ =	swait.ge [sflag:s29], $0x1  }
0xb4: {  	[sflag:s29] =	ssyncadd.s32 $0xFFFFFFFF  }
0xb5: {  	_ =	strace $0x90000048  }
0xb6: {  	_ =	sfence  }
0xb7: {  	s30 =	sld [smem:$0x0];
	_ =	sdelay $0x2  }
0xb8: {  	s31 =	sshll.u32 s1, $0xD;
	s1 =	sshrl.u32 s1, $0x2  }
0xb9: {  	s3 =	sand.u32 $0x4000, s31;
	s1 =	sadd.s32 s1, s30  }
0xba: {  	s0 =	sor.u32 s3, s0;
	s1 =	sshll.u32 s1, $0x11  }
0xbb: {  	s0 =	sor.u32 s1, s0  }
0xbc: {  	s0 =	sadd.s32 $0x8F2B, s0  }
0xbd: {  	[sflag:s0] =	ssyncadd.remote.s32 $0x1  }
0xbe: {  	_ =	sfence.sel $0xFFFF  }
0xbf: {  	[dreg:$0x0] =	wrdreg $0xFFFFFFFF;
	(pc) =	sbr.abs _section_cstart, $3  }
0xc0: {  	[dreg:$0x1] =	wrdreg $0xFFFFFFFF  }
0xc1: {  	_ =	task.clear_ibuf [dreg:s7], $0x2FFFF;
	_ =	strace $0x9FFFFFFF  }
0xc2: {  	(tm) =	ssettm $0x7FFFFFFF  }
0xc3: {  	_ =	shalt  }
tec
execute0_lowered:
.L_overlay_start_1:
0x0: {  	(tag) =	ssettag $0x1  }
0x1: {  	s2 =	rddreg [dreg:$0x0];
	s1 =	srdreg.scid  }
0x2: {  	s0 =	stileid.u32;
	s6 =	rddreg [dreg:$0x1]  }
0x3: {  	s10 =	simm.s32 $0x50;
	s11 =	simm.s32 $0x7530;
	s12 =	simm.s32 $0x8930  }
0x4: {  	s13 =	simm.s32 $0x9D30;
	s14 =	simm.s32 $0xB130;
	s15 =	simm.s32 $0x1  }
0x5: {  	s16 =	simm.s32 $0x2;
	s4 =	sand.u32 $0x1, s1;
	s3 =	sshll.u32 s0, $0x1  }
0x6: {  	s17 =	simm.s32 $0x4E20;
	s1 =	rddreg [dreg:$0x2];
	s5 =	sor.u32 s4, s3  }
0x7: {  	vm0 =	vmmov $0x1;
	vm1 =	vmmov $0x3;
	vm2 =	vmmov $0x7;
	s3 =	simm.s32 $0x0;
	s4 =	ssub.s32 $0x2, s4;
	s7 =	smul.u32 $0x4E2, s5  }
0x8: {  	vm3 =	vmmov $0xf;
	vm4 =	vmmov $0x1f;
	vm5 =	vmmov $0x3f;
	s18 =	simm.s32 $0x0;
	[smem:$0x7FF] =	sst s3;
	s31 =	sshrl.u32 s4, $0x1  }
0x9: {  	vm6 =	vmmov $0x7f;
	vm7 =	vmmov $0xff;
	vm8 =	vmmov $0x1ff;
	_ =	strace $0x80000047;
	s9 =	ssub.s32 s4, s31;
	s8 =	sadd.s32 s7, s2  }
0xa: {  	vm9 =	vmmov $0x3ff;
	vm10 =	vmmov $0x7ff;
	vm11 =	vmmov $0xfff;
	s6 =	sadd.s32 s6, s7;
	s7 =	smax.u32 s9, $0x1;
	s9 =	simm.s32 $0x2710  }
0xb: {  	vm12 =	vmmov $0x1fff;
	vm13 =	vmmov $0x3fff;
	vm14 =	vmmov $0x7fff;
	s4 =	sadd.s32 $0x1D800, s8;
	s5 =	sadd.s32 $0x13A00, s8;
	s8 =	simm.s32 $0x3  }
.LBB2_1:
0xc: {  	[tilespmem:s3], [sflag:$0x3] =	stream.linear.gather [hbm4b:s4+s3], $0x2710, $0x38;
	[tilespmem:$0xC530] =	vst v63  }
0xd: {  	_ =	swait.ge [sflag:s8], $0x2710  }
0xe: {  	[sflag:s8] =	ssyncset.done $0x0  }
0xf: {  	[sflag:s8] =	ssyncadd.s32 $0xFFFFD8F0  }
0x10: {  	[tilespmem:s9], [sflag:$0x3] =	stream.linear.gather [hbm4b:s5+s3], $0x2710, $0x38;
	[tilespmem:$0xC530] =	vst v63  }
0x11: {  	_ =	swait.ge [sflag:s8], $0x2710  }
0x12: {  	[sflag:s8] =	ssyncset.done $0x0  }
0x13: {  	[sflag:s8] =	ssyncadd.s32 $0xFFFFD8F0  }
0x14: {  	[tilespmem:s11], [sflag:$0x1] =	stream.indirect.gather [hbm4b:s2+s10], $0x40, s3, s10, $0xb8;
	[tilespmem:$0xC530] =	vst v63  }
0x15: {  	s19 =	simm.s32 $0x4E70;
	s20 =	simm.s32 $0x4E20;
	s21 =	simm.s32 $0x0  }
0x16: {  	[tilespmem:s12], [sflag:$0x1] =	stream.indirect.gather [hbm4b:s2+s10], $0x40, s9, s10, $0xb8;
	[tilespmem:$0xC530] =	vst v63  }
.LBB2_2:
0x17: {  	s22 =	smul.u32 $0xA0, s21;
	_ =	sdelay $0x1  }
0x18: {  	s23 =	sadd.s32 $0x50, s22  }
0x19: {  	[tilespmem:s13], [sflag:$0x2] =	stream.indirect.gather [hbm4b:s2+s10], $0x40, s23, s10, $0xb8;
	[tilespmem:$0xC530] =	vst v63  }
0x1a: {  	s30 =	sadd.s32 $0x2760, s22  }
0x1b: {  	[tilespmem:s14], [sflag:$0x2] =	stream.indirect.gather [hbm4b:s2+s10], $0x40, s30, s10, $0xb8;
	[tilespmem:$0xC530] =	vst v63  }
0x1c: {  	_ =	swait.ge [sflag:s15], $0x1400  }
0x1d: {  	[sflag:s15] =	ssyncset.done $0x0  }
0x1e: {  	[sflag:s15] =	ssyncadd.s32 $0xFFFFEC00  }
0x1f: {  	_ =	swait.ge [sflag:s15], $0x1400  }
0x20: {  	[sflag:s15] =	ssyncset.done $0x0  }
0x21: {  	s31 =	simm.s32 $0x3F0;
	[sflag:s15] =	ssyncadd.s32 $0xFFFFEC00  }
0x22: {  	v0 =	vld [tilespmem:s31+$0x88F0]  }
0x23: {  	v1 =	vld [tilespmem:s31+$0x74F0]  }
0x24: {  	v2 =	vld [tilespmem:s31+$0x8920]  }
0x25: {  	v3 =	vld [tilespmem:s31+$0x7520]  }
0x26: {  	v4 =	vld [tilespmem:s31+$0x88B0]  }
0x27: {  	v5 =	vld [tilespmem:s31+$0x74B0]  }
0x28: {  	v6 =	vld [tilespmem:s31+$0x8870]  }
0x29: {  	v7 =	vld [tilespmem:s31+$0x7470]  }
0x2a: {  	v8 =	vld [tilespmem:s31+$0x88E0]  }
0x2b: {  	v9 =	vld [tilespmem:s31+$0x74E0]  }
0x2c: {  	v10 =	vld [tilespmem:s31+$0x8900]  }
0x2d: {  	v11 =	vld [tilespmem:s31+$0x7500]  }
0x2e: {  	v12 =	vld [tilespmem:s31+$0x8910]  }
0x2f: {  	v13 =	vld [tilespmem:s31+$0x7510]  }
0x30: {  	v14 =	vld [tilespmem:s31+$0x8830]  }
0x31: {  	v15 =	vld [tilespmem:s31+$0x7430]  }
0x32: {  	v17 =	vld [tilespmem:s31+$0x88A0]  }
0x33: {  	v18 =	vld [tilespmem:s31+$0x74A0]  }
0x34: {  	v24 =	vld [tilespmem:s31+$0x87F0]  }
0x35: {  	v25 =	vld [tilespmem:s31+$0x73F0]  }
0x36: {  	v26 =	vld [tilespmem:s31+$0x8860]  }
0x37: {  	v27 =	vld [tilespmem:s31+$0x7460]  }
0x38: {  	v28 =	vld [tilespmem:s31+$0x88C0]  }
0x39: {  	v29 =	vld [tilespmem:s31+$0x74C0]  }
0x3a: {  	v30 =	vld [tilespmem:s31+$0x88D0]  }
0x3b: {  	v31 =	vld [tilespmem:s31+$0x74D0]  }
0x3c: {  	v32 =	vld [tilespmem:s31+$0x87B0]  }
0x3d: {  	v33 =	vld [tilespmem:s31+$0x73B0]  }
0x3e: {  	v34 =	vld [tilespmem:s31+$0x8820]  }
0x3f: {  	v35 =	vld [tilespmem:s31+$0x7420]  }
0x40: {  	v36 =	vld [tilespmem:s31+$0x8880]  }
0x41: {  	v37 =	vld [tilespmem:s31+$0x7480]  }
0x42: {  	v38 =	vld [tilespmem:s31+$0x8890]  }
0x43: {  	v39 =	vld [tilespmem:s31+$0x7490]  }
0x44: {  	v40 =	vld [tilespmem:s31+$0x8770]  }
0x45: {  	v41 =	vld [tilespmem:s31+$0x7370]  }
0x46: {  	v42 =	vld [tilespmem:s31+$0x87E0]  }
0x47: {  	v43 =	vld [tilespmem:s31+$0x73E0]  }
0x48: {  	v44 =	vld [tilespmem:s31+$0x8840]  }
0x49: {  	v45 =	vld [tilespmem:s31+$0x7440]  }
0x4a: {  	v46 =	vld [tilespmem:s31+$0x8850]  }
0x4b: {  	v47 =	vld [tilespmem:s31+$0x7450]  }
0x4c: {  	v48 =	vld [tilespmem:s31+$0x8730]  }
0x4d: {  	v49 =	vld [tilespmem:s31+$0x7330]  }
0x4e: {  	v50 =	vld [tilespmem:s31+$0x87A0]  }
0x4f: {  	v51 =	vld [tilespmem:s31+$0x73A0]  }
0x50: {  	v52 =	vld [tilespmem:s31+$0x8800]  }
0x51: {  	v53 =	vld [tilespmem:s31+$0x7400]  }
0x52: {  	v54 =	vld [tilespmem:s31+$0x8810]  }
0x53: {  	v55 =	vld [tilespmem:s31+$0x7410]  }
0x54: {  	v56 =	vld [tilespmem:s31+$0x86F0]  }
0x55: {  	v57 =	vld [tilespmem:s31+$0x72F0]  }
0x56: {  	v58 =	vld [tilespmem:s31+$0x8760]  }
0x57: {  	v59 =	vld [tilespmem:s31+$0x7360]  }
0x58: {  	v60 =	vld [tilespmem:s31+$0x87C0]  }
0x59: {  	v61 =	vld [tilespmem:s31+$0x73C0]  }
0x5a: {  	v62 =	vld [tilespmem:s31+$0x87D0]  }
0x5b: {  	v63 =	vld [tilespmem:s31+$0x73D0]  }
0x5c: {  	v16 =	vld [tilespmem:s31+$0x86B0]  }
0x5d: {  	v23 =	vld [tilespmem:s31+$0x72B0]  }
0x5e: {  	v22 =	vld [tilespmem:s31+$0x8780]  }
0x5f: {  	v20 =	vld [tilespmem:s31+$0x7380]  }
0x60: {  	v21 =	vld [tilespmem:s31+$0x8790]  }
0x61: {  	v19 =	vld [tilespmem:s31+$0x7390]  }
0x62: {  	[tilespmem:$0x1FEA0] =	vst v16;
	v16 =	vld [tilespmem:s31+$0x8720];
	v28 =	vmul.bf16 v28, v29  }
0x63: {  	v29 =	vmul.bf16 v30, v31;
	v30 =	vld [tilespmem:s31+$0x7340];
	v31 =	vmul.bf16 v0, v1  }
0x64: {  	v0 =	vmul.bf16 v2, v3;
	v3 =	vmul.bf16 v8, v9;
	v8 =	vld [tilespmem:s31+$0x7350]  }
0x65: {  	v40 =	vmul.bf16 v40, v41;
	v41 =	vld [tilespmem:s31+$0x86C0]  }
0x66: {  	v19 =	vmul.bf16 v21, v19;
	v21 =	vld [tilespmem:s31+$0x7220]  }
0x67: {  	[tilespmem:$0x1FF10] =	vst v0;
	v0 =	vld [tilespmem:s31+$0x8750]  }
0x68: {  	v1 =	vshll.u32 v28, $0x10;
	v9 =	vadd.f32 v29, v28;
	v28 =	vld [tilespmem:s31+$0x8630]  }
0x69: {  	v6 =	vmul.bf16 v6, v7;
	v2 =	vshll.u32 v29, $0x10;
	v29 =	vld [tilespmem:s31+$0x7230]  }
0x6a: {  	v7 =	vadd.f32 v2, v1;
	v1 =	vmul.bf16 v4, v5;
	v5 =	vmul.bf16 v10, v11;
	v10 =	vld [tilespmem:s31+$0x86A0]  }
0x6b: {  	v2 =	vmul.bf16 v12, v13;
	v12 =	vld [tilespmem:s31+$0x72A0]  }
0x6c: {  	v13 =	vmul.bf16 v26, v27;
	v27 =	vmul.bf16 v32, v33;
	v32 =	vld [tilespmem:s31+$0x8700]  }
0x6d: {  	v33 =	vld [tilespmem:s31+$0x8710]  }
0x6e: {  	v11 =	vmul.bf16 v14, v15;
	v14 =	vmul.bf16 v34, v35;
	v34 =	vld [tilespmem:s31+$0x7310]  }
0x6f: {  	v4 =	vshll.u32 v3, $0x10;
	[tilespmem:$0x1FEB0] =	vst v16;
	v16 =	vld [tilespmem:s31+$0x7320]  }
0x70: {  	v35 =	vld [tilespmem:s31+$0x85F0];
	v4 =	vadd.f32 v4, v7  }
0x71: {  	v7 =	vadd.f32 v3, v9;
	v3 =	vmul.bf16 v17, v18;
	v17 =	vmul.bf16 v36, v37;
	v37 =	vld [tilespmem:s31+$0x71F0]  }
0x72: {  	v18 =	vmul.bf16 v44, v45;
	v44 =	vld [tilespmem:s31+$0x72C0]  }
0x73: {  	v45 =	vld [tilespmem:s31+$0x8570]  }
0x74: {  	[tilespmem:$0x1FEC0] =	vst v16;
	v16 =	vld [tilespmem:s31+$0x8670]  }
0x75: {  	v9 =	vshll.u32 v31, $0x10;
	v7 =	vadd.f32 v31, v7;
	v31 =	vld [tilespmem:s31+$0x7300]  }
0x76: {  	v9 =	vadd.f32 v9, v4;
	v0 =	vmul.bf16 v0, v8;
	v8 =	vld [tilespmem:s31+$0x8680]  }
0x77: {  	v28 =	vmul.bf16 v28, v29;
	v29 =	vld [tilespmem:s31+$0x8650]  }
0x78: {  	v4 =	vmul.bf16 v24, v25;
	v26 =	vadd.f32 v9, v7;
	v7 =	vmul.bf16 v38, v39;
	v39 =	vld [tilespmem:s31+$0x8660]  }
0x79: {  	v25 =	vmul.bf16 v54, v55;
	v9 =	vmul.bf16 v46, v47;
	[tilespmem:$0x1FEF0] =	vst v16;
	v16 =	vld [tilespmem:s31+$0x7270]  }
0x7a: {  	v24 =	vmul.bf16 v52, v53;
	v46 =	vshll.u32 v18, $0x10;
	v38 =	vld [tilespmem:s31+$0x7260]  }
0x7b: {  	v52 =	vshll.u32 v25, $0x10;
	v35 =	vmul.bf16 v35, v37;
	v37 =	vld [tilespmem:s31+$0x8610];
	v47 =	vshll.u32 v9, $0x10  }
0x7c: {  	v9 =	vadd.f32 v9, v18;
	v18 =	vshll.u32 v24, $0x10;
	v36 =	vadd.f32 v47, v46;
	v47 =	vld [tilespmem:s31+$0x7170]  }
0x7d: {  	v18 =	vadd.f32 v52, v18;
	v52 =	vld [tilespmem:s31+$0x71B0]  }
0x7e: {  	[tilespmem:$0x1FF00] =	vst v16;
	v16 =	vld [tilespmem:s31+$0x86E0]  }
0x7f: {  	v46 =	vmul.bf16 v50, v51;
	v50 =	vmul.bf16 v56, v57;
	v56 =	vld [tilespmem:s31+$0x8690]  }
0x80: {  	v20 =	vmul.bf16 v22, v20;
	v57 =	vld [tilespmem:s31+$0x7290]  }
0x81: {  	v22 =	vshll.u32 v19, $0x10;
	v31 =	vmul.bf16 v32, v31;
	v32 =	vmul.bf16 v33, v34;
	v33 =	vld [tilespmem:s31+$0x8600]  }
0x82: {  	v53 =	vshll.u32 v13, $0x10;
	v13 =	vadd.f32 v13, v9;
	v9 =	vmul.bf16 v42, v43;
	v42 =	vld [tilespmem:s31+$0x86D0]  }
0x83: {  	v19 =	vadd.f32 v19, v20;
	v15 =	vshll.u32 v6, $0x10;
	v24 =	vadd.f32 v25, v24;
	[tilespmem:$0x1FED0] =	vst v16;
	v16 =	vld [tilespmem:s31+$0x72E0]  }
0x84: {  	v54 =	vshll.u32 v14, $0x10;
	v55 =	vshll.u32 v11, $0x10;
	v10 =	vmul.bf16 v10, v12;
	v43 =	vld [tilespmem:s31+$0x72D0]  }
0x85: {  	v41 =	vmul.bf16 v41, v44;
	v14 =	vadd.f32 v14, v24;
	v18 =	vadd.f32 v54, v18;
	v54 =	vld [tilespmem:s31+$0x8620]  }
0x86: {  	v44 =	vshll.u32 v10, $0x10;
	v24 =	vadd.f32 v7, v17;
	v38 =	vmul.bf16 v39, v38;
	v39 =	vld [tilespmem:s31+$0x85A0]  }
0x87: {  	v36 =	vadd.f32 v53, v36;
	v14 =	vadd.f32 v11, v14;
	v11 =	vmul.bf16 v48, v49;
	v48 =	vld [tilespmem:s31+$0x85B0]  }
0x88: {  	v51 =	vshll.u32 v40, $0x10;
	v19 =	vadd.f32 v46, v19;
	v13 =	vadd.f32 v6, v13;
	[tilespmem:$0x1FEE0] =	vst v16;
	v16 =	vld [tilespmem:s31+$0x8740]  }
0x89: {  	v6 =	vshll.u32 v17, $0x10;
	v49 =	vmul.bf16 v58, v59;
	v58 =	vld [tilespmem:s31+$0x8640];
	v15 =	vadd.f32 v15, v36  }
0x8a: {  	v36 =	vshll.u32 v27, $0x10;
	v18 =	vadd.f32 v55, v18;
	v55 =	vld [tilespmem:s31+$0x71E0];
	v27 =	vadd.f32 v27, v19  }
0x8b: {  	v17 =	vadd.f32 v15, v13;
	v15 =	vmul.bf16 v60, v61;
	v13 =	vmul.bf16 v62, v63;
	v61 =	vld [tilespmem:$0x1FEA0]  }
0x8c: {  	v63 =	vshll.u32 v46, $0x10;
	v18 =	vadd.f32 v18, v14;
	v60 =	vshll.u32 v0, $0x10;
	v46 =	vld [tilespmem:s31+$0x85E0]  }
0x8d: {  	v42 =	vmul.bf16 v42, v43;
	v43 =	vld [tilespmem:s31+$0x7160];
	v14 =	vmul.bf16 v16, v30;
	v16 =	vshll.u32 v20, $0x10  }
0x8e: {  	v62 =	vshll.u32 v49, $0x10;
	v21 =	vmul.bf16 v54, v21;
	v20 =	vld [tilespmem:s31+$0x7280];
	v16 =	vadd.f32 v22, v16  }
0x8f: {  	v48 =	vmul.bf16 v48, v52;
	v19 =	vld [tilespmem:$0x1FED0];
	v30 =	vshll.u32 v14, $0x10;
	v0 =	vadd.f32 v0, v14  }
0x90: {  	v23 =	vmul.bf16 v61, v23;
	v30 =	vadd.f32 v60, v30;
	v53 =	vadd.f32 v63, v16;
	v16 =	vld [tilespmem:$0x1FEB0]  }
0x91: {  	v22 =	vshll.u32 v50, $0x10;
	v14 =	vadd.f32 v13, v15;
	v60 =	vld [tilespmem:$0x1FEE0];
	v0 =	vadd.f32 v49, v0  }
0x92: {  	v15 =	vshll.u32 v15, $0x10;
	v63 =	vld [tilespmem:$0x1FEC0];
	v30 =	vadd.f32 v62, v30;
	v36 =	vadd.f32 v36, v53  }
0x93: {  	v61 =	vld [tilespmem:$0x1FF00];
	v62 =	vshll.u32 v41, $0x10;
	v41 =	vadd.f32 v42, v41;
	v8 =	vmul.bf16 v8, v20  }
0x94: {  	v20 =	vmul.bf16 v56, v57;
	v56 =	vld [tilespmem:s31+$0x7210];
	v0 =	vadd.f32 v40, v0;
	v30 =	vadd.f32 v51, v30  }
0x95: {  	v49 =	vshll.u32 v23, $0x10;
	v27 =	vadd.f32 v36, v27;
	v36 =	vld [tilespmem:s31+$0x7250];
	v51 =	vadd.f32 v32, v31  }
0x96: {  	v59 =	vmul.bf16 v19, v60;
	v19 =	vld [tilespmem:$0x1FEF0];
	v60 =	vshll.u32 v8, $0x10;
	v8 =	vadd.f32 v20, v8  }
0x97: {  	v53 =	vld [tilespmem:s31+$0x7240];
	v16 =	vmul.bf16 v16, v63;
	v63 =	vshll.u32 v42, $0x10;
	v0 =	vadd.f32 v30, v0  }
0x98: {  	v40 =	vshll.u32 v28, $0x10;
	v42 =	vld [tilespmem:s31+$0x7200];
	v34 =	vadd.f32 v63, v62;
	v8 =	vadd.f32 v10, v8  }
0x99: {  	v62 =	vld [tilespmem:s31+$0x85C0];
	v12 =	vshll.u32 v59, $0x10;
	v41 =	vadd.f32 v59, v41;
	v59 =	vshll.u32 v35, $0x10  }
0x9a: {  	v63 =	vld [tilespmem:s31+$0x85D0];
	v37 =	vmul.bf16 v37, v56;
	v12 =	vadd.f32 v12, v34;
	v8 =	vadd.f32 v23, v8  }
0x9b: {  	v10 =	vld [tilespmem:s31+$0x71D0];
	v29 =	vmul.bf16 v29, v36;
	v19 =	vmul.bf16 v19, v61;
	v61 =	vshll.u32 v20, $0x10  }
0x9c: {  	v23 =	vld [tilespmem:s31+$0x8540];
	v20 =	vshll.u32 v31, $0x10;
	v12 =	vadd.f32 v22, v12;
	v22 =	vadd.f32 v50, v41  }
0x9d: {  	v31 =	vld [tilespmem:s31+$0x71C0];
	v41 =	vmul.bf16 v45, v47;
	v33 =	vmul.bf16 v33, v42;
	v57 =	vadd.f32 v61, v60  }
0x9e: {  	v36 =	vld [tilespmem:s31+$0x8550];
	v42 =	vshll.u32 v21, $0x10;
	v61 =	vshll.u32 v37, $0x10;
	v12 =	vadd.f32 v12, v22  }
0x9f: {  	v47 =	vld [tilespmem:s31+$0x7140];
	v60 =	vshll.u32 v33, $0x10;
	v33 =	vadd.f32 v37, v33;
	v44 =	vadd.f32 v44, v57  }
0xa0: {  	v22 =	vshll.u32 v41, $0x10;
	v37 =	vld [tilespmem:s31+$0x7150];
	v10 =	vmul.bf16 v63, v10;
	v63 =	vmul.bf16 v46, v55  }
0xa1: {  	v30 =	vld [tilespmem:s31+$0x8560];
	v21 =	vadd.f32 v21, v33;
	v44 =	vadd.f32 v49, v44;
	v49 =	vmul.bf16 v58, v53  }
0xa2: {  	v56 =	vld [tilespmem:s31+$0x7180];
	v31 =	vmul.bf16 v62, v31;
	v62 =	vadd.f32 v61, v60;
	v58 =	vshll.u32 v10, $0x10  }
0xa3: {  	v60 =	vld [tilespmem:s31+$0x8590];
	v61 =	vshll.u32 v63, $0x10;
	v21 =	vadd.f32 v28, v21;
	v8 =	vadd.f32 v44, v8  }
0xa4: {  	v23 =	vmul.bf16 v23, v47;
	v44 =	vld [tilespmem:s31+$0x8580];
	v33 =	vadd.f32 v29, v49;
	v34 =	vadd.f32 v42, v62  }
0xa5: {  	v57 =	vshll.u32 v31, $0x10;
	v10 =	vadd.f32 v10, v31;
	v31 =	vld [tilespmem:s31+$0x7190];
	v36 =	vmul.bf16 v36, v37  }
0xa6: {  	v28 =	vmul.bf16 v30, v43;
	v30 =	vld [tilespmem:s31+$0x71A0];
	v50 =	vadd.f32 v58, v57;
	v34 =	vadd.f32 v40, v34  }
0xa7: {  	v47 =	vshll.u32 v23, $0x10;
	v10 =	vadd.f32 v63, v10;
	v23 =	vadd.f32 v36, v23  }
0xa8: {  	v62 =	vadd.f32 v61, v50;
	v50 =	vshll.u32 v36, $0x10;
	v21 =	vadd.f32 v34, v21  }
0xa9: {  	v63 =	vshll.u32 v28, $0x10;
	v10 =	vadd.f32 v35, v10;
	v35 =	vadd.f32 v50, v47  }
0xaa: {  	(xrf2) =	vadd.scan.msk.f32 $0xffff, v26;
	v45 =	vadd.f32 v59, v62;
	v52 =	vmul.bf16 v44, v56;
	v31 =	vmul.bf16 v60, v31  }
0xab: {  	(xrf2) =	vadd.scan.msk.f32 $0xffff, v17;
	v23 =	vadd.f32 v28, v23;
	v26 =	vmul.bf16 v39, v30;
	v17 =	vadd.f32 v63, v35  }
0xac: {  	v10 =	vadd.f32 v45, v10;
	v28 =	vshll.u32 v52, $0x10;
	v30 =	vshll.u32 v31, $0x10  }
0xad: {  	(xrf2) =	vadd.scan.msk.f32 $0xffff, v18;
	v18 =	vadd.f32 v30, v28;
	v28 =	vadd.f32 v31, v52;
	v30 =	vshll.u32 v49, $0x10  }
0xae: {  	(xrf2) =	vadd.scan.msk.f32 $0xffff, v27;
	v17 =	vadd.f32 v22, v17;
	v22 =	vadd.f32 v41, v23;
	v23 =	vshll.u32 v26, $0x10  }
0xaf: {  	(xrf2) =	vadd.scan.msk.f32 $0xffff, v0;
	v0 =	vadd.f32 v23, v18;
	v18 =	vadd.f32 v26, v28;
	v23 =	vshll.u32 v29, $0x10  }
0xb0: {  	(xrf2) =	vadd.scan.msk.f32 $0xffff, v12;
	v12 =	vadd.f32 v17, v22;
	v17 =	vshll.u32 v48, $0x10;
	v22 =	vadd.f32 v23, v30  }
0xb1: {  	(xrf2) =	vadd.scan.msk.f32 $0xffff, v8;
	v0 =	vadd.f32 v17, v0;
	v8 =	vadd.f32 v48, v18;
	v17 =	vshll.u32 v38, $0x10  }
0xb2: {  	(xrf2) =	vadd.scan.msk.f32 $0xffff, v21;
	v21 =	vshll.u32 v32, $0x10;
	v18 =	vadd.f32 v38, v33;
	v17 =	vadd.f32 v17, v22  }
0xb3: {  	(xrf2) =	vadd.scan.msk.f32 $0xffff, v10;
	v10 =	vadd.f32 v21, v20;
	v0 =	vadd.f32 v0, v8;
	v8 =	vshll.u32 v19, $0x10  }
0xb4: {  	(xrf2) =	vadd.scan.msk.f32 $0xffff, v12;
	v12 =	vadd.f32 v19, v18;
	v8 =	vadd.f32 v8, v17;
	v17 =	vshll.u32 v16, $0x10  }
0xb5: {  	v13 =	vshll.u32 v13, $0x10;
	v16 =	vadd.f32 v16, v51;
	v10 =	vadd.f32 v17, v10  }
0xb6: {  	v13 =	vadd.f32 v13, v15;
	v18, _, _ =	vpop (xrf2);
	(xrf2) =	vadd.scan.msk.f32 $0xffff, v0;
	v8 =	vadd.f32 v8, v12;
	v12 =	vshll.u32 v11, $0x10  }
0xb7: {  	v11 =	vadd.f32 v11, v16;
	v0, _, _ =	vpop (xrf2);
	v10 =	vadd.f32 v12, v10;
	v12 =	vshll.u32 v9, $0x10  }
0xb8: {  	v7 =	vshll.u32 v7, $0x10;
	v9 =	vadd.f32 v9, v14;
	v15, _, _ =	vpop (xrf2);
	v12 =	vadd.f32 v12, v13  }
0xb9: {  	v6 =	vadd.f32 v7, v6;
	v7 =	vld [tilespmem:s31+$0x7530];
	(xrf2) =	vadd.scan.msk.f32 $0xffff, v8;
	v16, _, _ =	vpop (xrf2);
	v10 =	vadd.f32 v10, v11;
	v11 =	vshll.u32 v4, $0x10  }
0xba: {  	v17 =	vld [tilespmem:$0x1FF10];
	v4 =	vadd.f32 v4, v9;
	v9 =	vshll.u32 v3, $0x10;
	v8, _, _ =	vpop (xrf2);
	v11 =	vadd.f32 v11, v12  }
0xbb: {  	v13 =	vld [tilespmem:s31+$0x8930];
	v3 =	vadd.f32 v3, v24;
	v14, _, _ =	vpop (xrf2)  }
0xbc: {  	v25 =	vshll.u32 v5, $0x10;
	v5 =	vadd.f32 v2, v5;
	(xrf2) =	vadd.scan.msk.f32 $0xffff, v10;
	v12, _, _ =	vpop (xrf2)  }
0xbd: {  	v2 =	vshll.u32 v2, $0x10;
	v6 =	vadd.f32 v9, v6;
	v4 =	vadd.f32 v11, v4;
	v9, _, _ =	vpop (xrf2)  }
0xbe: {  	v2 =	vadd.f32 v2, v25;
	v10 =	vshll.u32 v1, $0x10;
	v11, _, _ =	vpop (xrf2)  }
0xbf: {  	v1 =	vadd.f32 v1, v3;
	v6 =	vadd.f32 v10, v6;
	v10 =	vshll.u32 v17, $0x10;
	(xrf2) =	vadd.scan.msk.f32 $0xffff, v4;
	v3, _, _ =	vpop (xrf2)  }
0xc0: {  	v5 =	vadd.f32 v17, v5;
	v7 =	vmul.bf16 v13, v7;
	v2 =	vadd.f32 v10, v2;
	v53, _, _ =	vpop (xrf2)  }
0xc1: {  	v1 =	vadd.f32 v6, v1;
	v3 =	vbroadcast v3, $0xF;
	v4 =	vbroadcast v53, $0xF  }
0xc2: {  	v6 =	vshll.u32 v7, $0x10;
	v10 =	vbroadcast v11, $0xF;
	v5 =	vadd.f32 v7, v5  }
0xc3: {  	v2 =	vadd.f32 v6, v2;
	(xrf2) =	vadd.scan.msk.f32 $0xffff, v1;
	v54, _, _ =	vpop (xrf2);
	v1 =	vsel vm0, v3, v4;
	v3 =	vbroadcast v9, $0xF  }
0xc4: {  	v4 =	vbroadcast v54, $0xF;
	v1 =	vsel vm1, v1, v10  }
0xc5: {  	v2 =	vadd.f32 v2, v5;
	v1 =	vsel vm2, v1, v3;
	v3 =	vbroadcast v12, $0xF  }
0xc6: {  	v55 =	vbroadcast v14, $0xF;
	v56, _, _ =	vpop (xrf2);
	v1 =	vsel vm3, v1, v4  }
0xc7: {  	(xrf2) =	vadd.scan.msk.f32 $0xffff, v2;
	v2 =	vbroadcast v56, $0xF;
	v1 =	vsel vm4, v1, v3  }
0xc8: {  	v3 =	vbroadcast v8, $0xF;
	v1 =	vsel vm5, v1, v55  }
0xc9: {  	v57, _, _ =	vpop (xrf2);
	v1 =	vsel vm6, v1, v2;
	v2 =	vbroadcast v16, $0xF  }
0xca: {  	v1 =	vsel vm7, v1, v3;
	v3 =	vbroadcast v57, $0xF  }
0xcb: {  	v1 =	vsel vm8, v1, v2;
	v2 =	vbroadcast v15, $0xF  }
0xcc: {  	v0 =	vbroadcast v0, $0xF;
	v1 =	vsel vm9, v1, v3  }
0xcd: {  	v1 =	vsel vm10, v1, v2  }
0xce: {  	v3, _, _ =	vpop (xrf2);
	v0 =	vsel vm11, v1, v0;
	v1 =	vbroadcast v18, $0xF  }
0xcf: {  	v2 =	vbroadcast v3, $0xF;
	_ =	sdelay $0x1  }
0xd0: {  	v0 =	vsel vm12, v0, v2  }
0xd1: {  	v0 =	vsel vm13, v0, v1;
	v1, _, _ =	vpop (xrf2)  }
0xd2: {  	v0 =	vsel vm14, v0, v1  }
0xd3: {  	s23 =	simm.s32 $0x7F0;
	[tilespmem:s20+$0x0] =	vst v0  }
0xd4: {  	v0 =	vld [tilespmem:s23+$0x88F0]  }
0xd5: {  	v1 =	vld [tilespmem:s23+$0x74F0]  }
0xd6: {  	v2 =	vld [tilespmem:s23+$0x8920]  }
0xd7: {  	v3 =	vld [tilespmem:s23+$0x7520]  }
0xd8: {  	v18 =	vld [tilespmem:s23+$0x88B0]  }
0xd9: {  	v4 =	vld [tilespmem:s23+$0x74B0]  }
0xda: {  	v6 =	vld [tilespmem:s23+$0x8870]  }
0xdb: {  	v7 =	vld [tilespmem:s23+$0x7470]  }
0xdc: {  	v8 =	vld [tilespmem:s23+$0x88E0]  }
0xdd: {  	v9 =	vld [tilespmem:s23+$0x74E0]  }
0xde: {  	v10 =	vld [tilespmem:s23+$0x8900]  }
0xdf: {  	v11 =	vld [tilespmem:s23+$0x7500]  }
0xe0: {  	v12 =	vld [tilespmem:s23+$0x8910]  }
0xe1: {  	v13 =	vld [tilespmem:s23+$0x7510]  }
0xe2: {  	v14 =	vld [tilespmem:s23+$0x8830]  }
0xe3: {  	v15 =	vld [tilespmem:s23+$0x7430]  }
0xe4: {  	v16 =	vld [tilespmem:s23+$0x88A0]  }
0xe5: {  	v17 =	vld [tilespmem:s23+$0x74A0]  }
0xe6: {  	v34 =	vld [tilespmem:s23+$0x87F0]  }
0xe7: {  	v19 =	vld [tilespmem:s23+$0x73F0]  }
0xe8: {  	v20 =	vld [tilespmem:s23+$0x8860]  }
0xe9: {  	v21 =	vld [tilespmem:s23+$0x7460]  }
0xea: {  	v22 =	vld [tilespmem:s23+$0x88C0]  }
0xeb: {  	v23 =	vld [tilespmem:s23+$0x74C0]  }
0xec: {  	v24 =	vld [tilespmem:s23+$0x88D0]  }
0xed: {  	v25 =	vld [tilespmem:s23+$0x74D0]  }
0xee: {  	v26 =	vld [tilespmem:s23+$0x87B0]  }
0xef: {  	v27 =	vld [tilespmem:s23+$0x73B0]  }
0xf0: {  	v28 =	vld [tilespmem:s23+$0x8820]  }
0xf1: {  	v29 =	vld [tilespmem:s23+$0x7420]  }
0xf2: {  	v30 =	vld [tilespmem:s23+$0x8880]  }
0xf3: {  	v31 =	vld [tilespmem:s23+$0x7480]  }
0xf4: {  	v32 =	vld [tilespmem:s23+$0x8890]  }
0xf5: {  	v33 =	vld [tilespmem:s23+$0x7490]  }
0xf6: {  	v43 =	vld [tilespmem:s23+$0x8770]  }
0xf7: {  	v42 =	vld [tilespmem:s23+$0x7370]  }
0xf8: {  	v55 =	vld [tilespmem:s23+$0x87E0]  }
0xf9: {  	v54 =	vld [tilespmem:s23+$0x73E0]  }
0xfa: {  	v38 =	vld [tilespmem:s23+$0x8840]  }
0xfb: {  	v39 =	vld [tilespmem:s23+$0x7440]  }
0xfc: {  	v40 =	vld [tilespmem:s23+$0x8850]  }
0xfd: {  	v41 =	vld [tilespmem:s23+$0x7450]  }
0xfe: {  	v58 =	vld [tilespmem:s23+$0x8730]  }
0xff: {  	v59 =	vld [tilespmem:s23+$0x7330]  }
0x100: {  	v44 =	vld [tilespmem:s23+$0x87A0]  }
0x101: {  	v45 =	vld [tilespmem:s23+$0x73A0]  }
0x102: {  	v46 =	vld [tilespmem:s23+$0x8800]  }
0x103: {  	v47 =	vld [tilespmem:s23+$0x7400]  }
0x104: {  	v48 =	vld [tilespmem:s23+$0x8810]  }
0x105: {  	v49 =	vld [tilespmem:s23+$0x7410]  }
0x106: {  	v50 =	vld [tilespmem:s23+$0x86F0]  }
0x107: {  	v51 =	vld [tilespmem:s23+$0x72F0]  }
0x108: {  	v52 =	vld [tilespmem:s23+$0x8760]  }
0x109: {  	v53 =	vld [tilespmem:s23+$0x7360]  }
0x10a: {  	v60 =	vld [tilespmem:s23+$0x87C0]  }
0x10b: {  	v56 =	vld [tilespmem:s23+$0x73C0]  }
0x10c: {  	v61 =	vld [tilespmem:s23+$0x87D0]  }
0x10d: {  	v62 =	vld [tilespmem:s23+$0x73D0]  }
0x10e: {  	v63 =	vld [tilespmem:s23+$0x86B0]  }
0x10f: {  	v35 =	vld [tilespmem:s23+$0x72B0]  }
0x110: {  	v37 =	vld [tilespmem:s23+$0x7320]  }
0x111: {  	v36 =	vld [tilespmem:s23+$0x8720]  }
0x112: {  	v57 =	vld [tilespmem:s23+$0x8670]  }
0x113: {  	[tilespmem:$0x1FF70] =	vst v62;
	v62 =	vld [tilespmem:s23+$0x8780]  }
0x114: {  	[tilespmem:$0x1FF80] =	vst v63;
	v63 =	vld [tilespmem:s23+$0x7380]  }
0x115: {  	[tilespmem:$0x1FFB0] =	vst v37;
	v37 =	vld [tilespmem:s23+$0x8790]  }
0x116: {  	[tilespmem:$0x1FFA0] =	vst v36;
	v36 =	vld [tilespmem:s23+$0x7390]  }
0x117: {  	[tilespmem:$0x1FF30] =	vst v58;
	v58 =	vld [tilespmem:s23+$0x7270]  }
0x118: {  	[tilespmem:$0x1FF40] =	vst v59;
	v59 =	vld [tilespmem:s23+$0x86E0]  }
0x119: {  	[tilespmem:$0x1FF50] =	vst v60;
	v60 =	vld [tilespmem:s23+$0x72E0]  }
0x11a: {  	[tilespmem:$0x1FF90] =	vst v35;
	v35 =	vld [tilespmem:s23+$0x8740]  }
0x11b: {  	v22 =	vmul.bf16 v22, v23;
	v23 =	vmul.bf16 v24, v25;
	v24 =	vld [tilespmem:s23+$0x7340]  }
0x11c: {  	v6 =	vmul.bf16 v6, v7;
	v7 =	vld [tilespmem:s23+$0x8750]  }
0x11d: {  	v25 =	vld [tilespmem:s23+$0x7350]  }
0x11e: {  	v10 =	vmul.bf16 v10, v11;
	v11 =	vld [tilespmem:s23+$0x7230]  }
0x11f: {  	v5 =	vmul.bf16 v0, v1;
	v0 =	vmul.bf16 v34, v19;
	v19 =	vld [tilespmem:s23+$0x7300]  }
0x120: {  	[tilespmem:$0x1FFE0] =	vst v57;
	v57 =	vmul.bf16 v32, v33;
	v32 =	vld [tilespmem:s23+$0x71F0]  }
0x121: {  	v33 =	vld [tilespmem:s23+$0x8660]  }
0x122: {  	v34 =	vmul.bf16 v43, v42;
	v42 =	vld [tilespmem:s23+$0x8570]  }
0x123: {  	v1 =	vld [tilespmem:$0x1FF40];
	[tilespmem:$0x1FF20] =	vst v0  }
0x124: {  	v0 =	vld [tilespmem:$0x1FF30];
	[tilespmem:$0x1FFC0] =	vst v59  }
0x125: {  	[tilespmem:$0x1FFD0] =	vst v60;
	v59 =	vmul.bf16 v2, v3;
	v60 =	vmul.bf16 v18, v4;
	v18 =	vld [tilespmem:s23+$0x8630]  }
0x126: {  	[tilespmem:$0x1FFF0] =	vst v58;
	v3 =	vmul.bf16 v8, v9;
	v58 =	vmul.bf16 v12, v13;
	v13 =	vld [tilespmem:s23+$0x86A0]  }
0x127: {  	v2 =	vshll.u32 v22, $0x10;
	v8 =	vshll.u32 v23, $0x10;
	v12 =	vmul.bf16 v20, v21;
	v21 =	vld [tilespmem:s23+$0x8710]  }
0x128: {  	[tilespmem:$0x1FF60] =	vst v61;
	v36 =	vmul.bf16 v37, v36;
	v37 =	vld [tilespmem:s23+$0x7170];
	v61 =	vadd.f32 v8, v2;
	v8 =	vadd.f32 v23, v22  }
0x129: {  	v20 =	vmul.bf16 v30, v31;
	v22 =	vmul.bf16 v38, v39;
	v38 =	vld [tilespmem:s23+$0x72C0];
	v9 =	vshll.u32 v3, $0x10  }
0x12a: {  	v23 =	vmul.bf16 v40, v41;
	v39 =	vld [tilespmem:s23+$0x86D0];
	v4 =	vadd.f32 v9, v61;
	v8 =	vadd.f32 v3, v8  }
0x12b: {  	v41 =	vld [tilespmem:s23+$0x72D0];
	v0 =	vmul.bf16 v0, v1;
	v9 =	vmul.bf16 v14, v15;
	v14 =	vshll.u32 v5, $0x10  }
0x12c: {  	v2 =	vld [tilespmem:$0x1FF70];
	v61 =	vmul.bf16 v16, v17;
	v14 =	vadd.f32 v14, v4;
	v5 =	vadd.f32 v5, v8  }
0x12d: {  	v40 =	vld [tilespmem:s23+$0x7280];
	v16 =	vmul.bf16 v26, v27;
	v27 =	vmul.bf16 v48, v49;
	v30 =	vshll.u32 v22, $0x10  }
0x12e: {  	v1 =	vld [tilespmem:$0x1FF50];
	v8 =	vmul.bf16 v28, v29;
	v28 =	vadd.f32 v14, v5;
	v14 =	vmul.bf16 v46, v47  }
0x12f: {  	v15 =	vld [tilespmem:s23+$0x72A0];
	v31 =	vshll.u32 v23, $0x10;
	v22 =	vadd.f32 v23, v22;
	v23 =	vshll.u32 v12, $0x10  }
0x130: {  	v17 =	vld [tilespmem:s23+$0x8700];
	v30 =	vadd.f32 v31, v30;
	v49 =	vshll.u32 v14, $0x10;
	v14 =	vadd.f32 v27, v14  }
0x131: {  	v26 =	vld [tilespmem:s23+$0x7310];
	v31 =	vshll.u32 v27, $0x10;
	v12 =	vadd.f32 v12, v22;
	v27 =	vshll.u32 v8, $0x10  }
0x132: {  	v48 =	vld [tilespmem:s23+$0x8680];
	v31 =	vadd.f32 v31, v49;
	v14 =	vadd.f32 v8, v14;
	v8 =	vmul.bf16 v55, v54  }
0x133: {  	v23 =	vadd.f32 v23, v30;
	v55 =	vmul.bf16 v44, v45;
	v44 =	vmul.bf16 v1, v56;
	v1 =	vld [tilespmem:$0x1FF60]  }
0x134: {  	v29 =	vld [tilespmem:s23+$0x85F0];
	v22 =	vadd.f32 v27, v31;
	v31 =	vshll.u32 v6, $0x10  }
0x135: {  	v30 =	vld [tilespmem:s23+$0x7260];
	v6 =	vadd.f32 v6, v12;
	v23 =	vadd.f32 v31, v23;
	v31 =	vshll.u32 v9, $0x10  }
0x136: {  	v47 =	vld [tilespmem:s23+$0x7290];
	v14 =	vadd.f32 v9, v14;
	v12 =	vadd.f32 v31, v22  }
0x137: {  	(xrf2) =	vadd.scan.msk.f32 $0xffff, v28;
	v28 =	vld [tilespmem:s23+$0x85C0]  }
0x138: {  	v43 =	vadd.f32 v12, v14;
	v12 =	vmul.bf16 v1, v2;
	v1 =	vld [tilespmem:$0x1FF80]  }
0x139: {  	v2 =	vld [tilespmem:$0x1FF90]  }
0x13a: {  	v49 =	vld [tilespmem:s23+$0x71B0]  }
0x13b: {  	v45 =	vld [tilespmem:s23+$0x85B0]  }
0x13c: {  	v7 =	vmul.bf16 v7, v25;
	v25 =	vshll.u32 v36, $0x10;
	v15 =	vmul.bf16 v13, v15;
	v54 =	vld [tilespmem:s23+$0x7240]  }
0x13d: {  	v27 =	vld [tilespmem:s23+$0x86C0];
	v31 =	vmul.bf16 v50, v51;
	v23 =	vadd.f32 v23, v6;
	v6 =	vmul.bf16 v62, v63  }
0x13e: {  	v56 =	vshll.u32 v7, $0x10;
	v14 =	vmul.bf16 v35, v24;
	v46 =	vmul.bf16 v1, v2;
	v1 =	vld [tilespmem:$0x1FFA0]  }
0x13f: {  	v22 =	vmul.bf16 v52, v53;
	v62 =	vshll.u32 v55, $0x10;
	v24 =	vshll.u32 v6, $0x10;
	v2 =	vld [tilespmem:$0x1FFB0]  }
0x140: {  	v50 =	vld [tilespmem:s23+$0x8690];
	v6 =	vadd.f32 v36, v6;
	v24 =	vadd.f32 v25, v24;
	v25 =	vshll.u32 v14, $0x10  }
0x141: {  	v52 =	vld [tilespmem:s23+$0x85E0];
	v63 =	vshll.u32 v16, $0x10;
	v7 =	vadd.f32 v7, v14;
	v25 =	vadd.f32 v56, v25  }
0x142: {  	v51 =	vld [tilespmem:s23+$0x71C0];
	v14 =	vshll.u32 v22, $0x10;
	v6 =	vadd.f32 v55, v6;
	v24 =	vadd.f32 v62, v24  }
0x143: {  	v35 =	vld [tilespmem:s23+$0x8620];
	v7 =	vadd.f32 v22, v7;
	v22 =	vshll.u32 v34, $0x10;
	v25 =	vadd.f32 v14, v25  }
0x144: {  	v62 =	vadd.f32 v58, v10;
	v6 =	vadd.f32 v16, v6;
	v14 =	vmul.bf16 v1, v2;
	v1 =	vld [tilespmem:$0x1FFC0]  }
0x145: {  	v47 =	vmul.bf16 v50, v47;
	v34 =	vadd.f32 v34, v7;
	v25 =	vadd.f32 v22, v25;
	v2 =	vld [tilespmem:$0x1FFD0]  }
0x146: {  	v36 =	vld [tilespmem:s23+$0x7220];
	(xrf2) =	vadd.scan.msk.f32 $0xffff, v23;
	v24 =	vadd.f32 v63, v24;
	v22 =	vmul.bf16 v18, v11;
	v11 =	vmul.bf16 v27, v38  }
0x147: {  	(xrf2) =	vadd.scan.msk.f32 $0xffff, v43;
	v43 =	vld [tilespmem:s23+$0x7180];
	v63 =	vshll.u32 v10, $0x10;
	v10 =	vmul.bf16 v39, v41;
	v55 =	vadd.f32 v25, v34  }
0x148: {  	v56 =	vld [tilespmem:s23+$0x7250];
	v34 =	vmul.bf16 v17, v19;
	v13 =	vshll.u32 v11, $0x10;
	v17 =	vmul.bf16 v48, v40  }
0x149: {  	v41 =	vld [tilespmem:s23+$0x8650];
	v11 =	vadd.f32 v10, v11;
	v10 =	vshll.u32 v10, $0x10;
	v19 =	vmul.bf16 v21, v26  }
0x14a: {  	v26 =	vmul.bf16 v29, v32;
	v29 =	vld [tilespmem:s23+$0x8600];
	v39 =	vadd.f32 v47, v17;
	v5 =	vmul.bf16 v1, v2  }
0x14b: {  	v50 =	vshll.u32 v15, $0x10;
	v53 =	vadd.f32 v24, v6;
	v40 =	vld [tilespmem:s23+$0x7200];
	v10 =	vadd.f32 v10, v13  }
0x14c: {  	v21 =	vshll.u32 v47, $0x10;
	v47 =	vld [tilespmem:s23+$0x8610];
	v15 =	vadd.f32 v15, v39;
	v24 =	vshll.u32 v5, $0x10  }
0x14d: {  	v1 =	vld [tilespmem:$0x1FFE0];
	v13 =	vadd.f32 v5, v11;
	v11 =	vshll.u32 v17, $0x10;
	v24 =	vadd.f32 v24, v10  }
0x14e: {  	v48 =	vshll.u32 v31, $0x10;
	v2 =	vld [tilespmem:$0x1FFF0];
	v21 =	vadd.f32 v21, v11;
	v10 =	vadd.f32 v57, v20  }
0x14f: {  	v11 =	vshll.u32 v20, $0x10;
	v20 =	vadd.f32 v48, v24;
	v24 =	vmul.bf16 v42, v37;
	v37 =	vld [tilespmem:s23+$0x7210]  }
0x150: {  	v18 =	vld [tilespmem:s23+$0x71E0];
	v23 =	vshll.u32 v46, $0x10  }
0x151: {  	v38 =	vld [tilespmem:s23+$0x8640];
	v29 =	vmul.bf16 v29, v40;
	v15 =	vadd.f32 v46, v15;
	v31 =	vadd.f32 v31, v13  }
0x152: {  	v46 =	vld [tilespmem:s23+$0x71D0];
	v17 =	vshll.u32 v44, $0x10;
	v13 =	vadd.f32 v12, v44;
	v21 =	vadd.f32 v50, v21  }
0x153: {  	v5 =	vld [tilespmem:s23+$0x85D0];
	v16 =	vmul.bf16 v1, v2;
	v48 =	vmul.bf16 v35, v36;
	v32 =	vadd.f32 v20, v31  }
0x154: {  	v27 =	vld [tilespmem:s23+$0x7160];
	v31 =	vshll.u32 v22, $0x10;
	v4 =	vadd.f32 v23, v21;
	v37 =	vmul.bf16 v47, v37  }
0x155: {  	v25 =	vld [tilespmem:s23+$0x8560];
	v23 =	vmul.bf16 v33, v30;
	v20 =	vadd.f32 v19, v34;
	v21 =	vshll.u32 v34, $0x10  }
0x156: {  	v39 =	vld [tilespmem:s23+$0x8540];
	v36 =	vadd.f32 v4, v15;
	v15 =	vshll.u32 v29, $0x10;
	v47 =	vshll.u32 v37, $0x10  }
0x157: {  	v40 =	vld [tilespmem:s23+$0x7140];
	v34 =	vmul.bf16 v38, v54;
	v54 =	vmul.bf16 v28, v51;
	v15 =	vadd.f32 v47, v15  }
0x158: {  	v44 =	vld [tilespmem:s23+$0x7150];
	v30 =	vmul.bf16 v41, v56;
	v38 =	vshll.u32 v26, $0x10;
	v56 =	vmul.bf16 v5, v46  }
0x159: {  	v35 =	vld [tilespmem:s23+$0x85A0];
	v46 =	vmul.bf16 v52, v18;
	v18 =	vshll.u32 v54, $0x10;
	v29 =	vadd.f32 v37, v29  }
0x15a: {  	v42 =	vld [tilespmem:s23+$0x8550];
	v28 =	vshll.u32 v48, $0x10;
	v33 =	vadd.f32 v30, v34;
	v37 =	vshll.u32 v24, $0x10  }
0x15b: {  	(xrf2) =	vadd.scan.msk.f32 $0xffff, v53;
	v41 =	vld [tilespmem:s23+$0x8580];
	v47 =	vadd.f32 v48, v29;
	v29 =	vshll.u32 v56, $0x10;
	v48 =	vadd.f32 v28, v15;
	v15, _, _ =	vpop (xrf2)  }
0x15c: {  	s25 =	simm.s32 $0x2FC0;
	s24 =	smov.u32 s20;
	v28 =	vmul.bf16 v45, v49;
	v29 =	vadd.f32 v29, v18;
	v45 =	vld [tilespmem:s23+$0x8590];
	v49 =	vadd.f32 v56, v54;
	(xrf2) =	vadd.scan.msk.f32 $0xffff, v55;
	v18, _, _ =	vpop (xrf2)  }
.LBB2_3:
0x15d: {  	v50 =	vld [tilespmem:s23+$0x7190]  }
0x15e: {  	v5 =	vld [tilespmem:s23+$0x71A0];
	_ =	sdelay $0x1  }
0x15f: {  	v1 =	vadd.f32 v22, v47;
	v51 =	vshll.u32 v46, $0x10;
	v31 =	vadd.f32 v31, v48  }
0x160: {  	v27 =	vmul.bf16 v25, v27;
	v25 =	vadd.f32 v51, v29;
	v29 =	vadd.f32 v46, v49  }
0x161: {  	v31 =	vadd.f32 v31, v1;
	v46 =	vmul.bf16 v39, v40;
	v48 =	vmul.bf16 v42, v44  }
0x162: {  	v51 =	vmul.bf16 v45, v50;
	v52 =	vmul.bf16 v35, v5;
	v26 =	vadd.f32 v26, v29  }
0x163: {  	(xrf2) =	vadd.scan.msk.f32 $0xffff, v32;
	v1 =	vshll.u32 v46, $0x10;
	v29 =	vshll.u32 v48, $0x10;
	v32 =	vadd.f32 v48, v46  }
0x164: {  	v38 =	vadd.f32 v38, v25;
	v29 =	vadd.f32 v29, v1;
	v1 =	vmul.bf16 v41, v43  }
0x165: {  	v49 =	vshll.u32 v27, $0x10;
	v54 =	vshll.u32 v51, $0x10;
	v27 =	vadd.f32 v27, v32  }
0x166: {  	v22, _, _ =	vpop (xrf2);
	(xrf2) =	vadd.scan.msk.f32 $0xffff, v36;
	v26 =	vadd.f32 v38, v26;
	v29 =	vadd.f32 v49, v29;
	v53 =	vshll.u32 v1, $0x10  }
0x167: {  	v34 =	vshll.u32 v34, $0x10;
	v25, _, _ =	vpop (xrf2);
	(xrf2) =	vadd.scan.msk.f32 $0xffff, v31;
	v55 =	vadd.f32 v51, v1;
	v31 =	vadd.f32 v54, v53  }
0x168: {  	v24 =	vadd.f32 v24, v27;
	v27 =	vshll.u32 v52, $0x10;
	v29 =	vadd.f32 v37, v29  }
0x169: {  	v1 =	vshll.u32 v30, $0x10;
	v27 =	vadd.f32 v27, v31;
	v31 =	vadd.f32 v52, v55  }
0x16a: {  	v56, _, _ =	vpop (xrf2);
	(xrf2) =	vadd.scan.msk.f32 $0xffff, v26;
	v26 =	vshll.u32 v28, $0x10;
	v24 =	vadd.f32 v29, v24;
	v29 =	vadd.f32 v1, v34  }
0x16b: {  	v26 =	vadd.f32 v26, v27;
	v27 =	vadd.f32 v28, v31  }
0x16c: {  	v19 =	vshll.u32 v19, $0x10;
	v28 =	vshll.u32 v23, $0x10;
	v23 =	vadd.f32 v23, v33  }
0x16d: {  	v30, _, _ =	vpop (xrf2);
	v28 =	vadd.f32 v28, v29;
	(xrf2) =	vadd.scan.msk.f32 $0xffff, v24;
	v24 =	vadd.f32 v26, v27;
	v26 =	vshll.u32 v16, $0x10  }
0x16e: {  	v16 =	vadd.f32 v16, v23;
	v23 =	vshll.u32 v14, $0x10;
	v14 =	vadd.f32 v14, v20  }
0x16f: {  	v19 =	vadd.f32 v19, v21  }
0x170: {  	v20 =	vshll.u32 v0, $0x10;
	v26 =	vadd.f32 v26, v28;
	v9 =	vadd.f32 v0, v14;
	v0 =	vld [tilespmem:$0x1FF20]  }
0x171: {  	v12 =	vshll.u32 v12, $0x10;
	v21, _, _ =	vpop (xrf2);
	v19 =	vadd.f32 v23, v19;
	(xrf2) =	vadd.scan.msk.f32 $0xffff, v24  }
0x172: {  	v12 =	vadd.f32 v12, v17;
	v5 =	vshll.u32 v57, $0x10;
	v1 =	vadd.f32 v26, v16  }
0x173: {  	v5 =	vadd.f32 v5, v11;
	v14 =	vshll.u32 v8, $0x10;
	v19 =	vadd.f32 v20, v19  }
0x174: {  	v11 =	vld [tilespmem:s23+$0x7530];
	v17, _, _ =	vpop (xrf2);
	v8 =	vadd.f32 v8, v13;
	v12 =	vadd.f32 v14, v12;
	(xrf2) =	vadd.scan.msk.f32 $0xffff, v1  }
0x175: {  	v13 =	vld [tilespmem:s23+$0x8930];
	v9 =	vadd.f32 v19, v9;
	v14 =	vshll.u32 v0, $0x10  }
0x176: {  	v4 =	vadd.f32 v0, v8;
	v8 =	vshll.u32 v61, $0x10;
	v12 =	vadd.f32 v14, v12  }
0x177: {  	v3 =	vadd.f32 v61, v10;
	v2 =	vshll.u32 v58, $0x10;
	v16, _, _ =	vpop (xrf2);
	(xrf2) =	vadd.scan.msk.f32 $0xffff, v9;
	v5 =	vadd.f32 v8, v5  }
0x178: {  	v2 =	vadd.f32 v2, v63;
	v8 =	vshll.u32 v60, $0x10;
	v4 =	vadd.f32 v12, v4  }
0x179: {  	v1 =	vadd.f32 v60, v3;
	v5 =	vadd.f32 v8, v5  }
0x17a: {  	v0 =	vadd.f32 v59, v62;
	v6 =	vmul.bf16 v13, v11;
	v7, _, _ =	vpop (xrf2);
	v8 =	vshll.u32 v59, $0x10;
	(xrf2) =	vadd.scan.msk.f32 $0xffff, v4  }
0x17b: {  	v2 =	vadd.f32 v8, v2;
	v1 =	vadd.f32 v5, v1;
	v3, _, _ =	vpop (xrf2)  }
0x17c: {  	v40 =	vshll.u32 v6, $0x10;
	v8 =	vbroadcast v7, $0xF;
	v3 =	vbroadcast v3, $0xF  }
0x17d: {  	v0 =	vadd.f32 v6, v0;
	v7 =	vbroadcast v16, $0xF;
	v2 =	vadd.f32 v40, v2;
	(xrf2) =	vadd.scan.msk.f32 $0xffff, v1  }
0x17e: {  	v1 =	vsel vm0, v8, v3;
	v3 =	vbroadcast v17, $0xF;
	v41, _, _ =	vpop (xrf2)  }
0x17f: {  	v0 =	vadd.f32 v2, v0;
	v1 =	vsel vm1, v1, v7;
	v42 =	vbroadcast v41, $0xF  }
0x180: {  	v2 =	vbroadcast v21, $0xF;
	v1 =	vsel vm2, v1, v3  }
0x181: {  	v43 =	vbroadcast v30, $0xF;
	v44, _, _ =	vpop (xrf2);
	(xrf2) =	vadd.scan.msk.f32 $0xffff, v0;
	v1 =	vsel vm3, v1, v42  }
0x182: {  	v0 =	vsel vm4, v1, v2;
	v1 =	vbroadcast v44, $0xF  }
0x183: {  	v2 =	vbroadcast v56, $0xF;
	v0 =	vsel vm5, v0, v43  }
0x184: {  	v0 =	vsel vm6, v0, v1;
	v1 =	vbroadcast v25, $0xF;
	v3, _, _ =	vpop (xrf2)  }
0x185: {  	v0 =	vsel vm7, v0, v2;
	v2 =	vbroadcast v3, $0xF  }
0x186: {  	v0 =	vsel vm8, v0, v1;
	v1 =	vbroadcast v22, $0xF  }
0x187: {  	v3, _, _ =	vpop (xrf2);
	v0 =	vsel vm9, v0, v2;
	v2 =	vbroadcast v18, $0xF  }
0x188: {  	v3 =	vbroadcast v3, $0xF;
	v0 =	vsel vm10, v0, v1  }
0x189: {  	v0 =	vsel vm11, v0, v2;
	v2 =	vbroadcast v15, $0xF  }
0x18a: {  	v0 =	vsel vm12, v0, v3  }
0x18b: {  	v1, _, _ =	vpop (xrf2);
	v0 =	vsel vm13, v0, v2  }
0x18c: {  	s24 =	sadd.s32 $0x10, s24;
	v0 =	vsel vm14, v0, v1  }
0x18d: {  	s23 =	sshra.s32 s25, $0x2;
	[tilespmem:s24+$0x0] =	vst v0  }
0x18e: {  	v8 =	vld [tilespmem:s23+$0x88F0]  }
0x18f: {  	v32 =	vld [tilespmem:s23+$0x74F0]  }
0x190: {  	v41 =	vld [tilespmem:s23+$0x8920]  }
0x191: {  	v44 =	vld [tilespmem:s23+$0x7520]  }
0x192: {  	v12 =	vld [tilespmem:s23+$0x88B0]  }
0x193: {  	v26 =	vld [tilespmem:s23+$0x74B0]  }
0x194: {  	v42 =	vld [tilespmem:s23+$0x8870]  }
0x195: {  	v46 =	vld [tilespmem:s23+$0x7470]  }
0x196: {  	v28 =	vld [tilespmem:s23+$0x88E0]  }
0x197: {  	v37 =	vld [tilespmem:s23+$0x74E0]  }
0x198: {  	v10 =	vld [tilespmem:s23+$0x8900]  }
0x199: {  	v34 =	vld [tilespmem:s23+$0x7500]  }
0x19a: {  	v11 =	vld [tilespmem:s23+$0x8910]  }
0x19b: {  	v30 =	vld [tilespmem:s23+$0x7510]  }
0x19c: {  	v16 =	vld [tilespmem:s23+$0x8830]  }
0x19d: {  	v14 =	vld [tilespmem:s23+$0x7430]  }
0x19e: {  	v15 =	vld [tilespmem:s23+$0x88A0]  }
0x19f: {  	v13 =	vld [tilespmem:s23+$0x74A0]  }
0x1a0: {  	v18 =	vld [tilespmem:s23+$0x87F0]  }
0x1a1: {  	v17 =	vld [tilespmem:s23+$0x73F0]  }
0x1a2: {  	v36 =	vld [tilespmem:s23+$0x8860]  }
0x1a3: {  	v43 =	vld [tilespmem:s23+$0x7460]  }
0x1a4: {  	v58 =	vld [tilespmem:s23+$0x88C0]  }
0x1a5: {  	v59 =	vld [tilespmem:s23+$0x74C0]  }
0x1a6: {  	v60 =	vld [tilespmem:s23+$0x88D0]  }
0x1a7: {  	v61 =	vld [tilespmem:s23+$0x74D0]  }
0x1a8: {  	v52 =	vld [tilespmem:s23+$0x87B0]  }
0x1a9: {  	v56 =	vld [tilespmem:s23+$0x73B0]  }
0x1aa: {  	v50 =	vld [tilespmem:s23+$0x8820]  }
0x1ab: {  	v55 =	vld [tilespmem:s23+$0x7420]  }
0x1ac: {  	v47 =	vld [tilespmem:s23+$0x8880]  }
0x1ad: {  	v51 =	vld [tilespmem:s23+$0x7480]  }
0x1ae: {  	v53 =	vld [tilespmem:s23+$0x8890]  }
0x1af: {  	v57 =	vld [tilespmem:s23+$0x7490]  }
0x1b0: {  	v19 =	vld [tilespmem:s23+$0x8770]  }
0x1b1: {  	v24 =	vld [tilespmem:s23+$0x7370]  }
0x1b2: {  	v0 =	vld [tilespmem:s23+$0x87E0]  }
0x1b3: {  	v62 =	vld [tilespmem:s23+$0x8840]  }
0x1b4: {  	v63 =	vld [tilespmem:s23+$0x7440]  }
0x1b5: {  	v6 =	vld [tilespmem:s23+$0x8850]  }
0x1b6: {  	v4 =	vld [tilespmem:s23+$0x7450]  }
0x1b7: {  	v20 =	vld [tilespmem:s23+$0x7330]  }
0x1b8: {  	v22 =	vld [tilespmem:s23+$0x87A0]  }
0x1b9: {  	v25 =	vld [tilespmem:s23+$0x73A0]  }
0x1ba: {  	v3 =	vld [tilespmem:s23+$0x8800]  }
0x1bb: {  	v2 =	vld [tilespmem:s23+$0x7400]  }
0x1bc: {  	v1 =	vld [tilespmem:s23+$0x8810]  }
0x1bd: {  	v29 =	vld [tilespmem:s23+$0x86F0]  }
0x1be: {  	v39 =	vld [tilespmem:s23+$0x72F0]  }
0x1bf: {  	v31 =	vld [tilespmem:s23+$0x8760]  }
0x1c0: {  	v38 =	vld [tilespmem:s23+$0x7360]  }
0x1c1: {  	v27 =	vld [tilespmem:s23+$0x87C0]  }
0x1c2: {  	v33 =	vld [tilespmem:s23+$0x73C0]  }
0x1c3: {  	v35 =	vld [tilespmem:s23+$0x87D0]  }
0x1c4: {  	v40 =	vld [tilespmem:s23+$0x73D0]  }
0x1c5: {  	v45 =	vld [tilespmem:s23+$0x86B0]  }
0x1c6: {  	v48 =	vld [tilespmem:s23+$0x72B0]  }
0x1c7: {  	v49 =	vld [tilespmem:s23+$0x8720]  }
0x1c8: {  	v54 =	vld [tilespmem:s23+$0x7320]  }
0x1c9: {  	v5 =	vld [tilespmem:s23+$0x8670]  }
0x1ca: {  	v23 =	vld [tilespmem:s23+$0x8740]  }
0x1cb: {  	v7 =	vld [tilespmem:s23+$0x7340]  }
0x1cc: {  	v21 =	vld [tilespmem:s23+$0x8750]  }
0x1cd: {  	v9 =	vld [tilespmem:s23+$0x7350]  }
0x1ce: {  	[tilespmem:$0x1FDD0] =	vst v0;
	v0 =	vld [tilespmem:s23+$0x73E0]  }
0x1cf: {  	[tilespmem:$0x1FE00] =	vst v45;
	v45 =	vld [tilespmem:s23+$0x8780]  }
0x1d0: {  	[tilespmem:$0x1FE10] =	vst v48;
	v48 =	vld [tilespmem:s23+$0x7380]  }
0x1d1: {  	[tilespmem:$0x1FE20] =	vst v49;
	v49 =	vld [tilespmem:s23+$0x8790]  }
0x1d2: {  	[tilespmem:$0x1FE30] =	vst v54;
	v54 =	vld [tilespmem:s23+$0x7390]  }
0x1d3: {  	[tilespmem:$0x1FE60] =	vst v5;
	v5 =	vld [tilespmem:s23+$0x7270]  }
0x1d4: {  	v28 =	vmul.bf16 v28, v37;
	v37 =	vld [tilespmem:s23+$0x7230]  }
0x1d5: {  	v8 =	vmul.bf16 v8, v32;
	v10 =	vmul.bf16 v10, v34;
	v34 =	vld [tilespmem:s23+$0x86A0]  }
0x1d6: {  	v32 =	vmul.bf16 v58, v59;
	v59 =	vmul.bf16 v42, v46;
	v42 =	vld [tilespmem:s23+$0x72A0]  }
0x1d7: {  	v4 =	vmul.bf16 v6, v4;
	v6 =	vld [tilespmem:s23+$0x86C0]  }
0x1d8: {  	v57 =	vmul.bf16 v53, v57;
	v53 =	vld [tilespmem:s23+$0x7170]  }
0x1d9: {  	v44 =	vmul.bf16 v41, v44;
	v39 =	vmul.bf16 v29, v39;
	v29 =	vld [tilespmem:s23+$0x71B0]  }
0x1da: {  	v41 =	vmul.bf16 v60, v61;
	v7 =	vmul.bf16 v23, v7;
	v23 =	vld [tilespmem:$0x1FE10]  }
0x1db: {  	[tilespmem:$0x1FE70] =	vst v5;
	v5 =	vld [tilespmem:s23+$0x86E0]  }
0x1dc: {  	v60 =	vshll.u32 v32, $0x10;
	v61 =	vshll.u32 v41, $0x10;
	v32 =	vadd.f32 v41, v32;
	v41 =	vld [tilespmem:s23+$0x7300]  }
0x1dd: {  	[tilespmem:$0x1FDE0] =	vst v0;
	v0 =	vld [tilespmem:s23+$0x8730]  }
0x1de: {  	[tilespmem:$0x1FE80] =	vst v44;
	v44 =	vadd.f32 v61, v60;
	v61 =	vmul.bf16 v15, v13;
	v15 =	vmul.bf16 v52, v56;
	v52 =	vld [tilespmem:s23+$0x7310]  }
0x1df: {  	v46 =	vshll.u32 v28, $0x10;
	v28 =	vadd.f32 v28, v32;
	v32 =	vld [tilespmem:s23+$0x8700]  }
0x1e0: {  	[tilespmem:$0x1FE40] =	vst v5;
	v5 =	vld [tilespmem:s23+$0x72E0]  }
0x1e1: {  	v13 =	vmul.bf16 v36, v43;
	v43 =	vld [tilespmem:s23+$0x85F0]  }
0x1e2: {  	[tilespmem:$0x1FDF0] =	vst v0;
	v0 =	vld [tilespmem:s23+$0x7410]  }
0x1e3: {  	v58 =	vmul.bf16 v11, v30;
	v11 =	vadd.f32 v46, v44;
	v44 =	vld [tilespmem:s23+$0x8710]  }
0x1e4: {  	v30 =	vshll.u32 v10, $0x10;
	v46 =	vld [tilespmem:s23+$0x71F0]  }
0x1e5: {  	v10 =	vadd.f32 v58, v10;
	v32 =	vmul.bf16 v32, v41;
	v41 =	vld [tilespmem:s23+$0x8600];
	[tilespmem:$0x1FE50] =	vst v5;
	v5 =	vmul.bf16 v12, v26  }
0x1e6: {  	v12 =	vshll.u32 v8, $0x10;
	v26 =	vld [tilespmem:s23+$0x8630];
	v8 =	vadd.f32 v8, v28;
	v28 =	vmul.bf16 v62, v63  }
0x1e7: {  	v2 =	vmul.bf16 v3, v2;
	v3 =	vshll.u32 v4, $0x10;
	v62 =	vld [tilespmem:s23+$0x8660];
	v0 =	vmul.bf16 v1, v0  }
0x1e8: {  	[tilespmem:$0x1FE90] =	vst v10;
	v63 =	vmovc v30;
	v30 =	vld [tilespmem:s23+$0x7260];
	v10 =	vadd.f32 v12, v11;
	v1 =	vshll.u32 v28, $0x10;
	v4 =	vadd.f32 v4, v28  }
0x1e9: {  	v28 =	vshll.u32 v2, $0x10;
	v56 =	vshll.u32 v0, $0x10;
	v0 =	vadd.f32 v0, v2;
	v2 =	vld [tilespmem:s23+$0x86D0]  }
0x1ea: {  	v14 =	vmul.bf16 v16, v14;
	v1 =	vadd.f32 v3, v1;
	v3 =	vld [tilespmem:s23+$0x72C0]  }
0x1eb: {  	v16 =	vmul.bf16 v50, v55;
	v36 =	vadd.f32 v10, v8;
	v8 =	vmul.bf16 v47, v51;
	v47 =	vld [tilespmem:s23+$0x72D0]  }
0x1ec: {  	v11 =	vmul.bf16 v18, v17;
	v18 =	vmul.bf16 v19, v24;
	v24 =	vadd.f32 v56, v28;
	v28 =	vld [tilespmem:s23+$0x85B0]  }
0x1ed: {  	v60 =	vshll.u32 v59, $0x10;
	v56 =	vld [tilespmem:s23+$0x8620]  }
0x1ee: {  	v12 =	vshll.u32 v14, $0x10;
	v17 =	vshll.u32 v16, $0x10;
	v0 =	vadd.f32 v16, v0;
	v16 =	vld [tilespmem:$0x1FDE0]  }
0x1ef: {  	[tilespmem:$0x1FF20] =	vst v11;
	v11 =	vshll.u32 v13, $0x10;
	v4 =	vadd.f32 v13, v4;
	v13 =	vadd.f32 v17, v24;
	v24 =	vld [tilespmem:s23+$0x8570]  }
0x1f0: {  	v10 =	vadd.f32 v57, v8;
	v1 =	vadd.f32 v11, v1;
	v11 =	vshll.u32 v8, $0x10;
	v8 =	vld [tilespmem:$0x1FDD0]  }
0x1f1: {  	v17 =	vmul.bf16 v27, v33;
	v33 =	vld [tilespmem:s23+$0x7220];
	v12 =	vadd.f32 v12, v13;
	v13 =	vadd.f32 v14, v0  }
0x1f2: {  	v4 =	vadd.f32 v59, v4;
	v1 =	vadd.f32 v60, v1;
	v0 =	vld [tilespmem:$0x1FDF0]  }
0x1f3: {  	v55 =	vadd.f32 v12, v13;
	v12 =	vmul.bf16 v35, v40;
	v35 =	vld [tilespmem:s23+$0x8680]  }
0x1f4: {  	v1 =	vadd.f32 v1, v4;
	v4 =	vmul.bf16 v31, v38;
	v38 =	vld [tilespmem:s23+$0x8690]  }
0x1f5: {  	v40 =	vld [tilespmem:s23+$0x8610];
	v8 =	vmul.bf16 v8, v16;
	v16 =	vmul.bf16 v22, v25  }
0x1f6: {  	v22 =	vmul.bf16 v49, v54;
	v49 =	vmul.bf16 v21, v9;
	v9 =	vld [tilespmem:s23+$0x7280]  }
0x1f7: {  	v54 =	vld [tilespmem:s23+$0x7290]  }
0x1f8: {  	v21 =	vld [tilespmem:$0x1FE00]  }
0x1f9: {  	(xrf2) =	vadd.scan.msk.f32 $0xffff, v36;
	v24 =	vmul.bf16 v24, v53;
	v53 =	vld [tilespmem:s23+$0x71D0]  }
0x1fa: {  	v50 =	vshll.u32 v15, $0x10;
	(xrf2) =	vadd.scan.msk.f32 $0xffff, v1;
	v1 =	vld [tilespmem:s23+$0x85D0];
	v0 =	vmul.bf16 v0, v20;
	v20 =	vmul.bf16 v45, v48  }
0x1fb: {  	v34 =	vmul.bf16 v34, v42;
	v60 =	vmovc v5;
	v27 =	vshll.u32 v22, $0x10;
	v5 =	vadd.f32 v49, v7;
	v48 =	vld [tilespmem:s23+$0x71E0]  }
0x1fc: {  	v25 =	vshll.u32 v20, $0x10;
	v20 =	vadd.f32 v22, v20;
	v22 =	vshll.u32 v7, $0x10;
	v7 =	vld [tilespmem:s23+$0x85E0]  }
0x1fd: {  	v51 =	vshll.u32 v18, $0x10;
	v19 =	vshll.u32 v4, $0x10;
	v4 =	vadd.f32 v4, v5;
	v5 =	vld [tilespmem:s23+$0x8640]  }
0x1fe: {  	v59 =	vshll.u32 v39, $0x10;
	v3 =	vmul.bf16 v6, v3;
	v45 =	vmul.bf16 v21, v23;
	v21 =	vld [tilespmem:$0x1FE50]  }
0x1ff: {  	v2 =	vmul.bf16 v2, v47;
	v6 =	vshll.u32 v34, $0x10;
	v25 =	vadd.f32 v27, v25;
	v23 =	vld [tilespmem:$0x1FE70]  }
0x200: {  	v14 =	vshll.u32 v16, $0x10;
	v31 =	vshll.u32 v49, $0x10;
	v16 =	vadd.f32 v16, v20;
	v20 =	vld [tilespmem:$0x1FE30]  }
0x201: {  	v28 =	vmul.bf16 v28, v29;
	v22 =	vadd.f32 v31, v22;
	v25 =	vadd.f32 v14, v25;
	v14 =	vld [tilespmem:$0x1FE20]  }
0x202: {  	v33 =	vmul.bf16 v56, v33;
	v13 =	vadd.f32 v12, v17;
	v17 =	vshll.u32 v17, $0x10;
	v27 =	vld [tilespmem:s23+$0x7160]  }
0x203: {  	v9 =	vmul.bf16 v35, v9;
	v19 =	vadd.f32 v19, v22;
	v15 =	vadd.f32 v15, v16;
	v16 =	vld [tilespmem:$0x1FE40]  }
0x204: {  	v35 =	vmul.bf16 v38, v54;
	v54 =	vld [tilespmem:s23+$0x7210];
	v4 =	vadd.f32 v18, v4;
	v1 =	vmul.bf16 v1, v53  }
0x205: {  	v18 =	vld [tilespmem:s23+$0x8650];
	v49 =	vshll.u32 v45, $0x10;
	v22 =	vmul.bf16 v26, v37;
	v19 =	vadd.f32 v51, v19  }
0x206: {  	v26 =	vshll.u32 v2, $0x10;
	v51 =	vld [tilespmem:s23+$0x7250];
	v14 =	vmul.bf16 v14, v20;
	v20 =	vadd.f32 v50, v25  }
0x207: {  	v2 =	vadd.f32 v2, v3;
	v4 =	vadd.f32 v19, v4;
	v19 =	vmul.bf16 v44, v52;
	v44 =	vld [tilespmem:s23+$0x7150]  }
0x208: {  	v50 =	vld [tilespmem:s23+$0x7240];
	v21 =	vmul.bf16 v16, v21;
	v15 =	vadd.f32 v20, v15;
	v20 =	vshll.u32 v3, $0x10  }
0x209: {  	v47 =	vshll.u32 v35, $0x10;
	v56 =	vshll.u32 v1, $0x10;
	v16 =	vld [tilespmem:$0x1FE60];
	v52 =	vadd.f32 v26, v20  }
0x20a: {  	v31 =	vshll.u32 v22, $0x10;
	v3 =	vld [tilespmem:s23+$0x7200];
	v37 =	vshll.u32 v21, $0x10;
	v2 =	vadd.f32 v21, v2  }
0x20b: {  	v25 =	vld [tilespmem:s23+$0x8560];
	v20 =	vadd.f32 v19, v32;
	v21 =	vshll.u32 v9, $0x10;
	v37 =	vadd.f32 v37, v52  }
0x20c: {  	v26 =	vmul.bf16 v43, v46;
	v43 =	vld [tilespmem:s23+$0x85C0];
	v9 =	vadd.f32 v35, v9;
	v42 =	vadd.f32 v47, v21  }
0x20d: {  	v46 =	vld [tilespmem:s23+$0x71C0];
	v21 =	vshll.u32 v32, $0x10;
	v2 =	vadd.f32 v39, v2;
	v52 =	vadd.f32 v59, v37  }
0x20e: {  	v35 =	vld [tilespmem:s23+$0x85A0];
	v9 =	vadd.f32 v34, v9;
	v16 =	vmul.bf16 v16, v23;
	v6 =	vadd.f32 v6, v42  }
0x20f: {  	v39 =	vld [tilespmem:s23+$0x8540];
	v23 =	vmul.bf16 v62, v30;
	v3 =	vmul.bf16 v41, v3;
	v32 =	vadd.f32 v52, v2  }
0x210: {  	v62 =	vld [tilespmem:$0x1FE90];
	v2 =	vadd.f32 v49, v6;
	v6 =	vadd.f32 v45, v9;
	v9 =	vmul.bf16 v40, v54  }
0x211: {  	p0 =	sne.s32 s25, $0x4FC0;
	v38 =	vshll.u32 v26, $0x10;
	v34 =	vmul.bf16 v5, v50;
	v30 =	vmul.bf16 v18, v51;
	v42 =	vld [tilespmem:s23+$0x8550]  }
.Ltmp0:
0x212: {  	v59 =	vld [tilespmem:$0x1FE80];
	v36 =	vadd.f32 v2, v6;
	v2 =	vshll.u32 v3, $0x10;
	v3 =	vadd.f32 v9, v3;
	(pc) =	sbr.rel @p0 .LBB2_3-.Ltmp0, $4  }
0x213: {  	(xrf2) =	vadd.scan.msk.f32 $0xffff, v55;
	v37 =	vshll.u32 v24, $0x10;
	v41 =	vld [tilespmem:s23+$0x8580];
	v55 =	vshll.u32 v9, $0x10;
	v6 =	vmul.bf16 v43, v46  }
0x214: {  	v54 =	vshll.u32 v33, $0x10;
	v40 =	vld [tilespmem:s23+$0x7140];
	v2 =	vadd.f32 v55, v2;
	v47 =	vadd.f32 v33, v3  }
0x215: {  	(xrf2) =	vadd.scan.msk.f32 $0xffff, v15;
	v15, _, _ =	vpop (xrf2);
	v45 =	vld [tilespmem:s23+$0x8590];
	v33 =	vadd.f32 v30, v34;
	v3 =	vshll.u32 v6, $0x10;
	v49 =	vadd.f32 v1, v6  }
0x216: {  	s25 =	sadd.s32 $0x1000, s25;
	(xrf2) =	vadd.scan.msk.f32 $0xffff, v4;
	v18, _, _ =	vpop (xrf2);
	v46 =	vmul.bf16 v7, v48;
	v43 =	vld [tilespmem:s23+$0x7180];
	v48 =	vadd.f32 v54, v2;
	v29 =	vadd.f32 v56, v3  }
0x217: {  	v1 =	vld [tilespmem:s23+$0x7190];
	v4 =	vadd.f32 v22, v47;
	v5 =	vmul.bf16 v25, v27;
	v22 =	vmul.bf16 v42, v44  }
0x218: {  	v6 =	vld [tilespmem:s23+$0x71A0];
	v2 =	vshll.u32 v46, $0x10;
	v3 =	vadd.f32 v31, v48;
	v7 =	vadd.f32 v46, v49  }
0x219: {  	v2 =	vadd.f32 v2, v29;
	v9 =	vmul.bf16 v39, v40;
	v56 =	vshll.u32 v5, $0x10  }
0x21a: {  	v3 =	vadd.f32 v3, v4;
	v7 =	vadd.f32 v26, v7;
	v26 =	vshll.u32 v22, $0x10  }
0x21b: {  	v2 =	vadd.f32 v38, v2;
	v25 =	vshll.u32 v9, $0x10;
	v9 =	vadd.f32 v22, v9  }
0x21c: {  	v22 =	vadd.f32 v26, v25;
	v25 =	vmul.bf16 v41, v43;
	v1 =	vmul.bf16 v45, v1  }
0x21d: {  	v6 =	vmul.bf16 v35, v6;
	v5 =	vadd.f32 v5, v9;
	v2 =	vadd.f32 v2, v7  }
0x21e: {  	v4 =	vadd.f32 v56, v22;
	v7 =	vshll.u32 v25, $0x10;
	v9 =	vshll.u32 v1, $0x10  }
0x21f: {  	v1 =	vadd.f32 v1, v25;
	v22 =	vshll.u32 v6, $0x10;
	v7 =	vadd.f32 v9, v7  }
0x220: {  	v9 =	vshll.u32 v34, $0x10;
	v5 =	vadd.f32 v24, v5;
	v4 =	vadd.f32 v37, v4  }
0x221: {  	v1 =	vadd.f32 v6, v1;
	v6 =	vshll.u32 v30, $0x10;
	v7 =	vadd.f32 v22, v7  }
0x222: {  	(xrf2) =	vadd.scan.msk.f32 $0xffff, v32;
	v34 =	vshll.u32 v28, $0x10;
	v6 =	vadd.f32 v6, v9;
	v4 =	vadd.f32 v4, v5  }
0x223: {  	(xrf2) =	vadd.scan.msk.f32 $0xffff, v36;
	v1 =	vadd.f32 v28, v1;
	v5 =	vadd.f32 v34, v7;
	v7 =	vshll.u32 v23, $0x10  }
0x224: {  	(xrf2) =	vadd.scan.msk.f32 $0xffff, v3;
	v3 =	vadd.f32 v7, v6;
	v6 =	vadd.f32 v23, v33;
	v7 =	vshll.u32 v19, $0x10  }
0x225: {  	(xrf2) =	vadd.scan.msk.f32 $0xffff, v2;
	v2 =	vshll.u32 v16, $0x10;
	v1 =	vadd.f32 v5, v1;
	v35 =	vadd.f32 v7, v21  }
0x226: {  	v36 =	vshll.u32 v14, $0x10;
	v2 =	vadd.f32 v2, v3;
	v3 =	vadd.f32 v16, v6  }
0x227: {  	v37 =	vadd.f32 v14, v20;
	(xrf2) =	vadd.scan.msk.f32 $0xffff, v4;
	v6 =	vshll.u32 v12, $0x10;
	v12 =	vld [tilespmem:$0x1FF20];
	v4 =	vadd.f32 v36, v35  }
0x228: {  	(xrf2) =	vadd.scan.msk.f32 $0xffff, v1;
	v1 =	vadd.f32 v2, v3;
	v2 =	vshll.u32 v0, $0x10;
	v3 =	vadd.f32 v6, v17  }
0x229: {  	v7 =	vshll.u32 v57, $0x10;
	v0 =	vadd.f32 v0, v37;
	v2 =	vadd.f32 v2, v4  }
0x22a: {  	v40 =	vadd.f32 v8, v13;
	v38 =	vshll.u32 v8, $0x10;
	v7 =	vadd.f32 v7, v11;
	v6, _, _ =	vpop (xrf2)  }
0x22b: {  	v41 =	vshll.u32 v61, $0x10;
	v39, _, _ =	vpop (xrf2);
	v3 =	vadd.f32 v38, v3;
	(xrf2) =	vadd.scan.msk.f32 $0xffff, v1;
	v0 =	vadd.f32 v2, v0  }
0x22c: {  	v8 =	vld [tilespmem:s23+$0x8930];
	v4 =	vadd.f32 v41, v7;
	v7 =	vadd.f32 v61, v10;
	v2 =	vshll.u32 v12, $0x10;
	v1, _, _ =	vpop (xrf2)  }
0x22d: {  	v9 =	vld [tilespmem:s23+$0x7530];
	v2 =	vadd.f32 v2, v3;
	v3 =	vadd.f32 v12, v40;
	v11, _, _ =	vpop (xrf2)  }
0x22e: {  	v12, _, _ =	vpop (xrf2);
	(xrf2) =	vadd.scan.msk.f32 $0xffff, v0  }
0x22f: {  	v2 =	vadd.f32 v2, v3;
	v3 =	vshll.u32 v60, $0x10;
	v0, _, _ =	vpop (xrf2)  }
0x230: {  	v10 =	vshll.u32 v58, $0x10;
	v42 =	vadd.f32 v60, v7;
	v3 =	vadd.f32 v3, v4;
	v13, _, _ =	vpop (xrf2)  }
0x231: {  	v14 =	vshll.u32 v59, $0x10;
	v10 =	vadd.f32 v10, v63;
	v7, _, _ =	vpop (xrf2);
	(xrf2) =	vadd.scan.msk.f32 $0xffff, v2  }
0x232: {  	v16 =	vadd.f32 v59, v62;
	v8 =	vmul.bf16 v8, v9;
	v2 =	vadd.f32 v3, v42;
	v43, _, _ =	vpop (xrf2)  }
0x233: {  	v3 =	vadd.f32 v14, v10;
	v7 =	vbroadcast v7, $0xF;
	v4 =	vbroadcast v43, $0xF  }
0x234: {  	v9 =	vshll.u32 v8, $0x10;
	v8 =	vadd.f32 v8, v16;
	v10 =	vbroadcast v13, $0xF  }
0x235: {  	v0 =	vbroadcast v0, $0xF;
	v3 =	vadd.f32 v9, v3;
	(xrf2) =	vadd.scan.msk.f32 $0xffff, v2;
	v44, _, _ =	vpop (xrf2);
	v2 =	vsel vm0, v7, v4  }
0x236: {  	v4 =	vbroadcast v44, $0xF;
	v2 =	vsel vm1, v2, v10  }
0x237: {  	v3 =	vadd.f32 v3, v8;
	v0 =	vsel vm2, v2, v0;
	v2 =	vbroadcast v12, $0xF  }
0x238: {  	v45 =	vbroadcast v11, $0xF;
	v0 =	vsel vm3, v0, v4;
	v7, _, _ =	vpop (xrf2)  }
0x239: {  	v0 =	vsel vm4, v0, v2;
	v2 =	vbroadcast v7, $0xF  }
0x23a: {  	v1 =	vbroadcast v1, $0xF;
	(xrf2) =	vadd.scan.msk.f32 $0xffff, v3;
	v0 =	vsel vm5, v0, v45  }
0x23b: {  	v0 =	vsel vm6, v0, v2;
	v2 =	vbroadcast v39, $0xF;
	v3, _, _ =	vpop (xrf2)  }
0x23c: {  	v0 =	vsel vm7, v0, v1;
	v1 =	vbroadcast v3, $0xF  }
0x23d: {  	v0 =	vsel vm8, v0, v2;
	v2 =	vbroadcast v6, $0xF  }
0x23e: {  	v0 =	vsel vm9, v0, v1;
	v1 =	vbroadcast v18, $0xF  }
0x23f: {  	v0 =	vsel vm10, v0, v2  }
0x240: {  	v3, _, _ =	vpop (xrf2);
	v0 =	vsel vm11, v0, v1;
	v1 =	vbroadcast v15, $0xF  }
0x241: {  	v2 =	vbroadcast v3, $0xF;
	_ =	sdelay $0x1  }
0x242: {  	v0 =	vsel vm12, v0, v2  }
0x243: {  	v0 =	vsel vm13, v0, v1;
	v1, _, _ =	vpop (xrf2)  }
0x244: {  	s28 =	sadd.s32 $0x10, s24;
	v0 =	vsel vm14, v0, v1  }
0x245: {  	s29 =	sadd.s32 $0xA0, s22;
	[tilespmem:s28+$0x0] =	vst v0  }
0x246: {  	[tilespmem:s11], [sflag:$0x1] =	stream.indirect.gather [hbm4b:s2+s10], $0x40, s29, s10, $0xb8;
	[tilespmem:$0xC530] =	vst v63  }
0x247: {  	s30 =	sadd.s32 $0x27B0, s22  }
0x248: {  	[tilespmem:s12], [sflag:$0x1] =	stream.indirect.gather [hbm4b:s2+s10], $0x40, s30, s10, $0xb8;
	[tilespmem:$0xC530] =	vst v63  }
0x249: {  	_ =	swait.ge [sflag:s16], $0x1400  }
0x24a: {  	[sflag:s16] =	ssyncset.done $0x0  }
0x24b: {  	[sflag:s16] =	ssyncadd.s32 $0xFFFFEC00  }
0x24c: {  	_ =	swait.ge [sflag:s16], $0x1400  }
0x24d: {  	[sflag:s16] =	ssyncset.done $0x0  }
0x24e: {  	s31 =	simm.s32 $0x3F0;
	[sflag:s16] =	ssyncadd.s32 $0xFFFFEC00  }
0x24f: {  	v0 =	vld [tilespmem:s31+$0xB0F0]  }
0x250: {  	v1 =	vld [tilespmem:s31+$0x9CF0]  }
0x251: {  	v2 =	vld [tilespmem:s31+$0xB120]  }
0x252: {  	v3 =	vld [tilespmem:s31+$0x9D20]  }
0x253: {  	v4 =	vld [tilespmem:s31+$0xB0B0]  }
0x254: {  	v5 =	vld [tilespmem:s31+$0x9CB0]  }
0x255: {  	v6 =	vld [tilespmem:s31+$0xB070]  }
0x256: {  	v7 =	vld [tilespmem:s31+$0x9C70]  }
0x257: {  	v8 =	vld [tilespmem:s31+$0xB0E0]  }
0x258: {  	v9 =	vld [tilespmem:s31+$0x9CE0]  }
0x259: {  	v10 =	vld [tilespmem:s31+$0xB100]  }
0x25a: {  	v11 =	vld [tilespmem:s31+$0x9D00]  }
0x25b: {  	v12 =	vld [tilespmem:s31+$0xB110]  }
0x25c: {  	v13 =	vld [tilespmem:s31+$0x9D10]  }
0x25d: {  	v14 =	vld [tilespmem:s31+$0xB030]  }
0x25e: {  	v15 =	vld [tilespmem:s31+$0x9C30]  }
0x25f: {  	v17 =	vld [tilespmem:s31+$0xB0A0]  }
0x260: {  	v18 =	vld [tilespmem:s31+$0x9CA0]  }
0x261: {  	v24 =	vld [tilespmem:s31+$0xAFF0]  }
0x262: {  	v25 =	vld [tilespmem:s31+$0x9BF0]  }
0x263: {  	v26 =	vld [tilespmem:s31+$0xB060]  }
0x264: {  	v27 =	vld [tilespmem:s31+$0x9C60]  }
0x265: {  	v28 =	vld [tilespmem:s31+$0xB0C0]  }
0x266: {  	v29 =	vld [tilespmem:s31+$0x9CC0]  }
0x267: {  	v30 =	vld [tilespmem:s31+$0xB0D0]  }
0x268: {  	v31 =	vld [tilespmem:s31+$0x9CD0]  }
0x269: {  	v32 =	vld [tilespmem:s31+$0xAFB0]  }
0x26a: {  	v33 =	vld [tilespmem:s31+$0x9BB0]  }
0x26b: {  	v34 =	vld [tilespmem:s31+$0xB020]  }
0x26c: {  	v35 =	vld [tilespmem:s31+$0x9C20]  }
0x26d: {  	v36 =	vld [tilespmem:s31+$0xB080]  }
0x26e: {  	v37 =	vld [tilespmem:s31+$0x9C80]  }
0x26f: {  	v38 =	vld [tilespmem:s31+$0xB090]  }
0x270: {  	v39 =	vld [tilespmem:s31+$0x9C90]  }
0x271: {  	v40 =	vld [tilespmem:s31+$0xAF70]  }
0x272: {  	v41 =	vld [tilespmem:s31+$0x9B70]  }
0x273: {  	v42 =	vld [tilespmem:s31+$0xAFE0]  }
0x274: {  	v43 =	vld [tilespmem:s31+$0x9BE0]  }
0x275: {  	v44 =	vld [tilespmem:s31+$0xB040]  }
0x276: {  	v45 =	vld [tilespmem:s31+$0x9C40]  }
0x277: {  	v46 =	vld [tilespmem:s31+$0xB050]  }
0x278: {  	v47 =	vld [tilespmem:s31+$0x9C50]  }
0x279: {  	v48 =	vld [tilespmem:s31+$0xAF30]  }
0x27a: {  	v49 =	vld [tilespmem:s31+$0x9B30]  }
0x27b: {  	v50 =	vld [tilespmem:s31+$0xAFA0]  }
0x27c: {  	v51 =	vld [tilespmem:s31+$0x9BA0]  }
0x27d: {  	v52 =	vld [tilespmem:s31+$0xB000]  }
0x27e: {  	v53 =	vld [tilespmem:s31+$0x9C00]  }
0x27f: {  	v54 =	vld [tilespmem:s31+$0xB010]  }
0x280: {  	v55 =	vld [tilespmem:s31+$0x9C10]  }
0x281: {  	v56 =	vld [tilespmem:s31+$0xAEF0]  }
0x282: {  	v57 =	vld [tilespmem:s31+$0x9AF0]  }
0x283: {  	v58 =	vld [tilespmem:s31+$0xAF60]  }
0x284: {  	v59 =	vld [tilespmem:s31+$0x9B60]  }
0x285: {  	v60 =	vld [tilespmem:s31+$0xAFC0]  }
0x286: {  	v61 =	vld [tilespmem:s31+$0x9BC0]  }
0x287: {  	v62 =	vld [tilespmem:s31+$0xAFD0]  }
0x288: {  	v63 =	vld [tilespmem:s31+$0x9BD0]  }
0x289: {  	v16 =	vld [tilespmem:s31+$0xAEB0]  }
0x28a: {  	v23 =	vld [tilespmem:s31+$0x9AB0]  }
0x28b: {  	v22 =	vld [tilespmem:s31+$0xAF80]  }
0x28c: {  	v20 =	vld [tilespmem:s31+$0x9B80]  }
0x28d: {  	v21 =	vld [tilespmem:s31+$0xAF90]  }
0x28e: {  	v19 =	vld [tilespmem:s31+$0x9B90]  }
0x28f: {  	[tilespmem:$0x1FC70] =	vst v16;
	v16 =	vld [tilespmem:s31+$0xAF20];
	v28 =	vmul.bf16 v28, v29  }
0x290: {  	v29 =	vmul.bf16 v30, v31;
	v30 =	vld [tilespmem:s31+$0x9B40];
	v31 =	vmul.bf16 v0, v1  }
0x291: {  	v0 =	vmul.bf16 v2, v3;
	v3 =	vmul.bf16 v8, v9;
	v8 =	vld [tilespmem:s31+$0x9B50]  }
0x292: {  	v40 =	vmul.bf16 v40, v41;
	v41 =	vld [tilespmem:s31+$0xAEC0]  }
0x293: {  	v19 =	vmul.bf16 v21, v19;
	v21 =	vld [tilespmem:s31+$0x9A20]  }
0x294: {  	[tilespmem:$0x1FCE0] =	vst v0;
	v0 =	vld [tilespmem:s31+$0xAF50]  }
0x295: {  	v1 =	vshll.u32 v28, $0x10;
	v9 =	vadd.f32 v29, v28;
	v28 =	vld [tilespmem:s31+$0xAE30]  }
0x296: {  	v6 =	vmul.bf16 v6, v7;
	v2 =	vshll.u32 v29, $0x10;
	v29 =	vld [tilespmem:s31+$0x9A30]  }
0x297: {  	v7 =	vadd.f32 v2, v1;
	v1 =	vmul.bf16 v4, v5;
	v5 =	vmul.bf16 v10, v11;
	v10 =	vld [tilespmem:s31+$0xAEA0]  }
0x298: {  	v2 =	vmul.bf16 v12, v13;
	v12 =	vld [tilespmem:s31+$0x9AA0]  }
0x299: {  	v13 =	vmul.bf16 v26, v27;
	v27 =	vmul.bf16 v32, v33;
	v32 =	vld [tilespmem:s31+$0xAF00]  }
0x29a: {  	v33 =	vld [tilespmem:s31+$0xAF10]  }
0x29b: {  	v11 =	vmul.bf16 v14, v15;
	v14 =	vmul.bf16 v34, v35;
	v34 =	vld [tilespmem:s31+$0x9B10]  }
0x29c: {  	v4 =	vshll.u32 v3, $0x10;
	[tilespmem:$0x1FC80] =	vst v16;
	v16 =	vld [tilespmem:s31+$0x9B20]  }
0x29d: {  	v35 =	vld [tilespmem:s31+$0xADF0];
	v4 =	vadd.f32 v4, v7  }
0x29e: {  	v7 =	vadd.f32 v3, v9;
	v3 =	vmul.bf16 v17, v18;
	v17 =	vmul.bf16 v36, v37;
	v37 =	vld [tilespmem:s31+$0x99F0]  }
0x29f: {  	v18 =	vmul.bf16 v44, v45;
	v44 =	vld [tilespmem:s31+$0x9AC0]  }
0x2a0: {  	v45 =	vld [tilespmem:s31+$0xAD70]  }
0x2a1: {  	[tilespmem:$0x1FC90] =	vst v16;
	v16 =	vld [tilespmem:s31+$0xAE70]  }
0x2a2: {  	v9 =	vshll.u32 v31, $0x10;
	v7 =	vadd.f32 v31, v7;
	v31 =	vld [tilespmem:s31+$0x9B00]  }
0x2a3: {  	v9 =	vadd.f32 v9, v4;
	v0 =	vmul.bf16 v0, v8;
	v8 =	vld [tilespmem:s31+$0xAE80]  }
0x2a4: {  	v28 =	vmul.bf16 v28, v29;
	v29 =	vld [tilespmem:s31+$0xAE50]  }
0x2a5: {  	v4 =	vmul.bf16 v24, v25;
	v26 =	vadd.f32 v9, v7;
	v7 =	vmul.bf16 v38, v39;
	v39 =	vld [tilespmem:s31+$0xAE60]  }
0x2a6: {  	v25 =	vmul.bf16 v54, v55;
	v9 =	vmul.bf16 v46, v47;
	[tilespmem:$0x1FCC0] =	vst v16;
	v16 =	vld [tilespmem:s31+$0x9A70]  }
0x2a7: {  	v24 =	vmul.bf16 v52, v53;
	v46 =	vshll.u32 v18, $0x10;
	v38 =	vld [tilespmem:s31+$0x9A60]  }
0x2a8: {  	v52 =	vshll.u32 v25, $0x10;
	v35 =	vmul.bf16 v35, v37;
	v37 =	vld [tilespmem:s31+$0xAE10];
	v47 =	vshll.u32 v9, $0x10  }
0x2a9: {  	v9 =	vadd.f32 v9, v18;
	v18 =	vshll.u32 v24, $0x10;
	v36 =	vadd.f32 v47, v46;
	v47 =	vld [tilespmem:s31+$0x9970]  }
0x2aa: {  	v18 =	vadd.f32 v52, v18;
	v52 =	vld [tilespmem:s31+$0x99B0]  }
0x2ab: {  	[tilespmem:$0x1FCD0] =	vst v16;
	v16 =	vld [tilespmem:s31+$0xAEE0]  }
0x2ac: {  	v46 =	vmul.bf16 v50, v51;
	v50 =	vmul.bf16 v56, v57;
	v56 =	vld [tilespmem:s31+$0xAE90]  }
0x2ad: {  	v20 =	vmul.bf16 v22, v20;
	v57 =	vld [tilespmem:s31+$0x9A90]  }
0x2ae: {  	v22 =	vshll.u32 v19, $0x10;
	v31 =	vmul.bf16 v32, v31;
	v32 =	vmul.bf16 v33, v34;
	v33 =	vld [tilespmem:s31+$0xAE00]  }
0x2af: {  	v53 =	vshll.u32 v13, $0x10;
	v13 =	vadd.f32 v13, v9;
	v9 =	vmul.bf16 v42, v43;
	v42 =	vld [tilespmem:s31+$0xAED0]  }
0x2b0: {  	v19 =	vadd.f32 v19, v20;
	v15 =	vshll.u32 v6, $0x10;
	v24 =	vadd.f32 v25, v24;
	[tilespmem:$0x1FCA0] =	vst v16;
	v16 =	vld [tilespmem:s31+$0x9AE0]  }
0x2b1: {  	v54 =	vshll.u32 v14, $0x10;
	v55 =	vshll.u32 v11, $0x10;
	v10 =	vmul.bf16 v10, v12;
	v43 =	vld [tilespmem:s31+$0x9AD0]  }
0x2b2: {  	v41 =	vmul.bf16 v41, v44;
	v14 =	vadd.f32 v14, v24;
	v18 =	vadd.f32 v54, v18;
	v54 =	vld [tilespmem:s31+$0xAE20]  }
0x2b3: {  	v44 =	vshll.u32 v10, $0x10;
	v24 =	vadd.f32 v7, v17;
	v38 =	vmul.bf16 v39, v38;
	v39 =	vld [tilespmem:s31+$0xADA0]  }
0x2b4: {  	v36 =	vadd.f32 v53, v36;
	v14 =	vadd.f32 v11, v14;
	v11 =	vmul.bf16 v48, v49;
	v48 =	vld [tilespmem:s31+$0xADB0]  }
0x2b5: {  	v51 =	vshll.u32 v40, $0x10;
	v19 =	vadd.f32 v46, v19;
	v13 =	vadd.f32 v6, v13;
	[tilespmem:$0x1FCB0] =	vst v16;
	v16 =	vld [tilespmem:s31+$0xAF40]  }
0x2b6: {  	v6 =	vshll.u32 v17, $0x10;
	v49 =	vmul.bf16 v58, v59;
	v58 =	vld [tilespmem:s31+$0xAE40];
	v15 =	vadd.f32 v15, v36  }
0x2b7: {  	v36 =	vshll.u32 v27, $0x10;
	v18 =	vadd.f32 v55, v18;
	v55 =	vld [tilespmem:s31+$0x99E0];
	v27 =	vadd.f32 v27, v19  }
0x2b8: {  	v17 =	vadd.f32 v15, v13;
	v15 =	vmul.bf16 v60, v61;
	v13 =	vmul.bf16 v62, v63;
	v61 =	vld [tilespmem:$0x1FC70]  }
0x2b9: {  	v63 =	vshll.u32 v46, $0x10;
	v18 =	vadd.f32 v18, v14;
	v60 =	vshll.u32 v0, $0x10;
	v46 =	vld [tilespmem:s31+$0xADE0]  }
0x2ba: {  	v42 =	vmul.bf16 v42, v43;
	v43 =	vld [tilespmem:s31+$0x9960];
	v14 =	vmul.bf16 v16, v30;
	v16 =	vshll.u32 v20, $0x10  }
0x2bb: {  	v62 =	vshll.u32 v49, $0x10;
	v21 =	vmul.bf16 v54, v21;
	v20 =	vld [tilespmem:s31+$0x9A80];
	v16 =	vadd.f32 v22, v16  }
0x2bc: {  	v48 =	vmul.bf16 v48, v52;
	v19 =	vld [tilespmem:$0x1FCA0];
	v30 =	vshll.u32 v14, $0x10;
	v0 =	vadd.f32 v0, v14  }
0x2bd: {  	v23 =	vmul.bf16 v61, v23;
	v30 =	vadd.f32 v60, v30;
	v53 =	vadd.f32 v63, v16;
	v16 =	vld [tilespmem:$0x1FC80]  }
0x2be: {  	v22 =	vshll.u32 v50, $0x10;
	v14 =	vadd.f32 v13, v15;
	v60 =	vld [tilespmem:$0x1FCB0];
	v0 =	vadd.f32 v49, v0  }
0x2bf: {  	v15 =	vshll.u32 v15, $0x10;
	v63 =	vld [tilespmem:$0x1FC90];
	v30 =	vadd.f32 v62, v30;
	v36 =	vadd.f32 v36, v53  }
0x2c0: {  	v61 =	vld [tilespmem:$0x1FCD0];
	v62 =	vshll.u32 v41, $0x10;
	v41 =	vadd.f32 v42, v41;
	v8 =	vmul.bf16 v8, v20  }
0x2c1: {  	v20 =	vmul.bf16 v56, v57;
	v56 =	vld [tilespmem:s31+$0x9A10];
	v0 =	vadd.f32 v40, v0;
	v30 =	vadd.f32 v51, v30  }
0x2c2: {  	v49 =	vshll.u32 v23, $0x10;
	v27 =	vadd.f32 v36, v27;
	v36 =	vld [tilespmem:s31+$0x9A50];
	v51 =	vadd.f32 v32, v31  }
0x2c3: {  	v59 =	vmul.bf16 v19, v60;
	v19 =	vld [tilespmem:$0x1FCC0];
	v60 =	vshll.u32 v8, $0x10;
	v8 =	vadd.f32 v20, v8  }
0x2c4: {  	v53 =	vld [tilespmem:s31+$0x9A40];
	v16 =	vmul.bf16 v16, v63;
	v63 =	vshll.u32 v42, $0x10;
	v0 =	vadd.f32 v30, v0  }
0x2c5: {  	v40 =	vshll.u32 v28, $0x10;
	v42 =	vld [tilespmem:s31+$0x9A00];
	v34 =	vadd.f32 v63, v62;
	v8 =	vadd.f32 v10, v8  }
0x2c6: {  	v62 =	vld [tilespmem:s31+$0xADC0];
	v12 =	vshll.u32 v59, $0x10;
	v41 =	vadd.f32 v59, v41;
	v59 =	vshll.u32 v35, $0x10  }
0x2c7: {  	v63 =	vld [tilespmem:s31+$0xADD0];
	v37 =	vmul.bf16 v37, v56;
	v12 =	vadd.f32 v12, v34;
	v8 =	vadd.f32 v23, v8  }
0x2c8: {  	v10 =	vld [tilespmem:s31+$0x99D0];
	v29 =	vmul.bf16 v29, v36;
	v19 =	vmul.bf16 v19, v61;
	v61 =	vshll.u32 v20, $0x10  }
0x2c9: {  	v23 =	vld [tilespmem:s31+$0xAD40];
	v20 =	vshll.u32 v31, $0x10;
	v12 =	vadd.f32 v22, v12;
	v22 =	vadd.f32 v50, v41  }
0x2ca: {  	v31 =	vld [tilespmem:s31+$0x99C0];
	v41 =	vmul.bf16 v45, v47;
	v33 =	vmul.bf16 v33, v42;
	v57 =	vadd.f32 v61, v60  }
0x2cb: {  	v36 =	vld [tilespmem:s31+$0xAD50];
	v42 =	vshll.u32 v21, $0x10;
	v61 =	vshll.u32 v37, $0x10;
	v12 =	vadd.f32 v12, v22  }
0x2cc: {  	v47 =	vld [tilespmem:s31+$0x9940];
	v60 =	vshll.u32 v33, $0x10;
	v33 =	vadd.f32 v37, v33;
	v44 =	vadd.f32 v44, v57  }
0x2cd: {  	v22 =	vshll.u32 v41, $0x10;
	v37 =	vld [tilespmem:s31+$0x9950];
	v10 =	vmul.bf16 v63, v10;
	v63 =	vmul.bf16 v46, v55  }
0x2ce: {  	v30 =	vld [tilespmem:s31+$0xAD60];
	v21 =	vadd.f32 v21, v33;
	v44 =	vadd.f32 v49, v44;
	v49 =	vmul.bf16 v58, v53  }
0x2cf: {  	v56 =	vld [tilespmem:s31+$0x9980];
	v31 =	vmul.bf16 v62, v31;
	v62 =	vadd.f32 v61, v60;
	v58 =	vshll.u32 v10, $0x10  }
0x2d0: {  	v60 =	vld [tilespmem:s31+$0xAD90];
	v61 =	vshll.u32 v63, $0x10;
	v21 =	vadd.f32 v28, v21;
	v8 =	vadd.f32 v44, v8  }
0x2d1: {  	v23 =	vmul.bf16 v23, v47;
	v44 =	vld [tilespmem:s31+$0xAD80];
	v33 =	vadd.f32 v29, v49;
	v34 =	vadd.f32 v42, v62  }
0x2d2: {  	v57 =	vshll.u32 v31, $0x10;
	v10 =	vadd.f32 v10, v31;
	v31 =	vld [tilespmem:s31+$0x9990];
	v36 =	vmul.bf16 v36, v37  }
0x2d3: {  	v28 =	vmul.bf16 v30, v43;
	v30 =	vld [tilespmem:s31+$0x99A0];
	v50 =	vadd.f32 v58, v57;
	v34 =	vadd.f32 v40, v34  }
0x2d4: {  	v47 =	vshll.u32 v23, $0x10;
	v10 =	vadd.f32 v63, v10;
	v23 =	vadd.f32 v36, v23  }
0x2d5: {  	v62 =	vadd.f32 v61, v50;
	v50 =	vshll.u32 v36, $0x10;
	v21 =	vadd.f32 v34, v21  }
0x2d6: {  	v63 =	vshll.u32 v28, $0x10;
	v10 =	vadd.f32 v35, v10;
	v35 =	vadd.f32 v50, v47  }
0x2d7: {  	(xrf2) =	vadd.scan.msk.f32 $0xffff, v26;
	v45 =	vadd.f32 v59, v62;
	v52 =	vmul.bf16 v44, v56;
	v31 =	vmul.bf16 v60, v31  }
0x2d8: {  	(xrf2) =	vadd.scan.msk.f32 $0xffff, v17;
	v23 =	vadd.f32 v28, v23;
	v26 =	vmul.bf16 v39, v30;
	v17 =	vadd.f32 v63, v35  }
0x2d9: {  	v10 =	vadd.f32 v45, v10;
	v28 =	vshll.u32 v52, $0x10;
	v30 =	vshll.u32 v31, $0x10  }
0x2da: {  	(xrf2) =	vadd.scan.msk.f32 $0xffff, v18;
	v18 =	vadd.f32 v30, v28;
	v28 =	vadd.f32 v31, v52;
	v30 =	vshll.u32 v49, $0x10  }
0x2db: {  	(xrf2) =	vadd.scan.msk.f32 $0xffff, v27;
	v17 =	vadd.f32 v22, v17;
	v22 =	vadd.f32 v41, v23;
	v23 =	vshll.u32 v26, $0x10  }
0x2dc: {  	(xrf2) =	vadd.scan.msk.f32 $0xffff, v0;
	v0 =	vadd.f32 v23, v18;
	v18 =	vadd.f32 v26, v28;
	v23 =	vshll.u32 v29, $0x10  }
0x2dd: {  	(xrf2) =	vadd.scan.msk.f32 $0xffff, v12;
	v12 =	vadd.f32 v17, v22;
	v17 =	vshll.u32 v48, $0x10;
	v22 =	vadd.f32 v23, v30  }
0x2de: {  	(xrf2) =	vadd.scan.msk.f32 $0xffff, v8;
	v0 =	vadd.f32 v17, v0;
	v8 =	vadd.f32 v48, v18;
	v17 =	vshll.u32 v38, $0x10  }
0x2df: {  	(xrf2) =	vadd.scan.msk.f32 $0xffff, v21;
	v21 =	vshll.u32 v32, $0x10;
	v18 =	vadd.f32 v38, v33;
	v17 =	vadd.f32 v17, v22  }
0x2e0: {  	(xrf2) =	vadd.scan.msk.f32 $0xffff, v10;
	v10 =	vadd.f32 v21, v20;
	v0 =	vadd.f32 v0, v8;
	v8 =	vshll.u32 v19, $0x10  }
0x2e1: {  	(xrf2) =	vadd.scan.msk.f32 $0xffff, v12;
	v12 =	vadd.f32 v19, v18;
	v8 =	vadd.f32 v8, v17;
	v17 =	vshll.u32 v16, $0x10  }
0x2e2: {  	v13 =	vshll.u32 v13, $0x10;
	v16 =	vadd.f32 v16, v51;
	v10 =	vadd.f32 v17, v10  }
0x2e3: {  	v13 =	vadd.f32 v13, v15;
	v18, _, _ =	vpop (xrf2);
	(xrf2) =	vadd.scan.msk.f32 $0xffff, v0;
	v8 =	vadd.f32 v8, v12;
	v12 =	vshll.u32 v11, $0x10  }
0x2e4: {  	v11 =	vadd.f32 v11, v16;
	v0, _, _ =	vpop (xrf2);
	v10 =	vadd.f32 v12, v10;
	v12 =	vshll.u32 v9, $0x10  }
0x2e5: {  	v7 =	vshll.u32 v7, $0x10;
	v9 =	vadd.f32 v9, v14;
	v15, _, _ =	vpop (xrf2);
	v12 =	vadd.f32 v12, v13  }
0x2e6: {  	v6 =	vadd.f32 v7, v6;
	v7 =	vld [tilespmem:s31+$0x9D30];
	(xrf2) =	vadd.scan.msk.f32 $0xffff, v8;
	v16, _, _ =	vpop (xrf2);
	v10 =	vadd.f32 v10, v11;
	v11 =	vshll.u32 v4, $0x10  }
0x2e7: {  	v17 =	vld [tilespmem:$0x1FCE0];
	v4 =	vadd.f32 v4, v9;
	v9 =	vshll.u32 v3, $0x10;
	v8, _, _ =	vpop (xrf2);
	v11 =	vadd.f32 v11, v12  }
0x2e8: {  	v13 =	vld [tilespmem:s31+$0xB130];
	v3 =	vadd.f32 v3, v24;
	v14, _, _ =	vpop (xrf2)  }
0x2e9: {  	v25 =	vshll.u32 v5, $0x10;
	v5 =	vadd.f32 v2, v5;
	(xrf2) =	vadd.scan.msk.f32 $0xffff, v10;
	v12, _, _ =	vpop (xrf2)  }
0x2ea: {  	v2 =	vshll.u32 v2, $0x10;
	v6 =	vadd.f32 v9, v6;
	v4 =	vadd.f32 v11, v4;
	v9, _, _ =	vpop (xrf2)  }
0x2eb: {  	v2 =	vadd.f32 v2, v25;
	v10 =	vshll.u32 v1, $0x10;
	v11, _, _ =	vpop (xrf2)  }
0x2ec: {  	v1 =	vadd.f32 v1, v3;
	v6 =	vadd.f32 v10, v6;
	v10 =	vshll.u32 v17, $0x10;
	(xrf2) =	vadd.scan.msk.f32 $0xffff, v4;
	v3, _, _ =	vpop (xrf2)  }
0x2ed: {  	v5 =	vadd.f32 v17, v5;
	v7 =	vmul.bf16 v13, v7;
	v2 =	vadd.f32 v10, v2;
	v53, _, _ =	vpop (xrf2)  }
0x2ee: {  	v1 =	vadd.f32 v6, v1;
	v3 =	vbroadcast v3, $0xF;
	v4 =	vbroadcast v53, $0xF  }
0x2ef: {  	v6 =	vshll.u32 v7, $0x10;
	v10 =	vbroadcast v11, $0xF;
	v5 =	vadd.f32 v7, v5  }
0x2f0: {  	v2 =	vadd.f32 v6, v2;
	(xrf2) =	vadd.scan.msk.f32 $0xffff, v1;
	v54, _, _ =	vpop (xrf2);
	v1 =	vsel vm0, v3, v4;
	v3 =	vbroadcast v9, $0xF  }
0x2f1: {  	v4 =	vbroadcast v54, $0xF;
	v1 =	vsel vm1, v1, v10  }
0x2f2: {  	v2 =	vadd.f32 v2, v5;
	v1 =	vsel vm2, v1, v3;
	v3 =	vbroadcast v12, $0xF  }
0x2f3: {  	v55 =	vbroadcast v14, $0xF;
	v56, _, _ =	vpop (xrf2);
	v1 =	vsel vm3, v1, v4  }
0x2f4: {  	(xrf2) =	vadd.scan.msk.f32 $0xffff, v2;
	v2 =	vbroadcast v56, $0xF;
	v1 =	vsel vm4, v1, v3  }
0x2f5: {  	v3 =	vbroadcast v8, $0xF;
	v1 =	vsel vm5, v1, v55  }
0x2f6: {  	v57, _, _ =	vpop (xrf2);
	v1 =	vsel vm6, v1, v2;
	v2 =	vbroadcast v16, $0xF  }
0x2f7: {  	v1 =	vsel vm7, v1, v3;
	v3 =	vbroadcast v57, $0xF  }
0x2f8: {  	v1 =	vsel vm8, v1, v2;
	v2 =	vbroadcast v15, $0xF  }
0x2f9: {  	v0 =	vbroadcast v0, $0xF;
	v1 =	vsel vm9, v1, v3  }
0x2fa: {  	v1 =	vsel vm10, v1, v2  }
0x2fb: {  	v3, _, _ =	vpop (xrf2);
	v0 =	vsel vm11, v1, v0;
	v1 =	vbroadcast v18, $0xF  }
0x2fc: {  	v2 =	vbroadcast v3, $0xF;
	_ =	sdelay $0x1  }
0x2fd: {  	v0 =	vsel vm12, v0, v2  }
0x2fe: {  	v0 =	vsel vm13, v0, v1;
	v1, _, _ =	vpop (xrf2)  }
0x2ff: {  	v0 =	vsel vm14, v0, v1  }
0x300: {  	s22 =	simm.s32 $0x7F0;
	[tilespmem:s19+$0x0] =	vst v0  }
0x301: {  	v0 =	vld [tilespmem:s22+$0xB0F0]  }
0x302: {  	v1 =	vld [tilespmem:s22+$0x9CF0]  }
0x303: {  	v2 =	vld [tilespmem:s22+$0xB120]  }
0x304: {  	v3 =	vld [tilespmem:s22+$0x9D20]  }
0x305: {  	v18 =	vld [tilespmem:s22+$0xB0B0]  }
0x306: {  	v4 =	vld [tilespmem:s22+$0x9CB0]  }
0x307: {  	v6 =	vld [tilespmem:s22+$0xB070]  }
0x308: {  	v7 =	vld [tilespmem:s22+$0x9C70]  }
0x309: {  	v8 =	vld [tilespmem:s22+$0xB0E0]  }
0x30a: {  	v9 =	vld [tilespmem:s22+$0x9CE0]  }
0x30b: {  	v10 =	vld [tilespmem:s22+$0xB100]  }
0x30c: {  	v11 =	vld [tilespmem:s22+$0x9D00]  }
0x30d: {  	v12 =	vld [tilespmem:s22+$0xB110]  }
0x30e: {  	v13 =	vld [tilespmem:s22+$0x9D10]  }
0x30f: {  	v14 =	vld [tilespmem:s22+$0xB030]  }
0x310: {  	v15 =	vld [tilespmem:s22+$0x9C30]  }
0x311: {  	v16 =	vld [tilespmem:s22+$0xB0A0]  }
0x312: {  	v17 =	vld [tilespmem:s22+$0x9CA0]  }
0x313: {  	v34 =	vld [tilespmem:s22+$0xAFF0]  }
0x314: {  	v19 =	vld [tilespmem:s22+$0x9BF0]  }
0x315: {  	v20 =	vld [tilespmem:s22+$0xB060]  }
0x316: {  	v21 =	vld [tilespmem:s22+$0x9C60]  }
0x317: {  	v22 =	vld [tilespmem:s22+$0xB0C0]  }
0x318: {  	v23 =	vld [tilespmem:s22+$0x9CC0]  }
0x319: {  	v24 =	vld [tilespmem:s22+$0xB0D0]  }
0x31a: {  	v25 =	vld [tilespmem:s22+$0x9CD0]  }
0x31b: {  	v26 =	vld [tilespmem:s22+$0xAFB0]  }
0x31c: {  	v27 =	vld [tilespmem:s22+$0x9BB0]  }
0x31d: {  	v28 =	vld [tilespmem:s22+$0xB020]  }
0x31e: {  	v29 =	vld [tilespmem:s22+$0x9C20]  }
0x31f: {  	v30 =	vld [tilespmem:s22+$0xB080]  }
0x320: {  	v31 =	vld [tilespmem:s22+$0x9C80]  }
0x321: {  	v32 =	vld [tilespmem:s22+$0xB090]  }
0x322: {  	v33 =	vld [tilespmem:s22+$0x9C90]  }
0x323: {  	v43 =	vld [tilespmem:s22+$0xAF70]  }
0x324: {  	v42 =	vld [tilespmem:s22+$0x9B70]  }
0x325: {  	v55 =	vld [tilespmem:s22+$0xAFE0]  }
0x326: {  	v54 =	vld [tilespmem:s22+$0x9BE0]  }
0x327: {  	v38 =	vld [tilespmem:s22+$0xB040]  }
0x328: {  	v39 =	vld [tilespmem:s22+$0x9C40]  }
0x329: {  	v40 =	vld [tilespmem:s22+$0xB050]  }
0x32a: {  	v41 =	vld [tilespmem:s22+$0x9C50]  }
0x32b: {  	v58 =	vld [tilespmem:s22+$0xAF30]  }
0x32c: {  	v59 =	vld [tilespmem:s22+$0x9B30]  }
0x32d: {  	v44 =	vld [tilespmem:s22+$0xAFA0]  }
0x32e: {  	v45 =	vld [tilespmem:s22+$0x9BA0]  }
0x32f: {  	v46 =	vld [tilespmem:s22+$0xB000]  }
0x330: {  	v47 =	vld [tilespmem:s22+$0x9C00]  }
0x331: {  	v48 =	vld [tilespmem:s22+$0xB010]  }
0x332: {  	v49 =	vld [tilespmem:s22+$0x9C10]  }
0x333: {  	v50 =	vld [tilespmem:s22+$0xAEF0]  }
0x334: {  	v51 =	vld [tilespmem:s22+$0x9AF0]  }
0x335: {  	v52 =	vld [tilespmem:s22+$0xAF60]  }
0x336: {  	v53 =	vld [tilespmem:s22+$0x9B60]  }
0x337: {  	v60 =	vld [tilespmem:s22+$0xAFC0]  }
0x338: {  	v56 =	vld [tilespmem:s22+$0x9BC0]  }
0x339: {  	v61 =	vld [tilespmem:s22+$0xAFD0]  }
0x33a: {  	v62 =	vld [tilespmem:s22+$0x9BD0]  }
0x33b: {  	v63 =	vld [tilespmem:s22+$0xAEB0]  }
0x33c: {  	v35 =	vld [tilespmem:s22+$0x9AB0]  }
0x33d: {  	v37 =	vld [tilespmem:s22+$0x9B20]  }
0x33e: {  	v36 =	vld [tilespmem:s22+$0xAF20]  }
0x33f: {  	v57 =	vld [tilespmem:s22+$0xAE70]  }
0x340: {  	[tilespmem:$0x1FD40] =	vst v62;
	v62 =	vld [tilespmem:s22+$0xAF80]  }
0x341: {  	[tilespmem:$0x1FD50] =	vst v63;
	v63 =	vld [tilespmem:s22+$0x9B80]  }
0x342: {  	[tilespmem:$0x1FD80] =	vst v37;
	v37 =	vld [tilespmem:s22+$0xAF90]  }
0x343: {  	[tilespmem:$0x1FD70] =	vst v36;
	v36 =	vld [tilespmem:s22+$0x9B90]  }
0x344: {  	[tilespmem:$0x1FD00] =	vst v58;
	v58 =	vld [tilespmem:s22+$0x9A70]  }
0x345: {  	[tilespmem:$0x1FD10] =	vst v59;
	v59 =	vld [tilespmem:s22+$0xAEE0]  }
0x346: {  	[tilespmem:$0x1FD20] =	vst v60;
	v60 =	vld [tilespmem:s22+$0x9AE0]  }
0x347: {  	[tilespmem:$0x1FD60] =	vst v35;
	v35 =	vld [tilespmem:s22+$0xAF40]  }
0x348: {  	v22 =	vmul.bf16 v22, v23;
	v23 =	vmul.bf16 v24, v25;
	v24 =	vld [tilespmem:s22+$0x9B40]  }
0x349: {  	v6 =	vmul.bf16 v6, v7;
	v7 =	vld [tilespmem:s22+$0xAF50]  }
0x34a: {  	v25 =	vld [tilespmem:s22+$0x9B50]  }
0x34b: {  	v10 =	vmul.bf16 v10, v11;
	v11 =	vld [tilespmem:s22+$0x9A30]  }
0x34c: {  	v5 =	vmul.bf16 v0, v1;
	v0 =	vmul.bf16 v34, v19;
	v19 =	vld [tilespmem:s22+$0x9B00]  }
0x34d: {  	[tilespmem:$0x1FDB0] =	vst v57;
	v57 =	vmul.bf16 v32, v33;
	v32 =	vld [tilespmem:s22+$0x99F0]  }
0x34e: {  	v33 =	vld [tilespmem:s22+$0xAE60]  }
0x34f: {  	v34 =	vmul.bf16 v43, v42;
	v42 =	vld [tilespmem:s22+$0xAD70]  }
0x350: {  	v1 =	vld [tilespmem:$0x1FD10];
	[tilespmem:$0x1FCF0] =	vst v0  }
0x351: {  	v0 =	vld [tilespmem:$0x1FD00];
	[tilespmem:$0x1FD90] =	vst v59  }
0x352: {  	[tilespmem:$0x1FDA0] =	vst v60;
	v59 =	vmul.bf16 v2, v3;
	v60 =	vmul.bf16 v18, v4;
	v18 =	vld [tilespmem:s22+$0xAE30]  }
0x353: {  	[tilespmem:$0x1FDC0] =	vst v58;
	v3 =	vmul.bf16 v8, v9;
	v58 =	vmul.bf16 v12, v13;
	v13 =	vld [tilespmem:s22+$0xAEA0]  }
0x354: {  	v2 =	vshll.u32 v22, $0x10;
	v8 =	vshll.u32 v23, $0x10;
	v12 =	vmul.bf16 v20, v21;
	v21 =	vld [tilespmem:s22+$0xAF10]  }
0x355: {  	[tilespmem:$0x1FD30] =	vst v61;
	v36 =	vmul.bf16 v37, v36;
	v37 =	vld [tilespmem:s22+$0x9970];
	v61 =	vadd.f32 v8, v2;
	v8 =	vadd.f32 v23, v22  }
0x356: {  	v20 =	vmul.bf16 v30, v31;
	v22 =	vmul.bf16 v38, v39;
	v38 =	vld [tilespmem:s22+$0x9AC0];
	v9 =	vshll.u32 v3, $0x10  }
0x357: {  	v23 =	vmul.bf16 v40, v41;
	v39 =	vld [tilespmem:s22+$0xAED0];
	v4 =	vadd.f32 v9, v61;
	v8 =	vadd.f32 v3, v8  }
0x358: {  	v41 =	vld [tilespmem:s22+$0x9AD0];
	v0 =	vmul.bf16 v0, v1;
	v9 =	vmul.bf16 v14, v15;
	v14 =	vshll.u32 v5, $0x10  }
0x359: {  	v2 =	vld [tilespmem:$0x1FD40];
	v61 =	vmul.bf16 v16, v17;
	v14 =	vadd.f32 v14, v4;
	v5 =	vadd.f32 v5, v8  }
0x35a: {  	v40 =	vld [tilespmem:s22+$0x9A80];
	v16 =	vmul.bf16 v26, v27;
	v27 =	vmul.bf16 v48, v49;
	v30 =	vshll.u32 v22, $0x10  }
0x35b: {  	v1 =	vld [tilespmem:$0x1FD20];
	v8 =	vmul.bf16 v28, v29;
	v28 =	vadd.f32 v14, v5;
	v14 =	vmul.bf16 v46, v47  }
0x35c: {  	v15 =	vld [tilespmem:s22+$0x9AA0];
	v31 =	vshll.u32 v23, $0x10;
	v22 =	vadd.f32 v23, v22;
	v23 =	vshll.u32 v12, $0x10  }
0x35d: {  	v17 =	vld [tilespmem:s22+$0xAF00];
	v30 =	vadd.f32 v31, v30;
	v49 =	vshll.u32 v14, $0x10;
	v14 =	vadd.f32 v27, v14  }
0x35e: {  	v26 =	vld [tilespmem:s22+$0x9B10];
	v31 =	vshll.u32 v27, $0x10;
	v12 =	vadd.f32 v12, v22;
	v27 =	vshll.u32 v8, $0x10  }
0x35f: {  	v48 =	vld [tilespmem:s22+$0xAE80];
	v31 =	vadd.f32 v31, v49;
	v14 =	vadd.f32 v8, v14;
	v8 =	vmul.bf16 v55, v54  }
0x360: {  	v23 =	vadd.f32 v23, v30;
	v55 =	vmul.bf16 v44, v45;
	v44 =	vmul.bf16 v1, v56;
	v1 =	vld [tilespmem:$0x1FD30]  }
0x361: {  	v29 =	vld [tilespmem:s22+$0xADF0];
	v22 =	vadd.f32 v27, v31;
	v31 =	vshll.u32 v6, $0x10  }
0x362: {  	v30 =	vld [tilespmem:s22+$0x9A60];
	v6 =	vadd.f32 v6, v12;
	v23 =	vadd.f32 v31, v23;
	v31 =	vshll.u32 v9, $0x10  }
0x363: {  	v47 =	vld [tilespmem:s22+$0x9A90];
	v14 =	vadd.f32 v9, v14;
	v12 =	vadd.f32 v31, v22  }
0x364: {  	(xrf2) =	vadd.scan.msk.f32 $0xffff, v28;
	v28 =	vld [tilespmem:s22+$0xADC0]  }
0x365: {  	v43 =	vadd.f32 v12, v14;
	v12 =	vmul.bf16 v1, v2;
	v1 =	vld [tilespmem:$0x1FD50]  }
0x366: {  	v2 =	vld [tilespmem:$0x1FD60]  }
0x367: {  	v49 =	vld [tilespmem:s22+$0x99B0]  }
0x368: {  	v45 =	vld [tilespmem:s22+$0xADB0]  }
0x369: {  	v7 =	vmul.bf16 v7, v25;
	v25 =	vshll.u32 v36, $0x10;
	v15 =	vmul.bf16 v13, v15;
	v54 =	vld [tilespmem:s22+$0x9A40]  }
0x36a: {  	v27 =	vld [tilespmem:s22+$0xAEC0];
	v31 =	vmul.bf16 v50, v51;
	v23 =	vadd.f32 v23, v6;
	v6 =	vmul.bf16 v62, v63  }
0x36b: {  	v56 =	vshll.u32 v7, $0x10;
	v14 =	vmul.bf16 v35, v24;
	v46 =	vmul.bf16 v1, v2;
	v1 =	vld [tilespmem:$0x1FD70]  }
0x36c: {  	v22 =	vmul.bf16 v52, v53;
	v62 =	vshll.u32 v55, $0x10;
	v24 =	vshll.u32 v6, $0x10;
	v2 =	vld [tilespmem:$0x1FD80]  }
0x36d: {  	v50 =	vld [tilespmem:s22+$0xAE90];
	v6 =	vadd.f32 v36, v6;
	v24 =	vadd.f32 v25, v24;
	v25 =	vshll.u32 v14, $0x10  }
0x36e: {  	v52 =	vld [tilespmem:s22+$0xADE0];
	v63 =	vshll.u32 v16, $0x10;
	v7 =	vadd.f32 v7, v14;
	v25 =	vadd.f32 v56, v25  }
0x36f: {  	v51 =	vld [tilespmem:s22+$0x99C0];
	v14 =	vshll.u32 v22, $0x10;
	v6 =	vadd.f32 v55, v6;
	v24 =	vadd.f32 v62, v24  }
0x370: {  	v35 =	vld [tilespmem:s22+$0xAE20];
	v7 =	vadd.f32 v22, v7;
	v22 =	vshll.u32 v34, $0x10;
	v25 =	vadd.f32 v14, v25  }
0x371: {  	v62 =	vadd.f32 v58, v10;
	v6 =	vadd.f32 v16, v6;
	v14 =	vmul.bf16 v1, v2;
	v1 =	vld [tilespmem:$0x1FD90]  }
0x372: {  	v47 =	vmul.bf16 v50, v47;
	v34 =	vadd.f32 v34, v7;
	v25 =	vadd.f32 v22, v25;
	v2 =	vld [tilespmem:$0x1FDA0]  }
0x373: {  	v36 =	vld [tilespmem:s22+$0x9A20];
	(xrf2) =	vadd.scan.msk.f32 $0xffff, v23;
	v24 =	vadd.f32 v63, v24;
	v22 =	vmul.bf16 v18, v11;
	v11 =	vmul.bf16 v27, v38  }
0x374: {  	(xrf2) =	vadd.scan.msk.f32 $0xffff, v43;
	v43 =	vld [tilespmem:s22+$0x9980];
	v63 =	vshll.u32 v10, $0x10;
	v10 =	vmul.bf16 v39, v41;
	v55 =	vadd.f32 v25, v34  }
0x375: {  	v56 =	vld [tilespmem:s22+$0x9A50];
	v34 =	vmul.bf16 v17, v19;
	v13 =	vshll.u32 v11, $0x10;
	v17 =	vmul.bf16 v48, v40  }
0x376: {  	v41 =	vld [tilespmem:s22+$0xAE50];
	v11 =	vadd.f32 v10, v11;
	v10 =	vshll.u32 v10, $0x10;
	v19 =	vmul.bf16 v21, v26  }
0x377: {  	v26 =	vmul.bf16 v29, v32;
	v29 =	vld [tilespmem:s22+$0xAE00];
	v39 =	vadd.f32 v47, v17;
	v5 =	vmul.bf16 v1, v2  }
0x378: {  	v50 =	vshll.u32 v15, $0x10;
	v53 =	vadd.f32 v24, v6;
	v40 =	vld [tilespmem:s22+$0x9A00];
	v10 =	vadd.f32 v10, v13  }
0x379: {  	v21 =	vshll.u32 v47, $0x10;
	v47 =	vld [tilespmem:s22+$0xAE10];
	v15 =	vadd.f32 v15, v39;
	v24 =	vshll.u32 v5, $0x10  }
0x37a: {  	v1 =	vld [tilespmem:$0x1FDB0];
	v13 =	vadd.f32 v5, v11;
	v11 =	vshll.u32 v17, $0x10;
	v24 =	vadd.f32 v24, v10  }
0x37b: {  	v48 =	vshll.u32 v31, $0x10;
	v2 =	vld [tilespmem:$0x1FDC0];
	v21 =	vadd.f32 v21, v11;
	v10 =	vadd.f32 v57, v20  }
0x37c: {  	v11 =	vshll.u32 v20, $0x10;
	v20 =	vadd.f32 v48, v24;
	v24 =	vmul.bf16 v42, v37;
	v37 =	vld [tilespmem:s22+$0x9A10]  }
0x37d: {  	v18 =	vld [tilespmem:s22+$0x99E0];
	v23 =	vshll.u32 v46, $0x10  }
0x37e: {  	v38 =	vld [tilespmem:s22+$0xAE40];
	v29 =	vmul.bf16 v29, v40;
	v15 =	vadd.f32 v46, v15;
	v31 =	vadd.f32 v31, v13  }
0x37f: {  	v46 =	vld [tilespmem:s22+$0x99D0];
	v17 =	vshll.u32 v44, $0x10;
	v13 =	vadd.f32 v12, v44;
	v21 =	vadd.f32 v50, v21  }
0x380: {  	v5 =	vld [tilespmem:s22+$0xADD0];
	v16 =	vmul.bf16 v1, v2;
	v48 =	vmul.bf16 v35, v36;
	v32 =	vadd.f32 v20, v31  }
0x381: {  	v27 =	vld [tilespmem:s22+$0x9960];
	v31 =	vshll.u32 v22, $0x10;
	v4 =	vadd.f32 v23, v21;
	v37 =	vmul.bf16 v47, v37  }
0x382: {  	v25 =	vld [tilespmem:s22+$0xAD60];
	v23 =	vmul.bf16 v33, v30;
	v20 =	vadd.f32 v19, v34;
	v21 =	vshll.u32 v34, $0x10  }
0x383: {  	v39 =	vld [tilespmem:s22+$0xAD40];
	v36 =	vadd.f32 v4, v15;
	v15 =	vshll.u32 v29, $0x10;
	v47 =	vshll.u32 v37, $0x10  }
0x384: {  	v40 =	vld [tilespmem:s22+$0x9940];
	v34 =	vmul.bf16 v38, v54;
	v54 =	vmul.bf16 v28, v51;
	v15 =	vadd.f32 v47, v15  }
0x385: {  	v44 =	vld [tilespmem:s22+$0x9950];
	v30 =	vmul.bf16 v41, v56;
	v38 =	vshll.u32 v26, $0x10;
	v56 =	vmul.bf16 v5, v46  }
0x386: {  	v35 =	vld [tilespmem:s22+$0xADA0];
	v46 =	vmul.bf16 v52, v18;
	v18 =	vshll.u32 v54, $0x10;
	v29 =	vadd.f32 v37, v29  }
0x387: {  	v42 =	vld [tilespmem:s22+$0xAD50];
	v28 =	vshll.u32 v48, $0x10;
	v33 =	vadd.f32 v30, v34;
	v37 =	vshll.u32 v24, $0x10  }
0x388: {  	(xrf2) =	vadd.scan.msk.f32 $0xffff, v53;
	v41 =	vld [tilespmem:s22+$0xAD80];
	v47 =	vadd.f32 v48, v29;
	v29 =	vshll.u32 v56, $0x10;
	v48 =	vadd.f32 v28, v15;
	v15, _, _ =	vpop (xrf2)  }
0x389: {  	s24 =	simm.s32 $0x2FC0;
	s23 =	smov.u32 s19;
	v28 =	vmul.bf16 v45, v49;
	v29 =	vadd.f32 v29, v18;
	v45 =	vld [tilespmem:s22+$0xAD90];
	v49 =	vadd.f32 v56, v54;
	(xrf2) =	vadd.scan.msk.f32 $0xffff, v55;
	v18, _, _ =	vpop (xrf2)  }
.LBB2_5:
0x38a: {  	v50 =	vld [tilespmem:s22+$0x9990]  }
0x38b: {  	v5 =	vld [tilespmem:s22+$0x99A0];
	_ =	sdelay $0x1  }
0x38c: {  	v1 =	vadd.f32 v22, v47;
	v51 =	vshll.u32 v46, $0x10;
	v31 =	vadd.f32 v31, v48  }
0x38d: {  	v27 =	vmul.bf16 v25, v27;
	v25 =	vadd.f32 v51, v29;
	v29 =	vadd.f32 v46, v49  }
0x38e: {  	v31 =	vadd.f32 v31, v1;
	v46 =	vmul.bf16 v39, v40;
	v48 =	vmul.bf16 v42, v44  }
0x38f: {  	v51 =	vmul.bf16 v45, v50;
	v52 =	vmul.bf16 v35, v5;
	v26 =	vadd.f32 v26, v29  }
0x390: {  	(xrf2) =	vadd.scan.msk.f32 $0xffff, v32;
	v1 =	vshll.u32 v46, $0x10;
	v29 =	vshll.u32 v48, $0x10;
	v32 =	vadd.f32 v48, v46  }
0x391: {  	v38 =	vadd.f32 v38, v25;
	v29 =	vadd.f32 v29, v1;
	v1 =	vmul.bf16 v41, v43  }
0x392: {  	v49 =	vshll.u32 v27, $0x10;
	v54 =	vshll.u32 v51, $0x10;
	v27 =	vadd.f32 v27, v32  }
0x393: {  	v22, _, _ =	vpop (xrf2);
	(xrf2) =	vadd.scan.msk.f32 $0xffff, v36;
	v26 =	vadd.f32 v38, v26;
	v29 =	vadd.f32 v49, v29;
	v53 =	vshll.u32 v1, $0x10  }
0x394: {  	v34 =	vshll.u32 v34, $0x10;
	v25, _, _ =	vpop (xrf2);
	(xrf2) =	vadd.scan.msk.f32 $0xffff, v31;
	v55 =	vadd.f32 v51, v1;
	v31 =	vadd.f32 v54, v53  }
0x395: {  	v24 =	vadd.f32 v24, v27;
	v27 =	vshll.u32 v52, $0x10;
	v29 =	vadd.f32 v37, v29  }
0x396: {  	v1 =	vshll.u32 v30, $0x10;
	v27 =	vadd.f32 v27, v31;
	v31 =	vadd.f32 v52, v55  }
0x397: {  	v56, _, _ =	vpop (xrf2);
	(xrf2) =	vadd.scan.msk.f32 $0xffff, v26;
	v26 =	vshll.u32 v28, $0x10;
	v24 =	vadd.f32 v29, v24;
	v29 =	vadd.f32 v1, v34  }
0x398: {  	v26 =	vadd.f32 v26, v27;
	v27 =	vadd.f32 v28, v31  }
0x399: {  	v19 =	vshll.u32 v19, $0x10;
	v28 =	vshll.u32 v23, $0x10;
	v23 =	vadd.f32 v23, v33  }
0x39a: {  	v30, _, _ =	vpop (xrf2);
	v28 =	vadd.f32 v28, v29;
	(xrf2) =	vadd.scan.msk.f32 $0xffff, v24;
	v24 =	vadd.f32 v26, v27;
	v26 =	vshll.u32 v16, $0x10  }
0x39b: {  	v16 =	vadd.f32 v16, v23;
	v23 =	vshll.u32 v14, $0x10;
	v14 =	vadd.f32 v14, v20  }
0x39c: {  	v19 =	vadd.f32 v19, v21  }
0x39d: {  	v20 =	vshll.u32 v0, $0x10;
	v26 =	vadd.f32 v26, v28;
	v9 =	vadd.f32 v0, v14;
	v0 =	vld [tilespmem:$0x1FCF0]  }
0x39e: {  	v12 =	vshll.u32 v12, $0x10;
	v21, _, _ =	vpop (xrf2);
	v19 =	vadd.f32 v23, v19;
	(xrf2) =	vadd.scan.msk.f32 $0xffff, v24  }
0x39f: {  	v12 =	vadd.f32 v12, v17;
	v5 =	vshll.u32 v57, $0x10;
	v1 =	vadd.f32 v26, v16  }
0x3a0: {  	v5 =	vadd.f32 v5, v11;
	v14 =	vshll.u32 v8, $0x10;
	v19 =	vadd.f32 v20, v19  }
0x3a1: {  	v11 =	vld [tilespmem:s22+$0x9D30];
	v17, _, _ =	vpop (xrf2);
	v8 =	vadd.f32 v8, v13;
	v12 =	vadd.f32 v14, v12;
	(xrf2) =	vadd.scan.msk.f32 $0xffff, v1  }
0x3a2: {  	v13 =	vld [tilespmem:s22+$0xB130];
	v9 =	vadd.f32 v19, v9;
	v14 =	vshll.u32 v0, $0x10  }
0x3a3: {  	v4 =	vadd.f32 v0, v8;
	v8 =	vshll.u32 v61, $0x10;
	v12 =	vadd.f32 v14, v12  }
0x3a4: {  	v3 =	vadd.f32 v61, v10;
	v2 =	vshll.u32 v58, $0x10;
	v16, _, _ =	vpop (xrf2);
	(xrf2) =	vadd.scan.msk.f32 $0xffff, v9;
	v5 =	vadd.f32 v8, v5  }
0x3a5: {  	v2 =	vadd.f32 v2, v63;
	v8 =	vshll.u32 v60, $0x10;
	v4 =	vadd.f32 v12, v4  }
0x3a6: {  	v1 =	vadd.f32 v60, v3;
	v5 =	vadd.f32 v8, v5  }
0x3a7: {  	v0 =	vadd.f32 v59, v62;
	v6 =	vmul.bf16 v13, v11;
	v7, _, _ =	vpop (xrf2);
	v8 =	vshll.u32 v59, $0x10;
	(xrf2) =	vadd.scan.msk.f32 $0xffff, v4  }
0x3a8: {  	v2 =	vadd.f32 v8, v2;
	v1 =	vadd.f32 v5, v1;
	v3, _, _ =	vpop (xrf2)  }
0x3a9: {  	v40 =	vshll.u32 v6, $0x10;
	v8 =	vbroadcast v7, $0xF;
	v3 =	vbroadcast v3, $0xF  }
0x3aa: {  	v0 =	vadd.f32 v6, v0;
	v7 =	vbroadcast v16, $0xF;
	v2 =	vadd.f32 v40, v2;
	(xrf2) =	vadd.scan.msk.f32 $0xffff, v1  }
0x3ab: {  	v1 =	vsel vm0, v8, v3;
	v3 =	vbroadcast v17, $0xF;
	v41, _, _ =	vpop (xrf2)  }
0x3ac: {  	v0 =	vadd.f32 v2, v0;
	v1 =	vsel vm1, v1, v7;
	v42 =	vbroadcast v41, $0xF  }
0x3ad: {  	v2 =	vbroadcast v21, $0xF;
	v1 =	vsel vm2, v1, v3  }
0x3ae: {  	v43 =	vbroadcast v30, $0xF;
	v44, _, _ =	vpop (xrf2);
	(xrf2) =	vadd.scan.msk.f32 $0xffff, v0;
	v1 =	vsel vm3, v1, v42  }
0x3af: {  	v0 =	vsel vm4, v1, v2;
	v1 =	vbroadcast v44, $0xF  }
0x3b0: {  	v2 =	vbroadcast v56, $0xF;
	v0 =	vsel vm5, v0, v43  }
0x3b1: {  	v0 =	vsel vm6, v0, v1;
	v1 =	vbroadcast v25, $0xF;
	v3, _, _ =	vpop (xrf2)  }
0x3b2: {  	v0 =	vsel vm7, v0, v2;
	v2 =	vbroadcast v3, $0xF  }
0x3b3: {  	v0 =	vsel vm8, v0, v1;
	v1 =	vbroadcast v22, $0xF  }
0x3b4: {  	v3, _, _ =	vpop (xrf2);
	v0 =	vsel vm9, v0, v2;
	v2 =	vbroadcast v18, $0xF  }
0x3b5: {  	v3 =	vbroadcast v3, $0xF;
	v0 =	vsel vm10, v0, v1  }
0x3b6: {  	v0 =	vsel vm11, v0, v2;
	v2 =	vbroadcast v15, $0xF  }
0x3b7: {  	v0 =	vsel vm12, v0, v3  }
0x3b8: {  	v1, _, _ =	vpop (xrf2);
	v0 =	vsel vm13, v0, v2  }
0x3b9: {  	s23 =	sadd.s32 $0x10, s23;
	v0 =	vsel vm14, v0, v1  }
0x3ba: {  	s22 =	sshra.s32 s24, $0x2;
	[tilespmem:s23+$0x0] =	vst v0  }
0x3bb: {  	v8 =	vld [tilespmem:s22+$0xB0F0]  }
0x3bc: {  	v32 =	vld [tilespmem:s22+$0x9CF0]  }
0x3bd: {  	v41 =	vld [tilespmem:s22+$0xB120]  }
0x3be: {  	v44 =	vld [tilespmem:s22+$0x9D20]  }
0x3bf: {  	v12 =	vld [tilespmem:s22+$0xB0B0]  }
0x3c0: {  	v26 =	vld [tilespmem:s22+$0x9CB0]  }
0x3c1: {  	v42 =	vld [tilespmem:s22+$0xB070]  }
0x3c2: {  	v46 =	vld [tilespmem:s22+$0x9C70]  }
0x3c3: {  	v28 =	vld [tilespmem:s22+$0xB0E0]  }
0x3c4: {  	v37 =	vld [tilespmem:s22+$0x9CE0]  }
0x3c5: {  	v10 =	vld [tilespmem:s22+$0xB100]  }
0x3c6: {  	v34 =	vld [tilespmem:s22+$0x9D00]  }
0x3c7: {  	v11 =	vld [tilespmem:s22+$0xB110]  }
0x3c8: {  	v30 =	vld [tilespmem:s22+$0x9D10]  }
0x3c9: {  	v16 =	vld [tilespmem:s22+$0xB030]  }
0x3ca: {  	v14 =	vld [tilespmem:s22+$0x9C30]  }
0x3cb: {  	v15 =	vld [tilespmem:s22+$0xB0A0]  }
0x3cc: {  	v13 =	vld [tilespmem:s22+$0x9CA0]  }
0x3cd: {  	v18 =	vld [tilespmem:s22+$0xAFF0]  }
0x3ce: {  	v17 =	vld [tilespmem:s22+$0x9BF0]  }
0x3cf: {  	v36 =	vld [tilespmem:s22+$0xB060]  }
0x3d0: {  	v43 =	vld [tilespmem:s22+$0x9C60]  }
0x3d1: {  	v58 =	vld [tilespmem:s22+$0xB0C0]  }
0x3d2: {  	v59 =	vld [tilespmem:s22+$0x9CC0]  }
0x3d3: {  	v60 =	vld [tilespmem:s22+$0xB0D0]  }
0x3d4: {  	v61 =	vld [tilespmem:s22+$0x9CD0]  }
0x3d5: {  	v52 =	vld [tilespmem:s22+$0xAFB0]  }
0x3d6: {  	v56 =	vld [tilespmem:s22+$0x9BB0]  }
0x3d7: {  	v50 =	vld [tilespmem:s22+$0xB020]  }
0x3d8: {  	v55 =	vld [tilespmem:s22+$0x9C20]  }
0x3d9: {  	v47 =	vld [tilespmem:s22+$0xB080]  }
0x3da: {  	v51 =	vld [tilespmem:s22+$0x9C80]  }
0x3db: {  	v53 =	vld [tilespmem:s22+$0xB090]  }
0x3dc: {  	v57 =	vld [tilespmem:s22+$0x9C90]  }
0x3dd: {  	v19 =	vld [tilespmem:s22+$0xAF70]  }
0x3de: {  	v24 =	vld [tilespmem:s22+$0x9B70]  }
0x3df: {  	v0 =	vld [tilespmem:s22+$0xAFE0]  }
0x3e0: {  	v62 =	vld [tilespmem:s22+$0xB040]  }
0x3e1: {  	v63 =	vld [tilespmem:s22+$0x9C40]  }
0x3e2: {  	v6 =	vld [tilespmem:s22+$0xB050]  }
0x3e3: {  	v4 =	vld [tilespmem:s22+$0x9C50]  }
0x3e4: {  	v20 =	vld [tilespmem:s22+$0x9B30]  }
0x3e5: {  	v22 =	vld [tilespmem:s22+$0xAFA0]  }
0x3e6: {  	v25 =	vld [tilespmem:s22+$0x9BA0]  }
0x3e7: {  	v3 =	vld [tilespmem:s22+$0xB000]  }
0x3e8: {  	v2 =	vld [tilespmem:s22+$0x9C00]  }
0x3e9: {  	v1 =	vld [tilespmem:s22+$0xB010]  }
0x3ea: {  	v29 =	vld [tilespmem:s22+$0xAEF0]  }
0x3eb: {  	v39 =	vld [tilespmem:s22+$0x9AF0]  }
0x3ec: {  	v31 =	vld [tilespmem:s22+$0xAF60]  }
0x3ed: {  	v38 =	vld [tilespmem:s22+$0x9B60]  }
0x3ee: {  	v27 =	vld [tilespmem:s22+$0xAFC0]  }
0x3ef: {  	v33 =	vld [tilespmem:s22+$0x9BC0]  }
0x3f0: {  	v35 =	vld [tilespmem:s22+$0xAFD0]  }
0x3f1: {  	v40 =	vld [tilespmem:s22+$0x9BD0]  }
0x3f2: {  	v45 =	vld [tilespmem:s22+$0xAEB0]  }
0x3f3: {  	v48 =	vld [tilespmem:s22+$0x9AB0]  }
0x3f4: {  	v49 =	vld [tilespmem:s22+$0xAF20]  }
0x3f5: {  	v54 =	vld [tilespmem:s22+$0x9B20]  }
0x3f6: {  	v5 =	vld [tilespmem:s22+$0xAE70]  }
0x3f7: {  	v23 =	vld [tilespmem:s22+$0xAF40]  }
0x3f8: {  	v7 =	vld [tilespmem:s22+$0x9B40]  }
0x3f9: {  	v21 =	vld [tilespmem:s22+$0xAF50]  }
0x3fa: {  	v9 =	vld [tilespmem:s22+$0x9B50]  }
0x3fb: {  	[tilespmem:$0x1FBA0] =	vst v0;
	v0 =	vld [tilespmem:s22+$0x9BE0]  }
0x3fc: {  	[tilespmem:$0x1FBD0] =	vst v45;
	v45 =	vld [tilespmem:s22+$0xAF80]  }
0x3fd: {  	[tilespmem:$0x1FBE0] =	vst v48;
	v48 =	vld [tilespmem:s22+$0x9B80]  }
0x3fe: {  	[tilespmem:$0x1FBF0] =	vst v49;
	v49 =	vld [tilespmem:s22+$0xAF90]  }
0x3ff: {  	[tilespmem:$0x1FC00] =	vst v54;
	v54 =	vld [tilespmem:s22+$0x9B90]  }
0x400: {  	[tilespmem:$0x1FC30] =	vst v5;
	v5 =	vld [tilespmem:s22+$0x9A70]  }
0x401: {  	v28 =	vmul.bf16 v28, v37;
	v37 =	vld [tilespmem:s22+$0x9A30]  }
0x402: {  	v8 =	vmul.bf16 v8, v32;
	v10 =	vmul.bf16 v10, v34;
	v34 =	vld [tilespmem:s22+$0xAEA0]  }
0x403: {  	v32 =	vmul.bf16 v58, v59;
	v59 =	vmul.bf16 v42, v46;
	v42 =	vld [tilespmem:s22+$0x9AA0]  }
0x404: {  	v4 =	vmul.bf16 v6, v4;
	v6 =	vld [tilespmem:s22+$0xAEC0]  }
0x405: {  	v57 =	vmul.bf16 v53, v57;
	v53 =	vld [tilespmem:s22+$0x9970]  }
0x406: {  	v44 =	vmul.bf16 v41, v44;
	v39 =	vmul.bf16 v29, v39;
	v29 =	vld [tilespmem:s22+$0x99B0]  }
0x407: {  	v41 =	vmul.bf16 v60, v61;
	v7 =	vmul.bf16 v23, v7;
	v23 =	vld [tilespmem:$0x1FBE0]  }
0x408: {  	[tilespmem:$0x1FC40] =	vst v5;
	v5 =	vld [tilespmem:s22+$0xAEE0]  }
0x409: {  	v60 =	vshll.u32 v32, $0x10;
	v61 =	vshll.u32 v41, $0x10;
	v32 =	vadd.f32 v41, v32;
	v41 =	vld [tilespmem:s22+$0x9B00]  }
0x40a: {  	[tilespmem:$0x1FBB0] =	vst v0;
	v0 =	vld [tilespmem:s22+$0xAF30]  }
0x40b: {  	[tilespmem:$0x1FC50] =	vst v44;
	v44 =	vadd.f32 v61, v60;
	v61 =	vmul.bf16 v15, v13;
	v15 =	vmul.bf16 v52, v56;
	v52 =	vld [tilespmem:s22+$0x9B10]  }
0x40c: {  	v46 =	vshll.u32 v28, $0x10;
	v28 =	vadd.f32 v28, v32;
	v32 =	vld [tilespmem:s22+$0xAF00]  }
0x40d: {  	[tilespmem:$0x1FC10] =	vst v5;
	v5 =	vld [tilespmem:s22+$0x9AE0]  }
0x40e: {  	v13 =	vmul.bf16 v36, v43;
	v43 =	vld [tilespmem:s22+$0xADF0]  }
0x40f: {  	[tilespmem:$0x1FBC0] =	vst v0;
	v0 =	vld [tilespmem:s22+$0x9C10]  }
0x410: {  	v58 =	vmul.bf16 v11, v30;
	v11 =	vadd.f32 v46, v44;
	v44 =	vld [tilespmem:s22+$0xAF10]  }
0x411: {  	v30 =	vshll.u32 v10, $0x10;
	v46 =	vld [tilespmem:s22+$0x99F0]  }
0x412: {  	v10 =	vadd.f32 v58, v10;
	v32 =	vmul.bf16 v32, v41;
	v41 =	vld [tilespmem:s22+$0xAE00];
	[tilespmem:$0x1FC20] =	vst v5;
	v5 =	vmul.bf16 v12, v26  }
0x413: {  	v12 =	vshll.u32 v8, $0x10;
	v26 =	vld [tilespmem:s22+$0xAE30];
	v8 =	vadd.f32 v8, v28;
	v28 =	vmul.bf16 v62, v63  }
0x414: {  	v2 =	vmul.bf16 v3, v2;
	v3 =	vshll.u32 v4, $0x10;
	v62 =	vld [tilespmem:s22+$0xAE60];
	v0 =	vmul.bf16 v1, v0  }
0x415: {  	[tilespmem:$0x1FC60] =	vst v10;
	v63 =	vmovc v30;
	v30 =	vld [tilespmem:s22+$0x9A60];
	v10 =	vadd.f32 v12, v11;
	v1 =	vshll.u32 v28, $0x10;
	v4 =	vadd.f32 v4, v28  }
0x416: {  	v28 =	vshll.u32 v2, $0x10;
	v56 =	vshll.u32 v0, $0x10;
	v0 =	vadd.f32 v0, v2;
	v2 =	vld [tilespmem:s22+$0xAED0]  }
0x417: {  	v14 =	vmul.bf16 v16, v14;
	v1 =	vadd.f32 v3, v1;
	v3 =	vld [tilespmem:s22+$0x9AC0]  }
0x418: {  	v16 =	vmul.bf16 v50, v55;
	v36 =	vadd.f32 v10, v8;
	v8 =	vmul.bf16 v47, v51;
	v47 =	vld [tilespmem:s22+$0x9AD0]  }
0x419: {  	v11 =	vmul.bf16 v18, v17;
	v18 =	vmul.bf16 v19, v24;
	v24 =	vadd.f32 v56, v28;
	v28 =	vld [tilespmem:s22+$0xADB0]  }
0x41a: {  	v60 =	vshll.u32 v59, $0x10;
	v56 =	vld [tilespmem:s22+$0xAE20]  }
0x41b: {  	v12 =	vshll.u32 v14, $0x10;
	v17 =	vshll.u32 v16, $0x10;
	v0 =	vadd.f32 v16, v0;
	v16 =	vld [tilespmem:$0x1FBB0]  }
0x41c: {  	[tilespmem:$0x1FCF0] =	vst v11;
	v11 =	vshll.u32 v13, $0x10;
	v4 =	vadd.f32 v13, v4;
	v13 =	vadd.f32 v17, v24;
	v24 =	vld [tilespmem:s22+$0xAD70]  }
0x41d: {  	v10 =	vadd.f32 v57, v8;
	v1 =	vadd.f32 v11, v1;
	v11 =	vshll.u32 v8, $0x10;
	v8 =	vld [tilespmem:$0x1FBA0]  }
0x41e: {  	v17 =	vmul.bf16 v27, v33;
	v33 =	vld [tilespmem:s22+$0x9A20];
	v12 =	vadd.f32 v12, v13;
	v13 =	vadd.f32 v14, v0  }
0x41f: {  	v4 =	vadd.f32 v59, v4;
	v1 =	vadd.f32 v60, v1;
	v0 =	vld [tilespmem:$0x1FBC0]  }
0x420: {  	v55 =	vadd.f32 v12, v13;
	v12 =	vmul.bf16 v35, v40;
	v35 =	vld [tilespmem:s22+$0xAE80]  }
0x421: {  	v1 =	vadd.f32 v1, v4;
	v4 =	vmul.bf16 v31, v38;
	v38 =	vld [tilespmem:s22+$0xAE90]  }
0x422: {  	v40 =	vld [tilespmem:s22+$0xAE10];
	v8 =	vmul.bf16 v8, v16;
	v16 =	vmul.bf16 v22, v25  }
0x423: {  	v22 =	vmul.bf16 v49, v54;
	v49 =	vmul.bf16 v21, v9;
	v9 =	vld [tilespmem:s22+$0x9A80]  }
0x424: {  	v54 =	vld [tilespmem:s22+$0x9A90]  }
0x425: {  	v21 =	vld [tilespmem:$0x1FBD0]  }
0x426: {  	(xrf2) =	vadd.scan.msk.f32 $0xffff, v36;
	v24 =	vmul.bf16 v24, v53;
	v53 =	vld [tilespmem:s22+$0x99D0]  }
0x427: {  	v50 =	vshll.u32 v15, $0x10;
	(xrf2) =	vadd.scan.msk.f32 $0xffff, v1;
	v1 =	vld [tilespmem:s22+$0xADD0];
	v0 =	vmul.bf16 v0, v20;
	v20 =	vmul.bf16 v45, v48  }
0x428: {  	v34 =	vmul.bf16 v34, v42;
	v60 =	vmovc v5;
	v27 =	vshll.u32 v22, $0x10;
	v5 =	vadd.f32 v49, v7;
	v48 =	vld [tilespmem:s22+$0x99E0]  }
0x429: {  	v25 =	vshll.u32 v20, $0x10;
	v20 =	vadd.f32 v22, v20;
	v22 =	vshll.u32 v7, $0x10;
	v7 =	vld [tilespmem:s22+$0xADE0]  }
0x42a: {  	v51 =	vshll.u32 v18, $0x10;
	v19 =	vshll.u32 v4, $0x10;
	v4 =	vadd.f32 v4, v5;
	v5 =	vld [tilespmem:s22+$0xAE40]  }
0x42b: {  	v59 =	vshll.u32 v39, $0x10;
	v3 =	vmul.bf16 v6, v3;
	v45 =	vmul.bf16 v21, v23;
	v21 =	vld [tilespmem:$0x1FC20]  }
0x42c: {  	v2 =	vmul.bf16 v2, v47;
	v6 =	vshll.u32 v34, $0x10;
	v25 =	vadd.f32 v27, v25;
	v23 =	vld [tilespmem:$0x1FC40]  }
0x42d: {  	v14 =	vshll.u32 v16, $0x10;
	v31 =	vshll.u32 v49, $0x10;
	v16 =	vadd.f32 v16, v20;
	v20 =	vld [tilespmem:$0x1FC00]  }
0x42e: {  	v28 =	vmul.bf16 v28, v29;
	v22 =	vadd.f32 v31, v22;
	v25 =	vadd.f32 v14, v25;
	v14 =	vld [tilespmem:$0x1FBF0]  }
0x42f: {  	v33 =	vmul.bf16 v56, v33;
	v13 =	vadd.f32 v12, v17;
	v17 =	vshll.u32 v17, $0x10;
	v27 =	vld [tilespmem:s22+$0x9960]  }
0x430: {  	v9 =	vmul.bf16 v35, v9;
	v19 =	vadd.f32 v19, v22;
	v15 =	vadd.f32 v15, v16;
	v16 =	vld [tilespmem:$0x1FC10]  }
0x431: {  	v35 =	vmul.bf16 v38, v54;
	v54 =	vld [tilespmem:s22+$0x9A10];
	v4 =	vadd.f32 v18, v4;
	v1 =	vmul.bf16 v1, v53  }
0x432: {  	v18 =	vld [tilespmem:s22+$0xAE50];
	v49 =	vshll.u32 v45, $0x10;
	v22 =	vmul.bf16 v26, v37;
	v19 =	vadd.f32 v51, v19  }
0x433: {  	v26 =	vshll.u32 v2, $0x10;
	v51 =	vld [tilespmem:s22+$0x9A50];
	v14 =	vmul.bf16 v14, v20;
	v20 =	vadd.f32 v50, v25  }
0x434: {  	v2 =	vadd.f32 v2, v3;
	v4 =	vadd.f32 v19, v4;
	v19 =	vmul.bf16 v44, v52;
	v44 =	vld [tilespmem:s22+$0x9950]  }
0x435: {  	v50 =	vld [tilespmem:s22+$0x9A40];
	v21 =	vmul.bf16 v16, v21;
	v15 =	vadd.f32 v20, v15;
	v20 =	vshll.u32 v3, $0x10  }
0x436: {  	v47 =	vshll.u32 v35, $0x10;
	v56 =	vshll.u32 v1, $0x10;
	v16 =	vld [tilespmem:$0x1FC30];
	v52 =	vadd.f32 v26, v20  }
0x437: {  	v31 =	vshll.u32 v22, $0x10;
	v3 =	vld [tilespmem:s22+$0x9A00];
	v37 =	vshll.u32 v21, $0x10;
	v2 =	vadd.f32 v21, v2  }
0x438: {  	v25 =	vld [tilespmem:s22+$0xAD60];
	v20 =	vadd.f32 v19, v32;
	v21 =	vshll.u32 v9, $0x10;
	v37 =	vadd.f32 v37, v52  }
0x439: {  	v26 =	vmul.bf16 v43, v46;
	v43 =	vld [tilespmem:s22+$0xADC0];
	v9 =	vadd.f32 v35, v9;
	v42 =	vadd.f32 v47, v21  }
0x43a: {  	v46 =	vld [tilespmem:s22+$0x99C0];
	v21 =	vshll.u32 v32, $0x10;
	v2 =	vadd.f32 v39, v2;
	v52 =	vadd.f32 v59, v37  }
0x43b: {  	v35 =	vld [tilespmem:s22+$0xADA0];
	v9 =	vadd.f32 v34, v9;
	v16 =	vmul.bf16 v16, v23;
	v6 =	vadd.f32 v6, v42  }
0x43c: {  	v39 =	vld [tilespmem:s22+$0xAD40];
	v23 =	vmul.bf16 v62, v30;
	v3 =	vmul.bf16 v41, v3;
	v32 =	vadd.f32 v52, v2  }
0x43d: {  	v62 =	vld [tilespmem:$0x1FC60];
	v2 =	vadd.f32 v49, v6;
	v6 =	vadd.f32 v45, v9;
	v9 =	vmul.bf16 v40, v54  }
0x43e: {  	p0 =	sne.s32 s24, $0x4FC0;
	v38 =	vshll.u32 v26, $0x10;
	v34 =	vmul.bf16 v5, v50;
	v30 =	vmul.bf16 v18, v51;
	v42 =	vld [tilespmem:s22+$0xAD50]  }
.Ltmp1:
0x43f: {  	v59 =	vld [tilespmem:$0x1FC50];
	v36 =	vadd.f32 v2, v6;
	v2 =	vshll.u32 v3, $0x10;
	v3 =	vadd.f32 v9, v3;
	(pc) =	sbr.rel @p0 .LBB2_5-.Ltmp1, $4  }
0x440: {  	(xrf2) =	vadd.scan.msk.f32 $0xffff, v55;
	v37 =	vshll.u32 v24, $0x10;
	v41 =	vld [tilespmem:s22+$0xAD80];
	v55 =	vshll.u32 v9, $0x10;
	v6 =	vmul.bf16 v43, v46  }
0x441: {  	v54 =	vshll.u32 v33, $0x10;
	v40 =	vld [tilespmem:s22+$0x9940];
	v2 =	vadd.f32 v55, v2;
	v47 =	vadd.f32 v33, v3  }
0x442: {  	(xrf2) =	vadd.scan.msk.f32 $0xffff, v15;
	v15, _, _ =	vpop (xrf2);
	v45 =	vld [tilespmem:s22+$0xAD90];
	v33 =	vadd.f32 v30, v34;
	v3 =	vshll.u32 v6, $0x10;
	v49 =	vadd.f32 v1, v6  }
0x443: {  	s24 =	sadd.s32 $0x1000, s24;
	(xrf2) =	vadd.scan.msk.f32 $0xffff, v4;
	v18, _, _ =	vpop (xrf2);
	v46 =	vmul.bf16 v7, v48;
	v43 =	vld [tilespmem:s22+$0x9980];
	v48 =	vadd.f32 v54, v2;
	v29 =	vadd.f32 v56, v3  }
0x444: {  	v4 =	vadd.f32 v22, v47  }
0x445: {  	v1 =	vld [tilespmem:s22+$0x9990];
	v51 =	vadd.f32 v23, v33;
	v2 =	vshll.u32 v46, $0x10;
	v3 =	vadd.f32 v31, v48  }
0x446: {  	v5 =	vmul.bf16 v25, v27;
	v6 =	vld [tilespmem:s22+$0x99A0];
	v7 =	vadd.f32 v46, v49;
	v2 =	vadd.f32 v2, v29  }
0x447: {  	v9 =	vmul.bf16 v39, v40;
	v29 =	vmul.bf16 v42, v44;
	v3 =	vadd.f32 v3, v4  }
0x448: {  	v31 =	vshll.u32 v5, $0x10;
	v7 =	vadd.f32 v26, v7;
	v2 =	vadd.f32 v38, v2  }
0x449: {  	v38 =	vshll.u32 v9, $0x10;
	v39 =	vshll.u32 v29, $0x10;
	v9 =	vadd.f32 v29, v9  }
0x44a: {  	v42 =	vmul.bf16 v41, v43;
	v40 =	vadd.f32 v39, v38;
	v1 =	vmul.bf16 v45, v1  }
0x44b: {  	v6 =	vmul.bf16 v35, v6;
	v5 =	vadd.f32 v5, v9;
	v2 =	vadd.f32 v2, v7  }
0x44c: {  	v43 =	vshll.u32 v42, $0x10;
	v4 =	vadd.f32 v31, v40;
	v44 =	vshll.u32 v1, $0x10  }
0x44d: {  	v47 =	vshll.u32 v30, $0x10;
	v1 =	vadd.f32 v1, v42;
	v7 =	vadd.f32 v44, v43  }
0x44e: {  	v46 =	vshll.u32 v6, $0x10;
	v5 =	vadd.f32 v24, v5;
	v4 =	vadd.f32 v37, v4  }
0x44f: {  	v45 =	vshll.u32 v34, $0x10;
	v1 =	vadd.f32 v6, v1;
	v7 =	vadd.f32 v46, v7  }
0x450: {  	(xrf2) =	vadd.scan.msk.f32 $0xffff, v32;
	v48 =	vshll.u32 v28, $0x10;
	v6 =	vadd.f32 v47, v45;
	v4 =	vadd.f32 v4, v5  }
0x451: {  	(xrf2) =	vadd.scan.msk.f32 $0xffff, v36;
	v49 =	vshll.u32 v23, $0x10;
	v1 =	vadd.f32 v28, v1;
	v5 =	vadd.f32 v48, v7  }
0x452: {  	v52 =	vshll.u32 v19, $0x10;
	v25 =	vadd.f32 v8, v13;
	(xrf2) =	vadd.scan.msk.f32 $0xffff, v3;
	v50 =	vadd.f32 v49, v6  }
0x453: {  	v53 =	vshll.u32 v16, $0x10;
	v54 =	vadd.f32 v52, v21;
	(xrf2) =	vadd.scan.msk.f32 $0xffff, v2;
	v1 =	vadd.f32 v5, v1  }
0x454: {  	v56 =	vshll.u32 v14, $0x10;
	v55 =	vadd.f32 v16, v51;
	v29 =	vld [tilespmem:$0x1FCF0];
	(xrf2) =	vadd.scan.msk.f32 $0xffff, v4;
	v2 =	vadd.f32 v53, v50  }
0x455: {  	v9 =	vadd.f32 v14, v20;
	v14 =	vshll.u32 v12, $0x10;
	v4 =	vadd.f32 v56, v54;
	(xrf2) =	vadd.scan.msk.f32 $0xffff, v1  }
0x456: {  	v19 =	vshll.u32 v0, $0x10;
	v20 =	vadd.f32 v14, v17;
	v16 =	vadd.f32 v2, v55  }
0x457: {  	v23 =	vshll.u32 v8, $0x10;
	v21, _, _ =	vpop (xrf2);
	v22 =	vadd.f32 v0, v9;
	v2 =	vadd.f32 v19, v4  }
0x458: {  	v27 =	vld [tilespmem:s22+$0xB130];
	v36 =	vadd.f32 v61, v10;
	v26 =	vshll.u32 v57, $0x10;
	v24, _, _ =	vpop (xrf2);
	v3 =	vadd.f32 v23, v20;
	(xrf2) =	vadd.scan.msk.f32 $0xffff, v16  }
0x459: {  	v31 =	vld [tilespmem:s22+$0x9D30];
	v30 =	vshll.u32 v29, $0x10;
	v28, _, _ =	vpop (xrf2);
	v7 =	vadd.f32 v26, v11;
	v0 =	vadd.f32 v2, v22  }
0x45a: {  	v34 =	vshll.u32 v61, $0x10;
	v33 =	vadd.f32 v29, v25;
	v32, _, _ =	vpop (xrf2);
	v2 =	vadd.f32 v30, v3  }
0x45b: {  	v41 =	vadd.f32 v60, v36;
	v35, _, _ =	vpop (xrf2);
	v4 =	vadd.f32 v34, v7;
	(xrf2) =	vadd.scan.msk.f32 $0xffff, v0  }
0x45c: {  	v39 =	vshll.u32 v60, $0x10;
	v37 =	vshll.u32 v58, $0x10;
	v38, _, _ =	vpop (xrf2);
	v2 =	vadd.f32 v2, v33  }
0x45d: {  	v10 =	vadd.f32 v37, v63;
	v3 =	vadd.f32 v39, v4;
	v40, _, _ =	vpop (xrf2)  }
0x45e: {  	v43 =	vshll.u32 v59, $0x10;
	v44 =	vadd.f32 v59, v62;
	v8 =	vmul.bf16 v27, v31;
	(xrf2) =	vadd.scan.msk.f32 $0xffff, v2;
	v42, _, _ =	vpop (xrf2)  }
0x45f: {  	v46 =	vadd.f32 v43, v10;
	v45 =	vadd.f32 v3, v41;
	v47, _, _ =	vpop (xrf2)  }
0x460: {  	v9 =	vshll.u32 v8, $0x10;
	v7 =	vbroadcast v42, $0xF;
	v4 =	vbroadcast v47, $0xF  }
0x461: {  	v8 =	vadd.f32 v8, v44;
	v48 =	vbroadcast v40, $0xF;
	v3 =	vadd.f32 v9, v46;
	(xrf2) =	vadd.scan.msk.f32 $0xffff, v45  }
0x462: {  	v0 =	vbroadcast v38, $0xF;
	v50, _, _ =	vpop (xrf2);
	v49 =	vsel vm0, v7, v4  }
0x463: {  	v3 =	vadd.f32 v3, v8;
	v4 =	vbroadcast v50, $0xF;
	v2 =	vsel vm1, v49, v48  }
0x464: {  	v51 =	vbroadcast v35, $0xF;
	v0 =	vsel vm2, v2, v0  }
0x465: {  	v52 =	vbroadcast v32, $0xF;
	(xrf2) =	vadd.scan.msk.f32 $0xffff, v3;
	v53, _, _ =	vpop (xrf2);
	v0 =	vsel vm3, v0, v4  }
0x466: {  	v54 =	vbroadcast v53, $0xF;
	v0 =	vsel vm4, v0, v51  }
0x467: {  	v1 =	vbroadcast v28, $0xF;
	v0 =	vsel vm5, v0, v52  }
0x468: {  	v55 =	vbroadcast v24, $0xF;
	v56, _, _ =	vpop (xrf2);
	v0 =	vsel vm6, v0, v54  }
0x469: {  	v57 =	vbroadcast v56, $0xF;
	v0 =	vsel vm7, v0, v1  }
0x46a: {  	v58 =	vbroadcast v21, $0xF;
	v0 =	vsel vm8, v0, v55  }
0x46b: {  	s21 =	sadd.s32 $0x1, s21;
	v59 =	vbroadcast v18, $0xF;
	v60, _, _ =	vpop (xrf2);
	v0 =	vsel vm9, v0, v57  }
0x46c: {  	p0 =	sne.s32 s21, $0x3E;
	v61 =	vbroadcast v60, $0xF;
	v0 =	vsel vm10, v0, v58  }
.Ltmp2:
0x46d: {  	v62 =	vbroadcast v15, $0xF;
	v0 =	vsel vm11, v0, v59;
	(pc) =	sbr.rel @p0 .LBB2_2-.Ltmp2, $4  }
0x46e: {  	v0 =	vsel vm12, v0, v61  }
0x46f: {  	v63, _, _ =	vpop (xrf2);
	v0 =	vsel vm13, v0, v62  }
0x470: {  	s31 =	sadd.s32 $0x10, s23;
	v0 =	vsel vm14, v0, v63  }
0x471: {  	s20 =	sadd.s32 $0xA0, s20;
	s19 =	sadd.s32 $0xA0, s19;
	[tilespmem:s31+$0x0] =	vst v0  }
0x472: {  	_ =	swait.ge [sflag:s15], $0x1400  }
0x473: {  	[sflag:s15] =	ssyncset.done $0x0  }
0x474: {  	[sflag:s15] =	ssyncadd.s32 $0xFFFFEC00  }
0x475: {  	_ =	swait.ge [sflag:s15], $0x1400  }
0x476: {  	[sflag:s15] =	ssyncset.done $0x0  }
0x477: {  	s19 =	simm.s32 $0x3F0;
	[sflag:s15] =	ssyncadd.s32 $0xFFFFEC00  }
0x478: {  	v0 =	vld [tilespmem:s19+$0x88F0]  }
0x479: {  	v1 =	vld [tilespmem:s19+$0x74F0]  }
0x47a: {  	v2 =	vld [tilespmem:s19+$0x8920]  }
0x47b: {  	v3 =	vld [tilespmem:s19+$0x7520]  }
0x47c: {  	v4 =	vld [tilespmem:s19+$0x88B0]  }
0x47d: {  	v5 =	vld [tilespmem:s19+$0x74B0]  }
0x47e: {  	v6 =	vld [tilespmem:s19+$0x8870]  }
0x47f: {  	v7 =	vld [tilespmem:s19+$0x7470]  }
0x480: {  	v8 =	vld [tilespmem:s19+$0x88E0]  }
0x481: {  	v9 =	vld [tilespmem:s19+$0x74E0]  }
0x482: {  	v10 =	vld [tilespmem:s19+$0x8900]  }
0x483: {  	v11 =	vld [tilespmem:s19+$0x7500]  }
0x484: {  	v12 =	vld [tilespmem:s19+$0x8910]  }
0x485: {  	v13 =	vld [tilespmem:s19+$0x7510]  }
0x486: {  	v14 =	vld [tilespmem:s19+$0x8830]  }
0x487: {  	v15 =	vld [tilespmem:s19+$0x7430]  }
0x488: {  	v17 =	vld [tilespmem:s19+$0x88A0]  }
0x489: {  	v18 =	vld [tilespmem:s19+$0x74A0]  }
0x48a: {  	v24 =	vld [tilespmem:s19+$0x87F0]  }
0x48b: {  	v25 =	vld [tilespmem:s19+$0x73F0]  }
0x48c: {  	v26 =	vld [tilespmem:s19+$0x8860]  }
0x48d: {  	v27 =	vld [tilespmem:s19+$0x7460]  }
0x48e: {  	v28 =	vld [tilespmem:s19+$0x88C0]  }
0x48f: {  	v29 =	vld [tilespmem:s19+$0x74C0]  }
0x490: {  	v30 =	vld [tilespmem:s19+$0x88D0]  }
0x491: {  	v31 =	vld [tilespmem:s19+$0x74D0]  }
0x492: {  	v32 =	vld [tilespmem:s19+$0x87B0]  }
0x493: {  	v33 =	vld [tilespmem:s19+$0x73B0]  }
0x494: {  	v34 =	vld [tilespmem:s19+$0x8820]  }
0x495: {  	v35 =	vld [tilespmem:s19+$0x7420]  }
0x496: {  	v36 =	vld [tilespmem:s19+$0x8880]  }
0x497: {  	v37 =	vld [tilespmem:s19+$0x7480]  }
0x498: {  	v38 =	vld [tilespmem:s19+$0x8890]  }
0x499: {  	v39 =	vld [tilespmem:s19+$0x7490]  }
0x49a: {  	v40 =	vld [tilespmem:s19+$0x8770]  }
0x49b: {  	v41 =	vld [tilespmem:s19+$0x7370]  }
0x49c: {  	v42 =	vld [tilespmem:s19+$0x87E0]  }
0x49d: {  	v43 =	vld [tilespmem:s19+$0x73E0]  }
0x49e: {  	v44 =	vld [tilespmem:s19+$0x8840]  }
0x49f: {  	v45 =	vld [tilespmem:s19+$0x7440]  }
0x4a0: {  	v46 =	vld [tilespmem:s19+$0x8850]  }
0x4a1: {  	v47 =	vld [tilespmem:s19+$0x7450]  }
0x4a2: {  	v48 =	vld [tilespmem:s19+$0x8730]  }
0x4a3: {  	v49 =	vld [tilespmem:s19+$0x7330]  }
0x4a4: {  	v50 =	vld [tilespmem:s19+$0x87A0]  }
0x4a5: {  	v51 =	vld [tilespmem:s19+$0x73A0]  }
0x4a6: {  	v52 =	vld [tilespmem:s19+$0x8800]  }
0x4a7: {  	v53 =	vld [tilespmem:s19+$0x7400]  }
0x4a8: {  	v54 =	vld [tilespmem:s19+$0x8810]  }
0x4a9: {  	v55 =	vld [tilespmem:s19+$0x7410]  }
0x4aa: {  	v56 =	vld [tilespmem:s19+$0x86F0]  }
0x4ab: {  	v57 =	vld [tilespmem:s19+$0x72F0]  }
0x4ac: {  	v58 =	vld [tilespmem:s19+$0x8760]  }
0x4ad: {  	v59 =	vld [tilespmem:s19+$0x7360]  }
0x4ae: {  	v60 =	vld [tilespmem:s19+$0x87C0]  }
0x4af: {  	v61 =	vld [tilespmem:s19+$0x73C0]  }
0x4b0: {  	v62 =	vld [tilespmem:s19+$0x87D0]  }
0x4b1: {  	v63 =	vld [tilespmem:s19+$0x73D0]  }
0x4b2: {  	v16 =	vld [tilespmem:s19+$0x86B0]  }
0x4b3: {  	v23 =	vld [tilespmem:s19+$0x72B0]  }
0x4b4: {  	v22 =	vld [tilespmem:s19+$0x8780]  }
0x4b5: {  	v20 =	vld [tilespmem:s19+$0x7380]  }
0x4b6: {  	v21 =	vld [tilespmem:s19+$0x8790]  }
0x4b7: {  	v19 =	vld [tilespmem:s19+$0x7390]  }
0x4b8: {  	[tilespmem:$0x1FA40] =	vst v16;
	v16 =	vld [tilespmem:s19+$0x8720];
	v28 =	vmul.bf16 v28, v29  }
0x4b9: {  	v29 =	vmul.bf16 v30, v31;
	v30 =	vld [tilespmem:s19+$0x7340];
	v31 =	vmul.bf16 v0, v1  }
0x4ba: {  	v0 =	vmul.bf16 v2, v3;
	v3 =	vmul.bf16 v8, v9;
	v8 =	vld [tilespmem:s19+$0x7350]  }
0x4bb: {  	v40 =	vmul.bf16 v40, v41;
	v41 =	vld [tilespmem:s19+$0x86C0]  }
0x4bc: {  	v19 =	vmul.bf16 v21, v19;
	v21 =	vld [tilespmem:s19+$0x7220]  }
0x4bd: {  	[tilespmem:$0x1FAB0] =	vst v0;
	v0 =	vld [tilespmem:s19+$0x8750]  }
0x4be: {  	v1 =	vshll.u32 v28, $0x10;
	v9 =	vadd.f32 v29, v28;
	v28 =	vld [tilespmem:s19+$0x8630]  }
0x4bf: {  	v6 =	vmul.bf16 v6, v7;
	v2 =	vshll.u32 v29, $0x10;
	v29 =	vld [tilespmem:s19+$0x7230]  }
0x4c0: {  	v7 =	vadd.f32 v2, v1;
	v1 =	vmul.bf16 v4, v5;
	v5 =	vmul.bf16 v10, v11;
	v10 =	vld [tilespmem:s19+$0x86A0]  }
0x4c1: {  	v2 =	vmul.bf16 v12, v13;
	v12 =	vld [tilespmem:s19+$0x72A0]  }
0x4c2: {  	v13 =	vmul.bf16 v26, v27;
	v27 =	vmul.bf16 v32, v33;
	v32 =	vld [tilespmem:s19+$0x8700]  }
0x4c3: {  	v33 =	vld [tilespmem:s19+$0x8710]  }
0x4c4: {  	v11 =	vmul.bf16 v14, v15;
	v14 =	vmul.bf16 v34, v35;
	v34 =	vld [tilespmem:s19+$0x7310]  }
0x4c5: {  	v4 =	vshll.u32 v3, $0x10;
	[tilespmem:$0x1FA50] =	vst v16;
	v16 =	vld [tilespmem:s19+$0x7320]  }
0x4c6: {  	v35 =	vld [tilespmem:s19+$0x85F0];
	v4 =	vadd.f32 v4, v7  }
0x4c7: {  	v7 =	vadd.f32 v3, v9;
	v3 =	vmul.bf16 v17, v18;
	v17 =	vmul.bf16 v36, v37;
	v37 =	vld [tilespmem:s19+$0x71F0]  }
0x4c8: {  	v18 =	vmul.bf16 v44, v45;
	v44 =	vld [tilespmem:s19+$0x72C0]  }
0x4c9: {  	v45 =	vld [tilespmem:s19+$0x8570]  }
0x4ca: {  	[tilespmem:$0x1FA60] =	vst v16;
	v16 =	vld [tilespmem:s19+$0x8670]  }
0x4cb: {  	v9 =	vshll.u32 v31, $0x10;
	v7 =	vadd.f32 v31, v7;
	v31 =	vld [tilespmem:s19+$0x7300]  }
0x4cc: {  	v9 =	vadd.f32 v9, v4;
	v0 =	vmul.bf16 v0, v8;
	v8 =	vld [tilespmem:s19+$0x8680]  }
0x4cd: {  	v28 =	vmul.bf16 v28, v29;
	v29 =	vld [tilespmem:s19+$0x8650]  }
0x4ce: {  	v4 =	vmul.bf16 v24, v25;
	v26 =	vadd.f32 v9, v7;
	v7 =	vmul.bf16 v38, v39;
	v39 =	vld [tilespmem:s19+$0x8660]  }
0x4cf: {  	v25 =	vmul.bf16 v54, v55;
	v9 =	vmul.bf16 v46, v47;
	[tilespmem:$0x1FA90] =	vst v16;
	v16 =	vld [tilespmem:s19+$0x7270]  }
0x4d0: {  	v24 =	vmul.bf16 v52, v53;
	v46 =	vshll.u32 v18, $0x10;
	v38 =	vld [tilespmem:s19+$0x7260]  }
0x4d1: {  	v52 =	vshll.u32 v25, $0x10;
	v35 =	vmul.bf16 v35, v37;
	v37 =	vld [tilespmem:s19+$0x8610];
	v47 =	vshll.u32 v9, $0x10  }
0x4d2: {  	v9 =	vadd.f32 v9, v18;
	v18 =	vshll.u32 v24, $0x10;
	v36 =	vadd.f32 v47, v46;
	v47 =	vld [tilespmem:s19+$0x7170]  }
0x4d3: {  	v18 =	vadd.f32 v52, v18;
	v52 =	vld [tilespmem:s19+$0x71B0]  }
0x4d4: {  	[tilespmem:$0x1FAA0] =	vst v16;
	v16 =	vld [tilespmem:s19+$0x86E0]  }
0x4d5: {  	v46 =	vmul.bf16 v50, v51;
	v50 =	vmul.bf16 v56, v57;
	v56 =	vld [tilespmem:s19+$0x8690]  }
0x4d6: {  	v20 =	vmul.bf16 v22, v20;
	v57 =	vld [tilespmem:s19+$0x7290]  }
0x4d7: {  	v22 =	vshll.u32 v19, $0x10;
	v31 =	vmul.bf16 v32, v31;
	v32 =	vmul.bf16 v33, v34;
	v33 =	vld [tilespmem:s19+$0x8600]  }
0x4d8: {  	v53 =	vshll.u32 v13, $0x10;
	v13 =	vadd.f32 v13, v9;
	v9 =	vmul.bf16 v42, v43;
	v42 =	vld [tilespmem:s19+$0x86D0]  }
0x4d9: {  	v19 =	vadd.f32 v19, v20;
	v15 =	vshll.u32 v6, $0x10;
	v24 =	vadd.f32 v25, v24;
	[tilespmem:$0x1FA70] =	vst v16;
	v16 =	vld [tilespmem:s19+$0x72E0]  }
0x4da: {  	v54 =	vshll.u32 v14, $0x10;
	v55 =	vshll.u32 v11, $0x10;
	v10 =	vmul.bf16 v10, v12;
	v43 =	vld [tilespmem:s19+$0x72D0]  }
0x4db: {  	v41 =	vmul.bf16 v41, v44;
	v14 =	vadd.f32 v14, v24;
	v18 =	vadd.f32 v54, v18;
	v54 =	vld [tilespmem:s19+$0x8620]  }
0x4dc: {  	v44 =	vshll.u32 v10, $0x10;
	v24 =	vadd.f32 v7, v17;
	v38 =	vmul.bf16 v39, v38;
	v39 =	vld [tilespmem:s19+$0x85A0]  }
0x4dd: {  	v36 =	vadd.f32 v53, v36;
	v14 =	vadd.f32 v11, v14;
	v11 =	vmul.bf16 v48, v49;
	v48 =	vld [tilespmem:s19+$0x85B0]  }
0x4de: {  	v51 =	vshll.u32 v40, $0x10;
	v19 =	vadd.f32 v46, v19;
	v13 =	vadd.f32 v6, v13;
	[tilespmem:$0x1FA80] =	vst v16;
	v16 =	vld [tilespmem:s19+$0x8740]  }
0x4df: {  	v6 =	vshll.u32 v17, $0x10;
	v49 =	vmul.bf16 v58, v59;
	v58 =	vld [tilespmem:s19+$0x8640];
	v15 =	vadd.f32 v15, v36  }
0x4e0: {  	v36 =	vshll.u32 v27, $0x10;
	v18 =	vadd.f32 v55, v18;
	v55 =	vld [tilespmem:s19+$0x71E0];
	v27 =	vadd.f32 v27, v19  }
0x4e1: {  	v17 =	vadd.f32 v15, v13;
	v15 =	vmul.bf16 v60, v61;
	v13 =	vmul.bf16 v62, v63;
	v61 =	vld [tilespmem:$0x1FA40]  }
0x4e2: {  	v63 =	vshll.u32 v46, $0x10;
	v18 =	vadd.f32 v18, v14;
	v60 =	vshll.u32 v0, $0x10;
	v46 =	vld [tilespmem:s19+$0x85E0]  }
0x4e3: {  	v42 =	vmul.bf16 v42, v43;
	v43 =	vld [tilespmem:s19+$0x7160];
	v14 =	vmul.bf16 v16, v30;
	v16 =	vshll.u32 v20, $0x10  }
0x4e4: {  	v62 =	vshll.u32 v49, $0x10;
	v21 =	vmul.bf16 v54, v21;
	v20 =	vld [tilespmem:s19+$0x7280];
	v16 =	vadd.f32 v22, v16  }
0x4e5: {  	v48 =	vmul.bf16 v48, v52;
	v19 =	vld [tilespmem:$0x1FA70];
	v30 =	vshll.u32 v14, $0x10;
	v0 =	vadd.f32 v0, v14  }
0x4e6: {  	v23 =	vmul.bf16 v61, v23;
	v30 =	vadd.f32 v60, v30;
	v53 =	vadd.f32 v63, v16;
	v16 =	vld [tilespmem:$0x1FA50]  }
0x4e7: {  	v22 =	vshll.u32 v50, $0x10;
	v14 =	vadd.f32 v13, v15;
	v60 =	vld [tilespmem:$0x1FA80];
	v0 =	vadd.f32 v49, v0  }
0x4e8: {  	v15 =	vshll.u32 v15, $0x10;
	v63 =	vld [tilespmem:$0x1FA60];
	v30 =	vadd.f32 v62, v30;
	v36 =	vadd.f32 v36, v53  }
0x4e9: {  	v61 =	vld [tilespmem:$0x1FAA0];
	v62 =	vshll.u32 v41, $0x10;
	v41 =	vadd.f32 v42, v41;
	v8 =	vmul.bf16 v8, v20  }
0x4ea: {  	v20 =	vmul.bf16 v56, v57;
	v56 =	vld [tilespmem:s19+$0x7210];
	v0 =	vadd.f32 v40, v0;
	v30 =	vadd.f32 v51, v30  }
0x4eb: {  	v49 =	vshll.u32 v23, $0x10;
	v27 =	vadd.f32 v36, v27;
	v36 =	vld [tilespmem:s19+$0x7250];
	v51 =	vadd.f32 v32, v31  }
0x4ec: {  	v59 =	vmul.bf16 v19, v60;
	v19 =	vld [tilespmem:$0x1FA90];
	v60 =	vshll.u32 v8, $0x10;
	v8 =	vadd.f32 v20, v8  }
0x4ed: {  	v53 =	vld [tilespmem:s19+$0x7240];
	v16 =	vmul.bf16 v16, v63;
	v63 =	vshll.u32 v42, $0x10;
	v0 =	vadd.f32 v30, v0  }
0x4ee: {  	v40 =	vshll.u32 v28, $0x10;
	v42 =	vld [tilespmem:s19+$0x7200];
	v34 =	vadd.f32 v63, v62;
	v8 =	vadd.f32 v10, v8  }
0x4ef: {  	v62 =	vld [tilespmem:s19+$0x85C0];
	v12 =	vshll.u32 v59, $0x10;
	v41 =	vadd.f32 v59, v41;
	v59 =	vshll.u32 v35, $0x10  }
0x4f0: {  	v63 =	vld [tilespmem:s19+$0x85D0];
	v37 =	vmul.bf16 v37, v56;
	v12 =	vadd.f32 v12, v34;
	v8 =	vadd.f32 v23, v8  }
0x4f1: {  	v10 =	vld [tilespmem:s19+$0x71D0];
	v29 =	vmul.bf16 v29, v36;
	v19 =	vmul.bf16 v19, v61;
	v61 =	vshll.u32 v20, $0x10  }
0x4f2: {  	v23 =	vld [tilespmem:s19+$0x8540];
	v20 =	vshll.u32 v31, $0x10;
	v12 =	vadd.f32 v22, v12;
	v22 =	vadd.f32 v50, v41  }
0x4f3: {  	v31 =	vld [tilespmem:s19+$0x71C0];
	v41 =	vmul.bf16 v45, v47;
	v33 =	vmul.bf16 v33, v42;
	v57 =	vadd.f32 v61, v60  }
0x4f4: {  	v36 =	vld [tilespmem:s19+$0x8550];
	v42 =	vshll.u32 v21, $0x10;
	v61 =	vshll.u32 v37, $0x10;
	v12 =	vadd.f32 v12, v22  }
0x4f5: {  	v47 =	vld [tilespmem:s19+$0x7140];
	v60 =	vshll.u32 v33, $0x10;
	v33 =	vadd.f32 v37, v33;
	v44 =	vadd.f32 v44, v57  }
0x4f6: {  	v22 =	vshll.u32 v41, $0x10;
	v37 =	vld [tilespmem:s19+$0x7150];
	v10 =	vmul.bf16 v63, v10;
	v63 =	vmul.bf16 v46, v55  }
0x4f7: {  	v30 =	vld [tilespmem:s19+$0x8560];
	v21 =	vadd.f32 v21, v33;
	v44 =	vadd.f32 v49, v44;
	v49 =	vmul.bf16 v58, v53  }
0x4f8: {  	v56 =	vld [tilespmem:s19+$0x7180];
	v31 =	vmul.bf16 v62, v31;
	v62 =	vadd.f32 v61, v60;
	v58 =	vshll.u32 v10, $0x10  }
0x4f9: {  	v60 =	vld [tilespmem:s19+$0x8590];
	v61 =	vshll.u32 v63, $0x10;
	v21 =	vadd.f32 v28, v21;
	v8 =	vadd.f32 v44, v8  }
0x4fa: {  	v23 =	vmul.bf16 v23, v47;
	v44 =	vld [tilespmem:s19+$0x8580];
	v33 =	vadd.f32 v29, v49;
	v34 =	vadd.f32 v42, v62  }
0x4fb: {  	v57 =	vshll.u32 v31, $0x10;
	v10 =	vadd.f32 v10, v31;
	v31 =	vld [tilespmem:s19+$0x7190];
	v36 =	vmul.bf16 v36, v37  }
0x4fc: {  	v28 =	vmul.bf16 v30, v43;
	v30 =	vld [tilespmem:s19+$0x71A0];
	v50 =	vadd.f32 v58, v57;
	v34 =	vadd.f32 v40, v34  }
0x4fd: {  	v47 =	vshll.u32 v23, $0x10;
	v10 =	vadd.f32 v63, v10;
	v23 =	vadd.f32 v36, v23  }
0x4fe: {  	v62 =	vadd.f32 v61, v50;
	v50 =	vshll.u32 v36, $0x10;
	v21 =	vadd.f32 v34, v21  }
0x4ff: {  	v63 =	vshll.u32 v28, $0x10;
	v10 =	vadd.f32 v35, v10;
	v35 =	vadd.f32 v50, v47  }
0x500: {  	(xrf2) =	vadd.scan.msk.f32 $0xffff, v26;
	v45 =	vadd.f32 v59, v62;
	v52 =	vmul.bf16 v44, v56;
	v31 =	vmul.bf16 v60, v31  }
0x501: {  	(xrf2) =	vadd.scan.msk.f32 $0xffff, v17;
	v23 =	vadd.f32 v28, v23;
	v26 =	vmul.bf16 v39, v30;
	v17 =	vadd.f32 v63, v35  }
0x502: {  	v10 =	vadd.f32 v45, v10;
	v28 =	vshll.u32 v52, $0x10;
	v30 =	vshll.u32 v31, $0x10  }
0x503: {  	(xrf2) =	vadd.scan.msk.f32 $0xffff, v18;
	v18 =	vadd.f32 v30, v28;
	v28 =	vadd.f32 v31, v52;
	v30 =	vshll.u32 v49, $0x10  }
0x504: {  	(xrf2) =	vadd.scan.msk.f32 $0xffff, v27;
	v17 =	vadd.f32 v22, v17;
	v22 =	vadd.f32 v41, v23;
	v23 =	vshll.u32 v26, $0x10  }
0x505: {  	(xrf2) =	vadd.scan.msk.f32 $0xffff, v0;
	v0 =	vadd.f32 v23, v18;
	v18 =	vadd.f32 v26, v28;
	v23 =	vshll.u32 v29, $0x10  }
0x506: {  	(xrf2) =	vadd.scan.msk.f32 $0xffff, v12;
	v12 =	vadd.f32 v17, v22;
	v17 =	vshll.u32 v48, $0x10;
	v22 =	vadd.f32 v23, v30  }
0x507: {  	(xrf2) =	vadd.scan.msk.f32 $0xffff, v8;
	v0 =	vadd.f32 v17, v0;
	v8 =	vadd.f32 v48, v18;
	v17 =	vshll.u32 v38, $0x10  }
0x508: {  	(xrf2) =	vadd.scan.msk.f32 $0xffff, v21;
	v21 =	vshll.u32 v32, $0x10;
	v18 =	vadd.f32 v38, v33;
	v17 =	vadd.f32 v17, v22  }
0x509: {  	(xrf2) =	vadd.scan.msk.f32 $0xffff, v10;
	v10 =	vadd.f32 v21, v20;
	v0 =	vadd.f32 v0, v8;
	v8 =	vshll.u32 v19, $0x10  }
0x50a: {  	(xrf2) =	vadd.scan.msk.f32 $0xffff, v12;
	v12 =	vadd.f32 v19, v18;
	v8 =	vadd.f32 v8, v17;
	v17 =	vshll.u32 v16, $0x10  }
0x50b: {  	v13 =	vshll.u32 v13, $0x10;
	v16 =	vadd.f32 v16, v51;
	v10 =	vadd.f32 v17, v10  }
0x50c: {  	v13 =	vadd.f32 v13, v15;
	v18, _, _ =	vpop (xrf2);
	(xrf2) =	vadd.scan.msk.f32 $0xffff, v0;
	v8 =	vadd.f32 v8, v12;
	v12 =	vshll.u32 v11, $0x10  }
0x50d: {  	v11 =	vadd.f32 v11, v16;
	v0, _, _ =	vpop (xrf2);
	v10 =	vadd.f32 v12, v10;
	v12 =	vshll.u32 v9, $0x10  }
0x50e: {  	v7 =	vshll.u32 v7, $0x10;
	v9 =	vadd.f32 v9, v14;
	v15, _, _ =	vpop (xrf2);
	v12 =	vadd.f32 v12, v13  }
0x50f: {  	v6 =	vadd.f32 v7, v6;
	v7 =	vld [tilespmem:s19+$0x7530];
	(xrf2) =	vadd.scan.msk.f32 $0xffff, v8;
	v16, _, _ =	vpop (xrf2);
	v10 =	vadd.f32 v10, v11;
	v11 =	vshll.u32 v4, $0x10  }
0x510: {  	v17 =	vld [tilespmem:$0x1FAB0];
	v4 =	vadd.f32 v4, v9;
	v9 =	vshll.u32 v3, $0x10;
	v8, _, _ =	vpop (xrf2);
	v11 =	vadd.f32 v11, v12  }
0x511: {  	v13 =	vld [tilespmem:s19+$0x8930];
	v3 =	vadd.f32 v3, v24;
	v14, _, _ =	vpop (xrf2)  }
0x512: {  	v25 =	vshll.u32 v5, $0x10;
	v5 =	vadd.f32 v2, v5;
	(xrf2) =	vadd.scan.msk.f32 $0xffff, v10;
	v12, _, _ =	vpop (xrf2)  }
0x513: {  	v2 =	vshll.u32 v2, $0x10;
	v6 =	vadd.f32 v9, v6;
	v4 =	vadd.f32 v11, v4;
	v9, _, _ =	vpop (xrf2)  }
0x514: {  	v2 =	vadd.f32 v2, v25;
	v10 =	vshll.u32 v1, $0x10;
	v11, _, _ =	vpop (xrf2)  }
0x515: {  	v1 =	vadd.f32 v1, v3;
	v6 =	vadd.f32 v10, v6;
	v10 =	vshll.u32 v17, $0x10;
	(xrf2) =	vadd.scan.msk.f32 $0xffff, v4;
	v3, _, _ =	vpop (xrf2)  }
0x516: {  	v5 =	vadd.f32 v17, v5;
	v7 =	vmul.bf16 v13, v7;
	v2 =	vadd.f32 v10, v2;
	v53, _, _ =	vpop (xrf2)  }
0x517: {  	v1 =	vadd.f32 v6, v1;
	v3 =	vbroadcast v3, $0xF;
	v4 =	vbroadcast v53, $0xF  }
0x518: {  	v6 =	vshll.u32 v7, $0x10;
	v10 =	vbroadcast v11, $0xF;
	v5 =	vadd.f32 v7, v5  }
0x519: {  	v2 =	vadd.f32 v6, v2;
	(xrf2) =	vadd.scan.msk.f32 $0xffff, v1;
	v54, _, _ =	vpop (xrf2);
	v1 =	vsel vm0, v3, v4;
	v3 =	vbroadcast v9, $0xF  }
0x51a: {  	v4 =	vbroadcast v54, $0xF;
	v1 =	vsel vm1, v1, v10  }
0x51b: {  	v2 =	vadd.f32 v2, v5;
	v1 =	vsel vm2, v1, v3;
	v3 =	vbroadcast v12, $0xF  }
0x51c: {  	v55 =	vbroadcast v14, $0xF;
	v56, _, _ =	vpop (xrf2);
	v1 =	vsel vm3, v1, v4  }
0x51d: {  	(xrf2) =	vadd.scan.msk.f32 $0xffff, v2;
	v2 =	vbroadcast v56, $0xF;
	v1 =	vsel vm4, v1, v3  }
0x51e: {  	v3 =	vbroadcast v8, $0xF;
	v1 =	vsel vm5, v1, v55  }
0x51f: {  	v57, _, _ =	vpop (xrf2);
	v1 =	vsel vm6, v1, v2;
	v2 =	vbroadcast v16, $0xF  }
0x520: {  	v1 =	vsel vm7, v1, v3;
	v3 =	vbroadcast v57, $0xF  }
0x521: {  	v1 =	vsel vm8, v1, v2;
	v2 =	vbroadcast v15, $0xF  }
0x522: {  	v0 =	vbroadcast v0, $0xF;
	v1 =	vsel vm9, v1, v3  }
0x523: {  	v1 =	vsel vm10, v1, v2  }
0x524: {  	v3, _, _ =	vpop (xrf2);
	v0 =	vsel vm11, v1, v0;
	v1 =	vbroadcast v18, $0xF  }
0x525: {  	v2 =	vbroadcast v3, $0xF;
	_ =	sdelay $0x1  }
0x526: {  	v0 =	vsel vm12, v0, v2  }
0x527: {  	v0 =	vsel vm13, v0, v1;
	v1, _, _ =	vpop (xrf2)  }
0x528: {  	s19 =	simm.s32 $0x74E0;
	v0 =	vsel vm14, v0, v1  }
0x529: {  	s20 =	simm.s32 $0x7F0;
	[tilespmem:s19+$0x0] =	vst v0  }
0x52a: {  	v0 =	vld [tilespmem:s20+$0x88F0]  }
0x52b: {  	v1 =	vld [tilespmem:s20+$0x74F0]  }
0x52c: {  	v2 =	vld [tilespmem:s20+$0x8920]  }
0x52d: {  	v3 =	vld [tilespmem:s20+$0x7520]  }
0x52e: {  	v18 =	vld [tilespmem:s20+$0x88B0]  }
0x52f: {  	v4 =	vld [tilespmem:s20+$0x74B0]  }
0x530: {  	v6 =	vld [tilespmem:s20+$0x8870]  }
0x531: {  	v7 =	vld [tilespmem:s20+$0x7470]  }
0x532: {  	v8 =	vld [tilespmem:s20+$0x88E0]  }
0x533: {  	v9 =	vld [tilespmem:s20+$0x74E0]  }
0x534: {  	v10 =	vld [tilespmem:s20+$0x8900]  }
0x535: {  	v11 =	vld [tilespmem:s20+$0x7500]  }
0x536: {  	v12 =	vld [tilespmem:s20+$0x8910]  }
0x537: {  	v13 =	vld [tilespmem:s20+$0x7510]  }
0x538: {  	v14 =	vld [tilespmem:s20+$0x8830]  }
0x539: {  	v15 =	vld [tilespmem:s20+$0x7430]  }
0x53a: {  	v16 =	vld [tilespmem:s20+$0x88A0]  }
0x53b: {  	v17 =	vld [tilespmem:s20+$0x74A0]  }
0x53c: {  	v34 =	vld [tilespmem:s20+$0x87F0]  }
0x53d: {  	v19 =	vld [tilespmem:s20+$0x73F0]  }
0x53e: {  	v20 =	vld [tilespmem:s20+$0x8860]  }
0x53f: {  	v21 =	vld [tilespmem:s20+$0x7460]  }
0x540: {  	v22 =	vld [tilespmem:s20+$0x88C0]  }
0x541: {  	v23 =	vld [tilespmem:s20+$0x74C0]  }
0x542: {  	v24 =	vld [tilespmem:s20+$0x88D0]  }
0x543: {  	v25 =	vld [tilespmem:s20+$0x74D0]  }
0x544: {  	v26 =	vld [tilespmem:s20+$0x87B0]  }
0x545: {  	v27 =	vld [tilespmem:s20+$0x73B0]  }
0x546: {  	v28 =	vld [tilespmem:s20+$0x8820]  }
0x547: {  	v29 =	vld [tilespmem:s20+$0x7420]  }
0x548: {  	v30 =	vld [tilespmem:s20+$0x8880]  }
0x549: {  	v31 =	vld [tilespmem:s20+$0x7480]  }
0x54a: {  	v32 =	vld [tilespmem:s20+$0x8890]  }
0x54b: {  	v33 =	vld [tilespmem:s20+$0x7490]  }
0x54c: {  	v43 =	vld [tilespmem:s20+$0x8770]  }
0x54d: {  	v42 =	vld [tilespmem:s20+$0x7370]  }
0x54e: {  	v55 =	vld [tilespmem:s20+$0x87E0]  }
0x54f: {  	v54 =	vld [tilespmem:s20+$0x73E0]  }
0x550: {  	v38 =	vld [tilespmem:s20+$0x8840]  }
0x551: {  	v39 =	vld [tilespmem:s20+$0x7440]  }
0x552: {  	v40 =	vld [tilespmem:s20+$0x8850]  }
0x553: {  	v41 =	vld [tilespmem:s20+$0x7450]  }
0x554: {  	v58 =	vld [tilespmem:s20+$0x8730]  }
0x555: {  	v59 =	vld [tilespmem:s20+$0x7330]  }
0x556: {  	v44 =	vld [tilespmem:s20+$0x87A0]  }
0x557: {  	v45 =	vld [tilespmem:s20+$0x73A0]  }
0x558: {  	v46 =	vld [tilespmem:s20+$0x8800]  }
0x559: {  	v47 =	vld [tilespmem:s20+$0x7400]  }
0x55a: {  	v48 =	vld [tilespmem:s20+$0x8810]  }
0x55b: {  	v49 =	vld [tilespmem:s20+$0x7410]  }
0x55c: {  	v50 =	vld [tilespmem:s20+$0x86F0]  }
0x55d: {  	v51 =	vld [tilespmem:s20+$0x72F0]  }
0x55e: {  	v52 =	vld [tilespmem:s20+$0x8760]  }
0x55f: {  	v53 =	vld [tilespmem:s20+$0x7360]  }
0x560: {  	v60 =	vld [tilespmem:s20+$0x87C0]  }
0x561: {  	v56 =	vld [tilespmem:s20+$0x73C0]  }
0x562: {  	v61 =	vld [tilespmem:s20+$0x87D0]  }
0x563: {  	v62 =	vld [tilespmem:s20+$0x73D0]  }
0x564: {  	v63 =	vld [tilespmem:s20+$0x86B0]  }
0x565: {  	v35 =	vld [tilespmem:s20+$0x72B0]  }
0x566: {  	v37 =	vld [tilespmem:s20+$0x7320]  }
0x567: {  	v36 =	vld [tilespmem:s20+$0x8720]  }
0x568: {  	v57 =	vld [tilespmem:s20+$0x8670]  }
0x569: {  	[tilespmem:$0x1FB10] =	vst v62;
	v62 =	vld [tilespmem:s20+$0x8780]  }
0x56a: {  	[tilespmem:$0x1FB20] =	vst v63;
	v63 =	vld [tilespmem:s20+$0x7380]  }
0x56b: {  	[tilespmem:$0x1FB50] =	vst v37;
	v37 =	vld [tilespmem:s20+$0x8790]  }
0x56c: {  	[tilespmem:$0x1FB40] =	vst v36;
	v36 =	vld [tilespmem:s20+$0x7390]  }
0x56d: {  	[tilespmem:$0x1FAD0] =	vst v58;
	v58 =	vld [tilespmem:s20+$0x7270]  }
0x56e: {  	[tilespmem:$0x1FAE0] =	vst v59;
	v59 =	vld [tilespmem:s20+$0x86E0]  }
0x56f: {  	[tilespmem:$0x1FAF0] =	vst v60;
	v60 =	vld [tilespmem:s20+$0x72E0]  }
0x570: {  	[tilespmem:$0x1FB30] =	vst v35;
	v35 =	vld [tilespmem:s20+$0x8740]  }
0x571: {  	v22 =	vmul.bf16 v22, v23;
	v23 =	vmul.bf16 v24, v25;
	v24 =	vld [tilespmem:s20+$0x7340]  }
0x572: {  	v6 =	vmul.bf16 v6, v7;
	v7 =	vld [tilespmem:s20+$0x8750]  }
0x573: {  	v25 =	vld [tilespmem:s20+$0x7350]  }
0x574: {  	v10 =	vmul.bf16 v10, v11;
	v11 =	vld [tilespmem:s20+$0x7230]  }
0x575: {  	v5 =	vmul.bf16 v0, v1;
	v0 =	vmul.bf16 v34, v19;
	v19 =	vld [tilespmem:s20+$0x7300]  }
0x576: {  	[tilespmem:$0x1FB80] =	vst v57;
	v57 =	vmul.bf16 v32, v33;
	v32 =	vld [tilespmem:s20+$0x71F0]  }
0x577: {  	v33 =	vld [tilespmem:s20+$0x8660]  }
0x578: {  	v34 =	vmul.bf16 v43, v42;
	v42 =	vld [tilespmem:s20+$0x8570]  }
0x579: {  	v1 =	vld [tilespmem:$0x1FAE0];
	[tilespmem:$0x1FAC0] =	vst v0  }
0x57a: {  	v0 =	vld [tilespmem:$0x1FAD0];
	[tilespmem:$0x1FB60] =	vst v59  }
0x57b: {  	[tilespmem:$0x1FB70] =	vst v60;
	v59 =	vmul.bf16 v2, v3;
	v60 =	vmul.bf16 v18, v4;
	v18 =	vld [tilespmem:s20+$0x8630]  }
0x57c: {  	[tilespmem:$0x1FB90] =	vst v58;
	v3 =	vmul.bf16 v8, v9;
	v58 =	vmul.bf16 v12, v13;
	v13 =	vld [tilespmem:s20+$0x86A0]  }
0x57d: {  	v2 =	vshll.u32 v22, $0x10;
	v8 =	vshll.u32 v23, $0x10;
	v12 =	vmul.bf16 v20, v21;
	v21 =	vld [tilespmem:s20+$0x8710]  }
0x57e: {  	[tilespmem:$0x1FB00] =	vst v61;
	v36 =	vmul.bf16 v37, v36;
	v37 =	vld [tilespmem:s20+$0x7170];
	v61 =	vadd.f32 v8, v2;
	v8 =	vadd.f32 v23, v22  }
0x57f: {  	v20 =	vmul.bf16 v30, v31;
	v22 =	vmul.bf16 v38, v39;
	v38 =	vld [tilespmem:s20+$0x72C0];
	v9 =	vshll.u32 v3, $0x10  }
0x580: {  	v23 =	vmul.bf16 v40, v41;
	v39 =	vld [tilespmem:s20+$0x86D0];
	v4 =	vadd.f32 v9, v61;
	v8 =	vadd.f32 v3, v8  }
0x581: {  	v41 =	vld [tilespmem:s20+$0x72D0];
	v0 =	vmul.bf16 v0, v1;
	v9 =	vmul.bf16 v14, v15;
	v14 =	vshll.u32 v5, $0x10  }
0x582: {  	v2 =	vld [tilespmem:$0x1FB10];
	v61 =	vmul.bf16 v16, v17;
	v14 =	vadd.f32 v14, v4;
	v5 =	vadd.f32 v5, v8  }
0x583: {  	v40 =	vld [tilespmem:s20+$0x7280];
	v16 =	vmul.bf16 v26, v27;
	v27 =	vmul.bf16 v48, v49;
	v30 =	vshll.u32 v22, $0x10  }
0x584: {  	v1 =	vld [tilespmem:$0x1FAF0];
	v8 =	vmul.bf16 v28, v29;
	v28 =	vadd.f32 v14, v5;
	v14 =	vmul.bf16 v46, v47  }
0x585: {  	v15 =	vld [tilespmem:s20+$0x72A0];
	v31 =	vshll.u32 v23, $0x10;
	v22 =	vadd.f32 v23, v22;
	v23 =	vshll.u32 v12, $0x10  }
0x586: {  	v17 =	vld [tilespmem:s20+$0x8700];
	v30 =	vadd.f32 v31, v30;
	v49 =	vshll.u32 v14, $0x10;
	v14 =	vadd.f32 v27, v14  }
0x587: {  	v26 =	vld [tilespmem:s20+$0x7310];
	v31 =	vshll.u32 v27, $0x10;
	v12 =	vadd.f32 v12, v22;
	v27 =	vshll.u32 v8, $0x10  }
0x588: {  	v48 =	vld [tilespmem:s20+$0x8680];
	v31 =	vadd.f32 v31, v49;
	v14 =	vadd.f32 v8, v14;
	v8 =	vmul.bf16 v55, v54  }
0x589: {  	v23 =	vadd.f32 v23, v30;
	v55 =	vmul.bf16 v44, v45;
	v44 =	vmul.bf16 v1, v56;
	v1 =	vld [tilespmem:$0x1FB00]  }
0x58a: {  	v29 =	vld [tilespmem:s20+$0x85F0];
	v22 =	vadd.f32 v27, v31;
	v31 =	vshll.u32 v6, $0x10  }
0x58b: {  	v30 =	vld [tilespmem:s20+$0x7260];
	v6 =	vadd.f32 v6, v12;
	v23 =	vadd.f32 v31, v23;
	v31 =	vshll.u32 v9, $0x10  }
0x58c: {  	v47 =	vld [tilespmem:s20+$0x7290];
	v14 =	vadd.f32 v9, v14;
	v12 =	vadd.f32 v31, v22  }
0x58d: {  	(xrf2) =	vadd.scan.msk.f32 $0xffff, v28;
	v28 =	vld [tilespmem:s20+$0x85C0]  }
0x58e: {  	v43 =	vadd.f32 v12, v14;
	v12 =	vmul.bf16 v1, v2;
	v1 =	vld [tilespmem:$0x1FB20]  }
0x58f: {  	v2 =	vld [tilespmem:$0x1FB30]  }
0x590: {  	v49 =	vld [tilespmem:s20+$0x71B0]  }
0x591: {  	v45 =	vld [tilespmem:s20+$0x85B0]  }
0x592: {  	v7 =	vmul.bf16 v7, v25;
	v25 =	vshll.u32 v36, $0x10;
	v15 =	vmul.bf16 v13, v15;
	v54 =	vld [tilespmem:s20+$0x7240]  }
0x593: {  	v27 =	vld [tilespmem:s20+$0x86C0];
	v31 =	vmul.bf16 v50, v51;
	v23 =	vadd.f32 v23, v6;
	v6 =	vmul.bf16 v62, v63  }
0x594: {  	v56 =	vshll.u32 v7, $0x10;
	v14 =	vmul.bf16 v35, v24;
	v46 =	vmul.bf16 v1, v2;
	v1 =	vld [tilespmem:$0x1FB40]  }
0x595: {  	v22 =	vmul.bf16 v52, v53;
	v62 =	vshll.u32 v55, $0x10;
	v24 =	vshll.u32 v6, $0x10;
	v2 =	vld [tilespmem:$0x1FB50]  }
0x596: {  	v50 =	vld [tilespmem:s20+$0x8690];
	v6 =	vadd.f32 v36, v6;
	v24 =	vadd.f32 v25, v24;
	v25 =	vshll.u32 v14, $0x10  }
0x597: {  	v52 =	vld [tilespmem:s20+$0x85E0];
	v63 =	vshll.u32 v16, $0x10;
	v7 =	vadd.f32 v7, v14;
	v25 =	vadd.f32 v56, v25  }
0x598: {  	v51 =	vld [tilespmem:s20+$0x71C0];
	v14 =	vshll.u32 v22, $0x10;
	v6 =	vadd.f32 v55, v6;
	v24 =	vadd.f32 v62, v24  }
0x599: {  	v35 =	vld [tilespmem:s20+$0x8620];
	v7 =	vadd.f32 v22, v7;
	v22 =	vshll.u32 v34, $0x10;
	v25 =	vadd.f32 v14, v25  }
0x59a: {  	v62 =	vadd.f32 v58, v10;
	v6 =	vadd.f32 v16, v6;
	v14 =	vmul.bf16 v1, v2;
	v1 =	vld [tilespmem:$0x1FB60]  }
0x59b: {  	v47 =	vmul.bf16 v50, v47;
	v34 =	vadd.f32 v34, v7;
	v25 =	vadd.f32 v22, v25;
	v2 =	vld [tilespmem:$0x1FB70]  }
0x59c: {  	v36 =	vld [tilespmem:s20+$0x7220];
	(xrf2) =	vadd.scan.msk.f32 $0xffff, v23;
	v24 =	vadd.f32 v63, v24;
	v22 =	vmul.bf16 v18, v11;
	v11 =	vmul.bf16 v27, v38  }
0x59d: {  	(xrf2) =	vadd.scan.msk.f32 $0xffff, v43;
	v43 =	vld [tilespmem:s20+$0x7180];
	v63 =	vshll.u32 v10, $0x10;
	v10 =	vmul.bf16 v39, v41;
	v55 =	vadd.f32 v25, v34  }
0x59e: {  	v56 =	vld [tilespmem:s20+$0x7250];
	v34 =	vmul.bf16 v17, v19;
	v13 =	vshll.u32 v11, $0x10;
	v17 =	vmul.bf16 v48, v40  }
0x59f: {  	v41 =	vld [tilespmem:s20+$0x8650];
	v11 =	vadd.f32 v10, v11;
	v10 =	vshll.u32 v10, $0x10;
	v19 =	vmul.bf16 v21, v26  }
0x5a0: {  	v26 =	vmul.bf16 v29, v32;
	v29 =	vld [tilespmem:s20+$0x8600];
	v39 =	vadd.f32 v47, v17;
	v5 =	vmul.bf16 v1, v2  }
0x5a1: {  	v50 =	vshll.u32 v15, $0x10;
	v53 =	vadd.f32 v24, v6;
	v40 =	vld [tilespmem:s20+$0x7200];
	v10 =	vadd.f32 v10, v13  }
0x5a2: {  	v21 =	vshll.u32 v47, $0x10;
	v47 =	vld [tilespmem:s20+$0x8610];
	v15 =	vadd.f32 v15, v39;
	v24 =	vshll.u32 v5, $0x10  }
0x5a3: {  	v1 =	vld [tilespmem:$0x1FB80];
	v13 =	vadd.f32 v5, v11;
	v11 =	vshll.u32 v17, $0x10;
	v24 =	vadd.f32 v24, v10  }
0x5a4: {  	v48 =	vshll.u32 v31, $0x10;
	v2 =	vld [tilespmem:$0x1FB90];
	v21 =	vadd.f32 v21, v11;
	v10 =	vadd.f32 v57, v20  }
0x5a5: {  	v11 =	vshll.u32 v20, $0x10;
	v20 =	vadd.f32 v48, v24;
	v24 =	vmul.bf16 v42, v37;
	v37 =	vld [tilespmem:s20+$0x7210]  }
0x5a6: {  	v18 =	vld [tilespmem:s20+$0x71E0];
	v23 =	vshll.u32 v46, $0x10  }
0x5a7: {  	v38 =	vld [tilespmem:s20+$0x8640];
	v29 =	vmul.bf16 v29, v40;
	v15 =	vadd.f32 v46, v15;
	v31 =	vadd.f32 v31, v13  }
0x5a8: {  	v46 =	vld [tilespmem:s20+$0x71D0];
	v17 =	vshll.u32 v44, $0x10;
	v13 =	vadd.f32 v12, v44;
	v21 =	vadd.f32 v50, v21  }
0x5a9: {  	v5 =	vld [tilespmem:s20+$0x85D0];
	v16 =	vmul.bf16 v1, v2;
	v48 =	vmul.bf16 v35, v36;
	v32 =	vadd.f32 v20, v31  }
0x5aa: {  	v27 =	vld [tilespmem:s20+$0x7160];
	v31 =	vshll.u32 v22, $0x10;
	v4 =	vadd.f32 v23, v21;
	v37 =	vmul.bf16 v47, v37  }
0x5ab: {  	v25 =	vld [tilespmem:s20+$0x8560];
	v23 =	vmul.bf16 v33, v30;
	v20 =	vadd.f32 v19, v34;
	v21 =	vshll.u32 v34, $0x10  }
0x5ac: {  	v39 =	vld [tilespmem:s20+$0x8540];
	v36 =	vadd.f32 v4, v15;
	v15 =	vshll.u32 v29, $0x10;
	v47 =	vshll.u32 v37, $0x10  }
0x5ad: {  	v40 =	vld [tilespmem:s20+$0x7140];
	v34 =	vmul.bf16 v38, v54;
	v54 =	vmul.bf16 v28, v51;
	v15 =	vadd.f32 v47, v15  }
0x5ae: {  	v44 =	vld [tilespmem:s20+$0x7150];
	v30 =	vmul.bf16 v41, v56;
	v38 =	vshll.u32 v26, $0x10;
	v56 =	vmul.bf16 v5, v46  }
0x5af: {  	v35 =	vld [tilespmem:s20+$0x85A0];
	v46 =	vmul.bf16 v52, v18;
	v18 =	vshll.u32 v54, $0x10;
	v29 =	vadd.f32 v37, v29  }
0x5b0: {  	v42 =	vld [tilespmem:s20+$0x8550];
	v28 =	vshll.u32 v48, $0x10;
	v33 =	vadd.f32 v30, v34;
	v37 =	vshll.u32 v24, $0x10  }
0x5b1: {  	(xrf2) =	vadd.scan.msk.f32 $0xffff, v53;
	v41 =	vld [tilespmem:s20+$0x8580];
	v47 =	vadd.f32 v48, v29;
	v29 =	vshll.u32 v56, $0x10;
	v48 =	vadd.f32 v28, v15;
	v15, _, _ =	vpop (xrf2)  }
0x5b2: {  	s21 =	simm.s32 $0x2FC0;
	v28 =	vmul.bf16 v45, v49;
	v29 =	vadd.f32 v29, v18;
	v45 =	vld [tilespmem:s20+$0x8590];
	v49 =	vadd.f32 v56, v54;
	(xrf2) =	vadd.scan.msk.f32 $0xffff, v55;
	v18, _, _ =	vpop (xrf2)  }
.LBB2_8:
0x5b3: {  	v50 =	vld [tilespmem:s20+$0x7190]  }
0x5b4: {  	v5 =	vld [tilespmem:s20+$0x71A0];
	_ =	sdelay $0x1  }
0x5b5: {  	v1 =	vadd.f32 v22, v47;
	v51 =	vshll.u32 v46, $0x10;
	v31 =	vadd.f32 v31, v48  }
0x5b6: {  	v27 =	vmul.bf16 v25, v27;
	v25 =	vadd.f32 v51, v29;
	v29 =	vadd.f32 v46, v49  }
0x5b7: {  	v31 =	vadd.f32 v31, v1;
	v46 =	vmul.bf16 v39, v40;
	v48 =	vmul.bf16 v42, v44  }
0x5b8: {  	v51 =	vmul.bf16 v45, v50;
	v52 =	vmul.bf16 v35, v5;
	v26 =	vadd.f32 v26, v29  }
0x5b9: {  	(xrf2) =	vadd.scan.msk.f32 $0xffff, v32;
	v1 =	vshll.u32 v46, $0x10;
	v29 =	vshll.u32 v48, $0x10;
	v32 =	vadd.f32 v48, v46  }
0x5ba: {  	v38 =	vadd.f32 v38, v25;
	v29 =	vadd.f32 v29, v1;
	v1 =	vmul.bf16 v41, v43  }
0x5bb: {  	v49 =	vshll.u32 v27, $0x10;
	v54 =	vshll.u32 v51, $0x10;
	v27 =	vadd.f32 v27, v32  }
0x5bc: {  	v22, _, _ =	vpop (xrf2);
	(xrf2) =	vadd.scan.msk.f32 $0xffff, v36;
	v26 =	vadd.f32 v38, v26;
	v29 =	vadd.f32 v49, v29;
	v53 =	vshll.u32 v1, $0x10  }
0x5bd: {  	v34 =	vshll.u32 v34, $0x10;
	v25, _, _ =	vpop (xrf2);
	(xrf2) =	vadd.scan.msk.f32 $0xffff, v31;
	v55 =	vadd.f32 v51, v1;
	v31 =	vadd.f32 v54, v53  }
0x5be: {  	v24 =	vadd.f32 v24, v27;
	v27 =	vshll.u32 v52, $0x10;
	v29 =	vadd.f32 v37, v29  }
0x5bf: {  	v1 =	vshll.u32 v30, $0x10;
	v27 =	vadd.f32 v27, v31;
	v31 =	vadd.f32 v52, v55  }
0x5c0: {  	v56, _, _ =	vpop (xrf2);
	(xrf2) =	vadd.scan.msk.f32 $0xffff, v26;
	v26 =	vshll.u32 v28, $0x10;
	v24 =	vadd.f32 v29, v24;
	v29 =	vadd.f32 v1, v34  }
0x5c1: {  	v26 =	vadd.f32 v26, v27;
	v27 =	vadd.f32 v28, v31  }
0x5c2: {  	v19 =	vshll.u32 v19, $0x10;
	v28 =	vshll.u32 v23, $0x10;
	v23 =	vadd.f32 v23, v33  }
0x5c3: {  	v30, _, _ =	vpop (xrf2);
	v28 =	vadd.f32 v28, v29;
	(xrf2) =	vadd.scan.msk.f32 $0xffff, v24;
	v24 =	vadd.f32 v26, v27;
	v26 =	vshll.u32 v16, $0x10  }
0x5c4: {  	v16 =	vadd.f32 v16, v23;
	v23 =	vshll.u32 v14, $0x10;
	v14 =	vadd.f32 v14, v20  }
0x5c5: {  	v19 =	vadd.f32 v19, v21  }
0x5c6: {  	v20 =	vshll.u32 v0, $0x10;
	v26 =	vadd.f32 v26, v28;
	v9 =	vadd.f32 v0, v14;
	v0 =	vld [tilespmem:$0x1FAC0]  }
0x5c7: {  	v12 =	vshll.u32 v12, $0x10;
	v21, _, _ =	vpop (xrf2);
	v19 =	vadd.f32 v23, v19;
	(xrf2) =	vadd.scan.msk.f32 $0xffff, v24  }
0x5c8: {  	v12 =	vadd.f32 v12, v17;
	v5 =	vshll.u32 v57, $0x10;
	v1 =	vadd.f32 v26, v16  }
0x5c9: {  	v5 =	vadd.f32 v5, v11;
	v14 =	vshll.u32 v8, $0x10;
	v19 =	vadd.f32 v20, v19  }
0x5ca: {  	v11 =	vld [tilespmem:s20+$0x7530];
	v17, _, _ =	vpop (xrf2);
	v8 =	vadd.f32 v8, v13;
	v12 =	vadd.f32 v14, v12;
	(xrf2) =	vadd.scan.msk.f32 $0xffff, v1  }
0x5cb: {  	v13 =	vld [tilespmem:s20+$0x8930];
	v9 =	vadd.f32 v19, v9;
	v14 =	vshll.u32 v0, $0x10  }
0x5cc: {  	v4 =	vadd.f32 v0, v8;
	v8 =	vshll.u32 v61, $0x10;
	v12 =	vadd.f32 v14, v12  }
0x5cd: {  	v3 =	vadd.f32 v61, v10;
	v2 =	vshll.u32 v58, $0x10;
	v16, _, _ =	vpop (xrf2);
	(xrf2) =	vadd.scan.msk.f32 $0xffff, v9;
	v5 =	vadd.f32 v8, v5  }
0x5ce: {  	v2 =	vadd.f32 v2, v63;
	v8 =	vshll.u32 v60, $0x10;
	v4 =	vadd.f32 v12, v4  }
0x5cf: {  	v1 =	vadd.f32 v60, v3;
	v5 =	vadd.f32 v8, v5  }
0x5d0: {  	v0 =	vadd.f32 v59, v62;
	v6 =	vmul.bf16 v13, v11;
	v7, _, _ =	vpop (xrf2);
	v8 =	vshll.u32 v59, $0x10;
	(xrf2) =	vadd.scan.msk.f32 $0xffff, v4  }
0x5d1: {  	v2 =	vadd.f32 v8, v2;
	v1 =	vadd.f32 v5, v1;
	v3, _, _ =	vpop (xrf2)  }
0x5d2: {  	v40 =	vshll.u32 v6, $0x10;
	v8 =	vbroadcast v7, $0xF;
	v3 =	vbroadcast v3, $0xF  }
0x5d3: {  	v0 =	vadd.f32 v6, v0;
	v7 =	vbroadcast v16, $0xF;
	v2 =	vadd.f32 v40, v2;
	(xrf2) =	vadd.scan.msk.f32 $0xffff, v1  }
0x5d4: {  	v1 =	vsel vm0, v8, v3;
	v3 =	vbroadcast v17, $0xF;
	v41, _, _ =	vpop (xrf2)  }
0x5d5: {  	v0 =	vadd.f32 v2, v0;
	v1 =	vsel vm1, v1, v7;
	v42 =	vbroadcast v41, $0xF  }
0x5d6: {  	v2 =	vbroadcast v21, $0xF;
	v1 =	vsel vm2, v1, v3  }
0x5d7: {  	v43 =	vbroadcast v30, $0xF;
	v44, _, _ =	vpop (xrf2);
	(xrf2) =	vadd.scan.msk.f32 $0xffff, v0;
	v1 =	vsel vm3, v1, v42  }
0x5d8: {  	v0 =	vsel vm4, v1, v2;
	v1 =	vbroadcast v44, $0xF  }
0x5d9: {  	v2 =	vbroadcast v56, $0xF;
	v0 =	vsel vm5, v0, v43  }
0x5da: {  	v0 =	vsel vm6, v0, v1;
	v1 =	vbroadcast v25, $0xF;
	v3, _, _ =	vpop (xrf2)  }
0x5db: {  	v0 =	vsel vm7, v0, v2;
	v2 =	vbroadcast v3, $0xF  }
0x5dc: {  	v0 =	vsel vm8, v0, v1;
	v1 =	vbroadcast v22, $0xF  }
0x5dd: {  	v3, _, _ =	vpop (xrf2);
	v0 =	vsel vm9, v0, v2;
	v2 =	vbroadcast v18, $0xF  }
0x5de: {  	v3 =	vbroadcast v3, $0xF;
	v0 =	vsel vm10, v0, v1  }
0x5df: {  	v0 =	vsel vm11, v0, v2;
	v2 =	vbroadcast v15, $0xF  }
0x5e0: {  	v0 =	vsel vm12, v0, v3  }
0x5e1: {  	v1, _, _ =	vpop (xrf2);
	v0 =	vsel vm13, v0, v2  }
0x5e2: {  	s19 =	sadd.s32 $0x10, s19;
	v0 =	vsel vm14, v0, v1  }
0x5e3: {  	s20 =	sshra.s32 s21, $0x2;
	[tilespmem:s19+$0x0] =	vst v0  }
0x5e4: {  	v8 =	vld [tilespmem:s20+$0x88F0]  }
0x5e5: {  	v32 =	vld [tilespmem:s20+$0x74F0]  }
0x5e6: {  	v41 =	vld [tilespmem:s20+$0x8920]  }
0x5e7: {  	v44 =	vld [tilespmem:s20+$0x7520]  }
0x5e8: {  	v12 =	vld [tilespmem:s20+$0x88B0]  }
0x5e9: {  	v26 =	vld [tilespmem:s20+$0x74B0]  }
0x5ea: {  	v42 =	vld [tilespmem:s20+$0x8870]  }
0x5eb: {  	v46 =	vld [tilespmem:s20+$0x7470]  }
0x5ec: {  	v28 =	vld [tilespmem:s20+$0x88E0]  }
0x5ed: {  	v37 =	vld [tilespmem:s20+$0x74E0]  }
0x5ee: {  	v10 =	vld [tilespmem:s20+$0x8900]  }
0x5ef: {  	v34 =	vld [tilespmem:s20+$0x7500]  }
0x5f0: {  	v11 =	vld [tilespmem:s20+$0x8910]  }
0x5f1: {  	v30 =	vld [tilespmem:s20+$0x7510]  }
0x5f2: {  	v16 =	vld [tilespmem:s20+$0x8830]  }
0x5f3: {  	v14 =	vld [tilespmem:s20+$0x7430]  }
0x5f4: {  	v15 =	vld [tilespmem:s20+$0x88A0]  }
0x5f5: {  	v13 =	vld [tilespmem:s20+$0x74A0]  }
0x5f6: {  	v18 =	vld [tilespmem:s20+$0x87F0]  }
0x5f7: {  	v17 =	vld [tilespmem:s20+$0x73F0]  }
0x5f8: {  	v36 =	vld [tilespmem:s20+$0x8860]  }
0x5f9: {  	v43 =	vld [tilespmem:s20+$0x7460]  }
0x5fa: {  	v58 =	vld [tilespmem:s20+$0x88C0]  }
0x5fb: {  	v59 =	vld [tilespmem:s20+$0x74C0]  }
0x5fc: {  	v60 =	vld [tilespmem:s20+$0x88D0]  }
0x5fd: {  	v61 =	vld [tilespmem:s20+$0x74D0]  }
0x5fe: {  	v52 =	vld [tilespmem:s20+$0x87B0]  }
0x5ff: {  	v56 =	vld [tilespmem:s20+$0x73B0]  }
0x600: {  	v50 =	vld [tilespmem:s20+$0x8820]  }
0x601: {  	v55 =	vld [tilespmem:s20+$0x7420]  }
0x602: {  	v47 =	vld [tilespmem:s20+$0x8880]  }
0x603: {  	v51 =	vld [tilespmem:s20+$0x7480]  }
0x604: {  	v53 =	vld [tilespmem:s20+$0x8890]  }
0x605: {  	v57 =	vld [tilespmem:s20+$0x7490]  }
0x606: {  	v19 =	vld [tilespmem:s20+$0x8770]  }
0x607: {  	v24 =	vld [tilespmem:s20+$0x7370]  }
0x608: {  	v0 =	vld [tilespmem:s20+$0x87E0]  }
0x609: {  	v62 =	vld [tilespmem:s20+$0x8840]  }
0x60a: {  	v63 =	vld [tilespmem:s20+$0x7440]  }
0x60b: {  	v6 =	vld [tilespmem:s20+$0x8850]  }
0x60c: {  	v4 =	vld [tilespmem:s20+$0x7450]  }
0x60d: {  	v20 =	vld [tilespmem:s20+$0x7330]  }
0x60e: {  	v22 =	vld [tilespmem:s20+$0x87A0]  }
0x60f: {  	v25 =	vld [tilespmem:s20+$0x73A0]  }
0x610: {  	v3 =	vld [tilespmem:s20+$0x8800]  }
0x611: {  	v2 =	vld [tilespmem:s20+$0x7400]  }
0x612: {  	v1 =	vld [tilespmem:s20+$0x8810]  }
0x613: {  	v29 =	vld [tilespmem:s20+$0x86F0]  }
0x614: {  	v39 =	vld [tilespmem:s20+$0x72F0]  }
0x615: {  	v31 =	vld [tilespmem:s20+$0x8760]  }
0x616: {  	v38 =	vld [tilespmem:s20+$0x7360]  }
0x617: {  	v27 =	vld [tilespmem:s20+$0x87C0]  }
0x618: {  	v33 =	vld [tilespmem:s20+$0x73C0]  }
0x619: {  	v35 =	vld [tilespmem:s20+$0x87D0]  }
0x61a: {  	v40 =	vld [tilespmem:s20+$0x73D0]  }
0x61b: {  	v45 =	vld [tilespmem:s20+$0x86B0]  }
0x61c: {  	v48 =	vld [tilespmem:s20+$0x72B0]  }
0x61d: {  	v49 =	vld [tilespmem:s20+$0x8720]  }
0x61e: {  	v54 =	vld [tilespmem:s20+$0x7320]  }
0x61f: {  	v5 =	vld [tilespmem:s20+$0x8670]  }
0x620: {  	v23 =	vld [tilespmem:s20+$0x8740]  }
0x621: {  	v7 =	vld [tilespmem:s20+$0x7340]  }
0x622: {  	v21 =	vld [tilespmem:s20+$0x8750]  }
0x623: {  	v9 =	vld [tilespmem:s20+$0x7350]  }
0x624: {  	[tilespmem:$0x1F970] =	vst v0;
	v0 =	vld [tilespmem:s20+$0x73E0]  }
0x625: {  	[tilespmem:$0x1F9A0] =	vst v45;
	v45 =	vld [tilespmem:s20+$0x8780]  }
0x626: {  	[tilespmem:$0x1F9B0] =	vst v48;
	v48 =	vld [tilespmem:s20+$0x7380]  }
0x627: {  	[tilespmem:$0x1F9C0] =	vst v49;
	v49 =	vld [tilespmem:s20+$0x8790]  }
0x628: {  	[tilespmem:$0x1F9D0] =	vst v54;
	v54 =	vld [tilespmem:s20+$0x7390]  }
0x629: {  	[tilespmem:$0x1FA00] =	vst v5;
	v5 =	vld [tilespmem:s20+$0x7270]  }
0x62a: {  	v28 =	vmul.bf16 v28, v37;
	v37 =	vld [tilespmem:s20+$0x7230]  }
0x62b: {  	v8 =	vmul.bf16 v8, v32;
	v10 =	vmul.bf16 v10, v34;
	v34 =	vld [tilespmem:s20+$0x86A0]  }
0x62c: {  	v32 =	vmul.bf16 v58, v59;
	v59 =	vmul.bf16 v42, v46;
	v42 =	vld [tilespmem:s20+$0x72A0]  }
0x62d: {  	v4 =	vmul.bf16 v6, v4;
	v6 =	vld [tilespmem:s20+$0x86C0]  }
0x62e: {  	v57 =	vmul.bf16 v53, v57;
	v53 =	vld [tilespmem:s20+$0x7170]  }
0x62f: {  	v44 =	vmul.bf16 v41, v44;
	v39 =	vmul.bf16 v29, v39;
	v29 =	vld [tilespmem:s20+$0x71B0]  }
0x630: {  	v41 =	vmul.bf16 v60, v61;
	v7 =	vmul.bf16 v23, v7;
	v23 =	vld [tilespmem:$0x1F9B0]  }
0x631: {  	[tilespmem:$0x1FA10] =	vst v5;
	v5 =	vld [tilespmem:s20+$0x86E0]  }
0x632: {  	v60 =	vshll.u32 v32, $0x10;
	v61 =	vshll.u32 v41, $0x10;
	v32 =	vadd.f32 v41, v32;
	v41 =	vld [tilespmem:s20+$0x7300]  }
0x633: {  	[tilespmem:$0x1F980] =	vst v0;
	v0 =	vld [tilespmem:s20+$0x8730]  }
0x634: {  	[tilespmem:$0x1FA20] =	vst v44;
	v44 =	vadd.f32 v61, v60;
	v61 =	vmul.bf16 v15, v13;
	v15 =	vmul.bf16 v52, v56;
	v52 =	vld [tilespmem:s20+$0x7310]  }
0x635: {  	v46 =	vshll.u32 v28, $0x10;
	v28 =	vadd.f32 v28, v32;
	v32 =	vld [tilespmem:s20+$0x8700]  }
0x636: {  	[tilespmem:$0x1F9E0] =	vst v5;
	v5 =	vld [tilespmem:s20+$0x72E0]  }
0x637: {  	v13 =	vmul.bf16 v36, v43;
	v43 =	vld [tilespmem:s20+$0x85F0]  }
0x638: {  	[tilespmem:$0x1F990] =	vst v0;
	v0 =	vld [tilespmem:s20+$0x7410]  }
0x639: {  	v58 =	vmul.bf16 v11, v30;
	v11 =	vadd.f32 v46, v44;
	v44 =	vld [tilespmem:s20+$0x8710]  }
0x63a: {  	v30 =	vshll.u32 v10, $0x10;
	v46 =	vld [tilespmem:s20+$0x71F0]  }
0x63b: {  	v10 =	vadd.f32 v58, v10;
	v32 =	vmul.bf16 v32, v41;
	v41 =	vld [tilespmem:s20+$0x8600];
	[tilespmem:$0x1F9F0] =	vst v5;
	v5 =	vmul.bf16 v12, v26  }
0x63c: {  	v12 =	vshll.u32 v8, $0x10;
	v26 =	vld [tilespmem:s20+$0x8630];
	v8 =	vadd.f32 v8, v28;
	v28 =	vmul.bf16 v62, v63  }
0x63d: {  	v2 =	vmul.bf16 v3, v2;
	v3 =	vshll.u32 v4, $0x10;
	v62 =	vld [tilespmem:s20+$0x8660];
	v0 =	vmul.bf16 v1, v0  }
0x63e: {  	[tilespmem:$0x1FA30] =	vst v10;
	v63 =	vmovc v30;
	v30 =	vld [tilespmem:s20+$0x7260];
	v10 =	vadd.f32 v12, v11;
	v1 =	vshll.u32 v28, $0x10;
	v4 =	vadd.f32 v4, v28  }
0x63f: {  	v28 =	vshll.u32 v2, $0x10;
	v56 =	vshll.u32 v0, $0x10;
	v0 =	vadd.f32 v0, v2;
	v2 =	vld [tilespmem:s20+$0x86D0]  }
0x640: {  	v14 =	vmul.bf16 v16, v14;
	v1 =	vadd.f32 v3, v1;
	v3 =	vld [tilespmem:s20+$0x72C0]  }
0x641: {  	v16 =	vmul.bf16 v50, v55;
	v36 =	vadd.f32 v10, v8;
	v8 =	vmul.bf16 v47, v51;
	v47 =	vld [tilespmem:s20+$0x72D0]  }
0x642: {  	v11 =	vmul.bf16 v18, v17;
	v18 =	vmul.bf16 v19, v24;
	v24 =	vadd.f32 v56, v28;
	v28 =	vld [tilespmem:s20+$0x85B0]  }
0x643: {  	v60 =	vshll.u32 v59, $0x10;
	v56 =	vld [tilespmem:s20+$0x8620]  }
0x644: {  	v12 =	vshll.u32 v14, $0x10;
	v17 =	vshll.u32 v16, $0x10;
	v0 =	vadd.f32 v16, v0;
	v16 =	vld [tilespmem:$0x1F980]  }
0x645: {  	[tilespmem:$0x1FAC0] =	vst v11;
	v11 =	vshll.u32 v13, $0x10;
	v4 =	vadd.f32 v13, v4;
	v13 =	vadd.f32 v17, v24;
	v24 =	vld [tilespmem:s20+$0x8570]  }
0x646: {  	v10 =	vadd.f32 v57, v8;
	v1 =	vadd.f32 v11, v1;
	v11 =	vshll.u32 v8, $0x10;
	v8 =	vld [tilespmem:$0x1F970]  }
0x647: {  	v17 =	vmul.bf16 v27, v33;
	v33 =	vld [tilespmem:s20+$0x7220];
	v12 =	vadd.f32 v12, v13;
	v13 =	vadd.f32 v14, v0  }
0x648: {  	v4 =	vadd.f32 v59, v4;
	v1 =	vadd.f32 v60, v1;
	v0 =	vld [tilespmem:$0x1F990]  }
0x649: {  	v55 =	vadd.f32 v12, v13;
	v12 =	vmul.bf16 v35, v40;
	v35 =	vld [tilespmem:s20+$0x8680]  }
0x64a: {  	v1 =	vadd.f32 v1, v4;
	v4 =	vmul.bf16 v31, v38;
	v38 =	vld [tilespmem:s20+$0x8690]  }
0x64b: {  	v40 =	vld [tilespmem:s20+$0x8610];
	v8 =	vmul.bf16 v8, v16;
	v16 =	vmul.bf16 v22, v25  }
0x64c: {  	v22 =	vmul.bf16 v49, v54;
	v49 =	vmul.bf16 v21, v9;
	v9 =	vld [tilespmem:s20+$0x7280]  }
0x64d: {  	v54 =	vld [tilespmem:s20+$0x7290]  }
0x64e: {  	v21 =	vld [tilespmem:$0x1F9A0]  }
0x64f: {  	(xrf2) =	vadd.scan.msk.f32 $0xffff, v36;
	v24 =	vmul.bf16 v24, v53;
	v53 =	vld [tilespmem:s20+$0x71D0]  }
0x650: {  	v50 =	vshll.u32 v15, $0x10;
	(xrf2) =	vadd.scan.msk.f32 $0xffff, v1;
	v1 =	vld [tilespmem:s20+$0x85D0];
	v0 =	vmul.bf16 v0, v20;
	v20 =	vmul.bf16 v45, v48  }
0x651: {  	v34 =	vmul.bf16 v34, v42;
	v60 =	vmovc v5;
	v27 =	vshll.u32 v22, $0x10;
	v5 =	vadd.f32 v49, v7;
	v48 =	vld [tilespmem:s20+$0x71E0]  }
0x652: {  	v25 =	vshll.u32 v20, $0x10;
	v20 =	vadd.f32 v22, v20;
	v22 =	vshll.u32 v7, $0x10;
	v7 =	vld [tilespmem:s20+$0x85E0]  }
0x653: {  	v51 =	vshll.u32 v18, $0x10;
	v19 =	vshll.u32 v4, $0x10;
	v4 =	vadd.f32 v4, v5;
	v5 =	vld [tilespmem:s20+$0x8640]  }
0x654: {  	v59 =	vshll.u32 v39, $0x10;
	v3 =	vmul.bf16 v6, v3;
	v45 =	vmul.bf16 v21, v23;
	v21 =	vld [tilespmem:$0x1F9F0]  }
0x655: {  	v2 =	vmul.bf16 v2, v47;
	v6 =	vshll.u32 v34, $0x10;
	v25 =	vadd.f32 v27, v25;
	v23 =	vld [tilespmem:$0x1FA10]  }
0x656: {  	v14 =	vshll.u32 v16, $0x10;
	v31 =	vshll.u32 v49, $0x10;
	v16 =	vadd.f32 v16, v20;
	v20 =	vld [tilespmem:$0x1F9D0]  }
0x657: {  	v28 =	vmul.bf16 v28, v29;
	v22 =	vadd.f32 v31, v22;
	v25 =	vadd.f32 v14, v25;
	v14 =	vld [tilespmem:$0x1F9C0]  }
0x658: {  	v33 =	vmul.bf16 v56, v33;
	v13 =	vadd.f32 v12, v17;
	v17 =	vshll.u32 v17, $0x10;
	v27 =	vld [tilespmem:s20+$0x7160]  }
0x659: {  	v9 =	vmul.bf16 v35, v9;
	v19 =	vadd.f32 v19, v22;
	v15 =	vadd.f32 v15, v16;
	v16 =	vld [tilespmem:$0x1F9E0]  }
0x65a: {  	v35 =	vmul.bf16 v38, v54;
	v54 =	vld [tilespmem:s20+$0x7210];
	v4 =	vadd.f32 v18, v4;
	v1 =	vmul.bf16 v1, v53  }
0x65b: {  	v18 =	vld [tilespmem:s20+$0x8650];
	v49 =	vshll.u32 v45, $0x10;
	v22 =	vmul.bf16 v26, v37;
	v19 =	vadd.f32 v51, v19  }
0x65c: {  	v26 =	vshll.u32 v2, $0x10;
	v51 =	vld [tilespmem:s20+$0x7250];
	v14 =	vmul.bf16 v14, v20;
	v20 =	vadd.f32 v50, v25  }
0x65d: {  	v2 =	vadd.f32 v2, v3;
	v4 =	vadd.f32 v19, v4;
	v19 =	vmul.bf16 v44, v52;
	v44 =	vld [tilespmem:s20+$0x7150]  }
0x65e: {  	v50 =	vld [tilespmem:s20+$0x7240];
	v21 =	vmul.bf16 v16, v21;
	v15 =	vadd.f32 v20, v15;
	v20 =	vshll.u32 v3, $0x10  }
0x65f: {  	v47 =	vshll.u32 v35, $0x10;
	v56 =	vshll.u32 v1, $0x10;
	v16 =	vld [tilespmem:$0x1FA00];
	v52 =	vadd.f32 v26, v20  }
0x660: {  	v31 =	vshll.u32 v22, $0x10;
	v3 =	vld [tilespmem:s20+$0x7200];
	v37 =	vshll.u32 v21, $0x10;
	v2 =	vadd.f32 v21, v2  }
0x661: {  	v25 =	vld [tilespmem:s20+$0x8560];
	v20 =	vadd.f32 v19, v32;
	v21 =	vshll.u32 v9, $0x10;
	v37 =	vadd.f32 v37, v52  }
0x662: {  	v26 =	vmul.bf16 v43, v46;
	v43 =	vld [tilespmem:s20+$0x85C0];
	v9 =	vadd.f32 v35, v9;
	v42 =	vadd.f32 v47, v21  }
0x663: {  	v46 =	vld [tilespmem:s20+$0x71C0];
	v21 =	vshll.u32 v32, $0x10;
	v2 =	vadd.f32 v39, v2;
	v52 =	vadd.f32 v59, v37  }
0x664: {  	v35 =	vld [tilespmem:s20+$0x85A0];
	v9 =	vadd.f32 v34, v9;
	v16 =	vmul.bf16 v16, v23;
	v6 =	vadd.f32 v6, v42  }
0x665: {  	v39 =	vld [tilespmem:s20+$0x8540];
	v23 =	vmul.bf16 v62, v30;
	v3 =	vmul.bf16 v41, v3;
	v32 =	vadd.f32 v52, v2  }
0x666: {  	v62 =	vld [tilespmem:$0x1FA30];
	v2 =	vadd.f32 v49, v6;
	v6 =	vadd.f32 v45, v9;
	v9 =	vmul.bf16 v40, v54  }
0x667: {  	p0 =	sne.s32 s21, $0x4FC0;
	v38 =	vshll.u32 v26, $0x10;
	v34 =	vmul.bf16 v5, v50;
	v30 =	vmul.bf16 v18, v51;
	v42 =	vld [tilespmem:s20+$0x8550]  }
.Ltmp3:
0x668: {  	v59 =	vld [tilespmem:$0x1FA20];
	v36 =	vadd.f32 v2, v6;
	v2 =	vshll.u32 v3, $0x10;
	v3 =	vadd.f32 v9, v3;
	(pc) =	sbr.rel @p0 .LBB2_8-.Ltmp3, $4  }
0x669: {  	(xrf2) =	vadd.scan.msk.f32 $0xffff, v55;
	v37 =	vshll.u32 v24, $0x10;
	v41 =	vld [tilespmem:s20+$0x8580];
	v55 =	vshll.u32 v9, $0x10;
	v6 =	vmul.bf16 v43, v46  }
0x66a: {  	v54 =	vshll.u32 v33, $0x10;
	v40 =	vld [tilespmem:s20+$0x7140];
	v2 =	vadd.f32 v55, v2;
	v47 =	vadd.f32 v33, v3  }
0x66b: {  	(xrf2) =	vadd.scan.msk.f32 $0xffff, v15;
	v15, _, _ =	vpop (xrf2);
	v45 =	vld [tilespmem:s20+$0x8590];
	v33 =	vadd.f32 v30, v34;
	v3 =	vshll.u32 v6, $0x10;
	v49 =	vadd.f32 v1, v6  }
0x66c: {  	s21 =	sadd.s32 $0x1000, s21;
	(xrf2) =	vadd.scan.msk.f32 $0xffff, v4;
	v18, _, _ =	vpop (xrf2);
	v46 =	vmul.bf16 v7, v48;
	v43 =	vld [tilespmem:s20+$0x7180];
	v48 =	vadd.f32 v54, v2;
	v29 =	vadd.f32 v56, v3  }
0x66d: {  	v4 =	vadd.f32 v22, v47  }
0x66e: {  	v1 =	vld [tilespmem:s20+$0x7190];
	v51 =	vadd.f32 v23, v33;
	v2 =	vshll.u32 v46, $0x10;
	v3 =	vadd.f32 v31, v48  }
0x66f: {  	v5 =	vmul.bf16 v25, v27;
	v6 =	vld [tilespmem:s20+$0x71A0];
	v7 =	vadd.f32 v46, v49;
	v2 =	vadd.f32 v2, v29  }
0x670: {  	v9 =	vmul.bf16 v39, v40;
	v29 =	vmul.bf16 v42, v44;
	v3 =	vadd.f32 v3, v4  }
0x671: {  	v31 =	vshll.u32 v5, $0x10;
	v7 =	vadd.f32 v26, v7;
	v2 =	vadd.f32 v38, v2  }
0x672: {  	v38 =	vshll.u32 v9, $0x10;
	v39 =	vshll.u32 v29, $0x10;
	v9 =	vadd.f32 v29, v9  }
0x673: {  	v42 =	vmul.bf16 v41, v43;
	v40 =	vadd.f32 v39, v38;
	v1 =	vmul.bf16 v45, v1  }
0x674: {  	v6 =	vmul.bf16 v35, v6;
	v5 =	vadd.f32 v5, v9;
	v2 =	vadd.f32 v2, v7  }
0x675: {  	v43 =	vshll.u32 v42, $0x10;
	v4 =	vadd.f32 v31, v40;
	v44 =	vshll.u32 v1, $0x10  }
0x676: {  	v47 =	vshll.u32 v30, $0x10;
	v1 =	vadd.f32 v1, v42;
	v7 =	vadd.f32 v44, v43  }
0x677: {  	v46 =	vshll.u32 v6, $0x10;
	v5 =	vadd.f32 v24, v5;
	v4 =	vadd.f32 v37, v4  }
0x678: {  	v45 =	vshll.u32 v34, $0x10;
	v1 =	vadd.f32 v6, v1;
	v7 =	vadd.f32 v46, v7  }
0x679: {  	(xrf2) =	vadd.scan.msk.f32 $0xffff, v32;
	v48 =	vshll.u32 v28, $0x10;
	v6 =	vadd.f32 v47, v45;
	v4 =	vadd.f32 v4, v5  }
0x67a: {  	(xrf2) =	vadd.scan.msk.f32 $0xffff, v36;
	v49 =	vshll.u32 v23, $0x10;
	v1 =	vadd.f32 v28, v1;
	v5 =	vadd.f32 v48, v7  }
0x67b: {  	v52 =	vshll.u32 v19, $0x10;
	v25 =	vadd.f32 v8, v13;
	(xrf2) =	vadd.scan.msk.f32 $0xffff, v3;
	v50 =	vadd.f32 v49, v6  }
0x67c: {  	v53 =	vshll.u32 v16, $0x10;
	v54 =	vadd.f32 v52, v21;
	(xrf2) =	vadd.scan.msk.f32 $0xffff, v2;
	v1 =	vadd.f32 v5, v1  }
0x67d: {  	v56 =	vshll.u32 v14, $0x10;
	v55 =	vadd.f32 v16, v51;
	v29 =	vld [tilespmem:$0x1FAC0];
	(xrf2) =	vadd.scan.msk.f32 $0xffff, v4;
	v2 =	vadd.f32 v53, v50  }
0x67e: {  	v9 =	vadd.f32 v14, v20;
	v14 =	vshll.u32 v12, $0x10;
	v4 =	vadd.f32 v56, v54;
	(xrf2) =	vadd.scan.msk.f32 $0xffff, v1  }
0x67f: {  	v19 =	vshll.u32 v0, $0x10;
	v20 =	vadd.f32 v14, v17;
	v16 =	vadd.f32 v2, v55  }
0x680: {  	v23 =	vshll.u32 v8, $0x10;
	v21, _, _ =	vpop (xrf2);
	v22 =	vadd.f32 v0, v9;
	v2 =	vadd.f32 v19, v4  }
0x681: {  	v27 =	vld [tilespmem:s20+$0x8930];
	v36 =	vadd.f32 v61, v10;
	v26 =	vshll.u32 v57, $0x10;
	v24, _, _ =	vpop (xrf2);
	v3 =	vadd.f32 v23, v20;
	(xrf2) =	vadd.scan.msk.f32 $0xffff, v16  }
0x682: {  	v31 =	vld [tilespmem:s20+$0x7530];
	v30 =	vshll.u32 v29, $0x10;
	v28, _, _ =	vpop (xrf2);
	v7 =	vadd.f32 v26, v11;
	v0 =	vadd.f32 v2, v22  }
0x683: {  	v34 =	vshll.u32 v61, $0x10;
	v33 =	vadd.f32 v29, v25;
	v32, _, _ =	vpop (xrf2);
	v2 =	vadd.f32 v30, v3  }
0x684: {  	v41 =	vadd.f32 v60, v36;
	v35, _, _ =	vpop (xrf2);
	v4 =	vadd.f32 v34, v7;
	(xrf2) =	vadd.scan.msk.f32 $0xffff, v0  }
0x685: {  	v39 =	vshll.u32 v60, $0x10;
	v37 =	vshll.u32 v58, $0x10;
	v38, _, _ =	vpop (xrf2);
	v2 =	vadd.f32 v2, v33  }
0x686: {  	v10 =	vadd.f32 v37, v63;
	v3 =	vadd.f32 v39, v4;
	v40, _, _ =	vpop (xrf2)  }
0x687: {  	v43 =	vshll.u32 v59, $0x10;
	v44 =	vadd.f32 v59, v62;
	v8 =	vmul.bf16 v27, v31;
	(xrf2) =	vadd.scan.msk.f32 $0xffff, v2;
	v42, _, _ =	vpop (xrf2)  }
0x688: {  	v46 =	vadd.f32 v43, v10;
	v45 =	vadd.f32 v3, v41;
	v47, _, _ =	vpop (xrf2)  }
0x689: {  	v9 =	vshll.u32 v8, $0x10;
	v7 =	vbroadcast v42, $0xF;
	v4 =	vbroadcast v47, $0xF  }
0x68a: {  	v8 =	vadd.f32 v8, v44;
	v48 =	vbroadcast v40, $0xF;
	v3 =	vadd.f32 v9, v46;
	(xrf2) =	vadd.scan.msk.f32 $0xffff, v45  }
0x68b: {  	v0 =	vbroadcast v38, $0xF;
	v50, _, _ =	vpop (xrf2);
	v49 =	vsel vm0, v7, v4  }
0x68c: {  	v3 =	vadd.f32 v3, v8;
	v4 =	vbroadcast v50, $0xF;
	v2 =	vsel vm1, v49, v48  }
0x68d: {  	v51 =	vbroadcast v35, $0xF;
	v0 =	vsel vm2, v2, v0  }
0x68e: {  	v52 =	vbroadcast v32, $0xF;
	(xrf2) =	vadd.scan.msk.f32 $0xffff, v3;
	v53, _, _ =	vpop (xrf2);
	v0 =	vsel vm3, v0, v4  }
0x68f: {  	v54 =	vbroadcast v53, $0xF;
	v0 =	vsel vm4, v0, v51  }
0x690: {  	v1 =	vbroadcast v28, $0xF;
	v0 =	vsel vm5, v0, v52  }
0x691: {  	v55 =	vbroadcast v24, $0xF;
	v56, _, _ =	vpop (xrf2);
	v0 =	vsel vm6, v0, v54  }
0x692: {  	v57 =	vbroadcast v56, $0xF;
	v0 =	vsel vm7, v0, v1  }
0x693: {  	v58 =	vbroadcast v21, $0xF;
	v0 =	vsel vm8, v0, v55  }
0x694: {  	v59 =	vbroadcast v18, $0xF;
	v60, _, _ =	vpop (xrf2);
	v0 =	vsel vm9, v0, v57  }
0x695: {  	v61 =	vbroadcast v60, $0xF;
	v0 =	vsel vm10, v0, v58  }
0x696: {  	v62 =	vbroadcast v15, $0xF;
	v0 =	vsel vm11, v0, v59  }
0x697: {  	v0 =	vsel vm12, v0, v61  }
0x698: {  	s18 =	sadd.s32 $0x1, s18;
	v63, _, _ =	vpop (xrf2);
	v0 =	vsel vm13, v0, v62  }
0x699: {  	s19 =	sadd.s32 $0x10, s19;
	p0 =	sne.s32 s18, s7;
	v0 =	vsel vm14, v0, v63  }
.Ltmp4:
0x69a: {  	[tilespmem:s19+$0x0] =	vst v0;
	(pc) =	sbr.rel @p0 .LBB2_1-.Ltmp4, $4  }
0x69b: {  	[hbm4b:s6+s3] =	stream.linear.scatter [tilespmem:s17], [sflag:$0x3], $0x2710, $0x38;
	[tilespmem:$0xC530] =	vst v63  }
0x69c: {  	_ =	swait.ge [sflag:s8], $0x2710  }
0x69d: {  	[sflag:s8] =	ssyncset.done $0x0  }
0x69e: {  	[sflag:s8] =	ssyncadd.s32 $0xFFFFD8F0  }
0x69f: {  	_ =	sfence.sel $0x180000  }
0x6a0: {  	[bflag:$0x0] =	sbarrier.arrive $0xFFFF  }
0x6a1: {  	p0 =	sne.s32 s0, $0x0;
	_ =	strace $0x90000047  }
0x6a2: {  	s0 =	sadd.s32 @!p0 $0x100000, s1;
	[bflag:$0x2] =	sbarrier.arrive $0xFFFF  }
0x6a3: {  	[sflag:s0] =	ssyncadd.tile.s32 @!p0 $0x1;
	_ =	shalt  }
.Lfunc_end2:
_tile_overlayer_lowered:
.L_overlay_start_2:
0x6a4: {  	(tag) =	ssettag $0x2  }
0x6a5: {  	s0 =	rddreg [dreg:$0x0];
	s2 =	stileid.u32  }
0x6a6: {  	s1 =	rddreg [dreg:$0x1];
	p0 =	sne.s32 s2, $0x0  }
0x6a7: {  	s3 =	rddreg [dreg:$0x2];
	[bflag:$0x3] =	sbarrier.arrive $0xFFFF;
	s2 =	simm.s32 @!p0 $0x1C03  }
0x6a8: {  	[timem:s3], [sflag:s2] =	dma.local @!p0 [hbm:s0], s1  }
0x6a9: {  	s0 =	simm.s32 @!p0 $0x3  }
0x6aa: {  	_ =	swait.ge @!p0 [sflag:s0], s1  }
0x6ab: {  	s1 =	ssub.s32 @!p0 $0x0, s1;
	[sflag:s0] =	ssyncset.done @!p0 $0x0  }
0x6ac: {  	[sflag:s0] =	ssyncadd.s32 @!p0 s1  }
0x6ad: {  	[bflag:$0x3] =	sbarrier.arrive $0xFFFF  }
0x6ae: {  	_ =	shalt  }

</sc_bundles>
